<compile_context>
chip_gen: v7x
topology: tpu7x:2x2x1
jax: 0.10.2.dev20260603
libtpu: 0.0.44.dev20260713+nightly
codegen_flags: <defaults>
</compile_context>

<pallas_src>
import functools

import jax
import jax.numpy as jnp
from jax import lax
from jax.experimental import pallas as pl
from jax.experimental.pallas import tpu as pltpu
from jax.experimental.pallas import tpu_sc as plsc

NC = 2
NS = 16
NW = NC * NS
LANES = 16
CHUNK = 128
NBUF = 2
NGRAPHS = 128


def _sc_mesh():
    return plsc.VectorSubcoreMesh(core_axis_name="c", subcore_axis_name="s")


def _fill_rows(ref, nrows, width, value):

    @pl.loop(0, nrows)
    def _(i):
        @pl.loop(0, width, step=LANES)
        def _(j):
            ref[i, pl.ds(j, LANES)] = jnp.full((LANES,), value, jnp.float32)


def _zero_acc(zero_v, acc_sh, row0, stripe, zrows):
    nfull = stripe // zrows
    rem = stripe - nfull * zrows

    @pl.loop(0, nfull)
    def _(j):
        pltpu.sync_copy(zero_v, acc_sh.at[pl.ds(row0 + j * zrows, zrows)])

    if rem:
        pltpu.sync_copy(zero_v.at[pl.ds(0, rem)],
                        acc_sh.at[pl.ds(row0 + nfull * zrows, rem)])


def _deg_call(nr, k_ch, nreal):
    sw = nr // NS
    g16 = CHUNK // LANES

    @functools.partial(
        pl.kernel,
        mesh=_sc_mesh(),
        out_type=jax.ShapeDtypeStruct((NC, nr), jnp.float32),
        compiler_params=pltpu.CompilerParams(needs_layout_passes=False),
        scratch_types=[
            pltpu.VMEM((nr,), jnp.float32),
            pltpu.VMEM((CHUNK,), jnp.int32),
            pltpu.VMEM((CHUNK,), jnp.int32),
            pltpu.VMEM((NS, sw), jnp.float32),
            pltpu.VMEM_SHARED((NS, nr), jnp.float32),
            pltpu.SemaphoreType.DMA,
            pltpu.SemaphoreType.DMA,
        ],
    )
    def k(edge_hbm, pad_hbm, out_hbm, hist, didx0, didx1, red_v, acc_sh,
          is0, is1):
        didx = [didx0, didx1]
        isem = [is0, is1]
        c = lax.axis_index("c")
        s = lax.axis_index("s")
        wid = c * NS + s

        def issue(gk, b):
            @pl.when(gk < nreal)
            def _():
                pltpu.async_copy(
                    edge_hbm.at[1, pl.ds(gk * CHUNK, CHUNK)], didx[b],
                    isem[b])

            @pl.when(gk >= nreal)
            def _():
                pltpu.async_copy(
                    pad_hbm.at[pl.ds((gk - nreal) * CHUNK, CHUNK)], didx[b],
                    isem[b])

        @pl.loop(0, nr // LANES)
        def _(i):
            hist[pl.ds(i * LANES, LANES)] = jnp.zeros((LANES,), jnp.float32)

        ones16 = jnp.ones((LANES,), jnp.float32)
        for b in range(NBUF):
            issue(wid * k_ch + b, b)

        @pl.loop(0, (k_ch - NBUF) // NBUF)
        def _(j):
            for b in range(NBUF):
                kk = j * NBUF + b
                pltpu.make_async_copy(
                    pad_hbm.at[pl.ds(0, CHUNK)], didx[b], isem[b]).wait()
                for o in range(g16):
                    idx = didx[b][pl.ds(o * LANES, LANES)]
                    plsc.addupdate_scatter(hist, [idx], ones16)
                issue(wid * k_ch + kk + NBUF, b)

        for b in range(NBUF):
            pltpu.make_async_copy(
                pad_hbm.at[pl.ds(0, CHUNK)], didx[b], isem[b]).wait()
            for o in range(g16):
                idx = didx[b][pl.ds(o * LANES, LANES)]
                plsc.addupdate_scatter(hist, [idx], ones16)

        pltpu.sync_copy(hist, acc_sh.at[s])
        plsc.subcore_barrier()
        base = s * sw
        for w in range(NS):
            pltpu.async_copy(acc_sh.at[w, pl.ds(base, sw)], red_v.at[w], is0)
        for w in range(NS):
            pltpu.make_async_copy(
                acc_sh.at[w, pl.ds(base, sw)], red_v.at[w], is0).wait()

        @pl.loop(0, sw // LANES)
        def _(j):
            t = red_v[0, pl.ds(j * LANES, LANES)]
            for w in range(1, NS):
                t = t + red_v[w, pl.ds(j * LANES, LANES)]
            hist[pl.ds(j * LANES, LANES)] = t

        pltpu.sync_copy(hist.at[pl.ds(0, sw)], out_hbm.at[c, pl.ds(base, sw)])

    return k


def _agg_call(nr, k_ch, h):
    stripe = nr // NS
    zrows = 16

    @functools.partial(
        pl.kernel,
        mesh=_sc_mesh(),
        out_type=jax.ShapeDtypeStruct((NC, nr, h), jnp.float32),
        scratch_types=[
            pltpu.VMEM((k_ch, CHUNK), jnp.int32),
            pltpu.VMEM((CHUNK,), jnp.int32),
            pltpu.VMEM((CHUNK,), jnp.int32),
            pltpu.VMEM((CHUNK, h), jnp.float32),
            pltpu.VMEM((CHUNK, h), jnp.float32),
            pltpu.VMEM((zrows, h), jnp.float32),
            pltpu.VMEM_SHARED((nr, h), jnp.float32),
            pltpu.SemaphoreType.DMA,
            pltpu.SemaphoreType.DMA,
            pltpu.SemaphoreType.DMA,
            pltpu.SemaphoreType.DMA,
        ],
    )
    def k(y_hbm, src_hbm, dst_hbm, out_hbm, src_v, didx0, didx1, rows0, rows1,
          zero_v, acc_sh, gs0, gs1, is0, is1):
        didx = [didx0, didx1]
        rows = [rows0, rows1]
        gsem = [gs0, gs1]
        isem = [is0, is1]
        c = lax.axis_index("c")
        s = lax.axis_index("s")
        wid = c * NS + s
        _fill_rows(zero_v, zrows, h, 0.0)
        row0 = s * stripe
        _zero_acc(zero_v, acc_sh, row0, stripe, zrows)
        plsc.subcore_barrier()
        pltpu.sync_copy(src_hbm.at[wid], src_v)

        for b in range(NBUF):
            pltpu.async_copy(dst_hbm.at[wid, b], didx[b], isem[b])
            pltpu.async_copy(y_hbm.at[src_v.at[b]], rows[b], gsem[b])

        @pl.loop(0, (k_ch - NBUF) // NBUF)
        def _(j):
            for b in range(NBUF):
                kk = j * NBUF + b
                pltpu.make_async_copy(
                    dst_hbm.at[wid, 0], didx[b], isem[b]).wait()
                pltpu.make_async_copy(
                    y_hbm.at[src_v.at[0]], rows[b], gsem[b]).wait()
                pltpu.sync_copy(rows[b], acc_sh.at[didx[b]], add=True)
                pltpu.async_copy(dst_hbm.at[wid, kk + NBUF], didx[b], isem[b])
                pltpu.async_copy(
                    y_hbm.at[src_v.at[kk + NBUF]], rows[b], gsem[b])

        for b in range(NBUF):
            pltpu.make_async_copy(dst_hbm.at[wid, 0], didx[b], isem[b]).wait()
            pltpu.make_async_copy(
                y_hbm.at[src_v.at[0]], rows[b], gsem[b]).wait()
            pltpu.sync_copy(rows[b], acc_sh.at[didx[b]], add=True)

        plsc.subcore_barrier()
        pltpu.sync_copy(acc_sh.at[pl.ds(row0, stripe)],
                        out_hbm.at[c, pl.ds(row0, stripe)])

    return k


def _tc_matmul(xp, w):
    nr = xp.shape[0]
    h = w.shape[1]

    def body(x_ref, w_ref, o_ref):
        o_ref[...] = jnp.dot(x_ref[...], w_ref[...],
                             preferred_element_type=jnp.float32)

    return pl.pallas_call(
        body, out_shape=jax.ShapeDtypeStruct((nr, h), jnp.float32))(xp, w)


def _dinv_col(deg_ref, nr, h):
    dt = deg_ref[0:nr, :] + deg_ref[nr:2 * nr, :] + 1.0
    return jnp.broadcast_to(lax.rsqrt(dt), (nr, h))


def _tc_scale(deg2, xw):
    nr, h = xw.shape

    def body(deg_ref, xw_ref, y_ref):
        y_ref[...] = _dinv_col(deg_ref, nr, h) * xw_ref[...]

    return pl.pallas_call(
        body, out_shape=jax.ShapeDtypeStruct((nr, h), jnp.float32))(deg2, xw)


def _tc_layer_mid(agg_part, y1, deg2, w2, b1):
    nr, h = y1.shape

    def body(p_ref, y_ref, deg_ref, w_ref, b_ref, o_ref):
        dinv = _dinv_col(deg_ref, nr, h)
        agg = p_ref[0] + p_ref[1] + y_ref[...]
        h1 = jnp.maximum(dinv * agg + b_ref[...], 0.0)
        o_ref[...] = dinv * jnp.dot(
            h1, w_ref[...], preferred_element_type=jnp.float32)

    return pl.pallas_call(
        body, out_shape=jax.ShapeDtypeStruct((nr, h), jnp.float32))(
            agg_part, y1, deg2, w2, b1)


def _tc_layer_last(agg_part, y2, deg2, b2):
    nr, h = y2.shape

    def body(p_ref, y_ref, deg_ref, b_ref, o_ref):
        dinv = _dinv_col(deg_ref, nr, h)
        agg = p_ref[0] + p_ref[1] + y_ref[...]
        o_ref[...] = jnp.maximum(dinv * agg + b_ref[...], 0.0)

    return pl.pallas_call(
        body, out_shape=jax.ShapeDtypeStruct((nr, h), jnp.float32))(
            agg_part, y2, deg2, b2)


def _tc_pool(h2p, starts, g):
    nrp, h = h2p.shape
    gpb = 8

    def body(st_sref, h_ref, o_ref):
        i0 = pl.program_id(0) * gpb
        for r in range(gpb):
            s0 = st_sref[i0 + r]
            s1 = st_sref[i0 + r + 1]
            nblk = (s1 - s0 + 7) // 8

            def step(i, acc, s0=s0, s1=s1):
                base = s0 + i * 8
                rows = h_ref[pl.ds(base, 8), :]
                mask = (base + lax.broadcasted_iota(
                    jnp.int32, (8, 1), 0)) < s1
                return jnp.maximum(acc, jnp.where(mask, rows, -jnp.inf))

            acc = lax.fori_loop(0, nblk, step,
                                jnp.full((8, h), -jnp.inf, jnp.float32))
            o_ref[r, :] = jnp.max(acc, axis=0)

    grid_spec = pltpu.PrefetchScalarGridSpec(
        num_scalar_prefetch=1,
        grid=(g // gpb,),
        in_specs=[pl.BlockSpec((nrp, h), lambda i, st: (0, 0))],
        out_specs=pl.BlockSpec((gpb, h), lambda i, st: (i, 0)),
    )
    return pl.pallas_call(
        body, grid_spec=grid_spec,
        out_shape=jax.ShapeDtypeStruct((g, h), jnp.float32))(starts, h2p)


def _tc_final(pooled, wlin, blin):
    g = pooled.shape[0]
    cc = wlin.shape[1]

    def body(p_ref, w_ref, b_ref, o_ref):
        o_ref[...] = jnp.dot(p_ref[...], w_ref[...],
                             preferred_element_type=jnp.float32) + b_ref[...]

    return pl.pallas_call(
        body, out_shape=jax.ShapeDtypeStruct((g, cc), jnp.float32))(
            pooled, wlin, blin)


def kernel(x, edge_index, batch, W1, b1, W2, b2, Wlin, blin):
    n, d = x.shape
    h = W1.shape[1]
    e = edge_index.shape[1]
    g = NGRAPHS

    nra = NS * 128
    nr = ((n + 8 + nra - 1) // nra) * nra

    e_per_w = -(-e // NW)
    k_ch = -(-e_per_w // CHUNK)
    k_ch = max(2 * NBUF, -(-k_ch // NBUF) * NBUF)
    e_pad = NW * k_ch * CHUNK
    npad = e_pad - e
    pidx = jnp.arange(npad, dtype=jnp.int32)
    src = jnp.concatenate([edge_index[0], pidx % jnp.int32(n)])
    dst = jnp.concatenate([edge_index[1], jnp.int32(n) + pidx % jnp.int32(nr - n)])
    src3 = src.reshape(NW, k_ch, CHUNK)
    dst3 = dst.reshape(NW, k_ch, CHUNK)
    nreal = e // CHUNK
    pad_dst = jnp.concatenate([
        edge_index[1, nreal * CHUNK:],
        jnp.int32(n) + pidx % jnp.int32(nr - n)])
    xp = jnp.concatenate([x, jnp.zeros((nr - n, d), jnp.float32)])
    b1r = b1.reshape(1, h)
    b2r = b2.reshape(1, h)
    blinr = blin.reshape(1, -1)
    starts = jnp.searchsorted(
        batch, jnp.arange(g + 1, dtype=jnp.int32), side="left"
    ).astype(jnp.int32)

    deg = _deg_call(nr, k_ch, nreal)(edge_index, pad_dst)
    deg2 = deg.reshape(NC * nr, 1)
    xw1 = _tc_matmul(xp, W1)
    y1 = _tc_scale(deg2, xw1)
    agg1 = _agg_call(nr, k_ch, h)(y1, src3, dst3)
    y2 = _tc_layer_mid(agg1, y1, deg2, W2, b1r)
    agg2 = _agg_call(nr, k_ch, h)(y2, src3, dst3)
    h2 = _tc_layer_last(agg2, y2, deg2, b2r)
    pooled = _tc_pool(h2, starts, g)
    return _tc_final(pooled, Wlin, blinr)

# --- scband reference (transcript-rebuilt; emitter-appended) ---
"""Pipeline reference for scband-gcn-34411277976329 (READ-ONLY COPY).

The authoritative reference and input builder live on the scoring server;
editing this copy changes nothing except your own understanding.
"""

import jax, jax.numpy as jnp
import numpy as np

N = 10000      # n_nodes
E = 320000     # n_edges
D = 128        # dataset.num_node_features
H = 128        # hidden_channels
C = 10         # dataset.num_classes
G = 128        # number of graphs in the batch


def setup_inputs(seed: int = 0) -> dict:
    key = jax.random.key(seed)
    ks = jax.random.split(key, 9)
    x = jax.random.normal(ks[0], (N, D), dtype=jnp.float32)
    edge_index = jax.random.randint(ks[1], (2, E), 0, N, dtype=jnp.int32)
    batch = jnp.sort(jax.random.randint(ks[2], (N,), 0, G, dtype=jnp.int32))
    # GCNConv layer 1 params
    W1 = jax.random.normal(ks[3], (D, H), dtype=jnp.float32) * (1.0 / np.sqrt(D))
    b1 = jnp.zeros((H,), dtype=jnp.float32)
    # GCNConv layer 2 params
    W2 = jax.random.normal(ks[4], (H, H), dtype=jnp.float32) * (1.0 / np.sqrt(H))
    b2 = jnp.zeros((H,), dtype=jnp.float32)
    # Final linear classifier
    Wlin = jax.random.normal(ks[5], (H, C), dtype=jnp.float32) * (1.0 / np.sqrt(H))
    blin = jnp.zeros((C,), dtype=jnp.float32)
    return {
        "x": x, "edge_index": edge_index, "batch": batch,
        "W1": W1, "b1": b1, "W2": W2, "b2": b2,
        "Wlin": Wlin, "blin": blin,
    }


def _gcn_conv(x, src, dst, W, b, n):
    # PyG GCNConv: linear transform, then symmetric-normalized scatter-add aggregation
    x = x @ W
    deg = jax.ops.segment_sum(jnp.ones_like(dst, dtype=x.dtype), dst, num_segments=n)
    dinv = jnp.where(deg > 0, 1.0 / jnp.sqrt(jnp.maximum(deg, 1e-12)), 0.0)
    norm = dinv[src] * dinv[dst]
    msg = x[src] * norm[:, None]           # gather + per-edge scale
    out = jax.ops.segment_sum(msg, dst, num_segments=n)  # scatter-add
    return out + b


def reference(x, edge_index, batch, W1, b1, W2, b2, Wlin, blin):
    n = x.shape[0]
    # add self-loops (GCNConv default add_self_loops=True)
    loop = jnp.arange(n, dtype=edge_index.dtype)
    src = jnp.concatenate([edge_index[0], loop])
    dst = jnp.concatenate([edge_index[1], loop])
    h = jax.nn.relu(_gcn_conv(x, src, dst, W1, b1, n))
    h = jax.nn.relu(_gcn_conv(h, src, dst, W2, b2, n))
    pooled = jax.ops.segment_max(h, batch, num_segments=G)  # global_max_pool
    return pooled @ Wlin + blin

if __name__ == "__main__":
    import jax
    _d = setup_inputs()
    print(jax.jit(kernel)(*tuple(_d.values())))

</pallas_src>

<mosaic_0001>
#map = affine_map<(d0, d1) -> (0, 0)>
#map1 = affine_map<(d0, d1) -> (0)>
module attributes {stable_mosaic.version = 14 : i64} {
  func.func @k(%arg0: i32, %arg1: i32, %arg2: memref<2x320000xi32, #tpu.memory_space<hbm>>, %arg3: memref<7680xi32, #tpu.memory_space<hbm>>, %arg4: memref<2x10240xf32, #tpu.memory_space<hbm>>, %arg5: memref<10240xf32, #tpu.memory_space<vmem>>, %arg6: memref<128xi32, #tpu.memory_space<vmem>>, %arg7: memref<128xi32, #tpu.memory_space<vmem>>, %arg8: memref<16x640xf32, #tpu.memory_space<vmem>>, %arg9: memref<16x10240xf32, #tpu.memory_space<vmem_shared>>, %arg10: memref<!tpu.dma_semaphore, #tpu.memory_space<semaphore_mem>>, %arg11: memref<!tpu.dma_semaphore, #tpu.memory_space<semaphore_mem>>) attributes {dimension_semantics = [#tpu.dimension_semantics<core_parallel>, #tpu.dimension_semantics<subcore_parallel>], iteration_bounds = array<i64: 2, 16>, scalar_prefetch = 0 : i64, scratch_operands = 7 : i64, tpu.core_type = #tpu.core_type<sc_vector_subcore>, window_params = [{transform_indices = #map}, {transform_indices = #map1}, {transform_indices = #map}]} {
    %mul3A = arith.constant 16 : i32
    %mul3A_0 = arith.muli %arg0, %mul3A : i32
    %add3A = arith.addi %mul3A_0, %arg1 : i32
    %scan3A = arith.constant 0 : i32
    %scan3A_1 = arith.constant 640 : i32
    %scan3A_2 = arith.addi %scan3A, %scan3A_1 : i32
    %scan3A_3 = arith.constant 1 : i32
    scf.for %scan3A_463 = %scan3A to %scan3A_2 step %scan3A_3  : i32 {
      %mul3A_464 = arith.constant 1 : i32
      %mul3A_465 = arith.muli %scan3A_463, %mul3A_464 : i32
      %add3A_466 = arith.constant 0 : i32
      %add3A_467 = arith.addi %add3A_466, %mul3A_465 : i32
      %broadcast_in_dim3A_468 = arith.constant 0.000000e+00 : f32
      %broadcast_in_dim3A_469 = vector.broadcast %broadcast_in_dim3A_468 : f32 to vector<16xf32>
      %mul3A_470 = arith.constant 16 : i32
      %mul3A_471 = arith.muli %add3A_467, %mul3A_470 : i32
      %swap3A = arith.index_cast %mul3A_471 : i32 to index
      %swap3A_472 = tpu.vector_load %arg5[%swap3A] {strides = array<i32>} : memref<10240xf32, #tpu.memory_space<vmem>>, vector<16xf32>,
      tpu.vector_store %arg5[%swap3A], %broadcast_in_dim3A_469 {strides = array<i32>} : memref<10240xf32, #tpu.memory_space<vmem>>, vector<16xf32>,
    }
    %scan3A_4 = arith.constant 640 : i32
    %broadcast_in_dim3A = arith.constant 1.000000e+00 : f32
    %broadcast_in_dim3A_5 = vector.broadcast %broadcast_in_dim3A : f32 to vector<16xf32>
    %mul3A_6 = arith.constant 80 : i32
    %mul3A_7 = arith.muli %add3A, %mul3A_6 : i32
    %add3A_8 = arith.constant 0 : i32
    %add3A_9 = arith.addi %mul3A_7, %add3A_8 : i32
    %lt3A = arith.constant 2500 : i32
    %lt3A_10 = arith.cmpi slt, %add3A_9, %lt3A : i32
    %convert_element_type3A = arith.extui %lt3A_10 : i1 to i32
    %cond3A = arith.constant 0 : i32
    %cond3A_11 = arith.cmpi ne, %convert_element_type3A, %cond3A : i32
    scf.if %cond3A_11 {
      %mul3A_463 = arith.constant 128 : i32
      %mul3A_464 = arith.muli %add3A_9, %mul3A_463 : i32
      %dma_start3A_465 = arith.constant 1 : i32
      %dma_start3A_466 = tpu.memref_slice %arg2[%dma_start3A_465, %mul3A_464] : memref<2x320000xi32, #tpu.memory_space<hbm>> -> memref<1x128xi32, #tpu.memory_space<hbm>>
      %dma_start3A_467 = tpu.memref_squeeze %dma_start3A_466 : memref<1x128xi32, #tpu.memory_space<hbm>> -> memref<128xi32, #tpu.memory_space<hbm>>
      %dma_start3A_468 = tpu.memref_slice %arg2[%dma_start3A_465, %mul3A_464] : memref<2x320000xi32, #tpu.memory_space<hbm>> -> memref<1x128xi32, #tpu.memory_space<hbm>>
      %dma_start3A_469 = tpu.memref_squeeze %dma_start3A_468 : memref<1x128xi32, #tpu.memory_space<hbm>> -> memref<128xi32, #tpu.memory_space<hbm>>
      tpu.enqueue_dma source(%dma_start3A_469 : memref<128xi32, #tpu.memory_space<hbm>>) target(%arg6 : memref<128xi32, #tpu.memory_space<vmem>>) target_semaphore(%arg10 : memref<!tpu.dma_semaphore, #tpu.memory_space<semaphore_mem>>)
    } else {
    }
    %ge3A = arith.constant 2500 : i32
    %ge3A_12 = arith.cmpi sge, %add3A_9, %ge3A : i32
    %convert_element_type3A_13 = arith.extui %ge3A_12 : i1 to i32
    %cond3A_14 = arith.constant 0 : i32
    %cond3A_15 = arith.cmpi ne, %convert_element_type3A_13, %cond3A_14 : i32
    scf.if %cond3A_15 {
      %sub3A = arith.constant 2500 : i32
      %sub3A_463 = arith.subi %add3A_9, %sub3A : i32
      %mul3A_464 = arith.constant 128 : i32
      %mul3A_465 = arith.muli %sub3A_463, %mul3A_464 : i32
      %dma_start3A_466 = tpu.memref_slice %arg3[%mul3A_465] : memref<7680xi32, #tpu.memory_space<hbm>> -> memref<128xi32, #tpu.memory_space<hbm>>
      %dma_start3A_467 = tpu.memref_slice %arg3[%mul3A_465] : memref<7680xi32, #tpu.memory_space<hbm>> -> memref<128xi32, #tpu.memory_space<hbm>>
      tpu.enqueue_dma source(%dma_start3A_467 : memref<128xi32, #tpu.memory_space<hbm>>) target(%arg6 : memref<128xi32, #tpu.memory_space<vmem>>) target_semaphore(%arg10 : memref<!tpu.dma_semaphore, #tpu.memory_space<semaphore_mem>>)
    } else {
    }
    %mul3A_16 = arith.constant 80 : i32
    %mul3A_17 = arith.muli %add3A, %mul3A_16 : i32
    %add3A_18 = arith.constant 1 : i32
    %add3A_19 = arith.addi %mul3A_17, %add3A_18 : i32
    %lt3A_20 = arith.constant 2500 : i32
    %lt3A_21 = arith.cmpi slt, %add3A_19, %lt3A_20 : i32
    %convert_element_type3A_22 = arith.extui %lt3A_21 : i1 to i32
    %cond3A_23 = arith.constant 0 : i32
    %cond3A_24 = arith.cmpi ne, %convert_element_type3A_22, %cond3A_23 : i32
    scf.if %cond3A_24 {
      %mul3A_463 = arith.constant 128 : i32
      %mul3A_464 = arith.muli %add3A_19, %mul3A_463 : i32
      %dma_start3A_465 = arith.constant 1 : i32
      %dma_start3A_466 = tpu.memref_slice %arg2[%dma_start3A_465, %mul3A_464] : memref<2x320000xi32, #tpu.memory_space<hbm>> -> memref<1x128xi32, #tpu.memory_space<hbm>>
      %dma_start3A_467 = tpu.memref_squeeze %dma_start3A_466 : memref<1x128xi32, #tpu.memory_space<hbm>> -> memref<128xi32, #tpu.memory_space<hbm>>
      %dma_start3A_468 = tpu.memref_slice %arg2[%dma_start3A_465, %mul3A_464] : memref<2x320000xi32, #tpu.memory_space<hbm>> -> memref<1x128xi32, #tpu.memory_space<hbm>>
      %dma_start3A_469 = tpu.memref_squeeze %dma_start3A_468 : memref<1x128xi32, #tpu.memory_space<hbm>> -> memref<128xi32, #tpu.memory_space<hbm>>
      tpu.enqueue_dma source(%dma_start3A_469 : memref<128xi32, #tpu.memory_space<hbm>>) target(%arg7 : memref<128xi32, #tpu.memory_space<vmem>>) target_semaphore(%arg11 : memref<!tpu.dma_semaphore, #tpu.memory_space<semaphore_mem>>)
    } else {
    }
    %ge3A_25 = arith.constant 2500 : i32
    %ge3A_26 = arith.cmpi sge, %add3A_19, %ge3A_25 : i32
    %convert_element_type3A_27 = arith.extui %ge3A_26 : i1 to i32
    %cond3A_28 = arith.constant 0 : i32
    %cond3A_29 = arith.cmpi ne, %convert_element_type3A_27, %cond3A_28 : i32
    scf.if %cond3A_29 {
      %sub3A = arith.constant 2500 : i32
      %sub3A_463 = arith.subi %add3A_19, %sub3A : i32
      %mul3A_464 = arith.constant 128 : i32
      %mul3A_465 = arith.muli %sub3A_463, %mul3A_464 : i32
      %dma_start3A_466 = tpu.memref_slice %arg3[%mul3A_465] : memref<7680xi32, #tpu.memory_space<hbm>> -> memref<128xi32, #tpu.memory_space<hbm>>
      %dma_start3A_467 = tpu.memref_slice %arg3[%mul3A_465] : memref<7680xi32, #tpu.memory_space<hbm>> -> memref<128xi32, #tpu.memory_space<hbm>>
      tpu.enqueue_dma source(%dma_start3A_467 : memref<128xi32, #tpu.memory_space<hbm>>) target(%arg7 : memref<128xi32, #tpu.memory_space<vmem>>) target_semaphore(%arg11 : memref<!tpu.dma_semaphore, #tpu.memory_space<semaphore_mem>>)
    } else {
    }
    %scan3A_30 = arith.constant 0 : i32
    %scan3A_31 = arith.constant 39 : i32
    %scan3A_32 = arith.addi %scan3A_30, %scan3A_31 : i32
    %scan3A_33 = arith.constant 1 : i32
    scf.for %scan3A_463 = %scan3A_30 to %scan3A_32 step %scan3A_33  : i32 {
      %mul3A_464 = arith.constant 1 : i32
      %mul3A_465 = arith.muli %scan3A_463, %mul3A_464 : i32
      %add3A_466 = arith.constant 0 : i32
      %add3A_467 = arith.addi %add3A_466, %mul3A_465 : i32
      %mul3A_468 = arith.constant 2 : i32
      %mul3A_469 = arith.muli %add3A_467, %mul3A_468 : i32
      %add3A_470 = arith.constant 0 : i32
      %add3A_471 = arith.addi %mul3A_469, %add3A_470 : i32
      %dma_wait3A_472 = arith.constant 0 : i32
      %dma_wait3A_473 = tpu.memref_slice %arg3[%dma_wait3A_472] : memref<7680xi32, #tpu.memory_space<hbm>> -> memref<128xi32, #tpu.memory_space<hbm>>
      %dma_wait3A_474 = arith.constant 0 : i32
      %dma_wait3A_475 = tpu.memref_slice %arg3[%dma_wait3A_474] : memref<7680xi32, #tpu.memory_space<hbm>> -> memref<128xi32, #tpu.memory_space<hbm>>
      tpu.wait_dma2 semaphore(%arg10 : memref<!tpu.dma_semaphore, #tpu.memory_space<semaphore_mem>>) src(%dma_wait3A_475 : memref<128xi32, #tpu.memory_space<hbm>>) dst(%arg6 : memref<128xi32, #tpu.memory_space<vmem>>)
      %get3A_476 = arith.constant 0 : index
      %get3A_477 = tpu.vector_load %arg6[%get3A_476] {strides = array<i32>} : memref<128xi32, #tpu.memory_space<vmem>>, vector<16xi32>,
      tpu.vector_store_idx %arg5[%get3A_477], %broadcast_in_dim3A_5 {add = true} : memref<10240xf32, #tpu.memory_space<vmem>>[vector<16xi32>], vector<16xf32>,
      %get3A_478 = arith.constant 16 : index
      %get3A_479 = tpu.vector_load %arg6[%get3A_478] {strides = array<i32>} : memref<128xi32, #tpu.memory_space<vmem>>, vector<16xi32>,
      tpu.vector_store_idx %arg5[%get3A_479], %broadcast_in_dim3A_5 {add = true} : memref<10240xf32, #tpu.memory_space<vmem>>[vector<16xi32>], vector<16xf32>,
      %get3A_480 = arith.constant 32 : index
      %get3A_481 = tpu.vector_load %arg6[%get3A_480] {strides = array<i32>} : memref<128xi32, #tpu.memory_space<vmem>>, vector<16xi32>,
      tpu.vector_store_idx %arg5[%get3A_481], %broadcast_in_dim3A_5 {add = true} : memref<10240xf32, #tpu.memory_space<vmem>>[vector<16xi32>], vector<16xf32>,
      %get3A_482 = arith.constant 48 : index
      %get3A_483 = tpu.vector_load %arg6[%get3A_482] {strides = array<i32>} : memref<128xi32, #tpu.memory_space<vmem>>, vector<16xi32>,
      tpu.vector_store_idx %arg5[%get3A_483], %broadcast_in_dim3A_5 {add = true} : memref<10240xf32, #tpu.memory_space<vmem>>[vector<16xi32>], vector<16xf32>,
      %get3A_484 = arith.constant 64 : index
      %get3A_485 = tpu.vector_load %arg6[%get3A_484] {strides = array<i32>} : memref<128xi32, #tpu.memory_space<vmem>>, vector<16xi32>,
      tpu.vector_store_idx %arg5[%get3A_485], %broadcast_in_dim3A_5 {add = true} : memref<10240xf32, #tpu.memory_space<vmem>>[vector<16xi32>], vector<16xf32>,
      %get3A_486 = arith.constant 80 : index
      %get3A_487 = tpu.vector_load %arg6[%get3A_486] {strides = array<i32>} : memref<128xi32, #tpu.memory_space<vmem>>, vector<16xi32>,
      tpu.vector_store_idx %arg5[%get3A_487], %broadcast_in_dim3A_5 {add = true} : memref<10240xf32, #tpu.memory_space<vmem>>[vector<16xi32>], vector<16xf32>,
      %get3A_488 = arith.constant 96 : index
      %get3A_489 = tpu.vector_load %arg6[%get3A_488] {strides = array<i32>} : memref<128xi32, #tpu.memory_space<vmem>>, vector<16xi32>,
      tpu.vector_store_idx %arg5[%get3A_489], %broadcast_in_dim3A_5 {add = true} : memref<10240xf32, #tpu.memory_space<vmem>>[vector<16xi32>], vector<16xf32>,
      %get3A_490 = arith.constant 112 : index
      %get3A_491 = tpu.vector_load %arg6[%get3A_490] {strides = array<i32>} : memref<128xi32, #tpu.memory_space<vmem>>, vector<16xi32>,
      tpu.vector_store_idx %arg5[%get3A_491], %broadcast_in_dim3A_5 {add = true} : memref<10240xf32, #tpu.memory_space<vmem>>[vector<16xi32>], vector<16xf32>,
      %mul3A_492 = arith.constant 80 : i32
      %mul3A_493 = arith.muli %add3A, %mul3A_492 : i32
      %add3A_494 = arith.addi %mul3A_493, %add3A_471 : i32
      %add3A_495 = arith.constant 2 : i32
      %add3A_496 = arith.addi %add3A_494, %add3A_495 : i32
      %lt3A_497 = arith.constant 2500 : i32
      %lt3A_498 = arith.cmpi slt, %add3A_496, %lt3A_497 : i32
      %convert_element_type3A_499 = arith.extui %lt3A_498 : i1 to i32
      %cond3A_500 = arith.constant 0 : i32
      %cond3A_501 = arith.cmpi ne, %convert_element_type3A_499, %cond3A_500 : i32
      scf.if %cond3A_501 {
        %mul3A_546 = arith.constant 128 : i32
        %mul3A_547 = arith.muli %add3A_496, %mul3A_546 : i32
        %dma_start3A_548 = arith.constant 1 : i32
        %dma_start3A_549 = tpu.memref_slice %arg2[%dma_start3A_548, %mul3A_547] : memref<2x320000xi32, #tpu.memory_space<hbm>> -> memref<1x128xi32, #tpu.memory_space<hbm>>
        %dma_start3A_550 = tpu.memref_squeeze %dma_start3A_549 : memref<1x128xi32, #tpu.memory_space<hbm>> -> memref<128xi32, #tpu.memory_space<hbm>>
        %dma_start3A_551 = tpu.memref_slice %arg2[%dma_start3A_548, %mul3A_547] : memref<2x320000xi32, #tpu.memory_space<hbm>> -> memref<1x128xi32, #tpu.memory_space<hbm>>
        %dma_start3A_552 = tpu.memref_squeeze %dma_start3A_551 : memref<1x128xi32, #tpu.memory_space<hbm>> -> memref<128xi32, #tpu.memory_space<hbm>>
        tpu.enqueue_dma source(%dma_start3A_552 : memref<128xi32, #tpu.memory_space<hbm>>) target(%arg6 : memref<128xi32, #tpu.memory_space<vmem>>) target_semaphore(%arg10 : memref<!tpu.dma_semaphore, #tpu.memory_space<semaphore_mem>>)
      } else {
      }
      %ge3A_502 = arith.constant 2500 : i32
      %ge3A_503 = arith.cmpi sge, %add3A_496, %ge3A_502 : i32
      %convert_element_type3A_504 = arith.extui %ge3A_503 : i1 to i32
      %cond3A_505 = arith.constant 0 : i32
      %cond3A_506 = arith.cmpi ne, %convert_element_type3A_504, %cond3A_505 : i32
      scf.if %cond3A_506 {
        %sub3A = arith.constant 2500 : i32
        %sub3A_546 = arith.subi %add3A_496, %sub3A : i32
        %mul3A_547 = arith.constant 128 : i32
        %mul3A_548 = arith.muli %sub3A_546, %mul3A_547 : i32
        %dma_start3A_549 = tpu.memref_slice %arg3[%mul3A_548] : memref<7680xi32, #tpu.memory_space<hbm>> -> memref<128xi32, #tpu.memory_space<hbm>>
        %dma_start3A_550 = tpu.memref_slice %arg3[%mul3A_548] : memref<7680xi32, #tpu.memory_space<hbm>> -> memref<128xi32, #tpu.memory_space<hbm>>
        tpu.enqueue_dma source(%dma_start3A_550 : memref<128xi32, #tpu.memory_space<hbm>>) target(%arg6 : memref<128xi32, #tpu.memory_space<vmem>>) target_semaphore(%arg10 : memref<!tpu.dma_semaphore, #tpu.memory_space<semaphore_mem>>)
      } else {
      }
      %mul3A_507 = arith.constant 2 : i32
      %mul3A_508 = arith.muli %add3A_467, %mul3A_507 : i32
      %add3A_509 = arith.constant 1 : i32
      %add3A_510 = arith.addi %mul3A_508, %add3A_509 : i32
      %dma_wait3A_511 = arith.constant 0 : i32
      %dma_wait3A_512 = tpu.memref_slice %arg3[%dma_wait3A_511] : memref<7680xi32, #tpu.memory_space<hbm>> -> memref<128xi32, #tpu.memory_space<hbm>>
      %dma_wait3A_513 = arith.constant 0 : i32
      %dma_wait3A_514 = tpu.memref_slice %arg3[%dma_wait3A_513] : memref<7680xi32, #tpu.memory_space<hbm>> -> memref<128xi32, #tpu.memory_space<hbm>>
      tpu.wait_dma2 semaphore(%arg11 : memref<!tpu.dma_semaphore, #tpu.memory_space<semaphore_mem>>) src(%dma_wait3A_514 : memref<128xi32, #tpu.memory_space<hbm>>) dst(%arg7 : memref<128xi32, #tpu.memory_space<vmem>>)
      %get3A_515 = arith.constant 0 : index
      %get3A_516 = tpu.vector_load %arg7[%get3A_515] {strides = array<i32>} : memref<128xi32, #tpu.memory_space<vmem>>, vector<16xi32>,
      tpu.vector_store_idx %arg5[%get3A_516], %broadcast_in_dim3A_5 {add = true} : memref<10240xf32, #tpu.memory_space<vmem>>[vector<16xi32>], vector<16xf32>,
      %get3A_517 = arith.constant 16 : index
      %get3A_518 = tpu.vector_load %arg7[%get3A_517] {strides = array<i32>} : memref<128xi32, #tpu.memory_space<vmem>>, vector<16xi32>,
      tpu.vector_store_idx %arg5[%get3A_518], %broadcast_in_dim3A_5 {add = true} : memref<10240xf32, #tpu.memory_space<vmem>>[vector<16xi32>], vector<16xf32>,
      %get3A_519 = arith.constant 32 : index
      %get3A_520 = tpu.vector_load %arg7[%get3A_519] {strides = array<i32>} : memref<128xi32, #tpu.memory_space<vmem>>, vector<16xi32>,
      tpu.vector_store_idx %arg5[%get3A_520], %broadcast_in_dim3A_5 {add = true} : memref<10240xf32, #tpu.memory_space<vmem>>[vector<16xi32>], vector<16xf32>,
      %get3A_521 = arith.constant 48 : index
      %get3A_522 = tpu.vector_load %arg7[%get3A_521] {strides = array<i32>} : memref<128xi32, #tpu.memory_space<vmem>>, vector<16xi32>,
      tpu.vector_store_idx %arg5[%get3A_522], %broadcast_in_dim3A_5 {add = true} : memref<10240xf32, #tpu.memory_space<vmem>>[vector<16xi32>], vector<16xf32>,
      %get3A_523 = arith.constant 64 : index
      %get3A_524 = tpu.vector_load %arg7[%get3A_523] {strides = array<i32>} : memref<128xi32, #tpu.memory_space<vmem>>, vector<16xi32>,
      tpu.vector_store_idx %arg5[%get3A_524], %broadcast_in_dim3A_5 {add = true} : memref<10240xf32, #tpu.memory_space<vmem>>[vector<16xi32>], vector<16xf32>,
      %get3A_525 = arith.constant 80 : index
      %get3A_526 = tpu.vector_load %arg7[%get3A_525] {strides = array<i32>} : memref<128xi32, #tpu.memory_space<vmem>>, vector<16xi32>,
      tpu.vector_store_idx %arg5[%get3A_526], %broadcast_in_dim3A_5 {add = true} : memref<10240xf32, #tpu.memory_space<vmem>>[vector<16xi32>], vector<16xf32>,
      %get3A_527 = arith.constant 96 : index
      %get3A_528 = tpu.vector_load %arg7[%get3A_527] {strides = array<i32>} : memref<128xi32, #tpu.memory_space<vmem>>, vector<16xi32>,
      tpu.vector_store_idx %arg5[%get3A_528], %broadcast_in_dim3A_5 {add = true} : memref<10240xf32, #tpu.memory_space<vmem>>[vector<16xi32>], vector<16xf32>,
      %get3A_529 = arith.constant 112 : index
      %get3A_530 = tpu.vector_load %arg7[%get3A_529] {strides = array<i32>} : memref<128xi32, #tpu.memory_space<vmem>>, vector<16xi32>,
      tpu.vector_store_idx %arg5[%get3A_530], %broadcast_in_dim3A_5 {add = true} : memref<10240xf32, #tpu.memory_space<vmem>>[vector<16xi32>], vector<16xf32>,
      %mul3A_531 = arith.constant 80 : i32
      %mul3A_532 = arith.muli %add3A, %mul3A_531 : i32
      %add3A_533 = arith.addi %mul3A_532, %add3A_510 : i32
      %add3A_534 = arith.constant 2 : i32
      %add3A_535 = arith.addi %add3A_533, %add3A_534 : i32
      %lt3A_536 = arith.constant 2500 : i32
      %lt3A_537 = arith.cmpi slt, %add3A_535, %lt3A_536 : i32
      %convert_element_type3A_538 = arith.extui %lt3A_537 : i1 to i32
      %cond3A_539 = arith.constant 0 : i32
      %cond3A_540 = arith.cmpi ne, %convert_element_type3A_538, %cond3A_539 : i32
      scf.if %cond3A_540 {
        %mul3A_546 = arith.constant 128 : i32
        %mul3A_547 = arith.muli %add3A_535, %mul3A_546 : i32
        %dma_start3A_548 = arith.constant 1 : i32
        %dma_start3A_549 = tpu.memref_slice %arg2[%dma_start3A_548, %mul3A_547] : memref<2x320000xi32, #tpu.memory_space<hbm>> -> memref<1x128xi32, #tpu.memory_space<hbm>>
        %dma_start3A_550 = tpu.memref_squeeze %dma_start3A_549 : memref<1x128xi32, #tpu.memory_space<hbm>> -> memref<128xi32, #tpu.memory_space<hbm>>
        %dma_start3A_551 = tpu.memref_slice %arg2[%dma_start3A_548, %mul3A_547] : memref<2x320000xi32, #tpu.memory_space<hbm>> -> memref<1x128xi32, #tpu.memory_space<hbm>>
        %dma_start3A_552 = tpu.memref_squeeze %dma_start3A_551 : memref<1x128xi32, #tpu.memory_space<hbm>> -> memref<128xi32, #tpu.memory_space<hbm>>
        tpu.enqueue_dma source(%dma_start3A_552 : memref<128xi32, #tpu.memory_space<hbm>>) target(%arg7 : memref<128xi32, #tpu.memory_space<vmem>>) target_semaphore(%arg11 : memref<!tpu.dma_semaphore, #tpu.memory_space<semaphore_mem>>)
      } else {
      }
      %ge3A_541 = arith.constant 2500 : i32
      %ge3A_542 = arith.cmpi sge, %add3A_535, %ge3A_541 : i32
      %convert_element_type3A_543 = arith.extui %ge3A_542 : i1 to i32
      %cond3A_544 = arith.constant 0 : i32
      %cond3A_545 = arith.cmpi ne, %convert_element_type3A_543, %cond3A_544 : i32
      scf.if %cond3A_545 {
        %sub3A = arith.constant 2500 : i32
        %sub3A_546 = arith.subi %add3A_535, %sub3A : i32
        %mul3A_547 = arith.constant 128 : i32
        %mul3A_548 = arith.muli %sub3A_546, %mul3A_547 : i32
        %dma_start3A_549 = tpu.memref_slice %arg3[%mul3A_548] : memref<7680xi32, #tpu.memory_space<hbm>> -> memref<128xi32, #tpu.memory_space<hbm>>
        %dma_start3A_550 = tpu.memref_slice %arg3[%mul3A_548] : memref<7680xi32, #tpu.memory_space<hbm>> -> memref<128xi32, #tpu.memory_space<hbm>>
        tpu.enqueue_dma source(%dma_start3A_550 : memref<128xi32, #tpu.memory_space<hbm>>) target(%arg7 : memref<128xi32, #tpu.memory_space<vmem>>) target_semaphore(%arg11 : memref<!tpu.dma_semaphore, #tpu.memory_space<semaphore_mem>>)
      } else {
      }
    }
    %scan3A_34 = arith.constant 39 : i32
    %dma_wait3A = arith.constant 0 : i32
    %dma_wait3A_35 = tpu.memref_slice %arg3[%dma_wait3A] : memref<7680xi32, #tpu.memory_space<hbm>> -> memref<128xi32, #tpu.memory_space<hbm>>
    %dma_wait3A_36 = arith.constant 0 : i32
    %dma_wait3A_37 = tpu.memref_slice %arg3[%dma_wait3A_36] : memref<7680xi32, #tpu.memory_space<hbm>> -> memref<128xi32, #tpu.memory_space<hbm>>
    tpu.wait_dma2 semaphore(%arg10 : memref<!tpu.dma_semaphore, #tpu.memory_space<semaphore_mem>>) src(%dma_wait3A_37 : memref<128xi32, #tpu.memory_space<hbm>>) dst(%arg6 : memref<128xi32, #tpu.memory_space<vmem>>)
    %get3A = arith.constant 0 : index
    %get3A_38 = tpu.vector_load %arg6[%get3A] {strides = array<i32>} : memref<128xi32, #tpu.memory_space<vmem>>, vector<16xi32>,
    tpu.vector_store_idx %arg5[%get3A_38], %broadcast_in_dim3A_5 {add = true} : memref<10240xf32, #tpu.memory_space<vmem>>[vector<16xi32>], vector<16xf32>,
    %get3A_39 = arith.constant 16 : index
    %get3A_40 = tpu.vector_load %arg6[%get3A_39] {strides = array<i32>} : memref<128xi32, #tpu.memory_space<vmem>>, vector<16xi32>,
    tpu.vector_store_idx %arg5[%get3A_40], %broadcast_in_dim3A_5 {add = true} : memref<10240xf32, #tpu.memory_space<vmem>>[vector<16xi32>], vector<16xf32>,
    %get3A_41 = arith.constant 32 : index
    %get3A_42 = tpu.vector_load %arg6[%get3A_41] {strides = array<i32>} : memref<128xi32, #tpu.memory_space<vmem>>, vector<16xi32>,
    tpu.vector_store_idx %arg5[%get3A_42], %broadcast_in_dim3A_5 {add = true} : memref<10240xf32, #tpu.memory_space<vmem>>[vector<16xi32>], vector<16xf32>,
    %get3A_43 = arith.constant 48 : index
    %get3A_44 = tpu.vector_load %arg6[%get3A_43] {strides = array<i32>} : memref<128xi32, #tpu.memory_space<vmem>>, vector<16xi32>,
    tpu.vector_store_idx %arg5[%get3A_44], %broadcast_in_dim3A_5 {add = true} : memref<10240xf32, #tpu.memory_space<vmem>>[vector<16xi32>], vector<16xf32>,
    %get3A_45 = arith.constant 64 : index
    %get3A_46 = tpu.vector_load %arg6[%get3A_45] {strides = array<i32>} : memref<128xi32, #tpu.memory_space<vmem>>, vector<16xi32>,
    tpu.vector_store_idx %arg5[%get3A_46], %broadcast_in_dim3A_5 {add = true} : memref<10240xf32, #tpu.memory_space<vmem>>[vector<16xi32>], vector<16xf32>,
    %get3A_47 = arith.constant 80 : index
    %get3A_48 = tpu.vector_load %arg6[%get3A_47] {strides = array<i32>} : memref<128xi32, #tpu.memory_space<vmem>>, vector<16xi32>,
    tpu.vector_store_idx %arg5[%get3A_48], %broadcast_in_dim3A_5 {add = true} : memref<10240xf32, #tpu.memory_space<vmem>>[vector<16xi32>], vector<16xf32>,
    %get3A_49 = arith.constant 96 : index
    %get3A_50 = tpu.vector_load %arg6[%get3A_49] {strides = array<i32>} : memref<128xi32, #tpu.memory_space<vmem>>, vector<16xi32>,
    tpu.vector_store_idx %arg5[%get3A_50], %broadcast_in_dim3A_5 {add = true} : memref<10240xf32, #tpu.memory_space<vmem>>[vector<16xi32>], vector<16xf32>,
    %get3A_51 = arith.constant 112 : index
    %get3A_52 = tpu.vector_load %arg6[%get3A_51] {strides = array<i32>} : memref<128xi32, #tpu.memory_space<vmem>>, vector<16xi32>,
    tpu.vector_store_idx %arg5[%get3A_52], %broadcast_in_dim3A_5 {add = true} : memref<10240xf32, #tpu.memory_space<vmem>>[vector<16xi32>], vector<16xf32>,
    %dma_wait3A_53 = arith.constant 0 : i32
    %dma_wait3A_54 = tpu.memref_slice %arg3[%dma_wait3A_53] : memref<7680xi32, #tpu.memory_space<hbm>> -> memref<128xi32, #tpu.memory_space<hbm>>
    %dma_wait3A_55 = arith.constant 0 : i32
    %dma_wait3A_56 = tpu.memref_slice %arg3[%dma_wait3A_55] : memref<7680xi32, #tpu.memory_space<hbm>> -> memref<128xi32, #tpu.memory_space<hbm>>
    tpu.wait_dma2 semaphore(%arg11 : memref<!tpu.dma_semaphore, #tpu.memory_space<semaphore_mem>>) src(%dma_wait3A_56 : memref<128xi32, #tpu.memory_space<hbm>>) dst(%arg7 : memref<128xi32, #tpu.memory_space<vmem>>)
    %get3A_57 = arith.constant 0 : index
    %get3A_58 = tpu.vector_load %arg7[%get3A_57] {strides = array<i32>} : memref<128xi32, #tpu.memory_space<vmem>>, vector<16xi32>,
    tpu.vector_store_idx %arg5[%get3A_58], %broadcast_in_dim3A_5 {add = true} : memref<10240xf32, #tpu.memory_space<vmem>>[vector<16xi32>], vector<16xf32>,
    %get3A_59 = arith.constant 16 : index
    %get3A_60 = tpu.vector_load %arg7[%get3A_59] {strides = array<i32>} : memref<128xi32, #tpu.memory_space<vmem>>, vector<16xi32>,
    tpu.vector_store_idx %arg5[%get3A_60], %broadcast_in_dim3A_5 {add = true} : memref<10240xf32, #tpu.memory_space<vmem>>[vector<16xi32>], vector<16xf32>,
    %get3A_61 = arith.constant 32 : index
    %get3A_62 = tpu.vector_load %arg7[%get3A_61] {strides = array<i32>} : memref<128xi32, #tpu.memory_space<vmem>>, vector<16xi32>,
    tpu.vector_store_idx %arg5[%get3A_62], %broadcast_in_dim3A_5 {add = true} : memref<10240xf32, #tpu.memory_space<vmem>>[vector<16xi32>], vector<16xf32>,
    %get3A_63 = arith.constant 48 : index
    %get3A_64 = tpu.vector_load %arg7[%get3A_63] {strides = array<i32>} : memref<128xi32, #tpu.memory_space<vmem>>, vector<16xi32>,
    tpu.vector_store_idx %arg5[%get3A_64], %broadcast_in_dim3A_5 {add = true} : memref<10240xf32, #tpu.memory_space<vmem>>[vector<16xi32>], vector<16xf32>,
    %get3A_65 = arith.constant 64 : index
    %get3A_66 = tpu.vector_load %arg7[%get3A_65] {strides = array<i32>} : memref<128xi32, #tpu.memory_space<vmem>>, vector<16xi32>,
    tpu.vector_store_idx %arg5[%get3A_66], %broadcast_in_dim3A_5 {add = true} : memref<10240xf32, #tpu.memory_space<vmem>>[vector<16xi32>], vector<16xf32>,
    %get3A_67 = arith.constant 80 : index
    %get3A_68 = tpu.vector_load %arg7[%get3A_67] {strides = array<i32>} : memref<128xi32, #tpu.memory_space<vmem>>, vector<16xi32>,
    tpu.vector_store_idx %arg5[%get3A_68], %broadcast_in_dim3A_5 {add = true} : memref<10240xf32, #tpu.memory_space<vmem>>[vector<16xi32>], vector<16xf32>,
    %get3A_69 = arith.constant 96 : index
    %get3A_70 = tpu.vector_load %arg7[%get3A_69] {strides = array<i32>} : memref<128xi32, #tpu.memory_space<vmem>>, vector<16xi32>,
    tpu.vector_store_idx %arg5[%get3A_70], %broadcast_in_dim3A_5 {add = true} : memref<10240xf32, #tpu.memory_space<vmem>>[vector<16xi32>], vector<16xf32>,
    %get3A_71 = arith.constant 112 : index
    %get3A_72 = tpu.vector_load %arg7[%get3A_71] {strides = array<i32>} : memref<128xi32, #tpu.memory_space<vmem>>, vector<16xi32>,
    tpu.vector_store_idx %arg5[%get3A_72], %broadcast_in_dim3A_5 {add = true} : memref<10240xf32, #tpu.memory_space<vmem>>[vector<16xi32>], vector<16xf32>,
    "tpu.region"() ({
      %run_scoped3A = tpu.sem_alloc : memref<!tpu.dma_semaphore, #tpu.memory_space<semaphore_mem>>
      %dma_start3A_463 = arith.constant 0 : i32
      %dma_start3A_464 = tpu.memref_slice %arg9[%arg1, %dma_start3A_463] : memref<16x10240xf32, #tpu.memory_space<vmem_shared>> -> memref<1x10240xf32, #tpu.memory_space<vmem_shared>>
      %dma_start3A_465 = tpu.memref_squeeze %dma_start3A_464 : memref<1x10240xf32, #tpu.memory_space<vmem_shared>> -> memref<10240xf32, #tpu.memory_space<vmem_shared>>
      %dma_start3A_466 = arith.constant 0 : i32
      %dma_start3A_467 = tpu.memref_slice %arg9[%arg1, %dma_start3A_466] : memref<16x10240xf32, #tpu.memory_space<vmem_shared>> -> memref<1x10240xf32, #tpu.memory_space<vmem_shared>>
      %dma_start3A_468 = tpu.memref_squeeze %dma_start3A_467 : memref<1x10240xf32, #tpu.memory_space<vmem_shared>> -> memref<10240xf32, #tpu.memory_space<vmem_shared>>
      tpu.enqueue_dma source(%arg5 : memref<10240xf32, #tpu.memory_space<vmem>>) target(%dma_start3A_468 : memref<10240xf32, #tpu.memory_space<vmem_shared>>) target_semaphore(%run_scoped3A : memref<!tpu.dma_semaphore, #tpu.memory_space<semaphore_mem>>)
      %dma_wait3A_469 = arith.constant 0 : i32
      %dma_wait3A_470 = tpu.memref_slice %arg9[%arg1, %dma_wait3A_469] : memref<16x10240xf32, #tpu.memory_space<vmem_shared>> -> memref<1x10240xf32, #tpu.memory_space<vmem_shared>>
      %dma_wait3A_471 = tpu.memref_squeeze %dma_wait3A_470 : memref<1x10240xf32, #tpu.memory_space<vmem_shared>> -> memref<10240xf32, #tpu.memory_space<vmem_shared>>
      %dma_wait3A_472 = arith.constant 0 : i32
      %dma_wait3A_473 = tpu.memref_slice %arg9[%arg1, %dma_wait3A_472] : memref<16x10240xf32, #tpu.memory_space<vmem_shared>> -> memref<1x10240xf32, #tpu.memory_space<vmem_shared>>
      %dma_wait3A_474 = tpu.memref_squeeze %dma_wait3A_473 : memref<1x10240xf32, #tpu.memory_space<vmem_shared>> -> memref<10240xf32, #tpu.memory_space<vmem_shared>>
      tpu.wait_dma2 semaphore(%run_scoped3A : memref<!tpu.dma_semaphore, #tpu.memory_space<semaphore_mem>>) src(%arg5 : memref<10240xf32, #tpu.memory_space<vmem>>) dst(%dma_wait3A_474 : memref<10240xf32, #tpu.memory_space<vmem_shared>>)
      tpu.yield
    }) : () -> ()
    %barrier3A = arith.constant 0 : index
    tpu.barrier barrier_id(%barrier3A)
    %mul3A_73 = arith.constant 640 : i32
    %mul3A_74 = arith.muli %arg1, %mul3A_73 : i32
    %dma_start3A = arith.constant 0 : i32
    %dma_start3A_75 = arith.constant 0 : i32
    %dma_start3A_76 = arith.constant 0 : i32
    %dma_start3A_77 = tpu.memref_slice %arg8[%dma_start3A_75, %dma_start3A_76] : memref<16x640xf32, #tpu.memory_space<vmem>> -> memref<1x640xf32, #tpu.memory_space<vmem>>
    %dma_start3A_78 = tpu.memref_squeeze %dma_start3A_77 : memref<1x640xf32, #tpu.memory_space<vmem>> -> memref<640xf32, #tpu.memory_space<vmem>>
    %dma_start3A_79 = tpu.memref_slice %arg9[%dma_start3A, %mul3A_74] : memref<16x10240xf32, #tpu.memory_space<vmem_shared>> -> memref<1x640xf32, #tpu.memory_space<vmem_shared>>
    %dma_start3A_80 = tpu.memref_squeeze %dma_start3A_79 : memref<1x640xf32, #tpu.memory_space<vmem_shared>> -> memref<640xf32, #tpu.memory_space<vmem_shared>>
    %dma_start3A_81 = arith.constant 0 : i32
    %dma_start3A_82 = tpu.memref_slice %arg8[%dma_start3A_75, %dma_start3A_81] : memref<16x640xf32, #tpu.memory_space<vmem>> -> memref<1x640xf32, #tpu.memory_space<vmem>>
    %dma_start3A_83 = tpu.memref_squeeze %dma_start3A_82 : memref<1x640xf32, #tpu.memory_space<vmem>> -> memref<640xf32, #tpu.memory_space<vmem>>
    %dma_start3A_84 = tpu.memref_slice %arg9[%dma_start3A, %mul3A_74] : memref<16x10240xf32, #tpu.memory_space<vmem_shared>> -> memref<1x640xf32, #tpu.memory_space<vmem_shared>>
    %dma_start3A_85 = tpu.memref_squeeze %dma_start3A_84 : memref<1x640xf32, #tpu.memory_space<vmem_shared>> -> memref<640xf32, #tpu.memory_space<vmem_shared>>
    tpu.enqueue_dma source(%dma_start3A_85 : memref<640xf32, #tpu.memory_space<vmem_shared>>) target(%dma_start3A_83 : memref<640xf32, #tpu.memory_space<vmem>>) target_semaphore(%arg10 : memref<!tpu.dma_semaphore, #tpu.memory_space<semaphore_mem>>)
    %dma_start3A_86 = arith.constant 1 : i32
    %dma_start3A_87 = arith.constant 1 : i32
    %dma_start3A_88 = arith.constant 0 : i32
    %dma_start3A_89 = tpu.memref_slice %arg8[%dma_start3A_87, %dma_start3A_88] : memref<16x640xf32, #tpu.memory_space<vmem>> -> memref<1x640xf32, #tpu.memory_space<vmem>>
    %dma_start3A_90 = tpu.memref_squeeze %dma_start3A_89 : memref<1x640xf32, #tpu.memory_space<vmem>> -> memref<640xf32, #tpu.memory_space<vmem>>
    %dma_start3A_91 = tpu.memref_slice %arg9[%dma_start3A_86, %mul3A_74] : memref<16x10240xf32, #tpu.memory_space<vmem_shared>> -> memref<1x640xf32, #tpu.memory_space<vmem_shared>>
    %dma_start3A_92 = tpu.memref_squeeze %dma_start3A_91 : memref<1x640xf32, #tpu.memory_space<vmem_shared>> -> memref<640xf32, #tpu.memory_space<vmem_shared>>
    %dma_start3A_93 = arith.constant 0 : i32
    %dma_start3A_94 = tpu.memref_slice %arg8[%dma_start3A_87, %dma_start3A_93] : memref<16x640xf32, #tpu.memory_space<vmem>> -> memref<1x640xf32, #tpu.memory_space<vmem>>
    %dma_start3A_95 = tpu.memref_squeeze %dma_start3A_94 : memref<1x640xf32, #tpu.memory_space<vmem>> -> memref<640xf32, #tpu.memory_space<vmem>>
    %dma_start3A_96 = tpu.memref_slice %arg9[%dma_start3A_86, %mul3A_74] : memref<16x10240xf32, #tpu.memory_space<vmem_shared>> -> memref<1x640xf32, #tpu.memory_space<vmem_shared>>
    %dma_start3A_97 = tpu.memref_squeeze %dma_start3A_96 : memref<1x640xf32, #tpu.memory_space<vmem_shared>> -> memref<640xf32, #tpu.memory_space<vmem_shared>>
    tpu.enqueue_dma source(%dma_start3A_97 : memref<640xf32, #tpu.memory_space<vmem_shared>>) target(%dma_start3A_95 : memref<640xf32, #tpu.memory_space<vmem>>) target_semaphore(%arg10 : memref<!tpu.dma_semaphore, #tpu.memory_space<semaphore_mem>>)
    %dma_start3A_98 = arith.constant 2 : i32
    %dma_start3A_99 = arith.constant 2 : i32
    %dma_start3A_100 = arith.constant 0 : i32
    %dma_start3A_101 = tpu.memref_slice %arg8[%dma_start3A_99, %dma_start3A_100] : memref<16x640xf32, #tpu.memory_space<vmem>> -> memref<1x640xf32, #tpu.memory_space<vmem>>
    %dma_start3A_102 = tpu.memref_squeeze %dma_start3A_101 : memref<1x640xf32, #tpu.memory_space<vmem>> -> memref<640xf32, #tpu.memory_space<vmem>>
    %dma_start3A_103 = tpu.memref_slice %arg9[%dma_start3A_98, %mul3A_74] : memref<16x10240xf32, #tpu.memory_space<vmem_shared>> -> memref<1x640xf32, #tpu.memory_space<vmem_shared>>
    %dma_start3A_104 = tpu.memref_squeeze %dma_start3A_103 : memref<1x640xf32, #tpu.memory_space<vmem_shared>> -> memref<640xf32, #tpu.memory_space<vmem_shared>>
    %dma_start3A_105 = arith.constant 0 : i32
    %dma_start3A_106 = tpu.memref_slice %arg8[%dma_start3A_99, %dma_start3A_105] : memref<16x640xf32, #tpu.memory_space<vmem>> -> memref<1x640xf32, #tpu.memory_space<vmem>>
    %dma_start3A_107 = tpu.memref_squeeze %dma_start3A_106 : memref<1x640xf32, #tpu.memory_space<vmem>> -> memref<640xf32, #tpu.memory_space<vmem>>
    %dma_start3A_108 = tpu.memref_slice %arg9[%dma_start3A_98, %mul3A_74] : memref<16x10240xf32, #tpu.memory_space<vmem_shared>> -> memref<1x640xf32, #tpu.memory_space<vmem_shared>>
    %dma_start3A_109 = tpu.memref_squeeze %dma_start3A_108 : memref<1x640xf32, #tpu.memory_space<vmem_shared>> -> memref<640xf32, #tpu.memory_space<vmem_shared>>
    tpu.enqueue_dma source(%dma_start3A_109 : memref<640xf32, #tpu.memory_space<vmem_shared>>) target(%dma_start3A_107 : memref<640xf32, #tpu.memory_space<vmem>>) target_semaphore(%arg10 : memref<!tpu.dma_semaphore, #tpu.memory_space<semaphore_mem>>)
    %dma_start3A_110 = arith.constant 3 : i32
    %dma_start3A_111 = arith.constant 3 : i32
    %dma_start3A_112 = arith.constant 0 : i32
    %dma_start3A_113 = tpu.memref_slice %arg8[%dma_start3A_111, %dma_start3A_112] : memref<16x640xf32, #tpu.memory_space<vmem>> -> memref<1x640xf32, #tpu.memory_space<vmem>>
    %dma_start3A_114 = tpu.memref_squeeze %dma_start3A_113 : memref<1x640xf32, #tpu.memory_space<vmem>> -> memref<640xf32, #tpu.memory_space<vmem>>
    %dma_start3A_115 = tpu.memref_slice %arg9[%dma_start3A_110, %mul3A_74] : memref<16x10240xf32, #tpu.memory_space<vmem_shared>> -> memref<1x640xf32, #tpu.memory_space<vmem_shared>>
    %dma_start3A_116 = tpu.memref_squeeze %dma_start3A_115 : memref<1x640xf32, #tpu.memory_space<vmem_shared>> -> memref<640xf32, #tpu.memory_space<vmem_shared>>
    %dma_start3A_117 = arith.constant 0 : i32
    %dma_start3A_118 = tpu.memref_slice %arg8[%dma_start3A_111, %dma_start3A_117] : memref<16x640xf32, #tpu.memory_space<vmem>> -> memref<1x640xf32, #tpu.memory_space<vmem>>
    %dma_start3A_119 = tpu.memref_squeeze %dma_start3A_118 : memref<1x640xf32, #tpu.memory_space<vmem>> -> memref<640xf32, #tpu.memory_space<vmem>>
    %dma_start3A_120 = tpu.memref_slice %arg9[%dma_start3A_110, %mul3A_74] : memref<16x10240xf32, #tpu.memory_space<vmem_shared>> -> memref<1x640xf32, #tpu.memory_space<vmem_shared>>
    %dma_start3A_121 = tpu.memref_squeeze %dma_start3A_120 : memref<1x640xf32, #tpu.memory_space<vmem_shared>> -> memref<640xf32, #tpu.memory_space<vmem_shared>>
    tpu.enqueue_dma source(%dma_start3A_121 : memref<640xf32, #tpu.memory_space<vmem_shared>>) target(%dma_start3A_119 : memref<640xf32, #tpu.memory_space<vmem>>) target_semaphore(%arg10 : memref<!tpu.dma_semaphore, #tpu.memory_space<semaphore_mem>>)
    %dma_start3A_122 = arith.constant 4 : i32
    %dma_start3A_123 = arith.constant 4 : i32
    %dma_start3A_124 = arith.constant 0 : i32
    %dma_start3A_125 = tpu.memref_slice %arg8[%dma_start3A_123, %dma_start3A_124] : memref<16x640xf32, #tpu.memory_space<vmem>> -> memref<1x640xf32, #tpu.memory_space<vmem>>
    %dma_start3A_126 = tpu.memref_squeeze %dma_start3A_125 : memref<1x640xf32, #tpu.memory_space<vmem>> -> memref<640xf32, #tpu.memory_space<vmem>>
    %dma_start3A_127 = tpu.memref_slice %arg9[%dma_start3A_122, %mul3A_74] : memref<16x10240xf32, #tpu.memory_space<vmem_shared>> -> memref<1x640xf32, #tpu.memory_space<vmem_shared>>
    %dma_start3A_128 = tpu.memref_squeeze %dma_start3A_127 : memref<1x640xf32, #tpu.memory_space<vmem_shared>> -> memref<640xf32, #tpu.memory_space<vmem_shared>>
    %dma_start3A_129 = arith.constant 0 : i32
    %dma_start3A_130 = tpu.memref_slice %arg8[%dma_start3A_123, %dma_start3A_129] : memref<16x640xf32, #tpu.memory_space<vmem>> -> memref<1x640xf32, #tpu.memory_space<vmem>>
    %dma_start3A_131 = tpu.memref_squeeze %dma_start3A_130 : memref<1x640xf32, #tpu.memory_space<vmem>> -> memref<640xf32, #tpu.memory_space<vmem>>
    %dma_start3A_132 = tpu.memref_slice %arg9[%dma_start3A_122, %mul3A_74] : memref<16x10240xf32, #tpu.memory_space<vmem_shared>> -> memref<1x640xf32, #tpu.memory_space<vmem_shared>>
    %dma_start3A_133 = tpu.memref_squeeze %dma_start3A_132 : memref<1x640xf32, #tpu.memory_space<vmem_shared>> -> memref<640xf32, #tpu.memory_space<vmem_shared>>
    tpu.enqueue_dma source(%dma_start3A_133 : memref<640xf32, #tpu.memory_space<vmem_shared>>) target(%dma_start3A_131 : memref<640xf32, #tpu.memory_space<vmem>>) target_semaphore(%arg10 : memref<!tpu.dma_semaphore, #tpu.memory_space<semaphore_mem>>)
    %dma_start3A_134 = arith.constant 5 : i32
    %dma_start3A_135 = arith.constant 5 : i32
    %dma_start3A_136 = arith.constant 0 : i32
    %dma_start3A_137 = tpu.memref_slice %arg8[%dma_start3A_135, %dma_start3A_136] : memref<16x640xf32, #tpu.memory_space<vmem>> -> memref<1x640xf32, #tpu.memory_space<vmem>>
    %dma_start3A_138 = tpu.memref_squeeze %dma_start3A_137 : memref<1x640xf32, #tpu.memory_space<vmem>> -> memref<640xf32, #tpu.memory_space<vmem>>
    %dma_start3A_139 = tpu.memref_slice %arg9[%dma_start3A_134, %mul3A_74] : memref<16x10240xf32, #tpu.memory_space<vmem_shared>> -> memref<1x640xf32, #tpu.memory_space<vmem_shared>>
    %dma_start3A_140 = tpu.memref_squeeze %dma_start3A_139 : memref<1x640xf32, #tpu.memory_space<vmem_shared>> -> memref<640xf32, #tpu.memory_space<vmem_shared>>
    %dma_start3A_141 = arith.constant 0 : i32
    %dma_start3A_142 = tpu.memref_slice %arg8[%dma_start3A_135, %dma_start3A_141] : memref<16x640xf32, #tpu.memory_space<vmem>> -> memref<1x640xf32, #tpu.memory_space<vmem>>
    %dma_start3A_143 = tpu.memref_squeeze %dma_start3A_142 : memref<1x640xf32, #tpu.memory_space<vmem>> -> memref<640xf32, #tpu.memory_space<vmem>>
    %dma_start3A_144 = tpu.memref_slice %arg9[%dma_start3A_134, %mul3A_74] : memref<16x10240xf32, #tpu.memory_space<vmem_shared>> -> memref<1x640xf32, #tpu.memory_space<vmem_shared>>
    %dma_start3A_145 = tpu.memref_squeeze %dma_start3A_144 : memref<1x640xf32, #tpu.memory_space<vmem_shared>> -> memref<640xf32, #tpu.memory_space<vmem_shared>>
    tpu.enqueue_dma source(%dma_start3A_145 : memref<640xf32, #tpu.memory_space<vmem_shared>>) target(%dma_start3A_143 : memref<640xf32, #tpu.memory_space<vmem>>) target_semaphore(%arg10 : memref<!tpu.dma_semaphore, #tpu.memory_space<semaphore_mem>>)
    %dma_start3A_146 = arith.constant 6 : i32
    %dma_start3A_147 = arith.constant 6 : i32
    %dma_start3A_148 = arith.constant 0 : i32
    %dma_start3A_149 = tpu.memref_slice %arg8[%dma_start3A_147, %dma_start3A_148] : memref<16x640xf32, #tpu.memory_space<vmem>> -> memref<1x640xf32, #tpu.memory_space<vmem>>
    %dma_start3A_150 = tpu.memref_squeeze %dma_start3A_149 : memref<1x640xf32, #tpu.memory_space<vmem>> -> memref<640xf32, #tpu.memory_space<vmem>>
    %dma_start3A_151 = tpu.memref_slice %arg9[%dma_start3A_146, %mul3A_74] : memref<16x10240xf32, #tpu.memory_space<vmem_shared>> -> memref<1x640xf32, #tpu.memory_space<vmem_shared>>
    %dma_start3A_152 = tpu.memref_squeeze %dma_start3A_151 : memref<1x640xf32, #tpu.memory_space<vmem_shared>> -> memref<640xf32, #tpu.memory_space<vmem_shared>>
    %dma_start3A_153 = arith.constant 0 : i32
    %dma_start3A_154 = tpu.memref_slice %arg8[%dma_start3A_147, %dma_start3A_153] : memref<16x640xf32, #tpu.memory_space<vmem>> -> memref<1x640xf32, #tpu.memory_space<vmem>>
    %dma_start3A_155 = tpu.memref_squeeze %dma_start3A_154 : memref<1x640xf32, #tpu.memory_space<vmem>> -> memref<640xf32, #tpu.memory_space<vmem>>
    %dma_start3A_156 = tpu.memref_slice %arg9[%dma_start3A_146, %mul3A_74] : memref<16x10240xf32, #tpu.memory_space<vmem_shared>> -> memref<1x640xf32, #tpu.memory_space<vmem_shared>>
    %dma_start3A_157 = tpu.memref_squeeze %dma_start3A_156 : memref<1x640xf32, #tpu.memory_space<vmem_shared>> -> memref<640xf32, #tpu.memory_space<vmem_shared>>
    tpu.enqueue_dma source(%dma_start3A_157 : memref<640xf32, #tpu.memory_space<vmem_shared>>) target(%dma_start3A_155 : memref<640xf32, #tpu.memory_space<vmem>>) target_semaphore(%arg10 : memref<!tpu.dma_semaphore, #tpu.memory_space<semaphore_mem>>)
    %dma_start3A_158 = arith.constant 7 : i32
    %dma_start3A_159 = arith.constant 7 : i32
    %dma_start3A_160 = arith.constant 0 : i32
    %dma_start3A_161 = tpu.memref_slice %arg8[%dma_start3A_159, %dma_start3A_160] : memref<16x640xf32, #tpu.memory_space<vmem>> -> memref<1x640xf32, #tpu.memory_space<vmem>>
    %dma_start3A_162 = tpu.memref_squeeze %dma_start3A_161 : memref<1x640xf32, #tpu.memory_space<vmem>> -> memref<640xf32, #tpu.memory_space<vmem>>
    %dma_start3A_163 = tpu.memref_slice %arg9[%dma_start3A_158, %mul3A_74] : memref<16x10240xf32, #tpu.memory_space<vmem_shared>> -> memref<1x640xf32, #tpu.memory_space<vmem_shared>>
    %dma_start3A_164 = tpu.memref_squeeze %dma_start3A_163 : memref<1x640xf32, #tpu.memory_space<vmem_shared>> -> memref<640xf32, #tpu.memory_space<vmem_shared>>
    %dma_start3A_165 = arith.constant 0 : i32
    %dma_start3A_166 = tpu.memref_slice %arg8[%dma_start3A_159, %dma_start3A_165] : memref<16x640xf32, #tpu.memory_space<vmem>> -> memref<1x640xf32, #tpu.memory_space<vmem>>
    %dma_start3A_167 = tpu.memref_squeeze %dma_start3A_166 : memref<1x640xf32, #tpu.memory_space<vmem>> -> memref<640xf32, #tpu.memory_space<vmem>>
    %dma_start3A_168 = tpu.memref_slice %arg9[%dma_start3A_158, %mul3A_74] : memref<16x10240xf32, #tpu.memory_space<vmem_shared>> -> memref<1x640xf32, #tpu.memory_space<vmem_shared>>
    %dma_start3A_169 = tpu.memref_squeeze %dma_start3A_168 : memref<1x640xf32, #tpu.memory_space<vmem_shared>> -> memref<640xf32, #tpu.memory_space<vmem_shared>>
    tpu.enqueue_dma source(%dma_start3A_169 : memref<640xf32, #tpu.memory_space<vmem_shared>>) target(%dma_start3A_167 : memref<640xf32, #tpu.memory_space<vmem>>) target_semaphore(%arg10 : memref<!tpu.dma_semaphore, #tpu.memory_space<semaphore_mem>>)
    %dma_start3A_170 = arith.constant 8 : i32
    %dma_start3A_171 = arith.constant 8 : i32
    %dma_start3A_172 = arith.constant 0 : i32
    %dma_start3A_173 = tpu.memref_slice %arg8[%dma_start3A_171, %dma_start3A_172] : memref<16x640xf32, #tpu.memory_space<vmem>> -> memref<1x640xf32, #tpu.memory_space<vmem>>
    %dma_start3A_174 = tpu.memref_squeeze %dma_start3A_173 : memref<1x640xf32, #tpu.memory_space<vmem>> -> memref<640xf32, #tpu.memory_space<vmem>>
    %dma_start3A_175 = tpu.memref_slice %arg9[%dma_start3A_170, %mul3A_74] : memref<16x10240xf32, #tpu.memory_space<vmem_shared>> -> memref<1x640xf32, #tpu.memory_space<vmem_shared>>
    %dma_start3A_176 = tpu.memref_squeeze %dma_start3A_175 : memref<1x640xf32, #tpu.memory_space<vmem_shared>> -> memref<640xf32, #tpu.memory_space<vmem_shared>>
    %dma_start3A_177 = arith.constant 0 : i32
    %dma_start3A_178 = tpu.memref_slice %arg8[%dma_start3A_171, %dma_start3A_177] : memref<16x640xf32, #tpu.memory_space<vmem>> -> memref<1x640xf32, #tpu.memory_space<vmem>>
    %dma_start3A_179 = tpu.memref_squeeze %dma_start3A_178 : memref<1x640xf32, #tpu.memory_space<vmem>> -> memref<640xf32, #tpu.memory_space<vmem>>
    %dma_start3A_180 = tpu.memref_slice %arg9[%dma_start3A_170, %mul3A_74] : memref<16x10240xf32, #tpu.memory_space<vmem_shared>> -> memref<1x640xf32, #tpu.memory_space<vmem_shared>>
    %dma_start3A_181 = tpu.memref_squeeze %dma_start3A_180 : memref<1x640xf32, #tpu.memory_space<vmem_shared>> -> memref<640xf32, #tpu.memory_space<vmem_shared>>
    tpu.enqueue_dma source(%dma_start3A_181 : memref<640xf32, #tpu.memory_space<vmem_shared>>) target(%dma_start3A_179 : memref<640xf32, #tpu.memory_space<vmem>>) target_semaphore(%arg10 : memref<!tpu.dma_semaphore, #tpu.memory_space<semaphore_mem>>)
    %dma_start3A_182 = arith.constant 9 : i32
    %dma_start3A_183 = arith.constant 9 : i32
    %dma_start3A_184 = arith.constant 0 : i32
    %dma_start3A_185 = tpu.memref_slice %arg8[%dma_start3A_183, %dma_start3A_184] : memref<16x640xf32, #tpu.memory_space<vmem>> -> memref<1x640xf32, #tpu.memory_space<vmem>>
    %dma_start3A_186 = tpu.memref_squeeze %dma_start3A_185 : memref<1x640xf32, #tpu.memory_space<vmem>> -> memref<640xf32, #tpu.memory_space<vmem>>
    %dma_start3A_187 = tpu.memref_slice %arg9[%dma_start3A_182, %mul3A_74] : memref<16x10240xf32, #tpu.memory_space<vmem_shared>> -> memref<1x640xf32, #tpu.memory_space<vmem_shared>>
    %dma_start3A_188 = tpu.memref_squeeze %dma_start3A_187 : memref<1x640xf32, #tpu.memory_space<vmem_shared>> -> memref<640xf32, #tpu.memory_space<vmem_shared>>
    %dma_start3A_189 = arith.constant 0 : i32
    %dma_start3A_190 = tpu.memref_slice %arg8[%dma_start3A_183, %dma_start3A_189] : memref<16x640xf32, #tpu.memory_space<vmem>> -> memref<1x640xf32, #tpu.memory_space<vmem>>
    %dma_start3A_191 = tpu.memref_squeeze %dma_start3A_190 : memref<1x640xf32, #tpu.memory_space<vmem>> -> memref<640xf32, #tpu.memory_space<vmem>>
    %dma_start3A_192 = tpu.memref_slice %arg9[%dma_start3A_182, %mul3A_74] : memref<16x10240xf32, #tpu.memory_space<vmem_shared>> -> memref<1x640xf32, #tpu.memory_space<vmem_shared>>
    %dma_start3A_193 = tpu.memref_squeeze %dma_start3A_192 : memref<1x640xf32, #tpu.memory_space<vmem_shared>> -> memref<640xf32, #tpu.memory_space<vmem_shared>>
    tpu.enqueue_dma source(%dma_start3A_193 : memref<640xf32, #tpu.memory_space<vmem_shared>>) target(%dma_start3A_191 : memref<640xf32, #tpu.memory_space<vmem>>) target_semaphore(%arg10 : memref<!tpu.dma_semaphore, #tpu.memory_space<semaphore_mem>>)
    %dma_start3A_194 = arith.constant 10 : i32
    %dma_start3A_195 = arith.constant 10 : i32
    %dma_start3A_196 = arith.constant 0 : i32
    %dma_start3A_197 = tpu.memref_slice %arg8[%dma_start3A_195, %dma_start3A_196] : memref<16x640xf32, #tpu.memory_space<vmem>> -> memref<1x640xf32, #tpu.memory_space<vmem>>
    %dma_start3A_198 = tpu.memref_squeeze %dma_start3A_197 : memref<1x640xf32, #tpu.memory_space<vmem>> -> memref<640xf32, #tpu.memory_space<vmem>>
    %dma_start3A_199 = tpu.memref_slice %arg9[%dma_start3A_194, %mul3A_74] : memref<16x10240xf32, #tpu.memory_space<vmem_shared>> -> memref<1x640xf32, #tpu.memory_space<vmem_shared>>
    %dma_start3A_200 = tpu.memref_squeeze %dma_start3A_199 : memref<1x640xf32, #tpu.memory_space<vmem_shared>> -> memref<640xf32, #tpu.memory_space<vmem_shared>>
    %dma_start3A_201 = arith.constant 0 : i32
    %dma_start3A_202 = tpu.memref_slice %arg8[%dma_start3A_195, %dma_start3A_201] : memref<16x640xf32, #tpu.memory_space<vmem>> -> memref<1x640xf32, #tpu.memory_space<vmem>>
    %dma_start3A_203 = tpu.memref_squeeze %dma_start3A_202 : memref<1x640xf32, #tpu.memory_space<vmem>> -> memref<640xf32, #tpu.memory_space<vmem>>
    %dma_start3A_204 = tpu.memref_slice %arg9[%dma_start3A_194, %mul3A_74] : memref<16x10240xf32, #tpu.memory_space<vmem_shared>> -> memref<1x640xf32, #tpu.memory_space<vmem_shared>>
    %dma_start3A_205 = tpu.memref_squeeze %dma_start3A_204 : memref<1x640xf32, #tpu.memory_space<vmem_shared>> -> memref<640xf32, #tpu.memory_space<vmem_shared>>
    tpu.enqueue_dma source(%dma_start3A_205 : memref<640xf32, #tpu.memory_space<vmem_shared>>) target(%dma_start3A_203 : memref<640xf32, #tpu.memory_space<vmem>>) target_semaphore(%arg10 : memref<!tpu.dma_semaphore, #tpu.memory_space<semaphore_mem>>)
    %dma_start3A_206 = arith.constant 11 : i32
    %dma_start3A_207 = arith.constant 11 : i32
    %dma_start3A_208 = arith.constant 0 : i32
    %dma_start3A_209 = tpu.memref_slice %arg8[%dma_start3A_207, %dma_start3A_208] : memref<16x640xf32, #tpu.memory_space<vmem>> -> memref<1x640xf32, #tpu.memory_space<vmem>>
    %dma_start3A_210 = tpu.memref_squeeze %dma_start3A_209 : memref<1x640xf32, #tpu.memory_space<vmem>> -> memref<640xf32, #tpu.memory_space<vmem>>
    %dma_start3A_211 = tpu.memref_slice %arg9[%dma_start3A_206, %mul3A_74] : memref<16x10240xf32, #tpu.memory_space<vmem_shared>> -> memref<1x640xf32, #tpu.memory_space<vmem_shared>>
    %dma_start3A_212 = tpu.memref_squeeze %dma_start3A_211 : memref<1x640xf32, #tpu.memory_space<vmem_shared>> -> memref<640xf32, #tpu.memory_space<vmem_shared>>
    %dma_start3A_213 = arith.constant 0 : i32
    %dma_start3A_214 = tpu.memref_slice %arg8[%dma_start3A_207, %dma_start3A_213] : memref<16x640xf32, #tpu.memory_space<vmem>> -> memref<1x640xf32, #tpu.memory_space<vmem>>
    %dma_start3A_215 = tpu.memref_squeeze %dma_start3A_214 : memref<1x640xf32, #tpu.memory_space<vmem>> -> memref<640xf32, #tpu.memory_space<vmem>>
    %dma_start3A_216 = tpu.memref_slice %arg9[%dma_start3A_206, %mul3A_74] : memref<16x10240xf32, #tpu.memory_space<vmem_shared>> -> memref<1x640xf32, #tpu.memory_space<vmem_shared>>
    %dma_start3A_217 = tpu.memref_squeeze %dma_start3A_216 : memref<1x640xf32, #tpu.memory_space<vmem_shared>> -> memref<640xf32, #tpu.memory_space<vmem_shared>>
    tpu.enqueue_dma source(%dma_start3A_217 : memref<640xf32, #tpu.memory_space<vmem_shared>>) target(%dma_start3A_215 : memref<640xf32, #tpu.memory_space<vmem>>) target_semaphore(%arg10 : memref<!tpu.dma_semaphore, #tpu.memory_space<semaphore_mem>>)
    %dma_start3A_218 = arith.constant 12 : i32
    %dma_start3A_219 = arith.constant 12 : i32
    %dma_start3A_220 = arith.constant 0 : i32
    %dma_start3A_221 = tpu.memref_slice %arg8[%dma_start3A_219, %dma_start3A_220] : memref<16x640xf32, #tpu.memory_space<vmem>> -> memref<1x640xf32, #tpu.memory_space<vmem>>
    %dma_start3A_222 = tpu.memref_squeeze %dma_start3A_221 : memref<1x640xf32, #tpu.memory_space<vmem>> -> memref<640xf32, #tpu.memory_space<vmem>>
    %dma_start3A_223 = tpu.memref_slice %arg9[%dma_start3A_218, %mul3A_74] : memref<16x10240xf32, #tpu.memory_space<vmem_shared>> -> memref<1x640xf32, #tpu.memory_space<vmem_shared>>
    %dma_start3A_224 = tpu.memref_squeeze %dma_start3A_223 : memref<1x640xf32, #tpu.memory_space<vmem_shared>> -> memref<640xf32, #tpu.memory_space<vmem_shared>>
    %dma_start3A_225 = arith.constant 0 : i32
    %dma_start3A_226 = tpu.memref_slice %arg8[%dma_start3A_219, %dma_start3A_225] : memref<16x640xf32, #tpu.memory_space<vmem>> -> memref<1x640xf32, #tpu.memory_space<vmem>>
    %dma_start3A_227 = tpu.memref_squeeze %dma_start3A_226 : memref<1x640xf32, #tpu.memory_space<vmem>> -> memref<640xf32, #tpu.memory_space<vmem>>
    %dma_start3A_228 = tpu.memref_slice %arg9[%dma_start3A_218, %mul3A_74] : memref<16x10240xf32, #tpu.memory_space<vmem_shared>> -> memref<1x640xf32, #tpu.memory_space<vmem_shared>>
    %dma_start3A_229 = tpu.memref_squeeze %dma_start3A_228 : memref<1x640xf32, #tpu.memory_space<vmem_shared>> -> memref<640xf32, #tpu.memory_space<vmem_shared>>
    tpu.enqueue_dma source(%dma_start3A_229 : memref<640xf32, #tpu.memory_space<vmem_shared>>) target(%dma_start3A_227 : memref<640xf32, #tpu.memory_space<vmem>>) target_semaphore(%arg10 : memref<!tpu.dma_semaphore, #tpu.memory_space<semaphore_mem>>)
    %dma_start3A_230 = arith.constant 13 : i32
    %dma_start3A_231 = arith.constant 13 : i32
    %dma_start3A_232 = arith.constant 0 : i32
    %dma_start3A_233 = tpu.memref_slice %arg8[%dma_start3A_231, %dma_start3A_232] : memref<16x640xf32, #tpu.memory_space<vmem>> -> memref<1x640xf32, #tpu.memory_space<vmem>>
    %dma_start3A_234 = tpu.memref_squeeze %dma_start3A_233 : memref<1x640xf32, #tpu.memory_space<vmem>> -> memref<640xf32, #tpu.memory_space<vmem>>
    %dma_start3A_235 = tpu.memref_slice %arg9[%dma_start3A_230, %mul3A_74] : memref<16x10240xf32, #tpu.memory_space<vmem_shared>> -> memref<1x640xf32, #tpu.memory_space<vmem_shared>>
    %dma_start3A_236 = tpu.memref_squeeze %dma_start3A_235 : memref<1x640xf32, #tpu.memory_space<vmem_shared>> -> memref<640xf32, #tpu.memory_space<vmem_shared>>
    %dma_start3A_237 = arith.constant 0 : i32
    %dma_start3A_238 = tpu.memref_slice %arg8[%dma_start3A_231, %dma_start3A_237] : memref<16x640xf32, #tpu.memory_space<vmem>> -> memref<1x640xf32, #tpu.memory_space<vmem>>
    %dma_start3A_239 = tpu.memref_squeeze %dma_start3A_238 : memref<1x640xf32, #tpu.memory_space<vmem>> -> memref<640xf32, #tpu.memory_space<vmem>>
    %dma_start3A_240 = tpu.memref_slice %arg9[%dma_start3A_230, %mul3A_74] : memref<16x10240xf32, #tpu.memory_space<vmem_shared>> -> memref<1x640xf32, #tpu.memory_space<vmem_shared>>
    %dma_start3A_241 = tpu.memref_squeeze %dma_start3A_240 : memref<1x640xf32, #tpu.memory_space<vmem_shared>> -> memref<640xf32, #tpu.memory_space<vmem_shared>>
    tpu.enqueue_dma source(%dma_start3A_241 : memref<640xf32, #tpu.memory_space<vmem_shared>>) target(%dma_start3A_239 : memref<640xf32, #tpu.memory_space<vmem>>) target_semaphore(%arg10 : memref<!tpu.dma_semaphore, #tpu.memory_space<semaphore_mem>>)
    %dma_start3A_242 = arith.constant 14 : i32
    %dma_start3A_243 = arith.constant 14 : i32
    %dma_start3A_244 = arith.constant 0 : i32
    %dma_start3A_245 = tpu.memref_slice %arg8[%dma_start3A_243, %dma_start3A_244] : memref<16x640xf32, #tpu.memory_space<vmem>> -> memref<1x640xf32, #tpu.memory_space<vmem>>
    %dma_start3A_246 = tpu.memref_squeeze %dma_start3A_245 : memref<1x640xf32, #tpu.memory_space<vmem>> -> memref<640xf32, #tpu.memory_space<vmem>>
    %dma_start3A_247 = tpu.memref_slice %arg9[%dma_start3A_242, %mul3A_74] : memref<16x10240xf32, #tpu.memory_space<vmem_shared>> -> memref<1x640xf32, #tpu.memory_space<vmem_shared>>
    %dma_start3A_248 = tpu.memref_squeeze %dma_start3A_247 : memref<1x640xf32, #tpu.memory_space<vmem_shared>> -> memref<640xf32, #tpu.memory_space<vmem_shared>>
    %dma_start3A_249 = arith.constant 0 : i32
    %dma_start3A_250 = tpu.memref_slice %arg8[%dma_start3A_243, %dma_start3A_249] : memref<16x640xf32, #tpu.memory_space<vmem>> -> memref<1x640xf32, #tpu.memory_space<vmem>>
    %dma_start3A_251 = tpu.memref_squeeze %dma_start3A_250 : memref<1x640xf32, #tpu.memory_space<vmem>> -> memref<640xf32, #tpu.memory_space<vmem>>
    %dma_start3A_252 = tpu.memref_slice %arg9[%dma_start3A_242, %mul3A_74] : memref<16x10240xf32, #tpu.memory_space<vmem_shared>> -> memref<1x640xf32, #tpu.memory_space<vmem_shared>>
    %dma_start3A_253 = tpu.memref_squeeze %dma_start3A_252 : memref<1x640xf32, #tpu.memory_space<vmem_shared>> -> memref<640xf32, #tpu.memory_space<vmem_shared>>
    tpu.enqueue_dma source(%dma_start3A_253 : memref<640xf32, #tpu.memory_space<vmem_shared>>) target(%dma_start3A_251 : memref<640xf32, #tpu.memory_space<vmem>>) target_semaphore(%arg10 : memref<!tpu.dma_semaphore, #tpu.memory_space<semaphore_mem>>)
    %dma_start3A_254 = arith.constant 15 : i32
    %dma_start3A_255 = arith.constant 15 : i32
    %dma_start3A_256 = arith.constant 0 : i32
    %dma_start3A_257 = tpu.memref_slice %arg8[%dma_start3A_255, %dma_start3A_256] : memref<16x640xf32, #tpu.memory_space<vmem>> -> memref<1x640xf32, #tpu.memory_space<vmem>>
    %dma_start3A_258 = tpu.memref_squeeze %dma_start3A_257 : memref<1x640xf32, #tpu.memory_space<vmem>> -> memref<640xf32, #tpu.memory_space<vmem>>
    %dma_start3A_259 = tpu.memref_slice %arg9[%dma_start3A_254, %mul3A_74] : memref<16x10240xf32, #tpu.memory_space<vmem_shared>> -> memref<1x640xf32, #tpu.memory_space<vmem_shared>>
    %dma_start3A_260 = tpu.memref_squeeze %dma_start3A_259 : memref<1x640xf32, #tpu.memory_space<vmem_shared>> -> memref<640xf32, #tpu.memory_space<vmem_shared>>
    %dma_start3A_261 = arith.constant 0 : i32
    %dma_start3A_262 = tpu.memref_slice %arg8[%dma_start3A_255, %dma_start3A_261] : memref<16x640xf32, #tpu.memory_space<vmem>> -> memref<1x640xf32, #tpu.memory_space<vmem>>
    %dma_start3A_263 = tpu.memref_squeeze %dma_start3A_262 : memref<1x640xf32, #tpu.memory_space<vmem>> -> memref<640xf32, #tpu.memory_space<vmem>>
    %dma_start3A_264 = tpu.memref_slice %arg9[%dma_start3A_254, %mul3A_74] : memref<16x10240xf32, #tpu.memory_space<vmem_shared>> -> memref<1x640xf32, #tpu.memory_space<vmem_shared>>
    %dma_start3A_265 = tpu.memref_squeeze %dma_start3A_264 : memref<1x640xf32, #tpu.memory_space<vmem_shared>> -> memref<640xf32, #tpu.memory_space<vmem_shared>>
    tpu.enqueue_dma source(%dma_start3A_265 : memref<640xf32, #tpu.memory_space<vmem_shared>>) target(%dma_start3A_263 : memref<640xf32, #tpu.memory_space<vmem>>) target_semaphore(%arg10 : memref<!tpu.dma_semaphore, #tpu.memory_space<semaphore_mem>>)
    %dma_wait3A_266 = arith.constant 0 : i32
    %dma_wait3A_267 = arith.constant 0 : i32
    %dma_wait3A_268 = arith.constant 0 : i32
    %dma_wait3A_269 = tpu.memref_slice %arg8[%dma_wait3A_267, %dma_wait3A_268] : memref<16x640xf32, #tpu.memory_space<vmem>> -> memref<1x640xf32, #tpu.memory_space<vmem>>
    %dma_wait3A_270 = tpu.memref_squeeze %dma_wait3A_269 : memref<1x640xf32, #tpu.memory_space<vmem>> -> memref<640xf32, #tpu.memory_space<vmem>>
    %dma_wait3A_271 = tpu.memref_slice %arg9[%dma_wait3A_266, %mul3A_74] : memref<16x10240xf32, #tpu.memory_space<vmem_shared>> -> memref<1x640xf32, #tpu.memory_space<vmem_shared>>
    %dma_wait3A_272 = tpu.memref_squeeze %dma_wait3A_271 : memref<1x640xf32, #tpu.memory_space<vmem_shared>> -> memref<640xf32, #tpu.memory_space<vmem_shared>>
    %dma_wait3A_273 = arith.constant 0 : i32
    %dma_wait3A_274 = tpu.memref_slice %arg8[%dma_wait3A_267, %dma_wait3A_273] : memref<16x640xf32, #tpu.memory_space<vmem>> -> memref<1x640xf32, #tpu.memory_space<vmem>>
    %dma_wait3A_275 = tpu.memref_squeeze %dma_wait3A_274 : memref<1x640xf32, #tpu.memory_space<vmem>> -> memref<640xf32, #tpu.memory_space<vmem>>
    %dma_wait3A_276 = tpu.memref_slice %arg9[%dma_wait3A_266, %mul3A_74] : memref<16x10240xf32, #tpu.memory_space<vmem_shared>> -> memref<1x640xf32, #tpu.memory_space<vmem_shared>>
    %dma_wait3A_277 = tpu.memref_squeeze %dma_wait3A_276 : memref<1x640xf32, #tpu.memory_space<vmem_shared>> -> memref<640xf32, #tpu.memory_space<vmem_shared>>
    tpu.wait_dma2 semaphore(%arg10 : memref<!tpu.dma_semaphore, #tpu.memory_space<semaphore_mem>>) src(%dma_wait3A_277 : memref<640xf32, #tpu.memory_space<vmem_shared>>) dst(%dma_wait3A_275 : memref<640xf32, #tpu.memory_space<vmem>>)
    %dma_wait3A_278 = arith.constant 1 : i32
    %dma_wait3A_279 = arith.constant 1 : i32
    %dma_wait3A_280 = arith.constant 0 : i32
    %dma_wait3A_281 = tpu.memref_slice %arg8[%dma_wait3A_279, %dma_wait3A_280] : memref<16x640xf32, #tpu.memory_space<vmem>> -> memref<1x640xf32, #tpu.memory_space<vmem>>
    %dma_wait3A_282 = tpu.memref_squeeze %dma_wait3A_281 : memref<1x640xf32, #tpu.memory_space<vmem>> -> memref<640xf32, #tpu.memory_space<vmem>>
    %dma_wait3A_283 = tpu.memref_slice %arg9[%dma_wait3A_278, %mul3A_74] : memref<16x10240xf32, #tpu.memory_space<vmem_shared>> -> memref<1x640xf32, #tpu.memory_space<vmem_shared>>
    %dma_wait3A_284 = tpu.memref_squeeze %dma_wait3A_283 : memref<1x640xf32, #tpu.memory_space<vmem_shared>> -> memref<640xf32, #tpu.memory_space<vmem_shared>>
    %dma_wait3A_285 = arith.constant 0 : i32
    %dma_wait3A_286 = tpu.memref_slice %arg8[%dma_wait3A_279, %dma_wait3A_285] : memref<16x640xf32, #tpu.memory_space<vmem>> -> memref<1x640xf32, #tpu.memory_space<vmem>>
    %dma_wait3A_287 = tpu.memref_squeeze %dma_wait3A_286 : memref<1x640xf32, #tpu.memory_space<vmem>> -> memref<640xf32, #tpu.memory_space<vmem>>
    %dma_wait3A_288 = tpu.memref_slice %arg9[%dma_wait3A_278, %mul3A_74] : memref<16x10240xf32, #tpu.memory_space<vmem_shared>> -> memref<1x640xf32, #tpu.memory_space<vmem_shared>>
    %dma_wait3A_289 = tpu.memref_squeeze %dma_wait3A_288 : memref<1x640xf32, #tpu.memory_space<vmem_shared>> -> memref<640xf32, #tpu.memory_space<vmem_shared>>
    tpu.wait_dma2 semaphore(%arg10 : memref<!tpu.dma_semaphore, #tpu.memory_space<semaphore_mem>>) src(%dma_wait3A_289 : memref<640xf32, #tpu.memory_space<vmem_shared>>) dst(%dma_wait3A_287 : memref<640xf32, #tpu.memory_space<vmem>>)
    %dma_wait3A_290 = arith.constant 2 : i32
    %dma_wait3A_291 = arith.constant 2 : i32
    %dma_wait3A_292 = arith.constant 0 : i32
    %dma_wait3A_293 = tpu.memref_slice %arg8[%dma_wait3A_291, %dma_wait3A_292] : memref<16x640xf32, #tpu.memory_space<vmem>> -> memref<1x640xf32, #tpu.memory_space<vmem>>
    %dma_wait3A_294 = tpu.memref_squeeze %dma_wait3A_293 : memref<1x640xf32, #tpu.memory_space<vmem>> -> memref<640xf32, #tpu.memory_space<vmem>>
    %dma_wait3A_295 = tpu.memref_slice %arg9[%dma_wait3A_290, %mul3A_74] : memref<16x10240xf32, #tpu.memory_space<vmem_shared>> -> memref<1x640xf32, #tpu.memory_space<vmem_shared>>
    %dma_wait3A_296 = tpu.memref_squeeze %dma_wait3A_295 : memref<1x640xf32, #tpu.memory_space<vmem_shared>> -> memref<640xf32, #tpu.memory_space<vmem_shared>>
    %dma_wait3A_297 = arith.constant 0 : i32
    %dma_wait3A_298 = tpu.memref_slice %arg8[%dma_wait3A_291, %dma_wait3A_297] : memref<16x640xf32, #tpu.memory_space<vmem>> -> memref<1x640xf32, #tpu.memory_space<vmem>>
    %dma_wait3A_299 = tpu.memref_squeeze %dma_wait3A_298 : memref<1x640xf32, #tpu.memory_space<vmem>> -> memref<640xf32, #tpu.memory_space<vmem>>
    %dma_wait3A_300 = tpu.memref_slice %arg9[%dma_wait3A_290, %mul3A_74] : memref<16x10240xf32, #tpu.memory_space<vmem_shared>> -> memref<1x640xf32, #tpu.memory_space<vmem_shared>>
    %dma_wait3A_301 = tpu.memref_squeeze %dma_wait3A_300 : memref<1x640xf32, #tpu.memory_space<vmem_shared>> -> memref<640xf32, #tpu.memory_space<vmem_shared>>
    tpu.wait_dma2 semaphore(%arg10 : memref<!tpu.dma_semaphore, #tpu.memory_space<semaphore_mem>>) src(%dma_wait3A_301 : memref<640xf32, #tpu.memory_space<vmem_shared>>) dst(%dma_wait3A_299 : memref<640xf32, #tpu.memory_space<vmem>>)
    %dma_wait3A_302 = arith.constant 3 : i32
    %dma_wait3A_303 = arith.constant 3 : i32
    %dma_wait3A_304 = arith.constant 0 : i32
    %dma_wait3A_305 = tpu.memref_slice %arg8[%dma_wait3A_303, %dma_wait3A_304] : memref<16x640xf32, #tpu.memory_space<vmem>> -> memref<1x640xf32, #tpu.memory_space<vmem>>
    %dma_wait3A_306 = tpu.memref_squeeze %dma_wait3A_305 : memref<1x640xf32, #tpu.memory_space<vmem>> -> memref<640xf32, #tpu.memory_space<vmem>>
    %dma_wait3A_307 = tpu.memref_slice %arg9[%dma_wait3A_302, %mul3A_74] : memref<16x10240xf32, #tpu.memory_space<vmem_shared>> -> memref<1x640xf32, #tpu.memory_space<vmem_shared>>
    %dma_wait3A_308 = tpu.memref_squeeze %dma_wait3A_307 : memref<1x640xf32, #tpu.memory_space<vmem_shared>> -> memref<640xf32, #tpu.memory_space<vmem_shared>>
    %dma_wait3A_309 = arith.constant 0 : i32
    %dma_wait3A_310 = tpu.memref_slice %arg8[%dma_wait3A_303, %dma_wait3A_309] : memref<16x640xf32, #tpu.memory_space<vmem>> -> memref<1x640xf32, #tpu.memory_space<vmem>>
    %dma_wait3A_311 = tpu.memref_squeeze %dma_wait3A_310 : memref<1x640xf32, #tpu.memory_space<vmem>> -> memref<640xf32, #tpu.memory_space<vmem>>
    %dma_wait3A_312 = tpu.memref_slice %arg9[%dma_wait3A_302, %mul3A_74] : memref<16x10240xf32, #tpu.memory_space<vmem_shared>> -> memref<1x640xf32, #tpu.memory_space<vmem_shared>>
    %dma_wait3A_313 = tpu.memref_squeeze %dma_wait3A_312 : memref<1x640xf32, #tpu.memory_space<vmem_shared>> -> memref<640xf32, #tpu.memory_space<vmem_shared>>
    tpu.wait_dma2 semaphore(%arg10 : memref<!tpu.dma_semaphore, #tpu.memory_space<semaphore_mem>>) src(%dma_wait3A_313 : memref<640xf32, #tpu.memory_space<vmem_shared>>) dst(%dma_wait3A_311 : memref<640xf32, #tpu.memory_space<vmem>>)
    %dma_wait3A_314 = arith.constant 4 : i32
    %dma_wait3A_315 = arith.constant 4 : i32
    %dma_wait3A_316 = arith.constant 0 : i32
    %dma_wait3A_317 = tpu.memref_slice %arg8[%dma_wait3A_315, %dma_wait3A_316] : memref<16x640xf32, #tpu.memory_space<vmem>> -> memref<1x640xf32, #tpu.memory_space<vmem>>
    %dma_wait3A_318 = tpu.memref_squeeze %dma_wait3A_317 : memref<1x640xf32, #tpu.memory_space<vmem>> -> memref<640xf32, #tpu.memory_space<vmem>>
    %dma_wait3A_319 = tpu.memref_slice %arg9[%dma_wait3A_314, %mul3A_74] : memref<16x10240xf32, #tpu.memory_space<vmem_shared>> -> memref<1x640xf32, #tpu.memory_space<vmem_shared>>
    %dma_wait3A_320 = tpu.memref_squeeze %dma_wait3A_319 : memref<1x640xf32, #tpu.memory_space<vmem_shared>> -> memref<640xf32, #tpu.memory_space<vmem_shared>>
    %dma_wait3A_321 = arith.constant 0 : i32
    %dma_wait3A_322 = tpu.memref_slice %arg8[%dma_wait3A_315, %dma_wait3A_321] : memref<16x640xf32, #tpu.memory_space<vmem>> -> memref<1x640xf32, #tpu.memory_space<vmem>>
    %dma_wait3A_323 = tpu.memref_squeeze %dma_wait3A_322 : memref<1x640xf32, #tpu.memory_space<vmem>> -> memref<640xf32, #tpu.memory_space<vmem>>
    %dma_wait3A_324 = tpu.memref_slice %arg9[%dma_wait3A_314, %mul3A_74] : memref<16x10240xf32, #tpu.memory_space<vmem_shared>> -> memref<1x640xf32, #tpu.memory_space<vmem_shared>>
    %dma_wait3A_325 = tpu.memref_squeeze %dma_wait3A_324 : memref<1x640xf32, #tpu.memory_space<vmem_shared>> -> memref<640xf32, #tpu.memory_space<vmem_shared>>
    tpu.wait_dma2 semaphore(%arg10 : memref<!tpu.dma_semaphore, #tpu.memory_space<semaphore_mem>>) src(%dma_wait3A_325 : memref<640xf32, #tpu.memory_space<vmem_shared>>) dst(%dma_wait3A_323 : memref<640xf32, #tpu.memory_space<vmem>>)
    %dma_wait3A_326 = arith.constant 5 : i32
    %dma_wait3A_327 = arith.constant 5 : i32
    %dma_wait3A_328 = arith.constant 0 : i32
    %dma_wait3A_329 = tpu.memref_slice %arg8[%dma_wait3A_327, %dma_wait3A_328] : memref<16x640xf32, #tpu.memory_space<vmem>> -> memref<1x640xf32, #tpu.memory_space<vmem>>
    %dma_wait3A_330 = tpu.memref_squeeze %dma_wait3A_329 : memref<1x640xf32, #tpu.memory_space<vmem>> -> memref<640xf32, #tpu.memory_space<vmem>>
    %dma_wait3A_331 = tpu.memref_slice %arg9[%dma_wait3A_326, %mul3A_74] : memref<16x10240xf32, #tpu.memory_space<vmem_shared>> -> memref<1x640xf32, #tpu.memory_space<vmem_shared>>
    %dma_wait3A_332 = tpu.memref_squeeze %dma_wait3A_331 : memref<1x640xf32, #tpu.memory_space<vmem_shared>> -> memref<640xf32, #tpu.memory_space<vmem_shared>>
    %dma_wait3A_333 = arith.constant 0 : i32
    %dma_wait3A_334 = tpu.memref_slice %arg8[%dma_wait3A_327, %dma_wait3A_333] : memref<16x640xf32, #tpu.memory_space<vmem>> -> memref<1x640xf32, #tpu.memory_space<vmem>>
    %dma_wait3A_335 = tpu.memref_squeeze %dma_wait3A_334 : memref<1x640xf32, #tpu.memory_space<vmem>> -> memref<640xf32, #tpu.memory_space<vmem>>
    %dma_wait3A_336 = tpu.memref_slice %arg9[%dma_wait3A_326, %mul3A_74] : memref<16x10240xf32, #tpu.memory_space<vmem_shared>> -> memref<1x640xf32, #tpu.memory_space<vmem_shared>>
    %dma_wait3A_337 = tpu.memref_squeeze %dma_wait3A_336 : memref<1x640xf32, #tpu.memory_space<vmem_shared>> -> memref<640xf32, #tpu.memory_space<vmem_shared>>
    tpu.wait_dma2 semaphore(%arg10 : memref<!tpu.dma_semaphore, #tpu.memory_space<semaphore_mem>>) src(%dma_wait3A_337 : memref<640xf32, #tpu.memory_space<vmem_shared>>) dst(%dma_wait3A_335 : memref<640xf32, #tpu.memory_space<vmem>>)
    %dma_wait3A_338 = arith.constant 6 : i32
    %dma_wait3A_339 = arith.constant 6 : i32
    %dma_wait3A_340 = arith.constant 0 : i32
    %dma_wait3A_341 = tpu.memref_slice %arg8[%dma_wait3A_339, %dma_wait3A_340] : memref<16x640xf32, #tpu.memory_space<vmem>> -> memref<1x640xf32, #tpu.memory_space<vmem>>
    %dma_wait3A_342 = tpu.memref_squeeze %dma_wait3A_341 : memref<1x640xf32, #tpu.memory_space<vmem>> -> memref<640xf32, #tpu.memory_space<vmem>>
    %dma_wait3A_343 = tpu.memref_slice %arg9[%dma_wait3A_338, %mul3A_74] : memref<16x10240xf32, #tpu.memory_space<vmem_shared>> -> memref<1x640xf32, #tpu.memory_space<vmem_shared>>
    %dma_wait3A_344 = tpu.memref_squeeze %dma_wait3A_343 : memref<1x640xf32, #tpu.memory_space<vmem_shared>> -> memref<640xf32, #tpu.memory_space<vmem_shared>>
    %dma_wait3A_345 = arith.constant 0 : i32
    %dma_wait3A_346 = tpu.memref_slice %arg8[%dma_wait3A_339, %dma_wait3A_345] : memref<16x640xf32, #tpu.memory_space<vmem>> -> memref<1x640xf32, #tpu.memory_space<vmem>>
    %dma_wait3A_347 = tpu.memref_squeeze %dma_wait3A_346 : memref<1x640xf32, #tpu.memory_space<vmem>> -> memref<640xf32, #tpu.memory_space<vmem>>
    %dma_wait3A_348 = tpu.memref_slice %arg9[%dma_wait3A_338, %mul3A_74] : memref<16x10240xf32, #tpu.memory_space<vmem_shared>> -> memref<1x640xf32, #tpu.memory_space<vmem_shared>>
    %dma_wait3A_349 = tpu.memref_squeeze %dma_wait3A_348 : memref<1x640xf32, #tpu.memory_space<vmem_shared>> -> memref<640xf32, #tpu.memory_space<vmem_shared>>
    tpu.wait_dma2 semaphore(%arg10 : memref<!tpu.dma_semaphore, #tpu.memory_space<semaphore_mem>>) src(%dma_wait3A_349 : memref<640xf32, #tpu.memory_space<vmem_shared>>) dst(%dma_wait3A_347 : memref<640xf32, #tpu.memory_space<vmem>>)
    %dma_wait3A_350 = arith.constant 7 : i32
    %dma_wait3A_351 = arith.constant 7 : i32
    %dma_wait3A_352 = arith.constant 0 : i32
    %dma_wait3A_353 = tpu.memref_slice %arg8[%dma_wait3A_351, %dma_wait3A_352] : memref<16x640xf32, #tpu.memory_space<vmem>> -> memref<1x640xf32, #tpu.memory_space<vmem>>
    %dma_wait3A_354 = tpu.memref_squeeze %dma_wait3A_353 : memref<1x640xf32, #tpu.memory_space<vmem>> -> memref<640xf32, #tpu.memory_space<vmem>>
    %dma_wait3A_355 = tpu.memref_slice %arg9[%dma_wait3A_350, %mul3A_74] : memref<16x10240xf32, #tpu.memory_space<vmem_shared>> -> memref<1x640xf32, #tpu.memory_space<vmem_shared>>
    %dma_wait3A_356 = tpu.memref_squeeze %dma_wait3A_355 : memref<1x640xf32, #tpu.memory_space<vmem_shared>> -> memref<640xf32, #tpu.memory_space<vmem_shared>>
    %dma_wait3A_357 = arith.constant 0 : i32
    %dma_wait3A_358 = tpu.memref_slice %arg8[%dma_wait3A_351, %dma_wait3A_357] : memref<16x640xf32, #tpu.memory_space<vmem>> -> memref<1x640xf32, #tpu.memory_space<vmem>>
    %dma_wait3A_359 = tpu.memref_squeeze %dma_wait3A_358 : memref<1x640xf32, #tpu.memory_space<vmem>> -> memref<640xf32, #tpu.memory_space<vmem>>
    %dma_wait3A_360 = tpu.memref_slice %arg9[%dma_wait3A_350, %mul3A_74] : memref<16x10240xf32, #tpu.memory_space<vmem_shared>> -> memref<1x640xf32, #tpu.memory_space<vmem_shared>>
    %dma_wait3A_361 = tpu.memref_squeeze %dma_wait3A_360 : memref<1x640xf32, #tpu.memory_space<vmem_shared>> -> memref<640xf32, #tpu.memory_space<vmem_shared>>
    tpu.wait_dma2 semaphore(%arg10 : memref<!tpu.dma_semaphore, #tpu.memory_space<semaphore_mem>>) src(%dma_wait3A_361 : memref<640xf32, #tpu.memory_space<vmem_shared>>) dst(%dma_wait3A_359 : memref<640xf32, #tpu.memory_space<vmem>>)
    %dma_wait3A_362 = arith.constant 8 : i32
    %dma_wait3A_363 = arith.constant 8 : i32
    %dma_wait3A_364 = arith.constant 0 : i32
    %dma_wait3A_365 = tpu.memref_slice %arg8[%dma_wait3A_363, %dma_wait3A_364] : memref<16x640xf32, #tpu.memory_space<vmem>> -> memref<1x640xf32, #tpu.memory_space<vmem>>
    %dma_wait3A_366 = tpu.memref_squeeze %dma_wait3A_365 : memref<1x640xf32, #tpu.memory_space<vmem>> -> memref<640xf32, #tpu.memory_space<vmem>>
    %dma_wait3A_367 = tpu.memref_slice %arg9[%dma_wait3A_362, %mul3A_74] : memref<16x10240xf32, #tpu.memory_space<vmem_shared>> -> memref<1x640xf32, #tpu.memory_space<vmem_shared>>
    %dma_wait3A_368 = tpu.memref_squeeze %dma_wait3A_367 : memref<1x640xf32, #tpu.memory_space<vmem_shared>> -> memref<640xf32, #tpu.memory_space<vmem_shared>>
    %dma_wait3A_369 = arith.constant 0 : i32
    %dma_wait3A_370 = tpu.memref_slice %arg8[%dma_wait3A_363, %dma_wait3A_369] : memref<16x640xf32, #tpu.memory_space<vmem>> -> memref<1x640xf32, #tpu.memory_space<vmem>>
    %dma_wait3A_371 = tpu.memref_squeeze %dma_wait3A_370 : memref<1x640xf32, #tpu.memory_space<vmem>> -> memref<640xf32, #tpu.memory_space<vmem>>
    %dma_wait3A_372 = tpu.memref_slice %arg9[%dma_wait3A_362, %mul3A_74] : memref<16x10240xf32, #tpu.memory_space<vmem_shared>> -> memref<1x640xf32, #tpu.memory_space<vmem_shared>>
    %dma_wait3A_373 = tpu.memref_squeeze %dma_wait3A_372 : memref<1x640xf32, #tpu.memory_space<vmem_shared>> -> memref<640xf32, #tpu.memory_space<vmem_shared>>
    tpu.wait_dma2 semaphore(%arg10 : memref<!tpu.dma_semaphore, #tpu.memory_space<semaphore_mem>>) src(%dma_wait3A_373 : memref<640xf32, #tpu.memory_space<vmem_shared>>) dst(%dma_wait3A_371 : memref<640xf32, #tpu.memory_space<vmem>>)
    %dma_wait3A_374 = arith.constant 9 : i32
    %dma_wait3A_375 = arith.constant 9 : i32
    %dma_wait3A_376 = arith.constant 0 : i32
    %dma_wait3A_377 = tpu.memref_slice %arg8[%dma_wait3A_375, %dma_wait3A_376] : memref<16x640xf32, #tpu.memory_space<vmem>> -> memref<1x640xf32, #tpu.memory_space<vmem>>
    %dma_wait3A_378 = tpu.memref_squeeze %dma_wait3A_377 : memref<1x640xf32, #tpu.memory_space<vmem>> -> memref<640xf32, #tpu.memory_space<vmem>>
    %dma_wait3A_379 = tpu.memref_slice %arg9[%dma_wait3A_374, %mul3A_74] : memref<16x10240xf32, #tpu.memory_space<vmem_shared>> -> memref<1x640xf32, #tpu.memory_space<vmem_shared>>
    %dma_wait3A_380 = tpu.memref_squeeze %dma_wait3A_379 : memref<1x640xf32, #tpu.memory_space<vmem_shared>> -> memref<640xf32, #tpu.memory_space<vmem_shared>>
    %dma_wait3A_381 = arith.constant 0 : i32
    %dma_wait3A_382 = tpu.memref_slice %arg8[%dma_wait3A_375, %dma_wait3A_381] : memref<16x640xf32, #tpu.memory_space<vmem>> -> memref<1x640xf32, #tpu.memory_space<vmem>>
    %dma_wait3A_383 = tpu.memref_squeeze %dma_wait3A_382 : memref<1x640xf32, #tpu.memory_space<vmem>> -> memref<640xf32, #tpu.memory_space<vmem>>
    %dma_wait3A_384 = tpu.memref_slice %arg9[%dma_wait3A_374, %mul3A_74] : memref<16x10240xf32, #tpu.memory_space<vmem_shared>> -> memref<1x640xf32, #tpu.memory_space<vmem_shared>>
    %dma_wait3A_385 = tpu.memref_squeeze %dma_wait3A_384 : memref<1x640xf32, #tpu.memory_space<vmem_shared>> -> memref<640xf32, #tpu.memory_space<vmem_shared>>
    tpu.wait_dma2 semaphore(%arg10 : memref<!tpu.dma_semaphore, #tpu.memory_space<semaphore_mem>>) src(%dma_wait3A_385 : memref<640xf32, #tpu.memory_space<vmem_shared>>) dst(%dma_wait3A_383 : memref<640xf32, #tpu.memory_space<vmem>>)
    %dma_wait3A_386 = arith.constant 10 : i32
    %dma_wait3A_387 = arith.constant 10 : i32
    %dma_wait3A_388 = arith.constant 0 : i32
    %dma_wait3A_389 = tpu.memref_slice %arg8[%dma_wait3A_387, %dma_wait3A_388] : memref<16x640xf32, #tpu.memory_space<vmem>> -> memref<1x640xf32, #tpu.memory_space<vmem>>
    %dma_wait3A_390 = tpu.memref_squeeze %dma_wait3A_389 : memref<1x640xf32, #tpu.memory_space<vmem>> -> memref<640xf32, #tpu.memory_space<vmem>>
    %dma_wait3A_391 = tpu.memref_slice %arg9[%dma_wait3A_386, %mul3A_74] : memref<16x10240xf32, #tpu.memory_space<vmem_shared>> -> memref<1x640xf32, #tpu.memory_space<vmem_shared>>
    %dma_wait3A_392 = tpu.memref_squeeze %dma_wait3A_391 : memref<1x640xf32, #tpu.memory_space<vmem_shared>> -> memref<640xf32, #tpu.memory_space<vmem_shared>>
    %dma_wait3A_393 = arith.constant 0 : i32
    %dma_wait3A_394 = tpu.memref_slice %arg8[%dma_wait3A_387, %dma_wait3A_393] : memref<16x640xf32, #tpu.memory_space<vmem>> -> memref<1x640xf32, #tpu.memory_space<vmem>>
    %dma_wait3A_395 = tpu.memref_squeeze %dma_wait3A_394 : memref<1x640xf32, #tpu.memory_space<vmem>> -> memref<640xf32, #tpu.memory_space<vmem>>
    %dma_wait3A_396 = tpu.memref_slice %arg9[%dma_wait3A_386, %mul3A_74] : memref<16x10240xf32, #tpu.memory_space<vmem_shared>> -> memref<1x640xf32, #tpu.memory_space<vmem_shared>>
    %dma_wait3A_397 = tpu.memref_squeeze %dma_wait3A_396 : memref<1x640xf32, #tpu.memory_space<vmem_shared>> -> memref<640xf32, #tpu.memory_space<vmem_shared>>
    tpu.wait_dma2 semaphore(%arg10 : memref<!tpu.dma_semaphore, #tpu.memory_space<semaphore_mem>>) src(%dma_wait3A_397 : memref<640xf32, #tpu.memory_space<vmem_shared>>) dst(%dma_wait3A_395 : memref<640xf32, #tpu.memory_space<vmem>>)
    %dma_wait3A_398 = arith.constant 11 : i32
    %dma_wait3A_399 = arith.constant 11 : i32
    %dma_wait3A_400 = arith.constant 0 : i32
    %dma_wait3A_401 = tpu.memref_slice %arg8[%dma_wait3A_399, %dma_wait3A_400] : memref<16x640xf32, #tpu.memory_space<vmem>> -> memref<1x640xf32, #tpu.memory_space<vmem>>
    %dma_wait3A_402 = tpu.memref_squeeze %dma_wait3A_401 : memref<1x640xf32, #tpu.memory_space<vmem>> -> memref<640xf32, #tpu.memory_space<vmem>>
    %dma_wait3A_403 = tpu.memref_slice %arg9[%dma_wait3A_398, %mul3A_74] : memref<16x10240xf32, #tpu.memory_space<vmem_shared>> -> memref<1x640xf32, #tpu.memory_space<vmem_shared>>
    %dma_wait3A_404 = tpu.memref_squeeze %dma_wait3A_403 : memref<1x640xf32, #tpu.memory_space<vmem_shared>> -> memref<640xf32, #tpu.memory_space<vmem_shared>>
    %dma_wait3A_405 = arith.constant 0 : i32
    %dma_wait3A_406 = tpu.memref_slice %arg8[%dma_wait3A_399, %dma_wait3A_405] : memref<16x640xf32, #tpu.memory_space<vmem>> -> memref<1x640xf32, #tpu.memory_space<vmem>>
    %dma_wait3A_407 = tpu.memref_squeeze %dma_wait3A_406 : memref<1x640xf32, #tpu.memory_space<vmem>> -> memref<640xf32, #tpu.memory_space<vmem>>
    %dma_wait3A_408 = tpu.memref_slice %arg9[%dma_wait3A_398, %mul3A_74] : memref<16x10240xf32, #tpu.memory_space<vmem_shared>> -> memref<1x640xf32, #tpu.memory_space<vmem_shared>>
    %dma_wait3A_409 = tpu.memref_squeeze %dma_wait3A_408 : memref<1x640xf32, #tpu.memory_space<vmem_shared>> -> memref<640xf32, #tpu.memory_space<vmem_shared>>
    tpu.wait_dma2 semaphore(%arg10 : memref<!tpu.dma_semaphore, #tpu.memory_space<semaphore_mem>>) src(%dma_wait3A_409 : memref<640xf32, #tpu.memory_space<vmem_shared>>) dst(%dma_wait3A_407 : memref<640xf32, #tpu.memory_space<vmem>>)
    %dma_wait3A_410 = arith.constant 12 : i32
    %dma_wait3A_411 = arith.constant 12 : i32
    %dma_wait3A_412 = arith.constant 0 : i32
    %dma_wait3A_413 = tpu.memref_slice %arg8[%dma_wait3A_411, %dma_wait3A_412] : memref<16x640xf32, #tpu.memory_space<vmem>> -> memref<1x640xf32, #tpu.memory_space<vmem>>
    %dma_wait3A_414 = tpu.memref_squeeze %dma_wait3A_413 : memref<1x640xf32, #tpu.memory_space<vmem>> -> memref<640xf32, #tpu.memory_space<vmem>>
    %dma_wait3A_415 = tpu.memref_slice %arg9[%dma_wait3A_410, %mul3A_74] : memref<16x10240xf32, #tpu.memory_space<vmem_shared>> -> memref<1x640xf32, #tpu.memory_space<vmem_shared>>
    %dma_wait3A_416 = tpu.memref_squeeze %dma_wait3A_415 : memref<1x640xf32, #tpu.memory_space<vmem_shared>> -> memref<640xf32, #tpu.memory_space<vmem_shared>>
    %dma_wait3A_417 = arith.constant 0 : i32
    %dma_wait3A_418 = tpu.memref_slice %arg8[%dma_wait3A_411, %dma_wait3A_417] : memref<16x640xf32, #tpu.memory_space<vmem>> -> memref<1x640xf32, #tpu.memory_space<vmem>>
    %dma_wait3A_419 = tpu.memref_squeeze %dma_wait3A_418 : memref<1x640xf32, #tpu.memory_space<vmem>> -> memref<640xf32, #tpu.memory_space<vmem>>
    %dma_wait3A_420 = tpu.memref_slice %arg9[%dma_wait3A_410, %mul3A_74] : memref<16x10240xf32, #tpu.memory_space<vmem_shared>> -> memref<1x640xf32, #tpu.memory_space<vmem_shared>>
    %dma_wait3A_421 = tpu.memref_squeeze %dma_wait3A_420 : memref<1x640xf32, #tpu.memory_space<vmem_shared>> -> memref<640xf32, #tpu.memory_space<vmem_shared>>
    tpu.wait_dma2 semaphore(%arg10 : memref<!tpu.dma_semaphore, #tpu.memory_space<semaphore_mem>>) src(%dma_wait3A_421 : memref<640xf32, #tpu.memory_space<vmem_shared>>) dst(%dma_wait3A_419 : memref<640xf32, #tpu.memory_space<vmem>>)
    %dma_wait3A_422 = arith.constant 13 : i32
    %dma_wait3A_423 = arith.constant 13 : i32
    %dma_wait3A_424 = arith.constant 0 : i32
    %dma_wait3A_425 = tpu.memref_slice %arg8[%dma_wait3A_423, %dma_wait3A_424] : memref<16x640xf32, #tpu.memory_space<vmem>> -> memref<1x640xf32, #tpu.memory_space<vmem>>
    %dma_wait3A_426 = tpu.memref_squeeze %dma_wait3A_425 : memref<1x640xf32, #tpu.memory_space<vmem>> -> memref<640xf32, #tpu.memory_space<vmem>>
    %dma_wait3A_427 = tpu.memref_slice %arg9[%dma_wait3A_422, %mul3A_74] : memref<16x10240xf32, #tpu.memory_space<vmem_shared>> -> memref<1x640xf32, #tpu.memory_space<vmem_shared>>
    %dma_wait3A_428 = tpu.memref_squeeze %dma_wait3A_427 : memref<1x640xf32, #tpu.memory_space<vmem_shared>> -> memref<640xf32, #tpu.memory_space<vmem_shared>>
    %dma_wait3A_429 = arith.constant 0 : i32
    %dma_wait3A_430 = tpu.memref_slice %arg8[%dma_wait3A_423, %dma_wait3A_429] : memref<16x640xf32, #tpu.memory_space<vmem>> -> memref<1x640xf32, #tpu.memory_space<vmem>>
    %dma_wait3A_431 = tpu.memref_squeeze %dma_wait3A_430 : memref<1x640xf32, #tpu.memory_space<vmem>> -> memref<640xf32, #tpu.memory_space<vmem>>
    %dma_wait3A_432 = tpu.memref_slice %arg9[%dma_wait3A_422, %mul3A_74] : memref<16x10240xf32, #tpu.memory_space<vmem_shared>> -> memref<1x640xf32, #tpu.memory_space<vmem_shared>>
    %dma_wait3A_433 = tpu.memref_squeeze %dma_wait3A_432 : memref<1x640xf32, #tpu.memory_space<vmem_shared>> -> memref<640xf32, #tpu.memory_space<vmem_shared>>
    tpu.wait_dma2 semaphore(%arg10 : memref<!tpu.dma_semaphore, #tpu.memory_space<semaphore_mem>>) src(%dma_wait3A_433 : memref<640xf32, #tpu.memory_space<vmem_shared>>) dst(%dma_wait3A_431 : memref<640xf32, #tpu.memory_space<vmem>>)
    %dma_wait3A_434 = arith.constant 14 : i32
    %dma_wait3A_435 = arith.constant 14 : i32
    %dma_wait3A_436 = arith.constant 0 : i32
    %dma_wait3A_437 = tpu.memref_slice %arg8[%dma_wait3A_435, %dma_wait3A_436] : memref<16x640xf32, #tpu.memory_space<vmem>> -> memref<1x640xf32, #tpu.memory_space<vmem>>
    %dma_wait3A_438 = tpu.memref_squeeze %dma_wait3A_437 : memref<1x640xf32, #tpu.memory_space<vmem>> -> memref<640xf32, #tpu.memory_space<vmem>>
    %dma_wait3A_439 = tpu.memref_slice %arg9[%dma_wait3A_434, %mul3A_74] : memref<16x10240xf32, #tpu.memory_space<vmem_shared>> -> memref<1x640xf32, #tpu.memory_space<vmem_shared>>
    %dma_wait3A_440 = tpu.memref_squeeze %dma_wait3A_439 : memref<1x640xf32, #tpu.memory_space<vmem_shared>> -> memref<640xf32, #tpu.memory_space<vmem_shared>>
    %dma_wait3A_441 = arith.constant 0 : i32
    %dma_wait3A_442 = tpu.memref_slice %arg8[%dma_wait3A_435, %dma_wait3A_441] : memref<16x640xf32, #tpu.memory_space<vmem>> -> memref<1x640xf32, #tpu.memory_space<vmem>>
    %dma_wait3A_443 = tpu.memref_squeeze %dma_wait3A_442 : memref<1x640xf32, #tpu.memory_space<vmem>> -> memref<640xf32, #tpu.memory_space<vmem>>
    %dma_wait3A_444 = tpu.memref_slice %arg9[%dma_wait3A_434, %mul3A_74] : memref<16x10240xf32, #tpu.memory_space<vmem_shared>> -> memref<1x640xf32, #tpu.memory_space<vmem_shared>>
    %dma_wait3A_445 = tpu.memref_squeeze %dma_wait3A_444 : memref<1x640xf32, #tpu.memory_space<vmem_shared>> -> memref<640xf32, #tpu.memory_space<vmem_shared>>
    tpu.wait_dma2 semaphore(%arg10 : memref<!tpu.dma_semaphore, #tpu.memory_space<semaphore_mem>>) src(%dma_wait3A_445 : memref<640xf32, #tpu.memory_space<vmem_shared>>) dst(%dma_wait3A_443 : memref<640xf32, #tpu.memory_space<vmem>>)
    %dma_wait3A_446 = arith.constant 15 : i32
    %dma_wait3A_447 = arith.constant 15 : i32
    %dma_wait3A_448 = arith.constant 0 : i32
    %dma_wait3A_449 = tpu.memref_slice %arg8[%dma_wait3A_447, %dma_wait3A_448] : memref<16x640xf32, #tpu.memory_space<vmem>> -> memref<1x640xf32, #tpu.memory_space<vmem>>
    %dma_wait3A_450 = tpu.memref_squeeze %dma_wait3A_449 : memref<1x640xf32, #tpu.memory_space<vmem>> -> memref<640xf32, #tpu.memory_space<vmem>>
    %dma_wait3A_451 = tpu.memref_slice %arg9[%dma_wait3A_446, %mul3A_74] : memref<16x10240xf32, #tpu.memory_space<vmem_shared>> -> memref<1x640xf32, #tpu.memory_space<vmem_shared>>
    %dma_wait3A_452 = tpu.memref_squeeze %dma_wait3A_451 : memref<1x640xf32, #tpu.memory_space<vmem_shared>> -> memref<640xf32, #tpu.memory_space<vmem_shared>>
    %dma_wait3A_453 = arith.constant 0 : i32
    %dma_wait3A_454 = tpu.memref_slice %arg8[%dma_wait3A_447, %dma_wait3A_453] : memref<16x640xf32, #tpu.memory_space<vmem>> -> memref<1x640xf32, #tpu.memory_space<vmem>>
    %dma_wait3A_455 = tpu.memref_squeeze %dma_wait3A_454 : memref<1x640xf32, #tpu.memory_space<vmem>> -> memref<640xf32, #tpu.memory_space<vmem>>
    %dma_wait3A_456 = tpu.memref_slice %arg9[%dma_wait3A_446, %mul3A_74] : memref<16x10240xf32, #tpu.memory_space<vmem_shared>> -> memref<1x640xf32, #tpu.memory_space<vmem_shared>>
    %dma_wait3A_457 = tpu.memref_squeeze %dma_wait3A_456 : memref<1x640xf32, #tpu.memory_space<vmem_shared>> -> memref<640xf32, #tpu.memory_space<vmem_shared>>
    tpu.wait_dma2 semaphore(%arg10 : memref<!tpu.dma_semaphore, #tpu.memory_space<semaphore_mem>>) src(%dma_wait3A_457 : memref<640xf32, #tpu.memory_space<vmem_shared>>) dst(%dma_wait3A_455 : memref<640xf32, #tpu.memory_space<vmem>>)
    %scan3A_458 = arith.constant 0 : i32
    %scan3A_459 = arith.constant 40 : i32
    %scan3A_460 = arith.addi %scan3A_458, %scan3A_459 : i32
    %scan3A_461 = arith.constant 1 : i32
    scf.for %scan3A_463 = %scan3A_458 to %scan3A_460 step %scan3A_461  : i32 {
      %mul3A_464 = arith.constant 1 : i32
      %mul3A_465 = arith.muli %scan3A_463, %mul3A_464 : i32
      %add3A_466 = arith.constant 0 : i32
      %add3A_467 = arith.addi %add3A_466, %mul3A_465 : i32
      %mul3A_468 = arith.constant 16 : i32
      %mul3A_469 = arith.muli %add3A_467, %mul3A_468 : i32
      %get3A_470 = arith.constant 0 : i32
      %get3A_471 = arith.index_cast %get3A_470 : i32 to index
      %get3A_472 = arith.index_cast %mul3A_469 : i32 to index
      %get3A_473 = tpu.vector_load %arg8[%get3A_471, %get3A_472] {strides = array<i32>} : memref<16x640xf32, #tpu.memory_space<vmem>>, vector<16xf32>,
      %mul3A_474 = arith.constant 16 : i32
      %mul3A_475 = arith.muli %add3A_467, %mul3A_474 : i32
      %get3A_476 = arith.constant 1 : i32
      %get3A_477 = arith.index_cast %get3A_476 : i32 to index
      %get3A_478 = arith.index_cast %mul3A_475 : i32 to index
      %get3A_479 = tpu.vector_load %arg8[%get3A_477, %get3A_478] {strides = array<i32>} : memref<16x640xf32, #tpu.memory_space<vmem>>, vector<16xf32>,
      %add3A_480 = arith.addf %get3A_473, %get3A_479 : vector<16xf32>
      %mul3A_481 = arith.constant 16 : i32
      %mul3A_482 = arith.muli %add3A_467, %mul3A_481 : i32
      %get3A_483 = arith.constant 2 : i32
      %get3A_484 = arith.index_cast %get3A_483 : i32 to index
      %get3A_485 = arith.index_cast %mul3A_482 : i32 to index
      %get3A_486 = tpu.vector_load %arg8[%get3A_484, %get3A_485] {strides = array<i32>} : memref<16x640xf32, #tpu.memory_space<vmem>>, vector<16xf32>,
      %add3A_487 = arith.addf %add3A_480, %get3A_486 : vector<16xf32>
      %mul3A_488 = arith.constant 16 : i32
      %mul3A_489 = arith.muli %add3A_467, %mul3A_488 : i32
      %get3A_490 = arith.constant 3 : i32
      %get3A_491 = arith.index_cast %get3A_490 : i32 to index
      %get3A_492 = arith.index_cast %mul3A_489 : i32 to index
      %get3A_493 = tpu.vector_load %arg8[%get3A_491, %get3A_492] {strides = array<i32>} : memref<16x640xf32, #tpu.memory_space<vmem>>, vector<16xf32>,
      %add3A_494 = arith.addf %add3A_487, %get3A_493 : vector<16xf32>
      %mul3A_495 = arith.constant 16 : i32
      %mul3A_496 = arith.muli %add3A_467, %mul3A_495 : i32
      %get3A_497 = arith.constant 4 : i32
      %get3A_498 = arith.index_cast %get3A_497 : i32 to index
      %get3A_499 = arith.index_cast %mul3A_496 : i32 to index
      %get3A_500 = tpu.vector_load %arg8[%get3A_498, %get3A_499] {strides = array<i32>} : memref<16x640xf32, #tpu.memory_space<vmem>>, vector<16xf32>,
      %add3A_501 = arith.addf %add3A_494, %get3A_500 : vector<16xf32>
      %mul3A_502 = arith.constant 16 : i32
      %mul3A_503 = arith.muli %add3A_467, %mul3A_502 : i32
      %get3A_504 = arith.constant 5 : i32
      %get3A_505 = arith.index_cast %get3A_504 : i32 to index
      %get3A_506 = arith.index_cast %mul3A_503 : i32 to index
      %get3A_507 = tpu.vector_load %arg8[%get3A_505, %get3A_506] {strides = array<i32>} : memref<16x640xf32, #tpu.memory_space<vmem>>, vector<16xf32>,
      %add3A_508 = arith.addf %add3A_501, %get3A_507 : vector<16xf32>
      %mul3A_509 = arith.constant 16 : i32
      %mul3A_510 = arith.muli %add3A_467, %mul3A_509 : i32
      %get3A_511 = arith.constant 6 : i32
      %get3A_512 = arith.index_cast %get3A_511 : i32 to index
      %get3A_513 = arith.index_cast %mul3A_510 : i32 to index
      %get3A_514 = tpu.vector_load %arg8[%get3A_512, %get3A_513] {strides = array<i32>} : memref<16x640xf32, #tpu.memory_space<vmem>>, vector<16xf32>,
      %add3A_515 = arith.addf %add3A_508, %get3A_514 : vector<16xf32>
      %mul3A_516 = arith.constant 16 : i32
      %mul3A_517 = arith.muli %add3A_467, %mul3A_516 : i32
      %get3A_518 = arith.constant 7 : i32
      %get3A_519 = arith.index_cast %get3A_518 : i32 to index
      %get3A_520 = arith.index_cast %mul3A_517 : i32 to index
      %get3A_521 = tpu.vector_load %arg8[%get3A_519, %get3A_520] {strides = array<i32>} : memref<16x640xf32, #tpu.memory_space<vmem>>, vector<16xf32>,
      %add3A_522 = arith.addf %add3A_515, %get3A_521 : vector<16xf32>
      %mul3A_523 = arith.constant 16 : i32
      %mul3A_524 = arith.muli %add3A_467, %mul3A_523 : i32
      %get3A_525 = arith.constant 8 : i32
      %get3A_526 = arith.index_cast %get3A_525 : i32 to index
      %get3A_527 = arith.index_cast %mul3A_524 : i32 to index
      %get3A_528 = tpu.vector_load %arg8[%get3A_526, %get3A_527] {strides = array<i32>} : memref<16x640xf32, #tpu.memory_space<vmem>>, vector<16xf32>,
      %add3A_529 = arith.addf %add3A_522, %get3A_528 : vector<16xf32>
      %mul3A_530 = arith.constant 16 : i32
      %mul3A_531 = arith.muli %add3A_467, %mul3A_530 : i32
      %get3A_532 = arith.constant 9 : i32
      %get3A_533 = arith.index_cast %get3A_532 : i32 to index
      %get3A_534 = arith.index_cast %mul3A_531 : i32 to index
      %get3A_535 = tpu.vector_load %arg8[%get3A_533, %get3A_534] {strides = array<i32>} : memref<16x640xf32, #tpu.memory_space<vmem>>, vector<16xf32>,
      %add3A_536 = arith.addf %add3A_529, %get3A_535 : vector<16xf32>
      %mul3A_537 = arith.constant 16 : i32
      %mul3A_538 = arith.muli %add3A_467, %mul3A_537 : i32
      %get3A_539 = arith.constant 10 : i32
      %get3A_540 = arith.index_cast %get3A_539 : i32 to index
      %get3A_541 = arith.index_cast %mul3A_538 : i32 to index
      %get3A_542 = tpu.vector_load %arg8[%get3A_540, %get3A_541] {strides = array<i32>} : memref<16x640xf32, #tpu.memory_space<vmem>>, vector<16xf32>,
      %add3A_543 = arith.addf %add3A_536, %get3A_542 : vector<16xf32>
      %mul3A_544 = arith.constant 16 : i32
      %mul3A_545 = arith.muli %add3A_467, %mul3A_544 : i32
      %get3A_546 = arith.constant 11 : i32
      %get3A_547 = arith.index_cast %get3A_546 : i32 to index
      %get3A_548 = arith.index_cast %mul3A_545 : i32 to index
      %get3A_549 = tpu.vector_load %arg8[%get3A_547, %get3A_548] {strides = array<i32>} : memref<16x640xf32, #tpu.memory_space<vmem>>, vector<16xf32>,
      %add3A_550 = arith.addf %add3A_543, %get3A_549 : vector<16xf32>
      %mul3A_551 = arith.constant 16 : i32
      %mul3A_552 = arith.muli %add3A_467, %mul3A_551 : i32
      %get3A_553 = arith.constant 12 : i32
      %get3A_554 = arith.index_cast %get3A_553 : i32 to index
      %get3A_555 = arith.index_cast %mul3A_552 : i32 to index
      %get3A_556 = tpu.vector_load %arg8[%get3A_554, %get3A_555] {strides = array<i32>} : memref<16x640xf32, #tpu.memory_space<vmem>>, vector<16xf32>,
      %add3A_557 = arith.addf %add3A_550, %get3A_556 : vector<16xf32>
      %mul3A_558 = arith.constant 16 : i32
      %mul3A_559 = arith.muli %add3A_467, %mul3A_558 : i32
      %get3A_560 = arith.constant 13 : i32
      %get3A_561 = arith.index_cast %get3A_560 : i32 to index
      %get3A_562 = arith.index_cast %mul3A_559 : i32 to index
      %get3A_563 = tpu.vector_load %arg8[%get3A_561, %get3A_562] {strides = array<i32>} : memref<16x640xf32, #tpu.memory_space<vmem>>, vector<16xf32>,
      %add3A_564 = arith.addf %add3A_557, %get3A_563 : vector<16xf32>
      %mul3A_565 = arith.constant 16 : i32
      %mul3A_566 = arith.muli %add3A_467, %mul3A_565 : i32
      %get3A_567 = arith.constant 14 : i32
      %get3A_568 = arith.index_cast %get3A_567 : i32 to index
      %get3A_569 = arith.index_cast %mul3A_566 : i32 to index
      %get3A_570 = tpu.vector_load %arg8[%get3A_568, %get3A_569] {strides = array<i32>} : memref<16x640xf32, #tpu.memory_space<vmem>>, vector<16xf32>,
      %add3A_571 = arith.addf %add3A_564, %get3A_570 : vector<16xf32>
      %mul3A_572 = arith.constant 16 : i32
      %mul3A_573 = arith.muli %add3A_467, %mul3A_572 : i32
      %get3A_574 = arith.constant 15 : i32
      %get3A_575 = arith.index_cast %get3A_574 : i32 to index
      %get3A_576 = arith.index_cast %mul3A_573 : i32 to index
      %get3A_577 = tpu.vector_load %arg8[%get3A_575, %get3A_576] {strides = array<i32>} : memref<16x640xf32, #tpu.memory_space<vmem>>, vector<16xf32>,
      %add3A_578 = arith.addf %add3A_571, %get3A_577 : vector<16xf32>
      %mul3A_579 = arith.constant 16 : i32
      %mul3A_580 = arith.muli %add3A_467, %mul3A_579 : i32
      %swap3A = arith.index_cast %mul3A_580 : i32 to index
      %swap3A_581 = tpu.vector_load %arg5[%swap3A] {strides = array<i32>} : memref<10240xf32, #tpu.memory_space<vmem>>, vector<16xf32>,
      tpu.vector_store %arg5[%swap3A], %add3A_578 {strides = array<i32>} : memref<10240xf32, #tpu.memory_space<vmem>>, vector<16xf32>,
    }
    %scan3A_462 = arith.constant 40 : i32
    "tpu.region"() ({
      %run_scoped3A = tpu.sem_alloc : memref<!tpu.dma_semaphore, #tpu.memory_space<semaphore_mem>>
      %dma_start3A_463 = arith.constant 0 : i32
      %dma_start3A_464 = tpu.memref_slice %arg5[%dma_start3A_463] : memref<10240xf32, #tpu.memory_space<vmem>> -> memref<640xf32, #tpu.memory_space<vmem>>
      %dma_start3A_465 = tpu.memref_slice %arg4[%arg0, %mul3A_74] : memref<2x10240xf32, #tpu.memory_space<hbm>> -> memref<1x640xf32, #tpu.memory_space<hbm>>
      %dma_start3A_466 = tpu.memref_squeeze %dma_start3A_465 : memref<1x640xf32, #tpu.memory_space<hbm>> -> memref<640xf32, #tpu.memory_space<hbm>>
      %dma_start3A_467 = tpu.memref_slice %arg4[%arg0, %mul3A_74] : memref<2x10240xf32, #tpu.memory_space<hbm>> -> memref<1x640xf32, #tpu.memory_space<hbm>>
      %dma_start3A_468 = tpu.memref_squeeze %dma_start3A_467 : memref<1x640xf32, #tpu.memory_space<hbm>> -> memref<640xf32, #tpu.memory_space<hbm>>
      %dma_start3A_469 = arith.constant 0 : i32
      %dma_start3A_470 = tpu.memref_slice %arg5[%dma_start3A_469] : memref<10240xf32, #tpu.memory_space<vmem>> -> memref<640xf32, #tpu.memory_space<vmem>>
      tpu.enqueue_dma source(%dma_start3A_470 : memref<640xf32, #tpu.memory_space<vmem>>) target(%dma_start3A_468 : memref<640xf32, #tpu.memory_space<hbm>>) target_semaphore(%run_scoped3A : memref<!tpu.dma_semaphore, #tpu.memory_space<semaphore_mem>>)
      %dma_wait3A_471 = arith.constant 0 : i32
      %dma_wait3A_472 = tpu.memref_slice %arg5[%dma_wait3A_471] : memref<10240xf32, #tpu.memory_space<vmem>> -> memref<640xf32, #tpu.memory_space<vmem>>
      %dma_wait3A_473 = tpu.memref_slice %arg4[%arg0, %mul3A_74] : memref<2x10240xf32, #tpu.memory_space<hbm>> -> memref<1x640xf32, #tpu.memory_space<hbm>>
      %dma_wait3A_474 = tpu.memref_squeeze %dma_wait3A_473 : memref<1x640xf32, #tpu.memory_space<hbm>> -> memref<640xf32, #tpu.memory_space<hbm>>
      %dma_wait3A_475 = tpu.memref_slice %arg4[%arg0, %mul3A_74] : memref<2x10240xf32, #tpu.memory_space<hbm>> -> memref<1x640xf32, #tpu.memory_space<hbm>>
      %dma_wait3A_476 = tpu.memref_squeeze %dma_wait3A_475 : memref<1x640xf32, #tpu.memory_space<hbm>> -> memref<640xf32, #tpu.memory_space<hbm>>
      %dma_wait3A_477 = arith.constant 0 : i32
      %dma_wait3A_478 = tpu.memref_slice %arg5[%dma_wait3A_477] : memref<10240xf32, #tpu.memory_space<vmem>> -> memref<640xf32, #tpu.memory_space<vmem>>
      tpu.wait_dma2 semaphore(%run_scoped3A : memref<!tpu.dma_semaphore, #tpu.memory_space<semaphore_mem>>) src(%dma_wait3A_478 : memref<640xf32, #tpu.memory_space<vmem>>) dst(%dma_wait3A_476 : memref<640xf32, #tpu.memory_space<hbm>>)
      tpu.yield
    }) : () -> ()
    return
  }
}

#map = affine_map<(d0, d1) -> (0, 0)>
#map1 = affine_map<(d0, d1) -> (0, 0, 0)>
module attributes {stable_mosaic.version = 14 : i64} {
  func.func @k(%arg0: i32, %arg1: i32, %arg2: memref<10240x128xf32, #tpu.memory_space<hbm>>, %arg3: memref<32x80x128xi32, #tpu.memory_space<hbm>>, %arg4: memref<32x80x128xi32, #tpu.memory_space<hbm>>, %arg5: memref<2x10240x128xf32, #tpu.memory_space<hbm>>, %arg6: memref<80x128xi32, #tpu.memory_space<vmem>>, %arg7: memref<128xi32, #tpu.memory_space<vmem>>, %arg8: memref<128xi32, #tpu.memory_space<vmem>>, %arg9: memref<128x128xf32, #tpu.memory_space<vmem>>, %arg10: memref<128x128xf32, #tpu.memory_space<vmem>>, %arg11: memref<16x128xf32, #tpu.memory_space<vmem>>, %arg12: memref<10240x128xf32, #tpu.memory_space<vmem_shared>>, %arg13: memref<!tpu.dma_semaphore, #tpu.memory_space<semaphore_mem>>, %arg14: memref<!tpu.dma_semaphore, #tpu.memory_space<semaphore_mem>>, %arg15: memref<!tpu.dma_semaphore, #tpu.memory_space<semaphore_mem>>, %arg16: memref<!tpu.dma_semaphore, #tpu.memory_space<semaphore_mem>>) attributes {dimension_semantics = [#tpu.dimension_semantics<core_parallel>, #tpu.dimension_semantics<subcore_parallel>], iteration_bounds = array<i64: 2, 16>, scalar_prefetch = 0 : i64, scratch_operands = 11 : i64, tpu.core_type = #tpu.core_type<sc_vector_subcore>, window_params = [{transform_indices = #map}, {transform_indices = #map1}, {transform_indices = #map1}, {transform_indices = #map1}]} {
    %mul3A = arith.constant 16 : i32
    %mul3A_0 = arith.muli %arg0, %mul3A : i32
    %add3A = arith.addi %mul3A_0, %arg1 : i32
    %scan3A = arith.constant 0 : i32
    %scan3A_1 = arith.constant 16 : i32
    %scan3A_2 = arith.addi %scan3A, %scan3A_1 : i32
    %scan3A_3 = arith.constant 1 : i32
    scf.for %scan3A_72 = %scan3A to %scan3A_2 step %scan3A_3  : i32 {
      %mul3A_73 = arith.constant 1 : i32
      %mul3A_74 = arith.muli %scan3A_72, %mul3A_73 : i32
      %add3A_75 = arith.constant 0 : i32
      %add3A_76 = arith.addi %add3A_75, %mul3A_74 : i32
      %scan3A_77 = arith.constant 0 : i32
      %scan3A_78 = arith.constant 8 : i32
      %scan3A_79 = arith.addi %scan3A_77, %scan3A_78 : i32
      %scan3A_80 = arith.constant 1 : i32
      scf.for %scan3A_82 = %scan3A_77 to %scan3A_79 step %scan3A_80  : i32 {
        %mul3A_83 = arith.constant 16 : i32
        %mul3A_84 = arith.muli %scan3A_82, %mul3A_83 : i32
        %add3A_85 = arith.constant 0 : i32
        %add3A_86 = arith.addi %add3A_85, %mul3A_84 : i32
        %broadcast_in_dim3A = arith.constant 0.000000e+00 : f32
        %broadcast_in_dim3A_87 = vector.broadcast %broadcast_in_dim3A : f32 to vector<16xf32>
        %swap3A = arith.index_cast %add3A_76 : i32 to index
        %swap3A_88 = arith.index_cast %add3A_86 : i32 to index
        %swap3A_89 = tpu.vector_load %arg11[%swap3A, %swap3A_88] {strides = array<i32>} : memref<16x128xf32, #tpu.memory_space<vmem>>, vector<1x16xf32>,
        %swap3A_90 = vector.shape_cast %swap3A_89 : vector<1x16xf32> to vector<16xf32>
        %swap3A_91 = vector.shape_cast %broadcast_in_dim3A_87 : vector<16xf32> to vector<1x16xf32>
        tpu.vector_store %arg11[%swap3A, %swap3A_88], %swap3A_91 {strides = array<i32>} : memref<16x128xf32, #tpu.memory_space<vmem>>, vector<1x16xf32>,
      }
      %scan3A_81 = arith.constant 8 : i32
    }
    %scan3A_4 = arith.constant 16 : i32
    %mul3A_5 = arith.constant 640 : i32
    %mul3A_6 = arith.muli %arg1, %mul3A_5 : i32
    %scan3A_7 = arith.constant 0 : i32
    %scan3A_8 = arith.constant 40 : i32
    %scan3A_9 = arith.addi %scan3A_7, %scan3A_8 : i32
    %scan3A_10 = arith.constant 1 : i32
    scf.for %scan3A_72 = %scan3A_7 to %scan3A_9 step %scan3A_10  : i32 {
      %mul3A_73 = arith.constant 1 : i32
      %mul3A_74 = arith.muli %scan3A_72, %mul3A_73 : i32
      %add3A_75 = arith.constant 0 : i32
      %add3A_76 = arith.addi %add3A_75, %mul3A_74 : i32
      %mul3A_77 = arith.constant 16 : i32
      %mul3A_78 = arith.muli %add3A_76, %mul3A_77 : i32
      %add3A_79 = arith.addi %mul3A_6, %mul3A_78 : i32
      "tpu.region"() ({
        %run_scoped3A = tpu.sem_alloc : memref<!tpu.dma_semaphore, #tpu.memory_space<semaphore_mem>>
        %dma_start3A_80 = arith.constant 0 : i32
        %dma_start3A_81 = tpu.memref_slice %arg12[%add3A_79, %dma_start3A_80] : memref<10240x128xf32, #tpu.memory_space<vmem_shared>> -> memref<16x128xf32, #tpu.memory_space<vmem_shared>>
        %dma_start3A_82 = arith.constant 0 : i32
        %dma_start3A_83 = tpu.memref_slice %arg12[%add3A_79, %dma_start3A_82] : memref<10240x128xf32, #tpu.memory_space<vmem_shared>> -> memref<16x128xf32, #tpu.memory_space<vmem_shared>>
        tpu.enqueue_dma source(%arg11 : memref<16x128xf32, #tpu.memory_space<vmem>>) target(%dma_start3A_83 : memref<16x128xf32, #tpu.memory_space<vmem_shared>>) target_semaphore(%run_scoped3A : memref<!tpu.dma_semaphore, #tpu.memory_space<semaphore_mem>>)
        %dma_wait3A_84 = arith.constant 0 : i32
        %dma_wait3A_85 = tpu.memref_slice %arg12[%add3A_79, %dma_wait3A_84] : memref<10240x128xf32, #tpu.memory_space<vmem_shared>> -> memref<16x128xf32, #tpu.memory_space<vmem_shared>>
        %dma_wait3A_86 = arith.constant 0 : i32
        %dma_wait3A_87 = tpu.memref_slice %arg12[%add3A_79, %dma_wait3A_86] : memref<10240x128xf32, #tpu.memory_space<vmem_shared>> -> memref<16x128xf32, #tpu.memory_space<vmem_shared>>
        tpu.wait_dma2 semaphore(%run_scoped3A : memref<!tpu.dma_semaphore, #tpu.memory_space<semaphore_mem>>) src(%arg11 : memref<16x128xf32, #tpu.memory_space<vmem>>) dst(%dma_wait3A_87 : memref<16x128xf32, #tpu.memory_space<vmem_shared>>)
        tpu.yield
      }) : () -> ()
    }
    %scan3A_11 = arith.constant 40 : i32
    %barrier3A = arith.constant 0 : index
    tpu.barrier barrier_id(%barrier3A)
    "tpu.region"() ({
      %run_scoped3A = tpu.sem_alloc : memref<!tpu.dma_semaphore, #tpu.memory_space<semaphore_mem>>
      %dma_start3A_72 = arith.constant 0 : i32
      %dma_start3A_73 = arith.constant 0 : i32
      %dma_start3A_74 = tpu.memref_slice %arg3[%add3A, %dma_start3A_72, %dma_start3A_73] : memref<32x80x128xi32, #tpu.memory_space<hbm>> -> memref<1x80x128xi32, #tpu.memory_space<hbm>>
      %dma_start3A_75 = tpu.memref_squeeze %dma_start3A_74 : memref<1x80x128xi32, #tpu.memory_space<hbm>> -> memref<80x128xi32, #tpu.memory_space<hbm>>
      %dma_start3A_76 = arith.constant 0 : i32
      %dma_start3A_77 = arith.constant 0 : i32
      %dma_start3A_78 = tpu.memref_slice %arg3[%add3A, %dma_start3A_76, %dma_start3A_77] : memref<32x80x128xi32, #tpu.memory_space<hbm>> -> memref<1x80x128xi32, #tpu.memory_space<hbm>>
      %dma_start3A_79 = tpu.memref_squeeze %dma_start3A_78 : memref<1x80x128xi32, #tpu.memory_space<hbm>> -> memref<80x128xi32, #tpu.memory_space<hbm>>
      tpu.enqueue_dma source(%dma_start3A_79 : memref<80x128xi32, #tpu.memory_space<hbm>>) target(%arg6 : memref<80x128xi32, #tpu.memory_space<vmem>>) target_semaphore(%run_scoped3A : memref<!tpu.dma_semaphore, #tpu.memory_space<semaphore_mem>>)
      %dma_wait3A_80 = arith.constant 0 : i32
      %dma_wait3A_81 = arith.constant 0 : i32
      %dma_wait3A_82 = tpu.memref_slice %arg3[%add3A, %dma_wait3A_80, %dma_wait3A_81] : memref<32x80x128xi32, #tpu.memory_space<hbm>> -> memref<1x80x128xi32, #tpu.memory_space<hbm>>
      %dma_wait3A_83 = tpu.memref_squeeze %dma_wait3A_82 : memref<1x80x128xi32, #tpu.memory_space<hbm>> -> memref<80x128xi32, #tpu.memory_space<hbm>>
      %dma_wait3A_84 = arith.constant 0 : i32
      %dma_wait3A_85 = arith.constant 0 : i32
      %dma_wait3A_86 = tpu.memref_slice %arg3[%add3A, %dma_wait3A_84, %dma_wait3A_85] : memref<32x80x128xi32, #tpu.memory_space<hbm>> -> memref<1x80x128xi32, #tpu.memory_space<hbm>>
      %dma_wait3A_87 = tpu.memref_squeeze %dma_wait3A_86 : memref<1x80x128xi32, #tpu.memory_space<hbm>> -> memref<80x128xi32, #tpu.memory_space<hbm>>
      tpu.wait_dma2 semaphore(%run_scoped3A : memref<!tpu.dma_semaphore, #tpu.memory_space<semaphore_mem>>) src(%dma_wait3A_87 : memref<80x128xi32, #tpu.memory_space<hbm>>) dst(%arg6 : memref<80x128xi32, #tpu.memory_space<vmem>>)
      tpu.yield
    }) : () -> ()
    %dma_start3A = arith.constant 0 : i32
    %dma_start3A_12 = arith.constant 0 : i32
    %dma_start3A_13 = tpu.memref_slice %arg4[%add3A, %dma_start3A, %dma_start3A_12] : memref<32x80x128xi32, #tpu.memory_space<hbm>> -> memref<1x1x128xi32, #tpu.memory_space<hbm>>
    %dma_start3A_14 = tpu.memref_squeeze %dma_start3A_13 : memref<1x1x128xi32, #tpu.memory_space<hbm>> -> memref<128xi32, #tpu.memory_space<hbm>>
    %dma_start3A_15 = arith.constant 0 : i32
    %dma_start3A_16 = tpu.memref_slice %arg4[%add3A, %dma_start3A, %dma_start3A_15] : memref<32x80x128xi32, #tpu.memory_space<hbm>> -> memref<1x1x128xi32, #tpu.memory_space<hbm>>
    %dma_start3A_17 = tpu.memref_squeeze %dma_start3A_16 : memref<1x1x128xi32, #tpu.memory_space<hbm>> -> memref<128xi32, #tpu.memory_space<hbm>>
    tpu.enqueue_dma source(%dma_start3A_17 : memref<128xi32, #tpu.memory_space<hbm>>) target(%arg7 : memref<128xi32, #tpu.memory_space<vmem>>) target_semaphore(%arg15 : memref<!tpu.dma_semaphore, #tpu.memory_space<semaphore_mem>>)
    %dma_start3A_18 = arith.constant 0 : i32
    %dma_start3A_19 = arith.constant 0 : i32
    %dma_start3A_20 = tpu.memref_slice %arg6[%dma_start3A_18, %dma_start3A_19] : memref<80x128xi32, #tpu.memory_space<vmem>> -> memref<1x128xi32, #tpu.memory_space<vmem>>
    %dma_start3A_21 = tpu.memref_squeeze %dma_start3A_20 : memref<1x128xi32, #tpu.memory_space<vmem>> -> memref<128xi32, #tpu.memory_space<vmem>>
    %dma_start3A_22 = arith.constant 0 : i32
    %dma_start3A_23 = arith.constant 0 : i32
    %dma_start3A_24 = tpu.memref_slice %arg2[%dma_start3A_22, %dma_start3A_23] : memref<10240x128xf32, #tpu.memory_space<hbm>> -> memref<10240x128xf32, #tpu.memory_space<hbm>>
    tpu.enqueue_indirect_dma source(%dma_start3A_24 : memref<10240x128xf32, #tpu.memory_space<hbm>>) target(%arg9 : memref<128x128xf32, #tpu.memory_space<vmem>>) offsets(%dma_start3A_21 : memref<128xi32, #tpu.memory_space<vmem>>) semaphore(%arg13 : memref<!tpu.dma_semaphore, #tpu.memory_space<semaphore_mem>>)
    %dma_start3A_25 = arith.constant 1 : i32
    %dma_start3A_26 = arith.constant 0 : i32
    %dma_start3A_27 = tpu.memref_slice %arg4[%add3A, %dma_start3A_25, %dma_start3A_26] : memref<32x80x128xi32, #tpu.memory_space<hbm>> -> memref<1x1x128xi32, #tpu.memory_space<hbm>>
    %dma_start3A_28 = tpu.memref_squeeze %dma_start3A_27 : memref<1x1x128xi32, #tpu.memory_space<hbm>> -> memref<128xi32, #tpu.memory_space<hbm>>
    %dma_start3A_29 = arith.constant 0 : i32
    %dma_start3A_30 = tpu.memref_slice %arg4[%add3A, %dma_start3A_25, %dma_start3A_29] : memref<32x80x128xi32, #tpu.memory_space<hbm>> -> memref<1x1x128xi32, #tpu.memory_space<hbm>>
    %dma_start3A_31 = tpu.memref_squeeze %dma_start3A_30 : memref<1x1x128xi32, #tpu.memory_space<hbm>> -> memref<128xi32, #tpu.memory_space<hbm>>
    tpu.enqueue_dma source(%dma_start3A_31 : memref<128xi32, #tpu.memory_space<hbm>>) target(%arg8 : memref<128xi32, #tpu.memory_space<vmem>>) target_semaphore(%arg16 : memref<!tpu.dma_semaphore, #tpu.memory_space<semaphore_mem>>)
    %dma_start3A_32 = arith.constant 1 : i32
    %dma_start3A_33 = arith.constant 0 : i32
    %dma_start3A_34 = tpu.memref_slice %arg6[%dma_start3A_32, %dma_start3A_33] : memref<80x128xi32, #tpu.memory_space<vmem>> -> memref<1x128xi32, #tpu.memory_space<vmem>>
    %dma_start3A_35 = tpu.memref_squeeze %dma_start3A_34 : memref<1x128xi32, #tpu.memory_space<vmem>> -> memref<128xi32, #tpu.memory_space<vmem>>
    %dma_start3A_36 = arith.constant 0 : i32
    %dma_start3A_37 = arith.constant 0 : i32
    %dma_start3A_38 = tpu.memref_slice %arg2[%dma_start3A_36, %dma_start3A_37] : memref<10240x128xf32, #tpu.memory_space<hbm>> -> memref<10240x128xf32, #tpu.memory_space<hbm>>
    tpu.enqueue_indirect_dma source(%dma_start3A_38 : memref<10240x128xf32, #tpu.memory_space<hbm>>) target(%arg10 : memref<128x128xf32, #tpu.memory_space<vmem>>) offsets(%dma_start3A_35 : memref<128xi32, #tpu.memory_space<vmem>>) semaphore(%arg14 : memref<!tpu.dma_semaphore, #tpu.memory_space<semaphore_mem>>)
    %scan3A_39 = arith.constant 0 : i32
    %scan3A_40 = arith.constant 39 : i32
    %scan3A_41 = arith.addi %scan3A_39, %scan3A_40 : i32
    %scan3A_42 = arith.constant 1 : i32
    scf.for %scan3A_72 = %scan3A_39 to %scan3A_41 step %scan3A_42  : i32 {
      %mul3A_73 = arith.constant 1 : i32
      %mul3A_74 = arith.muli %scan3A_72, %mul3A_73 : i32
      %add3A_75 = arith.constant 0 : i32
      %add3A_76 = arith.addi %add3A_75, %mul3A_74 : i32
      %mul3A_77 = arith.constant 2 : i32
      %mul3A_78 = arith.muli %add3A_76, %mul3A_77 : i32
      %add3A_79 = arith.constant 0 : i32
      %add3A_80 = arith.addi %mul3A_78, %add3A_79 : i32
      %dma_wait3A_81 = arith.constant 0 : i32
      %dma_wait3A_82 = arith.constant 0 : i32
      %dma_wait3A_83 = tpu.memref_slice %arg4[%add3A, %dma_wait3A_81, %dma_wait3A_82] : memref<32x80x128xi32, #tpu.memory_space<hbm>> -> memref<1x1x128xi32, #tpu.memory_space<hbm>>
      %dma_wait3A_84 = tpu.memref_squeeze %dma_wait3A_83 : memref<1x1x128xi32, #tpu.memory_space<hbm>> -> memref<128xi32, #tpu.memory_space<hbm>>
      %dma_wait3A_85 = arith.constant 0 : i32
      %dma_wait3A_86 = tpu.memref_slice %arg4[%add3A, %dma_wait3A_81, %dma_wait3A_85] : memref<32x80x128xi32, #tpu.memory_space<hbm>> -> memref<1x1x128xi32, #tpu.memory_space<hbm>>
      %dma_wait3A_87 = tpu.memref_squeeze %dma_wait3A_86 : memref<1x1x128xi32, #tpu.memory_space<hbm>> -> memref<128xi32, #tpu.memory_space<hbm>>
      tpu.wait_dma2 semaphore(%arg15 : memref<!tpu.dma_semaphore, #tpu.memory_space<semaphore_mem>>) src(%dma_wait3A_87 : memref<128xi32, #tpu.memory_space<hbm>>) dst(%arg7 : memref<128xi32, #tpu.memory_space<vmem>>)
      %dma_wait3A_88 = arith.constant 0 : i32
      %dma_wait3A_89 = arith.constant 0 : i32
      %dma_wait3A_90 = tpu.memref_slice %arg6[%dma_wait3A_88, %dma_wait3A_89] : memref<80x128xi32, #tpu.memory_space<vmem>> -> memref<1x128xi32, #tpu.memory_space<vmem>>
      %dma_wait3A_91 = tpu.memref_squeeze %dma_wait3A_90 : memref<1x128xi32, #tpu.memory_space<vmem>> -> memref<128xi32, #tpu.memory_space<vmem>>
      %dma_wait3A_92 = arith.constant 0 : i32
      %dma_wait3A_93 = arith.constant 0 : i32
      %dma_wait3A_94 = tpu.memref_slice %arg2[%dma_wait3A_92, %dma_wait3A_93] : memref<10240x128xf32, #tpu.memory_space<hbm>> -> memref<10240x128xf32, #tpu.memory_space<hbm>>
      tpu.wait_indirect_dma semaphore(%arg13 : memref<!tpu.dma_semaphore, #tpu.memory_space<semaphore_mem>>) src(%dma_wait3A_94 : memref<10240x128xf32, #tpu.memory_space<hbm>>) dst(%arg9 : memref<128x128xf32, #tpu.memory_space<vmem>>)
      "tpu.region"() ({
        %run_scoped3A = tpu.sem_alloc : memref<!tpu.dma_semaphore, #tpu.memory_space<semaphore_mem>>
        %dma_start3A_145 = arith.constant 0 : i32
        %dma_start3A_146 = arith.constant 0 : i32
        %dma_start3A_147 = tpu.memref_slice %arg12[%dma_start3A_145, %dma_start3A_146] : memref<10240x128xf32, #tpu.memory_space<vmem_shared>> -> memref<10240x128xf32, #tpu.memory_space<vmem_shared>>
        tpu.enqueue_indirect_dma source(%arg9 : memref<128x128xf32, #tpu.memory_space<vmem>>) target(%dma_start3A_147 : memref<10240x128xf32, #tpu.memory_space<vmem_shared>>) offsets(%arg7 : memref<128xi32, #tpu.memory_space<vmem>>) semaphore(%run_scoped3A : memref<!tpu.dma_semaphore, #tpu.memory_space<semaphore_mem>>) {add = true}
        %dma_wait3A_148 = arith.constant 0 : i32
        %dma_wait3A_149 = arith.constant 0 : i32
        %dma_wait3A_150 = tpu.memref_slice %arg12[%dma_wait3A_148, %dma_wait3A_149] : memref<10240x128xf32, #tpu.memory_space<vmem_shared>> -> memref<10240x128xf32, #tpu.memory_space<vmem_shared>>
        tpu.wait_indirect_dma semaphore(%run_scoped3A : memref<!tpu.dma_semaphore, #tpu.memory_space<semaphore_mem>>) src(%arg9 : memref<128x128xf32, #tpu.memory_space<vmem>>) dst(%dma_wait3A_150 : memref<10240x128xf32, #tpu.memory_space<vmem_shared>>)
        tpu.yield
      }) : () -> ()
      %add3A_95 = arith.constant 2 : i32
      %add3A_96 = arith.addi %add3A_80, %add3A_95 : i32
      %dma_start3A_97 = arith.constant 0 : i32
      %dma_start3A_98 = tpu.memref_slice %arg4[%add3A, %add3A_96, %dma_start3A_97] : memref<32x80x128xi32, #tpu.memory_space<hbm>> -> memref<1x1x128xi32, #tpu.memory_space<hbm>>
      %dma_start3A_99 = tpu.memref_squeeze %dma_start3A_98 : memref<1x1x128xi32, #tpu.memory_space<hbm>> -> memref<128xi32, #tpu.memory_space<hbm>>
      %dma_start3A_100 = arith.constant 0 : i32
      %dma_start3A_101 = tpu.memref_slice %arg4[%add3A, %add3A_96, %dma_start3A_100] : memref<32x80x128xi32, #tpu.memory_space<hbm>> -> memref<1x1x128xi32, #tpu.memory_space<hbm>>
      %dma_start3A_102 = tpu.memref_squeeze %dma_start3A_101 : memref<1x1x128xi32, #tpu.memory_space<hbm>> -> memref<128xi32, #tpu.memory_space<hbm>>
      tpu.enqueue_dma source(%dma_start3A_102 : memref<128xi32, #tpu.memory_space<hbm>>) target(%arg7 : memref<128xi32, #tpu.memory_space<vmem>>) target_semaphore(%arg15 : memref<!tpu.dma_semaphore, #tpu.memory_space<semaphore_mem>>)
      %add3A_103 = arith.constant 2 : i32
      %add3A_104 = arith.addi %add3A_80, %add3A_103 : i32
      %dma_start3A_105 = arith.constant 0 : i32
      %dma_start3A_106 = tpu.memref_slice %arg6[%add3A_104, %dma_start3A_105] : memref<80x128xi32, #tpu.memory_space<vmem>> -> memref<1x128xi32, #tpu.memory_space<vmem>>
      %dma_start3A_107 = tpu.memref_squeeze %dma_start3A_106 : memref<1x128xi32, #tpu.memory_space<vmem>> -> memref<128xi32, #tpu.memory_space<vmem>>
      %dma_start3A_108 = arith.constant 0 : i32
      %dma_start3A_109 = arith.constant 0 : i32
      %dma_start3A_110 = tpu.memref_slice %arg2[%dma_start3A_108, %dma_start3A_109] : memref<10240x128xf32, #tpu.memory_space<hbm>> -> memref<10240x128xf32, #tpu.memory_space<hbm>>
      tpu.enqueue_indirect_dma source(%dma_start3A_110 : memref<10240x128xf32, #tpu.memory_space<hbm>>) target(%arg9 : memref<128x128xf32, #tpu.memory_space<vmem>>) offsets(%dma_start3A_107 : memref<128xi32, #tpu.memory_space<vmem>>) semaphore(%arg13 : memref<!tpu.dma_semaphore, #tpu.memory_space<semaphore_mem>>)
      %mul3A_111 = arith.constant 2 : i32
      %mul3A_112 = arith.muli %add3A_76, %mul3A_111 : i32
      %add3A_113 = arith.constant 1 : i32
      %add3A_114 = arith.addi %mul3A_112, %add3A_113 : i32
      %dma_wait3A_115 = arith.constant 0 : i32
      %dma_wait3A_116 = arith.constant 0 : i32
      %dma_wait3A_117 = tpu.memref_slice %arg4[%add3A, %dma_wait3A_115, %dma_wait3A_116] : memref<32x80x128xi32, #tpu.memory_space<hbm>> -> memref<1x1x128xi32, #tpu.memory_space<hbm>>
      %dma_wait3A_118 = tpu.memref_squeeze %dma_wait3A_117 : memref<1x1x128xi32, #tpu.memory_space<hbm>> -> memref<128xi32, #tpu.memory_space<hbm>>
      %dma_wait3A_119 = arith.constant 0 : i32
      %dma_wait3A_120 = tpu.memref_slice %arg4[%add3A, %dma_wait3A_115, %dma_wait3A_119] : memref<32x80x128xi32, #tpu.memory_space<hbm>> -> memref<1x1x128xi32, #tpu.memory_space<hbm>>
      %dma_wait3A_121 = tpu.memref_squeeze %dma_wait3A_120 : memref<1x1x128xi32, #tpu.memory_space<hbm>> -> memref<128xi32, #tpu.memory_space<hbm>>
      tpu.wait_dma2 semaphore(%arg16 : memref<!tpu.dma_semaphore, #tpu.memory_space<semaphore_mem>>) src(%dma_wait3A_121 : memref<128xi32, #tpu.memory_space<hbm>>) dst(%arg8 : memref<128xi32, #tpu.memory_space<vmem>>)
      %dma_wait3A_122 = arith.constant 0 : i32
      %dma_wait3A_123 = arith.constant 0 : i32
      %dma_wait3A_124 = tpu.memref_slice %arg6[%dma_wait3A_122, %dma_wait3A_123] : memref<80x128xi32, #tpu.memory_space<vmem>> -> memref<1x128xi32, #tpu.memory_space<vmem>>
      %dma_wait3A_125 = tpu.memref_squeeze %dma_wait3A_124 : memref<1x128xi32, #tpu.memory_space<vmem>> -> memref<128xi32, #tpu.memory_space<vmem>>
      %dma_wait3A_126 = arith.constant 0 : i32
      %dma_wait3A_127 = arith.constant 0 : i32
      %dma_wait3A_128 = tpu.memref_slice %arg2[%dma_wait3A_126, %dma_wait3A_127] : memref<10240x128xf32, #tpu.memory_space<hbm>> -> memref<10240x128xf32, #tpu.memory_space<hbm>>
      tpu.wait_indirect_dma semaphore(%arg14 : memref<!tpu.dma_semaphore, #tpu.memory_space<semaphore_mem>>) src(%dma_wait3A_128 : memref<10240x128xf32, #tpu.memory_space<hbm>>) dst(%arg10 : memref<128x128xf32, #tpu.memory_space<vmem>>)
      "tpu.region"() ({
        %run_scoped3A = tpu.sem_alloc : memref<!tpu.dma_semaphore, #tpu.memory_space<semaphore_mem>>
        %dma_start3A_145 = arith.constant 0 : i32
        %dma_start3A_146 = arith.constant 0 : i32
        %dma_start3A_147 = tpu.memref_slice %arg12[%dma_start3A_145, %dma_start3A_146] : memref<10240x128xf32, #tpu.memory_space<vmem_shared>> -> memref<10240x128xf32, #tpu.memory_space<vmem_shared>>
        tpu.enqueue_indirect_dma source(%arg10 : memref<128x128xf32, #tpu.memory_space<vmem>>) target(%dma_start3A_147 : memref<10240x128xf32, #tpu.memory_space<vmem_shared>>) offsets(%arg8 : memref<128xi32, #tpu.memory_space<vmem>>) semaphore(%run_scoped3A : memref<!tpu.dma_semaphore, #tpu.memory_space<semaphore_mem>>) {add = true}
        %dma_wait3A_148 = arith.constant 0 : i32
        %dma_wait3A_149 = arith.constant 0 : i32
        %dma_wait3A_150 = tpu.memref_slice %arg12[%dma_wait3A_148, %dma_wait3A_149] : memref<10240x128xf32, #tpu.memory_space<vmem_shared>> -> memref<10240x128xf32, #tpu.memory_space<vmem_shared>>
        tpu.wait_indirect_dma semaphore(%run_scoped3A : memref<!tpu.dma_semaphore, #tpu.memory_space<semaphore_mem>>) src(%arg10 : memref<128x128xf32, #tpu.memory_space<vmem>>) dst(%dma_wait3A_150 : memref<10240x128xf32, #tpu.memory_space<vmem_shared>>)
        tpu.yield
      }) : () -> ()
      %add3A_129 = arith.constant 2 : i32
      %add3A_130 = arith.addi %add3A_114, %add3A_129 : i32
      %dma_start3A_131 = arith.constant 0 : i32
      %dma_start3A_132 = tpu.memref_slice %arg4[%add3A, %add3A_130, %dma_start3A_131] : memref<32x80x128xi32, #tpu.memory_space<hbm>> -> memref<1x1x128xi32, #tpu.memory_space<hbm>>
      %dma_start3A_133 = tpu.memref_squeeze %dma_start3A_132 : memref<1x1x128xi32, #tpu.memory_space<hbm>> -> memref<128xi32, #tpu.memory_space<hbm>>
      %dma_start3A_134 = arith.constant 0 : i32
      %dma_start3A_135 = tpu.memref_slice %arg4[%add3A, %add3A_130, %dma_start3A_134] : memref<32x80x128xi32, #tpu.memory_space<hbm>> -> memref<1x1x128xi32, #tpu.memory_space<hbm>>
      %dma_start3A_136 = tpu.memref_squeeze %dma_start3A_135 : memref<1x1x128xi32, #tpu.memory_space<hbm>> -> memref<128xi32, #tpu.memory_space<hbm>>
      tpu.enqueue_dma source(%dma_start3A_136 : memref<128xi32, #tpu.memory_space<hbm>>) target(%arg8 : memref<128xi32, #tpu.memory_space<vmem>>) target_semaphore(%arg16 : memref<!tpu.dma_semaphore, #tpu.memory_space<semaphore_mem>>)
      %add3A_137 = arith.constant 2 : i32
      %add3A_138 = arith.addi %add3A_114, %add3A_137 : i32
      %dma_start3A_139 = arith.constant 0 : i32
      %dma_start3A_140 = tpu.memref_slice %arg6[%add3A_138, %dma_start3A_139] : memref<80x128xi32, #tpu.memory_space<vmem>> -> memref<1x128xi32, #tpu.memory_space<vmem>>
      %dma_start3A_141 = tpu.memref_squeeze %dma_start3A_140 : memref<1x128xi32, #tpu.memory_space<vmem>> -> memref<128xi32, #tpu.memory_space<vmem>>
      %dma_start3A_142 = arith.constant 0 : i32
      %dma_start3A_143 = arith.constant 0 : i32
      %dma_start3A_144 = tpu.memref_slice %arg2[%dma_start3A_142, %dma_start3A_143] : memref<10240x128xf32, #tpu.memory_space<hbm>> -> memref<10240x128xf32, #tpu.memory_space<hbm>>
      tpu.enqueue_indirect_dma source(%dma_start3A_144 : memref<10240x128xf32, #tpu.memory_space<hbm>>) target(%arg10 : memref<128x128xf32, #tpu.memory_space<vmem>>) offsets(%dma_start3A_141 : memref<128xi32, #tpu.memory_space<vmem>>) semaphore(%arg14 : memref<!tpu.dma_semaphore, #tpu.memory_space<semaphore_mem>>)
    }
    %scan3A_43 = arith.constant 39 : i32
    %dma_wait3A = arith.constant 0 : i32
    %dma_wait3A_44 = arith.constant 0 : i32
    %dma_wait3A_45 = tpu.memref_slice %arg4[%add3A, %dma_wait3A, %dma_wait3A_44] : memref<32x80x128xi32, #tpu.memory_space<hbm>> -> memref<1x1x128xi32, #tpu.memory_space<hbm>>
    %dma_wait3A_46 = tpu.memref_squeeze %dma_wait3A_45 : memref<1x1x128xi32, #tpu.memory_space<hbm>> -> memref<128xi32, #tpu.memory_space<hbm>>
    %dma_wait3A_47 = arith.constant 0 : i32
    %dma_wait3A_48 = tpu.memref_slice %arg4[%add3A, %dma_wait3A, %dma_wait3A_47] : memref<32x80x128xi32, #tpu.memory_space<hbm>> -> memref<1x1x128xi32, #tpu.memory_space<hbm>>
    %dma_wait3A_49 = tpu.memref_squeeze %dma_wait3A_48 : memref<1x1x128xi32, #tpu.memory_space<hbm>> -> memref<128xi32, #tpu.memory_space<hbm>>
    tpu.wait_dma2 semaphore(%arg15 : memref<!tpu.dma_semaphore, #tpu.memory_space<semaphore_mem>>) src(%dma_wait3A_49 : memref<128xi32, #tpu.memory_space<hbm>>) dst(%arg7 : memref<128xi32, #tpu.memory_space<vmem>>)
    %dma_wait3A_50 = arith.constant 0 : i32
    %dma_wait3A_51 = arith.constant 0 : i32
    %dma_wait3A_52 = tpu.memref_slice %arg6[%dma_wait3A_50, %dma_wait3A_51] : memref<80x128xi32, #tpu.memory_space<vmem>> -> memref<1x128xi32, #tpu.memory_space<vmem>>
    %dma_wait3A_53 = tpu.memref_squeeze %dma_wait3A_52 : memref<1x128xi32, #tpu.memory_space<vmem>> -> memref<128xi32, #tpu.memory_space<vmem>>
    %dma_wait3A_54 = arith.constant 0 : i32
    %dma_wait3A_55 = arith.constant 0 : i32
    %dma_wait3A_56 = tpu.memref_slice %arg2[%dma_wait3A_54, %dma_wait3A_55] : memref<10240x128xf32, #tpu.memory_space<hbm>> -> memref<10240x128xf32, #tpu.memory_space<hbm>>
    tpu.wait_indirect_dma semaphore(%arg13 : memref<!tpu.dma_semaphore, #tpu.memory_space<semaphore_mem>>) src(%dma_wait3A_56 : memref<10240x128xf32, #tpu.memory_space<hbm>>) dst(%arg9 : memref<128x128xf32, #tpu.memory_space<vmem>>)
    "tpu.region"() ({
      %run_scoped3A = tpu.sem_alloc : memref<!tpu.dma_semaphore, #tpu.memory_space<semaphore_mem>>
      %dma_start3A_72 = arith.constant 0 : i32
      %dma_start3A_73 = arith.constant 0 : i32
      %dma_start3A_74 = tpu.memref_slice %arg12[%dma_start3A_72, %dma_start3A_73] : memref<10240x128xf32, #tpu.memory_space<vmem_shared>> -> memref<10240x128xf32, #tpu.memory_space<vmem_shared>>
      tpu.enqueue_indirect_dma source(%arg9 : memref<128x128xf32, #tpu.memory_space<vmem>>) target(%dma_start3A_74 : memref<10240x128xf32, #tpu.memory_space<vmem_shared>>) offsets(%arg7 : memref<128xi32, #tpu.memory_space<vmem>>) semaphore(%run_scoped3A : memref<!tpu.dma_semaphore, #tpu.memory_space<semaphore_mem>>) {add = true}
      %dma_wait3A_75 = arith.constant 0 : i32
      %dma_wait3A_76 = arith.constant 0 : i32
      %dma_wait3A_77 = tpu.memref_slice %arg12[%dma_wait3A_75, %dma_wait3A_76] : memref<10240x128xf32, #tpu.memory_space<vmem_shared>> -> memref<10240x128xf32, #tpu.memory_space<vmem_shared>>
      tpu.wait_indirect_dma semaphore(%run_scoped3A : memref<!tpu.dma_semaphore, #tpu.memory_space<semaphore_mem>>) src(%arg9 : memref<128x128xf32, #tpu.memory_space<vmem>>) dst(%dma_wait3A_77 : memref<10240x128xf32, #tpu.memory_space<vmem_shared>>)
      tpu.yield
    }) : () -> ()
    %dma_wait3A_57 = arith.constant 0 : i32
    %dma_wait3A_58 = arith.constant 0 : i32
    %dma_wait3A_59 = tpu.memref_slice %arg4[%add3A, %dma_wait3A_57, %dma_wait3A_58] : memref<32x80x128xi32, #tpu.memory_space<hbm>> -> memref<1x1x128xi32, #tpu.memory_space<hbm>>
    %dma_wait3A_60 = tpu.memref_squeeze %dma_wait3A_59 : memref<1x1x128xi32, #tpu.memory_space<hbm>> -> memref<128xi32, #tpu.memory_space<hbm>>
    %dma_wait3A_61 = arith.constant 0 : i32
    %dma_wait3A_62 = tpu.memref_slice %arg4[%add3A, %dma_wait3A_57, %dma_wait3A_61] : memref<32x80x128xi32, #tpu.memory_space<hbm>> -> memref<1x1x128xi32, #tpu.memory_space<hbm>>
    %dma_wait3A_63 = tpu.memref_squeeze %dma_wait3A_62 : memref<1x1x128xi32, #tpu.memory_space<hbm>> -> memref<128xi32, #tpu.memory_space<hbm>>
    tpu.wait_dma2 semaphore(%arg16 : memref<!tpu.dma_semaphore, #tpu.memory_space<semaphore_mem>>) src(%dma_wait3A_63 : memref<128xi32, #tpu.memory_space<hbm>>) dst(%arg8 : memref<128xi32, #tpu.memory_space<vmem>>)
    %dma_wait3A_64 = arith.constant 0 : i32
    %dma_wait3A_65 = arith.constant 0 : i32
    %dma_wait3A_66 = tpu.memref_slice %arg6[%dma_wait3A_64, %dma_wait3A_65] : memref<80x128xi32, #tpu.memory_space<vmem>> -> memref<1x128xi32, #tpu.memory_space<vmem>>
    %dma_wait3A_67 = tpu.memref_squeeze %dma_wait3A_66 : memref<1x128xi32, #tpu.memory_space<vmem>> -> memref<128xi32, #tpu.memory_space<vmem>>
    %dma_wait3A_68 = arith.constant 0 : i32
    %dma_wait3A_69 = arith.constant 0 : i32
    %dma_wait3A_70 = tpu.memref_slice %arg2[%dma_wait3A_68, %dma_wait3A_69] : memref<10240x128xf32, #tpu.memory_space<hbm>> -> memref<10240x128xf32, #tpu.memory_space<hbm>>
    tpu.wait_indirect_dma semaphore(%arg14 : memref<!tpu.dma_semaphore, #tpu.memory_space<semaphore_mem>>) src(%dma_wait3A_70 : memref<10240x128xf32, #tpu.memory_space<hbm>>) dst(%arg10 : memref<128x128xf32, #tpu.memory_space<vmem>>)
    "tpu.region"() ({
      %run_scoped3A = tpu.sem_alloc : memref<!tpu.dma_semaphore, #tpu.memory_space<semaphore_mem>>
      %dma_start3A_72 = arith.constant 0 : i32
      %dma_start3A_73 = arith.constant 0 : i32
      %dma_start3A_74 = tpu.memref_slice %arg12[%dma_start3A_72, %dma_start3A_73] : memref<10240x128xf32, #tpu.memory_space<vmem_shared>> -> memref<10240x128xf32, #tpu.memory_space<vmem_shared>>
      tpu.enqueue_indirect_dma source(%arg10 : memref<128x128xf32, #tpu.memory_space<vmem>>) target(%dma_start3A_74 : memref<10240x128xf32, #tpu.memory_space<vmem_shared>>) offsets(%arg8 : memref<128xi32, #tpu.memory_space<vmem>>) semaphore(%run_scoped3A : memref<!tpu.dma_semaphore, #tpu.memory_space<semaphore_mem>>) {add = true}
      %dma_wait3A_75 = arith.constant 0 : i32
      %dma_wait3A_76 = arith.constant 0 : i32
      %dma_wait3A_77 = tpu.memref_slice %arg12[%dma_wait3A_75, %dma_wait3A_76] : memref<10240x128xf32, #tpu.memory_space<vmem_shared>> -> memref<10240x128xf32, #tpu.memory_space<vmem_shared>>
      tpu.wait_indirect_dma semaphore(%run_scoped3A : memref<!tpu.dma_semaphore, #tpu.memory_space<semaphore_mem>>) src(%arg10 : memref<128x128xf32, #tpu.memory_space<vmem>>) dst(%dma_wait3A_77 : memref<10240x128xf32, #tpu.memory_space<vmem_shared>>)
      tpu.yield
    }) : () -> ()
    %barrier3A_71 = arith.constant 0 : index
    tpu.barrier barrier_id(%barrier3A_71)
    "tpu.region"() ({
      %run_scoped3A = tpu.sem_alloc : memref<!tpu.dma_semaphore, #tpu.memory_space<semaphore_mem>>
      %dma_start3A_72 = arith.constant 0 : i32
      %dma_start3A_73 = tpu.memref_slice %arg5[%arg0, %mul3A_6, %dma_start3A_72] : memref<2x10240x128xf32, #tpu.memory_space<hbm>> -> memref<1x640x128xf32, #tpu.memory_space<hbm>>
      %dma_start3A_74 = tpu.memref_squeeze %dma_start3A_73 : memref<1x640x128xf32, #tpu.memory_space<hbm>> -> memref<640x128xf32, #tpu.memory_space<hbm>>
      %dma_start3A_75 = arith.constant 0 : i32
      %dma_start3A_76 = tpu.memref_slice %arg12[%mul3A_6, %dma_start3A_75] : memref<10240x128xf32, #tpu.memory_space<vmem_shared>> -> memref<640x128xf32, #tpu.memory_space<vmem_shared>>
      tpu.enqueue_dma source(%dma_start3A_76 : memref<640x128xf32, #tpu.memory_space<vmem_shared>>) target(%dma_start3A_74 : memref<640x128xf32, #tpu.memory_space<hbm>>) target_semaphore(%run_scoped3A : memref<!tpu.dma_semaphore, #tpu.memory_space<semaphore_mem>>)
      %dma_wait3A_77 = arith.constant 0 : i32
      %dma_wait3A_78 = tpu.memref_slice %arg5[%arg0, %mul3A_6, %dma_wait3A_77] : memref<2x10240x128xf32, #tpu.memory_space<hbm>> -> memref<1x640x128xf32, #tpu.memory_space<hbm>>
      %dma_wait3A_79 = tpu.memref_squeeze %dma_wait3A_78 : memref<1x640x128xf32, #tpu.memory_space<hbm>> -> memref<640x128xf32, #tpu.memory_space<hbm>>
      %dma_wait3A_80 = arith.constant 0 : i32
      %dma_wait3A_81 = tpu.memref_slice %arg12[%mul3A_6, %dma_wait3A_80] : memref<10240x128xf32, #tpu.memory_space<vmem_shared>> -> memref<640x128xf32, #tpu.memory_space<vmem_shared>>
      tpu.wait_dma2 semaphore(%run_scoped3A : memref<!tpu.dma_semaphore, #tpu.memory_space<semaphore_mem>>) src(%dma_wait3A_81 : memref<640x128xf32, #tpu.memory_space<vmem_shared>>) dst(%dma_wait3A_79 : memref<640x128xf32, #tpu.memory_space<hbm>>)
      tpu.yield
    }) : () -> ()
    return
  }
}

#map = affine_map<(d0, d1) -> (0, 0)>
#map1 = affine_map<(d0, d1) -> (0, 0, 0)>
module attributes {stable_mosaic.version = 14 : i64} {
  func.func @k(%arg0: i32, %arg1: i32, %arg2: memref<10240x128xf32, #tpu.memory_space<hbm>>, %arg3: memref<32x80x128xi32, #tpu.memory_space<hbm>>, %arg4: memref<32x80x128xi32, #tpu.memory_space<hbm>>, %arg5: memref<2x10240x128xf32, #tpu.memory_space<hbm>>, %arg6: memref<80x128xi32, #tpu.memory_space<vmem>>, %arg7: memref<128xi32, #tpu.memory_space<vmem>>, %arg8: memref<128xi32, #tpu.memory_space<vmem>>, %arg9: memref<128x128xf32, #tpu.memory_space<vmem>>, %arg10: memref<128x128xf32, #tpu.memory_space<vmem>>, %arg11: memref<16x128xf32, #tpu.memory_space<vmem>>, %arg12: memref<10240x128xf32, #tpu.memory_space<vmem_shared>>, %arg13: memref<!tpu.dma_semaphore, #tpu.memory_space<semaphore_mem>>, %arg14: memref<!tpu.dma_semaphore, #tpu.memory_space<semaphore_mem>>, %arg15: memref<!tpu.dma_semaphore, #tpu.memory_space<semaphore_mem>>, %arg16: memref<!tpu.dma_semaphore, #tpu.memory_space<semaphore_mem>>) attributes {dimension_semantics = [#tpu.dimension_semantics<core_parallel>, #tpu.dimension_semantics<subcore_parallel>], iteration_bounds = array<i64: 2, 16>, scalar_prefetch = 0 : i64, scratch_operands = 11 : i64, tpu.core_type = #tpu.core_type<sc_vector_subcore>, window_params = [{transform_indices = #map}, {transform_indices = #map1}, {transform_indices = #map1}, {transform_indices = #map1}]} {
    %mul3A = arith.constant 16 : i32
    %mul3A_0 = arith.muli %arg0, %mul3A : i32
    %add3A = arith.addi %mul3A_0, %arg1 : i32
    %scan3A = arith.constant 0 : i32
    %scan3A_1 = arith.constant 16 : i32
    %scan3A_2 = arith.addi %scan3A, %scan3A_1 : i32
    %scan3A_3 = arith.constant 1 : i32
    scf.for %scan3A_72 = %scan3A to %scan3A_2 step %scan3A_3  : i32 {
      %mul3A_73 = arith.constant 1 : i32
      %mul3A_74 = arith.muli %scan3A_72, %mul3A_73 : i32
      %add3A_75 = arith.constant 0 : i32
      %add3A_76 = arith.addi %add3A_75, %mul3A_74 : i32
      %scan3A_77 = arith.constant 0 : i32
      %scan3A_78 = arith.constant 8 : i32
      %scan3A_79 = arith.addi %scan3A_77, %scan3A_78 : i32
      %scan3A_80 = arith.constant 1 : i32
      scf.for %scan3A_82 = %scan3A_77 to %scan3A_79 step %scan3A_80  : i32 {
        %mul3A_83 = arith.constant 16 : i32
        %mul3A_84 = arith.muli %scan3A_82, %mul3A_83 : i32
        %add3A_85 = arith.constant 0 : i32
        %add3A_86 = arith.addi %add3A_85, %mul3A_84 : i32
        %broadcast_in_dim3A = arith.constant 0.000000e+00 : f32
        %broadcast_in_dim3A_87 = vector.broadcast %broadcast_in_dim3A : f32 to vector<16xf32>
        %swap3A = arith.index_cast %add3A_76 : i32 to index
        %swap3A_88 = arith.index_cast %add3A_86 : i32 to index
        %swap3A_89 = tpu.vector_load %arg11[%swap3A, %swap3A_88] {strides = array<i32>} : memref<16x128xf32, #tpu.memory_space<vmem>>, vector<1x16xf32>,
        %swap3A_90 = vector.shape_cast %swap3A_89 : vector<1x16xf32> to vector<16xf32>
        %swap3A_91 = vector.shape_cast %broadcast_in_dim3A_87 : vector<16xf32> to vector<1x16xf32>
        tpu.vector_store %arg11[%swap3A, %swap3A_88], %swap3A_91 {strides = array<i32>} : memref<16x128xf32, #tpu.memory_space<vmem>>, vector<1x16xf32>,
      }
      %scan3A_81 = arith.constant 8 : i32
    }
    %scan3A_4 = arith.constant 16 : i32
    %mul3A_5 = arith.constant 640 : i32
    %mul3A_6 = arith.muli %arg1, %mul3A_5 : i32
    %scan3A_7 = arith.constant 0 : i32
    %scan3A_8 = arith.constant 40 : i32
    %scan3A_9 = arith.addi %scan3A_7, %scan3A_8 : i32
    %scan3A_10 = arith.constant 1 : i32
    scf.for %scan3A_72 = %scan3A_7 to %scan3A_9 step %scan3A_10  : i32 {
      %mul3A_73 = arith.constant 1 : i32
      %mul3A_74 = arith.muli %scan3A_72, %mul3A_73 : i32
      %add3A_75 = arith.constant 0 : i32
      %add3A_76 = arith.addi %add3A_75, %mul3A_74 : i32
      %mul3A_77 = arith.constant 16 : i32
      %mul3A_78 = arith.muli %add3A_76, %mul3A_77 : i32
      %add3A_79 = arith.addi %mul3A_6, %mul3A_78 : i32
      "tpu.region"() ({
        %run_scoped3A = tpu.sem_alloc : memref<!tpu.dma_semaphore, #tpu.memory_space<semaphore_mem>>
        %dma_start3A_80 = arith.constant 0 : i32
        %dma_start3A_81 = tpu.memref_slice %arg12[%add3A_79, %dma_start3A_80] : memref<10240x128xf32, #tpu.memory_space<vmem_shared>> -> memref<16x128xf32, #tpu.memory_space<vmem_shared>>
        %dma_start3A_82 = arith.constant 0 : i32
        %dma_start3A_83 = tpu.memref_slice %arg12[%add3A_79, %dma_start3A_82] : memref<10240x128xf32, #tpu.memory_space<vmem_shared>> -> memref<16x128xf32, #tpu.memory_space<vmem_shared>>
        tpu.enqueue_dma source(%arg11 : memref<16x128xf32, #tpu.memory_space<vmem>>) target(%dma_start3A_83 : memref<16x128xf32, #tpu.memory_space<vmem_shared>>) target_semaphore(%run_scoped3A : memref<!tpu.dma_semaphore, #tpu.memory_space<semaphore_mem>>)
        %dma_wait3A_84 = arith.constant 0 : i32
        %dma_wait3A_85 = tpu.memref_slice %arg12[%add3A_79, %dma_wait3A_84] : memref<10240x128xf32, #tpu.memory_space<vmem_shared>> -> memref<16x128xf32, #tpu.memory_space<vmem_shared>>
        %dma_wait3A_86 = arith.constant 0 : i32
        %dma_wait3A_87 = tpu.memref_slice %arg12[%add3A_79, %dma_wait3A_86] : memref<10240x128xf32, #tpu.memory_space<vmem_shared>> -> memref<16x128xf32, #tpu.memory_space<vmem_shared>>
        tpu.wait_dma2 semaphore(%run_scoped3A : memref<!tpu.dma_semaphore, #tpu.memory_space<semaphore_mem>>) src(%arg11 : memref<16x128xf32, #tpu.memory_space<vmem>>) dst(%dma_wait3A_87 : memref<16x128xf32, #tpu.memory_space<vmem_shared>>)
        tpu.yield
      }) : () -> ()
    }
    %scan3A_11 = arith.constant 40 : i32
    %barrier3A = arith.constant 0 : index
    tpu.barrier barrier_id(%barrier3A)
    "tpu.region"() ({
      %run_scoped3A = tpu.sem_alloc : memref<!tpu.dma_semaphore, #tpu.memory_space<semaphore_mem>>
      %dma_start3A_72 = arith.constant 0 : i32
      %dma_start3A_73 = arith.constant 0 : i32
      %dma_start3A_74 = tpu.memref_slice %arg3[%add3A, %dma_start3A_72, %dma_start3A_73] : memref<32x80x128xi32, #tpu.memory_space<hbm>> -> memref<1x80x128xi32, #tpu.memory_space<hbm>>
      %dma_start3A_75 = tpu.memref_squeeze %dma_start3A_74 : memref<1x80x128xi32, #tpu.memory_space<hbm>> -> memref<80x128xi32, #tpu.memory_space<hbm>>
      %dma_start3A_76 = arith.constant 0 : i32
      %dma_start3A_77 = arith.constant 0 : i32
      %dma_start3A_78 = tpu.memref_slice %arg3[%add3A, %dma_start3A_76, %dma_start3A_77] : memref<32x80x128xi32, #tpu.memory_space<hbm>> -> memref<1x80x128xi32, #tpu.memory_space<hbm>>
      %dma_start3A_79 = tpu.memref_squeeze %dma_start3A_78 : memref<1x80x128xi32, #tpu.memory_space<hbm>> -> memref<80x128xi32, #tpu.memory_space<hbm>>
      tpu.enqueue_dma source(%dma_start3A_79 : memref<80x128xi32, #tpu.memory_space<hbm>>) target(%arg6 : memref<80x128xi32, #tpu.memory_space<vmem>>) target_semaphore(%run_scoped3A : memref<!tpu.dma_semaphore, #tpu.memory_space<semaphore_mem>>)
      %dma_wait3A_80 = arith.constant 0 : i32
      %dma_wait3A_81 = arith.constant 0 : i32
      %dma_wait3A_82 = tpu.memref_slice %arg3[%add3A, %dma_wait3A_80, %dma_wait3A_81] : memref<32x80x128xi32, #tpu.memory_space<hbm>> -> memref<1x80x128xi32, #tpu.memory_space<hbm>>
      %dma_wait3A_83 = tpu.memref_squeeze %dma_wait3A_82 : memref<1x80x128xi32, #tpu.memory_space<hbm>> -> memref<80x128xi32, #tpu.memory_space<hbm>>
      %dma_wait3A_84 = arith.constant 0 : i32
      %dma_wait3A_85 = arith.constant 0 : i32
      %dma_wait3A_86 = tpu.memref_slice %arg3[%add3A, %dma_wait3A_84, %dma_wait3A_85] : memref<32x80x128xi32, #tpu.memory_space<hbm>> -> memref<1x80x128xi32, #tpu.memory_space<hbm>>
      %dma_wait3A_87 = tpu.memref_squeeze %dma_wait3A_86 : memref<1x80x128xi32, #tpu.memory_space<hbm>> -> memref<80x128xi32, #tpu.memory_space<hbm>>
      tpu.wait_dma2 semaphore(%run_scoped3A : memref<!tpu.dma_semaphore, #tpu.memory_space<semaphore_mem>>) src(%dma_wait3A_87 : memref<80x128xi32, #tpu.memory_space<hbm>>) dst(%arg6 : memref<80x128xi32, #tpu.memory_space<vmem>>)
      tpu.yield
    }) : () -> ()
    %dma_start3A = arith.constant 0 : i32
    %dma_start3A_12 = arith.constant 0 : i32
    %dma_start3A_13 = tpu.memref_slice %arg4[%add3A, %dma_start3A, %dma_start3A_12] : memref<32x80x128xi32, #tpu.memory_space<hbm>> -> memref<1x1x128xi32, #tpu.memory_space<hbm>>
    %dma_start3A_14 = tpu.memref_squeeze %dma_start3A_13 : memref<1x1x128xi32, #tpu.memory_space<hbm>> -> memref<128xi32, #tpu.memory_space<hbm>>
    %dma_start3A_15 = arith.constant 0 : i32
    %dma_start3A_16 = tpu.memref_slice %arg4[%add3A, %dma_start3A, %dma_start3A_15] : memref<32x80x128xi32, #tpu.memory_space<hbm>> -> memref<1x1x128xi32, #tpu.memory_space<hbm>>
    %dma_start3A_17 = tpu.memref_squeeze %dma_start3A_16 : memref<1x1x128xi32, #tpu.memory_space<hbm>> -> memref<128xi32, #tpu.memory_space<hbm>>
    tpu.enqueue_dma source(%dma_start3A_17 : memref<128xi32, #tpu.memory_space<hbm>>) target(%arg7 : memref<128xi32, #tpu.memory_space<vmem>>) target_semaphore(%arg15 : memref<!tpu.dma_semaphore, #tpu.memory_space<semaphore_mem>>)
    %dma_start3A_18 = arith.constant 0 : i32
    %dma_start3A_19 = arith.constant 0 : i32
    %dma_start3A_20 = tpu.memref_slice %arg6[%dma_start3A_18, %dma_start3A_19] : memref<80x128xi32, #tpu.memory_space<vmem>> -> memref<1x128xi32, #tpu.memory_space<vmem>>
    %dma_start3A_21 = tpu.memref_squeeze %dma_start3A_20 : memref<1x128xi32, #tpu.memory_space<vmem>> -> memref<128xi32, #tpu.memory_space<vmem>>
    %dma_start3A_22 = arith.constant 0 : i32
    %dma_start3A_23 = arith.constant 0 : i32
    %dma_start3A_24 = tpu.memref_slice %arg2[%dma_start3A_22, %dma_start3A_23] : memref<10240x128xf32, #tpu.memory_space<hbm>> -> memref<10240x128xf32, #tpu.memory_space<hbm>>
    tpu.enqueue_indirect_dma source(%dma_start3A_24 : memref<10240x128xf32, #tpu.memory_space<hbm>>) target(%arg9 : memref<128x128xf32, #tpu.memory_space<vmem>>) offsets(%dma_start3A_21 : memref<128xi32, #tpu.memory_space<vmem>>) semaphore(%arg13 : memref<!tpu.dma_semaphore, #tpu.memory_space<semaphore_mem>>)
    %dma_start3A_25 = arith.constant 1 : i32
    %dma_start3A_26 = arith.constant 0 : i32
    %dma_start3A_27 = tpu.memref_slice %arg4[%add3A, %dma_start3A_25, %dma_start3A_26] : memref<32x80x128xi32, #tpu.memory_space<hbm>> -> memref<1x1x128xi32, #tpu.memory_space<hbm>>
    %dma_start3A_28 = tpu.memref_squeeze %dma_start3A_27 : memref<1x1x128xi32, #tpu.memory_space<hbm>> -> memref<128xi32, #tpu.memory_space<hbm>>
    %dma_start3A_29 = arith.constant 0 : i32
    %dma_start3A_30 = tpu.memref_slice %arg4[%add3A, %dma_start3A_25, %dma_start3A_29] : memref<32x80x128xi32, #tpu.memory_space<hbm>> -> memref<1x1x128xi32, #tpu.memory_space<hbm>>
    %dma_start3A_31 = tpu.memref_squeeze %dma_start3A_30 : memref<1x1x128xi32, #tpu.memory_space<hbm>> -> memref<128xi32, #tpu.memory_space<hbm>>
    tpu.enqueue_dma source(%dma_start3A_31 : memref<128xi32, #tpu.memory_space<hbm>>) target(%arg8 : memref<128xi32, #tpu.memory_space<vmem>>) target_semaphore(%arg16 : memref<!tpu.dma_semaphore, #tpu.memory_space<semaphore_mem>>)
    %dma_start3A_32 = arith.constant 1 : i32
    %dma_start3A_33 = arith.constant 0 : i32
    %dma_start3A_34 = tpu.memref_slice %arg6[%dma_start3A_32, %dma_start3A_33] : memref<80x128xi32, #tpu.memory_space<vmem>> -> memref<1x128xi32, #tpu.memory_space<vmem>>
    %dma_start3A_35 = tpu.memref_squeeze %dma_start3A_34 : memref<1x128xi32, #tpu.memory_space<vmem>> -> memref<128xi32, #tpu.memory_space<vmem>>
    %dma_start3A_36 = arith.constant 0 : i32
    %dma_start3A_37 = arith.constant 0 : i32
    %dma_start3A_38 = tpu.memref_slice %arg2[%dma_start3A_36, %dma_start3A_37] : memref<10240x128xf32, #tpu.memory_space<hbm>> -> memref<10240x128xf32, #tpu.memory_space<hbm>>
    tpu.enqueue_indirect_dma source(%dma_start3A_38 : memref<10240x128xf32, #tpu.memory_space<hbm>>) target(%arg10 : memref<128x128xf32, #tpu.memory_space<vmem>>) offsets(%dma_start3A_35 : memref<128xi32, #tpu.memory_space<vmem>>) semaphore(%arg14 : memref<!tpu.dma_semaphore, #tpu.memory_space<semaphore_mem>>)
    %scan3A_39 = arith.constant 0 : i32
    %scan3A_40 = arith.constant 39 : i32
    %scan3A_41 = arith.addi %scan3A_39, %scan3A_40 : i32
    %scan3A_42 = arith.constant 1 : i32
    scf.for %scan3A_72 = %scan3A_39 to %scan3A_41 step %scan3A_42  : i32 {
      %mul3A_73 = arith.constant 1 : i32
      %mul3A_74 = arith.muli %scan3A_72, %mul3A_73 : i32
      %add3A_75 = arith.constant 0 : i32
      %add3A_76 = arith.addi %add3A_75, %mul3A_74 : i32
      %mul3A_77 = arith.constant 2 : i32
      %mul3A_78 = arith.muli %add3A_76, %mul3A_77 : i32
      %add3A_79 = arith.constant 0 : i32
      %add3A_80 = arith.addi %mul3A_78, %add3A_79 : i32
      %dma_wait3A_81 = arith.constant 0 : i32
      %dma_wait3A_82 = arith.constant 0 : i32
      %dma_wait3A_83 = tpu.memref_slice %arg4[%add3A, %dma_wait3A_81, %dma_wait3A_82] : memref<32x80x128xi32, #tpu.memory_space<hbm>> -> memref<1x1x128xi32, #tpu.memory_space<hbm>>
      %dma_wait3A_84 = tpu.memref_squeeze %dma_wait3A_83 : memref<1x1x128xi32, #tpu.memory_space<hbm>> -> memref<128xi32, #tpu.memory_space<hbm>>
      %dma_wait3A_85 = arith.constant 0 : i32
      %dma_wait3A_86 = tpu.memref_slice %arg4[%add3A, %dma_wait3A_81, %dma_wait3A_85] : memref<32x80x128xi32, #tpu.memory_space<hbm>> -> memref<1x1x128xi32, #tpu.memory_space<hbm>>
      %dma_wait3A_87 = tpu.memref_squeeze %dma_wait3A_86 : memref<1x1x128xi32, #tpu.memory_space<hbm>> -> memref<128xi32, #tpu.memory_space<hbm>>
      tpu.wait_dma2 semaphore(%arg15 : memref<!tpu.dma_semaphore, #tpu.memory_space<semaphore_mem>>) src(%dma_wait3A_87 : memref<128xi32, #tpu.memory_space<hbm>>) dst(%arg7 : memref<128xi32, #tpu.memory_space<vmem>>)
      %dma_wait3A_88 = arith.constant 0 : i32
      %dma_wait3A_89 = arith.constant 0 : i32
      %dma_wait3A_90 = tpu.memref_slice %arg6[%dma_wait3A_88, %dma_wait3A_89] : memref<80x128xi32, #tpu.memory_space<vmem>> -> memref<1x128xi32, #tpu.memory_space<vmem>>
      %dma_wait3A_91 = tpu.memref_squeeze %dma_wait3A_90 : memref<1x128xi32, #tpu.memory_space<vmem>> -> memref<128xi32, #tpu.memory_space<vmem>>
      %dma_wait3A_92 = arith.constant 0 : i32
      %dma_wait3A_93 = arith.constant 0 : i32
      %dma_wait3A_94 = tpu.memref_slice %arg2[%dma_wait3A_92, %dma_wait3A_93] : memref<10240x128xf32, #tpu.memory_space<hbm>> -> memref<10240x128xf32, #tpu.memory_space<hbm>>
      tpu.wait_indirect_dma semaphore(%arg13 : memref<!tpu.dma_semaphore, #tpu.memory_space<semaphore_mem>>) src(%dma_wait3A_94 : memref<10240x128xf32, #tpu.memory_space<hbm>>) dst(%arg9 : memref<128x128xf32, #tpu.memory_space<vmem>>)
      "tpu.region"() ({
        %run_scoped3A = tpu.sem_alloc : memref<!tpu.dma_semaphore, #tpu.memory_space<semaphore_mem>>
        %dma_start3A_145 = arith.constant 0 : i32
        %dma_start3A_146 = arith.constant 0 : i32
        %dma_start3A_147 = tpu.memref_slice %arg12[%dma_start3A_145, %dma_start3A_146] : memref<10240x128xf32, #tpu.memory_space<vmem_shared>> -> memref<10240x128xf32, #tpu.memory_space<vmem_shared>>
        tpu.enqueue_indirect_dma source(%arg9 : memref<128x128xf32, #tpu.memory_space<vmem>>) target(%dma_start3A_147 : memref<10240x128xf32, #tpu.memory_space<vmem_shared>>) offsets(%arg7 : memref<128xi32, #tpu.memory_space<vmem>>) semaphore(%run_scoped3A : memref<!tpu.dma_semaphore, #tpu.memory_space<semaphore_mem>>) {add = true}
        %dma_wait3A_148 = arith.constant 0 : i32
        %dma_wait3A_149 = arith.constant 0 : i32
        %dma_wait3A_150 = tpu.memref_slice %arg12[%dma_wait3A_148, %dma_wait3A_149] : memref<10240x128xf32, #tpu.memory_space<vmem_shared>> -> memref<10240x128xf32, #tpu.memory_space<vmem_shared>>
        tpu.wait_indirect_dma semaphore(%run_scoped3A : memref<!tpu.dma_semaphore, #tpu.memory_space<semaphore_mem>>) src(%arg9 : memref<128x128xf32, #tpu.memory_space<vmem>>) dst(%dma_wait3A_150 : memref<10240x128xf32, #tpu.memory_space<vmem_shared>>)
        tpu.yield
      }) : () -> ()
      %add3A_95 = arith.constant 2 : i32
      %add3A_96 = arith.addi %add3A_80, %add3A_95 : i32
      %dma_start3A_97 = arith.constant 0 : i32
      %dma_start3A_98 = tpu.memref_slice %arg4[%add3A, %add3A_96, %dma_start3A_97] : memref<32x80x128xi32, #tpu.memory_space<hbm>> -> memref<1x1x128xi32, #tpu.memory_space<hbm>>
      %dma_start3A_99 = tpu.memref_squeeze %dma_start3A_98 : memref<1x1x128xi32, #tpu.memory_space<hbm>> -> memref<128xi32, #tpu.memory_space<hbm>>
      %dma_start3A_100 = arith.constant 0 : i32
      %dma_start3A_101 = tpu.memref_slice %arg4[%add3A, %add3A_96, %dma_start3A_100] : memref<32x80x128xi32, #tpu.memory_space<hbm>> -> memref<1x1x128xi32, #tpu.memory_space<hbm>>
      %dma_start3A_102 = tpu.memref_squeeze %dma_start3A_101 : memref<1x1x128xi32, #tpu.memory_space<hbm>> -> memref<128xi32, #tpu.memory_space<hbm>>
      tpu.enqueue_dma source(%dma_start3A_102 : memref<128xi32, #tpu.memory_space<hbm>>) target(%arg7 : memref<128xi32, #tpu.memory_space<vmem>>) target_semaphore(%arg15 : memref<!tpu.dma_semaphore, #tpu.memory_space<semaphore_mem>>)
      %add3A_103 = arith.constant 2 : i32
      %add3A_104 = arith.addi %add3A_80, %add3A_103 : i32
      %dma_start3A_105 = arith.constant 0 : i32
      %dma_start3A_106 = tpu.memref_slice %arg6[%add3A_104, %dma_start3A_105] : memref<80x128xi32, #tpu.memory_space<vmem>> -> memref<1x128xi32, #tpu.memory_space<vmem>>
      %dma_start3A_107 = tpu.memref_squeeze %dma_start3A_106 : memref<1x128xi32, #tpu.memory_space<vmem>> -> memref<128xi32, #tpu.memory_space<vmem>>
      %dma_start3A_108 = arith.constant 0 : i32
      %dma_start3A_109 = arith.constant 0 : i32
      %dma_start3A_110 = tpu.memref_slice %arg2[%dma_start3A_108, %dma_start3A_109] : memref<10240x128xf32, #tpu.memory_space<hbm>> -> memref<10240x128xf32, #tpu.memory_space<hbm>>
      tpu.enqueue_indirect_dma source(%dma_start3A_110 : memref<10240x128xf32, #tpu.memory_space<hbm>>) target(%arg9 : memref<128x128xf32, #tpu.memory_space<vmem>>) offsets(%dma_start3A_107 : memref<128xi32, #tpu.memory_space<vmem>>) semaphore(%arg13 : memref<!tpu.dma_semaphore, #tpu.memory_space<semaphore_mem>>)
      %mul3A_111 = arith.constant 2 : i32
      %mul3A_112 = arith.muli %add3A_76, %mul3A_111 : i32
      %add3A_113 = arith.constant 1 : i32
      %add3A_114 = arith.addi %mul3A_112, %add3A_113 : i32
      %dma_wait3A_115 = arith.constant 0 : i32
      %dma_wait3A_116 = arith.constant 0 : i32
      %dma_wait3A_117 = tpu.memref_slice %arg4[%add3A, %dma_wait3A_115, %dma_wait3A_116] : memref<32x80x128xi32, #tpu.memory_space<hbm>> -> memref<1x1x128xi32, #tpu.memory_space<hbm>>
      %dma_wait3A_118 = tpu.memref_squeeze %dma_wait3A_117 : memref<1x1x128xi32, #tpu.memory_space<hbm>> -> memref<128xi32, #tpu.memory_space<hbm>>
      %dma_wait3A_119 = arith.constant 0 : i32
      %dma_wait3A_120 = tpu.memref_slice %arg4[%add3A, %dma_wait3A_115, %dma_wait3A_119] : memref<32x80x128xi32, #tpu.memory_space<hbm>> -> memref<1x1x128xi32, #tpu.memory_space<hbm>>
      %dma_wait3A_121 = tpu.memref_squeeze %dma_wait3A_120 : memref<1x1x128xi32, #tpu.memory_space<hbm>> -> memref<128xi32, #tpu.memory_space<hbm>>
      tpu.wait_dma2 semaphore(%arg16 : memref<!tpu.dma_semaphore, #tpu.memory_space<semaphore_mem>>) src(%dma_wait3A_121 : memref<128xi32, #tpu.memory_space<hbm>>) dst(%arg8 : memref<128xi32, #tpu.memory_space<vmem>>)
      %dma_wait3A_122 = arith.constant 0 : i32
      %dma_wait3A_123 = arith.constant 0 : i32
      %dma_wait3A_124 = tpu.memref_slice %arg6[%dma_wait3A_122, %dma_wait3A_123] : memref<80x128xi32, #tpu.memory_space<vmem>> -> memref<1x128xi32, #tpu.memory_space<vmem>>
      %dma_wait3A_125 = tpu.memref_squeeze %dma_wait3A_124 : memref<1x128xi32, #tpu.memory_space<vmem>> -> memref<128xi32, #tpu.memory_space<vmem>>
      %dma_wait3A_126 = arith.constant 0 : i32
      %dma_wait3A_127 = arith.constant 0 : i32
      %dma_wait3A_128 = tpu.memref_slice %arg2[%dma_wait3A_126, %dma_wait3A_127] : memref<10240x128xf32, #tpu.memory_space<hbm>> -> memref<10240x128xf32, #tpu.memory_space<hbm>>
      tpu.wait_indirect_dma semaphore(%arg14 : memref<!tpu.dma_semaphore, #tpu.memory_space<semaphore_mem>>) src(%dma_wait3A_128 : memref<10240x128xf32, #tpu.memory_space<hbm>>) dst(%arg10 : memref<128x128xf32, #tpu.memory_space<vmem>>)
      "tpu.region"() ({
        %run_scoped3A = tpu.sem_alloc : memref<!tpu.dma_semaphore, #tpu.memory_space<semaphore_mem>>
        %dma_start3A_145 = arith.constant 0 : i32
        %dma_start3A_146 = arith.constant 0 : i32
        %dma_start3A_147 = tpu.memref_slice %arg12[%dma_start3A_145, %dma_start3A_146] : memref<10240x128xf32, #tpu.memory_space<vmem_shared>> -> memref<10240x128xf32, #tpu.memory_space<vmem_shared>>
        tpu.enqueue_indirect_dma source(%arg10 : memref<128x128xf32, #tpu.memory_space<vmem>>) target(%dma_start3A_147 : memref<10240x128xf32, #tpu.memory_space<vmem_shared>>) offsets(%arg8 : memref<128xi32, #tpu.memory_space<vmem>>) semaphore(%run_scoped3A : memref<!tpu.dma_semaphore, #tpu.memory_space<semaphore_mem>>) {add = true}
        %dma_wait3A_148 = arith.constant 0 : i32
        %dma_wait3A_149 = arith.constant 0 : i32
        %dma_wait3A_150 = tpu.memref_slice %arg12[%dma_wait3A_148, %dma_wait3A_149] : memref<10240x128xf32, #tpu.memory_space<vmem_shared>> -> memref<10240x128xf32, #tpu.memory_space<vmem_shared>>
        tpu.wait_indirect_dma semaphore(%run_scoped3A : memref<!tpu.dma_semaphore, #tpu.memory_space<semaphore_mem>>) src(%arg10 : memref<128x128xf32, #tpu.memory_space<vmem>>) dst(%dma_wait3A_150 : memref<10240x128xf32, #tpu.memory_space<vmem_shared>>)
        tpu.yield
      }) : () -> ()
      %add3A_129 = arith.constant 2 : i32
      %add3A_130 = arith.addi %add3A_114, %add3A_129 : i32
      %dma_start3A_131 = arith.constant 0 : i32
      %dma_start3A_132 = tpu.memref_slice %arg4[%add3A, %add3A_130, %dma_start3A_131] : memref<32x80x128xi32, #tpu.memory_space<hbm>> -> memref<1x1x128xi32, #tpu.memory_space<hbm>>
      %dma_start3A_133 = tpu.memref_squeeze %dma_start3A_132 : memref<1x1x128xi32, #tpu.memory_space<hbm>> -> memref<128xi32, #tpu.memory_space<hbm>>
      %dma_start3A_134 = arith.constant 0 : i32
      %dma_start3A_135 = tpu.memref_slice %arg4[%add3A, %add3A_130, %dma_start3A_134] : memref<32x80x128xi32, #tpu.memory_space<hbm>> -> memref<1x1x128xi32, #tpu.memory_space<hbm>>
      %dma_start3A_136 = tpu.memref_squeeze %dma_start3A_135 : memref<1x1x128xi32, #tpu.memory_space<hbm>> -> memref<128xi32, #tpu.memory_space<hbm>>
      tpu.enqueue_dma source(%dma_start3A_136 : memref<128xi32, #tpu.memory_space<hbm>>) target(%arg8 : memref<128xi32, #tpu.memory_space<vmem>>) target_semaphore(%arg16 : memref<!tpu.dma_semaphore, #tpu.memory_space<semaphore_mem>>)
      %add3A_137 = arith.constant 2 : i32
      %add3A_138 = arith.addi %add3A_114, %add3A_137 : i32
      %dma_start3A_139 = arith.constant 0 : i32
      %dma_start3A_140 = tpu.memref_slice %arg6[%add3A_138, %dma_start3A_139] : memref<80x128xi32, #tpu.memory_space<vmem>> -> memref<1x128xi32, #tpu.memory_space<vmem>>
      %dma_start3A_141 = tpu.memref_squeeze %dma_start3A_140 : memref<1x128xi32, #tpu.memory_space<vmem>> -> memref<128xi32, #tpu.memory_space<vmem>>
      %dma_start3A_142 = arith.constant 0 : i32
      %dma_start3A_143 = arith.constant 0 : i32
      %dma_start3A_144 = tpu.memref_slice %arg2[%dma_start3A_142, %dma_start3A_143] : memref<10240x128xf32, #tpu.memory_space<hbm>> -> memref<10240x128xf32, #tpu.memory_space<hbm>>
      tpu.enqueue_indirect_dma source(%dma_start3A_144 : memref<10240x128xf32, #tpu.memory_space<hbm>>) target(%arg10 : memref<128x128xf32, #tpu.memory_space<vmem>>) offsets(%dma_start3A_141 : memref<128xi32, #tpu.memory_space<vmem>>) semaphore(%arg14 : memref<!tpu.dma_semaphore, #tpu.memory_space<semaphore_mem>>)
    }
    %scan3A_43 = arith.constant 39 : i32
    %dma_wait3A = arith.constant 0 : i32
    %dma_wait3A_44 = arith.constant 0 : i32
    %dma_wait3A_45 = tpu.memref_slice %arg4[%add3A, %dma_wait3A, %dma_wait3A_44] : memref<32x80x128xi32, #tpu.memory_space<hbm>> -> memref<1x1x128xi32, #tpu.memory_space<hbm>>
    %dma_wait3A_46 = tpu.memref_squeeze %dma_wait3A_45 : memref<1x1x128xi32, #tpu.memory_space<hbm>> -> memref<128xi32, #tpu.memory_space<hbm>>
    %dma_wait3A_47 = arith.constant 0 : i32
    %dma_wait3A_48 = tpu.memref_slice %arg4[%add3A, %dma_wait3A, %dma_wait3A_47] : memref<32x80x128xi32, #tpu.memory_space<hbm>> -> memref<1x1x128xi32, #tpu.memory_space<hbm>>
    %dma_wait3A_49 = tpu.memref_squeeze %dma_wait3A_48 : memref<1x1x128xi32, #tpu.memory_space<hbm>> -> memref<128xi32, #tpu.memory_space<hbm>>
    tpu.wait_dma2 semaphore(%arg15 : memref<!tpu.dma_semaphore, #tpu.memory_space<semaphore_mem>>) src(%dma_wait3A_49 : memref<128xi32, #tpu.memory_space<hbm>>) dst(%arg7 : memref<128xi32, #tpu.memory_space<vmem>>)
    %dma_wait3A_50 = arith.constant 0 : i32
    %dma_wait3A_51 = arith.constant 0 : i32
    %dma_wait3A_52 = tpu.memref_slice %arg6[%dma_wait3A_50, %dma_wait3A_51] : memref<80x128xi32, #tpu.memory_space<vmem>> -> memref<1x128xi32, #tpu.memory_space<vmem>>
    %dma_wait3A_53 = tpu.memref_squeeze %dma_wait3A_52 : memref<1x128xi32, #tpu.memory_space<vmem>> -> memref<128xi32, #tpu.memory_space<vmem>>
    %dma_wait3A_54 = arith.constant 0 : i32
    %dma_wait3A_55 = arith.constant 0 : i32
    %dma_wait3A_56 = tpu.memref_slice %arg2[%dma_wait3A_54, %dma_wait3A_55] : memref<10240x128xf32, #tpu.memory_space<hbm>> -> memref<10240x128xf32, #tpu.memory_space<hbm>>
    tpu.wait_indirect_dma semaphore(%arg13 : memref<!tpu.dma_semaphore, #tpu.memory_space<semaphore_mem>>) src(%dma_wait3A_56 : memref<10240x128xf32, #tpu.memory_space<hbm>>) dst(%arg9 : memref<128x128xf32, #tpu.memory_space<vmem>>)
    "tpu.region"() ({
      %run_scoped3A = tpu.sem_alloc : memref<!tpu.dma_semaphore, #tpu.memory_space<semaphore_mem>>
      %dma_start3A_72 = arith.constant 0 : i32
      %dma_start3A_73 = arith.constant 0 : i32
      %dma_start3A_74 = tpu.memref_slice %arg12[%dma_start3A_72, %dma_start3A_73] : memref<10240x128xf32, #tpu.memory_space<vmem_shared>> -> memref<10240x128xf32, #tpu.memory_space<vmem_shared>>
      tpu.enqueue_indirect_dma source(%arg9 : memref<128x128xf32, #tpu.memory_space<vmem>>) target(%dma_start3A_74 : memref<10240x128xf32, #tpu.memory_space<vmem_shared>>) offsets(%arg7 : memref<128xi32, #tpu.memory_space<vmem>>) semaphore(%run_scoped3A : memref<!tpu.dma_semaphore, #tpu.memory_space<semaphore_mem>>) {add = true}
      %dma_wait3A_75 = arith.constant 0 : i32
      %dma_wait3A_76 = arith.constant 0 : i32
      %dma_wait3A_77 = tpu.memref_slice %arg12[%dma_wait3A_75, %dma_wait3A_76] : memref<10240x128xf32, #tpu.memory_space<vmem_shared>> -> memref<10240x128xf32, #tpu.memory_space<vmem_shared>>
      tpu.wait_indirect_dma semaphore(%run_scoped3A : memref<!tpu.dma_semaphore, #tpu.memory_space<semaphore_mem>>) src(%arg9 : memref<128x128xf32, #tpu.memory_space<vmem>>) dst(%dma_wait3A_77 : memref<10240x128xf32, #tpu.memory_space<vmem_shared>>)
      tpu.yield
    }) : () -> ()
    %dma_wait3A_57 = arith.constant 0 : i32
    %dma_wait3A_58 = arith.constant 0 : i32
    %dma_wait3A_59 = tpu.memref_slice %arg4[%add3A, %dma_wait3A_57, %dma_wait3A_58] : memref<32x80x128xi32, #tpu.memory_space<hbm>> -> memref<1x1x128xi32, #tpu.memory_space<hbm>>
    %dma_wait3A_60 = tpu.memref_squeeze %dma_wait3A_59 : memref<1x1x128xi32, #tpu.memory_space<hbm>> -> memref<128xi32, #tpu.memory_space<hbm>>
    %dma_wait3A_61 = arith.constant 0 : i32
    %dma_wait3A_62 = tpu.memref_slice %arg4[%add3A, %dma_wait3A_57, %dma_wait3A_61] : memref<32x80x128xi32, #tpu.memory_space<hbm>> -> memref<1x1x128xi32, #tpu.memory_space<hbm>>
    %dma_wait3A_63 = tpu.memref_squeeze %dma_wait3A_62 : memref<1x1x128xi32, #tpu.memory_space<hbm>> -> memref<128xi32, #tpu.memory_space<hbm>>
    tpu.wait_dma2 semaphore(%arg16 : memref<!tpu.dma_semaphore, #tpu.memory_space<semaphore_mem>>) src(%dma_wait3A_63 : memref<128xi32, #tpu.memory_space<hbm>>) dst(%arg8 : memref<128xi32, #tpu.memory_space<vmem>>)
    %dma_wait3A_64 = arith.constant 0 : i32
    %dma_wait3A_65 = arith.constant 0 : i32
    %dma_wait3A_66 = tpu.memref_slice %arg6[%dma_wait3A_64, %dma_wait3A_65] : memref<80x128xi32, #tpu.memory_space<vmem>> -> memref<1x128xi32, #tpu.memory_space<vmem>>
    %dma_wait3A_67 = tpu.memref_squeeze %dma_wait3A_66 : memref<1x128xi32, #tpu.memory_space<vmem>> -> memref<128xi32, #tpu.memory_space<vmem>>
    %dma_wait3A_68 = arith.constant 0 : i32
    %dma_wait3A_69 = arith.constant 0 : i32
    %dma_wait3A_70 = tpu.memref_slice %arg2[%dma_wait3A_68, %dma_wait3A_69] : memref<10240x128xf32, #tpu.memory_space<hbm>> -> memref<10240x128xf32, #tpu.memory_space<hbm>>
    tpu.wait_indirect_dma semaphore(%arg14 : memref<!tpu.dma_semaphore, #tpu.memory_space<semaphore_mem>>) src(%dma_wait3A_70 : memref<10240x128xf32, #tpu.memory_space<hbm>>) dst(%arg10 : memref<128x128xf32, #tpu.memory_space<vmem>>)
    "tpu.region"() ({
      %run_scoped3A = tpu.sem_alloc : memref<!tpu.dma_semaphore, #tpu.memory_space<semaphore_mem>>
      %dma_start3A_72 = arith.constant 0 : i32
      %dma_start3A_73 = arith.constant 0 : i32
      %dma_start3A_74 = tpu.memref_slice %arg12[%dma_start3A_72, %dma_start3A_73] : memref<10240x128xf32, #tpu.memory_space<vmem_shared>> -> memref<10240x128xf32, #tpu.memory_space<vmem_shared>>
      tpu.enqueue_indirect_dma source(%arg10 : memref<128x128xf32, #tpu.memory_space<vmem>>) target(%dma_start3A_74 : memref<10240x128xf32, #tpu.memory_space<vmem_shared>>) offsets(%arg8 : memref<128xi32, #tpu.memory_space<vmem>>) semaphore(%run_scoped3A : memref<!tpu.dma_semaphore, #tpu.memory_space<semaphore_mem>>) {add = true}
      %dma_wait3A_75 = arith.constant 0 : i32
      %dma_wait3A_76 = arith.constant 0 : i32
      %dma_wait3A_77 = tpu.memref_slice %arg12[%dma_wait3A_75, %dma_wait3A_76] : memref<10240x128xf32, #tpu.memory_space<vmem_shared>> -> memref<10240x128xf32, #tpu.memory_space<vmem_shared>>
      tpu.wait_indirect_dma semaphore(%run_scoped3A : memref<!tpu.dma_semaphore, #tpu.memory_space<semaphore_mem>>) src(%arg10 : memref<128x128xf32, #tpu.memory_space<vmem>>) dst(%dma_wait3A_77 : memref<10240x128xf32, #tpu.memory_space<vmem_shared>>)
      tpu.yield
    }) : () -> ()
    %barrier3A_71 = arith.constant 0 : index
    tpu.barrier barrier_id(%barrier3A_71)
    "tpu.region"() ({
      %run_scoped3A = tpu.sem_alloc : memref<!tpu.dma_semaphore, #tpu.memory_space<semaphore_mem>>
      %dma_start3A_72 = arith.constant 0 : i32
      %dma_start3A_73 = tpu.memref_slice %arg5[%arg0, %mul3A_6, %dma_start3A_72] : memref<2x10240x128xf32, #tpu.memory_space<hbm>> -> memref<1x640x128xf32, #tpu.memory_space<hbm>>
      %dma_start3A_74 = tpu.memref_squeeze %dma_start3A_73 : memref<1x640x128xf32, #tpu.memory_space<hbm>> -> memref<640x128xf32, #tpu.memory_space<hbm>>
      %dma_start3A_75 = arith.constant 0 : i32
      %dma_start3A_76 = tpu.memref_slice %arg12[%mul3A_6, %dma_start3A_75] : memref<10240x128xf32, #tpu.memory_space<vmem_shared>> -> memref<640x128xf32, #tpu.memory_space<vmem_shared>>
      tpu.enqueue_dma source(%dma_start3A_76 : memref<640x128xf32, #tpu.memory_space<vmem_shared>>) target(%dma_start3A_74 : memref<640x128xf32, #tpu.memory_space<hbm>>) target_semaphore(%run_scoped3A : memref<!tpu.dma_semaphore, #tpu.memory_space<semaphore_mem>>)
      %dma_wait3A_77 = arith.constant 0 : i32
      %dma_wait3A_78 = tpu.memref_slice %arg5[%arg0, %mul3A_6, %dma_wait3A_77] : memref<2x10240x128xf32, #tpu.memory_space<hbm>> -> memref<1x640x128xf32, #tpu.memory_space<hbm>>
      %dma_wait3A_79 = tpu.memref_squeeze %dma_wait3A_78 : memref<1x640x128xf32, #tpu.memory_space<hbm>> -> memref<640x128xf32, #tpu.memory_space<hbm>>
      %dma_wait3A_80 = arith.constant 0 : i32
      %dma_wait3A_81 = tpu.memref_slice %arg12[%mul3A_6, %dma_wait3A_80] : memref<10240x128xf32, #tpu.memory_space<vmem_shared>> -> memref<640x128xf32, #tpu.memory_space<vmem_shared>>
      tpu.wait_dma2 semaphore(%run_scoped3A : memref<!tpu.dma_semaphore, #tpu.memory_space<semaphore_mem>>) src(%dma_wait3A_81 : memref<640x128xf32, #tpu.memory_space<vmem_shared>>) dst(%dma_wait3A_79 : memref<640x128xf32, #tpu.memory_space<hbm>>)
      tpu.yield
    }) : () -> ()
    return
  }
}

module attributes {stable_mosaic.version = 14 : i64} {
  func.func @body(%arg0: memref<10240x128xf32, #tpu.memory_space<vmem>>, %arg1: memref<128x128xf32, #tpu.memory_space<vmem>>, %arg2: memref<10240x128xf32, #tpu.memory_space<vmem>>) attributes {dimension_semantics = [], scalar_prefetch = 0 : i64, scratch_operands = 0 : i64, tpu.core_type = #tpu.core_type<tc>} {
    %get3A = arith.constant 0 : index
    %get3A_0 = arith.constant 0 : index
    %get3A_1 = vector.load %arg0[%get3A, %get3A_0] : memref<10240x128xf32, #tpu.memory_space<vmem>>, vector<10240x128xf32>
    %get3A_2 = arith.constant 0 : index
    %get3A_3 = arith.constant 0 : index
    %get3A_4 = vector.load %arg1[%get3A_2, %get3A_3] : memref<128x128xf32, #tpu.memory_space<vmem>>, vector<128x128xf32>
    %dot_general3A = arith.constant dense<0.000000e+00> : vector<10240x128xf32>
    %dot_general3A_5 = tpu.matmul %get3A_1, %get3A_4, %dot_general3A {dimension_numbers = #tpu.dot_dimension_numbers<[1], [0], [0], [1], [0, 0, 1, 1], [], []>, transpose_lhs_hint = false} : vector<10240x128xf32>, vector<128x128xf32>, vector<10240x128xf32> -> vector<10240x128xf32>
    %swap3A = arith.constant 0 : index
    %swap3A_6 = arith.constant 0 : index
    %swap3A_7 = vector.load %arg2[%swap3A, %swap3A_6] : memref<10240x128xf32, #tpu.memory_space<vmem>>, vector<10240x128xf32>
    tpu.vector_store %arg2[%swap3A, %swap3A_6], %dot_general3A_5 {strides = array<i32>} : memref<10240x128xf32, #tpu.memory_space<vmem>>, vector<10240x128xf32>,
    return
  }
}

module attributes {stable_mosaic.version = 14 : i64} {
  func.func @body(%arg0: memref<20480x1xf32, #tpu.memory_space<vmem>>, %arg1: memref<10240x128xf32, #tpu.memory_space<vmem>>, %arg2: memref<10240x128xf32, #tpu.memory_space<vmem>>) attributes {dimension_semantics = [], scalar_prefetch = 0 : i64, scratch_operands = 0 : i64, tpu.core_type = #tpu.core_type<tc>} {
    %get3A = arith.constant 0 : index
    %get3A_0 = arith.constant 0 : index
    %get3A_1 = vector.load %arg0[%get3A, %get3A_0] : memref<20480x1xf32, #tpu.memory_space<vmem>>, vector<10240x1xf32>
    %get3A_2 = arith.constant 10240 : index
    %get3A_3 = arith.constant 0 : index
    %get3A_4 = vector.load %arg0[%get3A_2, %get3A_3] : memref<20480x1xf32, #tpu.memory_space<vmem>>, vector<10240x1xf32>
    %add3A = arith.addf %get3A_1, %get3A_4 : vector<10240x1xf32>
    %add3A_5 = arith.constant 1.000000e+00 : f32
    %add3A_6 = vector.broadcast %add3A_5 : f32 to vector<10240x1xf32>
    %add3A_7 = arith.addf %add3A, %add3A_6 : vector<10240x1xf32>
    %rsqrt3A = math.rsqrt %add3A_7 : vector<10240x1xf32>
    %broadcast_in_dim3A = vector.shape_cast %rsqrt3A : vector<10240x1xf32> to vector<10240x1xf32>
    %broadcast_in_dim3A_8 = vector.broadcast %broadcast_in_dim3A : vector<10240x1xf32> to vector<10240x128xf32>
    %get3A_9 = arith.constant 0 : index
    %get3A_10 = arith.constant 0 : index
    %get3A_11 = vector.load %arg1[%get3A_9, %get3A_10] : memref<10240x128xf32, #tpu.memory_space<vmem>>, vector<10240x128xf32>
    %mul3A = arith.mulf %broadcast_in_dim3A_8, %get3A_11 : vector<10240x128xf32>
    %swap3A = arith.constant 0 : index
    %swap3A_12 = arith.constant 0 : index
    %swap3A_13 = vector.load %arg2[%swap3A, %swap3A_12] : memref<10240x128xf32, #tpu.memory_space<vmem>>, vector<10240x128xf32>
    tpu.vector_store %arg2[%swap3A, %swap3A_12], %mul3A {strides = array<i32>} : memref<10240x128xf32, #tpu.memory_space<vmem>>, vector<10240x128xf32>,
    return
  }
}

module attributes {stable_mosaic.version = 14 : i64} {
  func.func @body(%arg0: memref<2x10240x128xf32, #tpu.memory_space<vmem>>, %arg1: memref<10240x128xf32, #tpu.memory_space<vmem>>, %arg2: memref<20480x1xf32, #tpu.memory_space<vmem>>, %arg3: memref<128x128xf32, #tpu.memory_space<vmem>>, %arg4: memref<1x128xf32, #tpu.memory_space<vmem>>, %arg5: memref<10240x128xf32, #tpu.memory_space<vmem>>) attributes {dimension_semantics = [], scalar_prefetch = 0 : i64, scratch_operands = 0 : i64, tpu.core_type = #tpu.core_type<tc>} {
    %get3A = arith.constant 0 : index
    %get3A_0 = arith.constant 0 : index
    %get3A_1 = vector.load %arg2[%get3A, %get3A_0] : memref<20480x1xf32, #tpu.memory_space<vmem>>, vector<10240x1xf32>
    %get3A_2 = arith.constant 10240 : index
    %get3A_3 = arith.constant 0 : index
    %get3A_4 = vector.load %arg2[%get3A_2, %get3A_3] : memref<20480x1xf32, #tpu.memory_space<vmem>>, vector<10240x1xf32>
    %add3A = arith.addf %get3A_1, %get3A_4 : vector<10240x1xf32>
    %add3A_5 = arith.constant 1.000000e+00 : f32
    %add3A_6 = vector.broadcast %add3A_5 : f32 to vector<10240x1xf32>
    %add3A_7 = arith.addf %add3A, %add3A_6 : vector<10240x1xf32>
    %rsqrt3A = math.rsqrt %add3A_7 : vector<10240x1xf32>
    %broadcast_in_dim3A = vector.shape_cast %rsqrt3A : vector<10240x1xf32> to vector<10240x1xf32>
    %broadcast_in_dim3A_8 = vector.broadcast %broadcast_in_dim3A : vector<10240x1xf32> to vector<10240x128xf32>
    %get3A_9 = arith.constant 0 : index
    %get3A_10 = arith.constant 0 : index
    %get3A_11 = arith.constant 0 : index
    %get3A_12 = vector.load %arg0[%get3A_9, %get3A_10, %get3A_11] : memref<2x10240x128xf32, #tpu.memory_space<vmem>>, vector<1x10240x128xf32>
    %get3A_13 = vector.shape_cast %get3A_12 : vector<1x10240x128xf32> to vector<10240x128xf32>
    %get3A_14 = arith.constant 1 : index
    %get3A_15 = arith.constant 0 : index
    %get3A_16 = arith.constant 0 : index
    %get3A_17 = vector.load %arg0[%get3A_14, %get3A_15, %get3A_16] : memref<2x10240x128xf32, #tpu.memory_space<vmem>>, vector<1x10240x128xf32>
    %get3A_18 = vector.shape_cast %get3A_17 : vector<1x10240x128xf32> to vector<10240x128xf32>
    %add3A_19 = arith.addf %get3A_13, %get3A_18 : vector<10240x128xf32>
    %get3A_20 = arith.constant 0 : index
    %get3A_21 = arith.constant 0 : index
    %get3A_22 = vector.load %arg1[%get3A_20, %get3A_21] : memref<10240x128xf32, #tpu.memory_space<vmem>>, vector<10240x128xf32>
    %add3A_23 = arith.addf %add3A_19, %get3A_22 : vector<10240x128xf32>
    %mul3A = arith.mulf %broadcast_in_dim3A_8, %add3A_23 : vector<10240x128xf32>
    %get3A_24 = arith.constant 0 : index
    %get3A_25 = arith.constant 0 : index
    %get3A_26 = vector.load %arg4[%get3A_24, %get3A_25] : memref<1x128xf32, #tpu.memory_space<vmem>>, vector<1x128xf32>
    %add3A_27 = vector.broadcast %get3A_26 : vector<1x128xf32> to vector<10240x128xf32>
    %add3A_28 = arith.addf %mul3A, %add3A_27 : vector<10240x128xf32>
    %max3A = arith.constant 0.000000e+00 : f32
    %max3A_29 = vector.broadcast %max3A : f32 to vector<10240x128xf32>
    %max3A_30 = arith.maximumf %add3A_28, %max3A_29 : vector<10240x128xf32>
    %get3A_31 = arith.constant 0 : index
    %get3A_32 = arith.constant 0 : index
    %get3A_33 = vector.load %arg3[%get3A_31, %get3A_32] : memref<128x128xf32, #tpu.memory_space<vmem>>, vector<128x128xf32>
    %dot_general3A = arith.constant dense<0.000000e+00> : vector<10240x128xf32>
    %dot_general3A_34 = tpu.matmul %max3A_30, %get3A_33, %dot_general3A {dimension_numbers = #tpu.dot_dimension_numbers<[1], [0], [0], [1], [0, 0, 1, 1], [], []>, transpose_lhs_hint = false} : vector<10240x128xf32>, vector<128x128xf32>, vector<10240x128xf32> -> vector<10240x128xf32>
    %mul3A_35 = arith.mulf %broadcast_in_dim3A_8, %dot_general3A_34 : vector<10240x128xf32>
    %swap3A = arith.constant 0 : index
    %swap3A_36 = arith.constant 0 : index
    %swap3A_37 = vector.load %arg5[%swap3A, %swap3A_36] : memref<10240x128xf32, #tpu.memory_space<vmem>>, vector<10240x128xf32>
    tpu.vector_store %arg5[%swap3A, %swap3A_36], %mul3A_35 {strides = array<i32>} : memref<10240x128xf32, #tpu.memory_space<vmem>>, vector<10240x128xf32>,
    return
  }
}

module attributes {stable_mosaic.version = 14 : i64} {
  func.func @body(%arg0: memref<2x10240x128xf32, #tpu.memory_space<vmem>>, %arg1: memref<10240x128xf32, #tpu.memory_space<vmem>>, %arg2: memref<20480x1xf32, #tpu.memory_space<vmem>>, %arg3: memref<1x128xf32, #tpu.memory_space<vmem>>, %arg4: memref<10240x128xf32, #tpu.memory_space<vmem>>) attributes {dimension_semantics = [], scalar_prefetch = 0 : i64, scratch_operands = 0 : i64, tpu.core_type = #tpu.core_type<tc>} {
    %get3A = arith.constant 0 : index
    %get3A_0 = arith.constant 0 : index
    %get3A_1 = vector.load %arg2[%get3A, %get3A_0] : memref<20480x1xf32, #tpu.memory_space<vmem>>, vector<10240x1xf32>
    %get3A_2 = arith.constant 10240 : index
    %get3A_3 = arith.constant 0 : index
    %get3A_4 = vector.load %arg2[%get3A_2, %get3A_3] : memref<20480x1xf32, #tpu.memory_space<vmem>>, vector<10240x1xf32>
    %add3A = arith.addf %get3A_1, %get3A_4 : vector<10240x1xf32>
    %add3A_5 = arith.constant 1.000000e+00 : f32
    %add3A_6 = vector.broadcast %add3A_5 : f32 to vector<10240x1xf32>
    %add3A_7 = arith.addf %add3A, %add3A_6 : vector<10240x1xf32>
    %rsqrt3A = math.rsqrt %add3A_7 : vector<10240x1xf32>
    %broadcast_in_dim3A = vector.shape_cast %rsqrt3A : vector<10240x1xf32> to vector<10240x1xf32>
    %broadcast_in_dim3A_8 = vector.broadcast %broadcast_in_dim3A : vector<10240x1xf32> to vector<10240x128xf32>
    %get3A_9 = arith.constant 0 : index
    %get3A_10 = arith.constant 0 : index
    %get3A_11 = arith.constant 0 : index
    %get3A_12 = vector.load %arg0[%get3A_9, %get3A_10, %get3A_11] : memref<2x10240x128xf32, #tpu.memory_space<vmem>>, vector<1x10240x128xf32>
    %get3A_13 = vector.shape_cast %get3A_12 : vector<1x10240x128xf32> to vector<10240x128xf32>
    %get3A_14 = arith.constant 1 : index
    %get3A_15 = arith.constant 0 : index
    %get3A_16 = arith.constant 0 : index
    %get3A_17 = vector.load %arg0[%get3A_14, %get3A_15, %get3A_16] : memref<2x10240x128xf32, #tpu.memory_space<vmem>>, vector<1x10240x128xf32>
    %get3A_18 = vector.shape_cast %get3A_17 : vector<1x10240x128xf32> to vector<10240x128xf32>
    %add3A_19 = arith.addf %get3A_13, %get3A_18 : vector<10240x128xf32>
    %get3A_20 = arith.constant 0 : index
    %get3A_21 = arith.constant 0 : index
    %get3A_22 = vector.load %arg1[%get3A_20, %get3A_21] : memref<10240x128xf32, #tpu.memory_space<vmem>>, vector<10240x128xf32>
    %add3A_23 = arith.addf %add3A_19, %get3A_22 : vector<10240x128xf32>
    %mul3A = arith.mulf %broadcast_in_dim3A_8, %add3A_23 : vector<10240x128xf32>
    %get3A_24 = arith.constant 0 : index
    %get3A_25 = arith.constant 0 : index
    %get3A_26 = vector.load %arg3[%get3A_24, %get3A_25] : memref<1x128xf32, #tpu.memory_space<vmem>>, vector<1x128xf32>
    %add3A_27 = vector.broadcast %get3A_26 : vector<1x128xf32> to vector<10240x128xf32>
    %add3A_28 = arith.addf %mul3A, %add3A_27 : vector<10240x128xf32>
    %max3A = arith.constant 0.000000e+00 : f32
    %max3A_29 = vector.broadcast %max3A : f32 to vector<10240x128xf32>
    %max3A_30 = arith.maximumf %add3A_28, %max3A_29 : vector<10240x128xf32>
    %swap3A = arith.constant 0 : index
    %swap3A_31 = arith.constant 0 : index
    %swap3A_32 = vector.load %arg4[%swap3A, %swap3A_31] : memref<10240x128xf32, #tpu.memory_space<vmem>>, vector<10240x128xf32>
    tpu.vector_store %arg4[%swap3A, %swap3A_31], %max3A_30 {strides = array<i32>} : memref<10240x128xf32, #tpu.memory_space<vmem>>, vector<10240x128xf32>,
    return
  }
}

module attributes {stable_mosaic.version = 14 : i64} {
  func.func @body(%arg0: i32, %arg1: memref<129xi32, #tpu.memory_space<smem>>, %arg2: memref<10240x128xf32, #tpu.memory_space<vmem>>, %arg3: memref<8x128xf32, #tpu.memory_space<vmem>>) attributes {dimension_semantics = [#tpu.dimension_semantics<arbitrary>], iteration_bounds = array<i64: 16>, scalar_prefetch = 1 : i64, scratch_operands = 0 : i64, tpu.core_type = #tpu.core_type<tc>, window_params = [{pipeline_mode = #tpu.pipeline_mode<synchronous>, transform_indices = @transform_0, window_bounds = array<i64: 10240, 128>}, {transform_indices = @transform_1, window_bounds = array<i64: 8, 128>}]} {
    %mul3A = arith.constant 8 : i32
    %mul3A_0 = arith.muli %arg0, %mul3A : i32
    %add3A = arith.constant 0 : i32
    %add3A_1 = arith.addi %mul3A_0, %add3A : i32
    %get3A = arith.index_cast %add3A_1 : i32 to index
    %get3A_2 = memref.load %arg1[%get3A] : memref<129xi32, #tpu.memory_space<smem>>
    %add3A_3 = arith.constant 0 : i32
    %add3A_4 = arith.addi %mul3A_0, %add3A_3 : i32
    %add3A_5 = arith.constant 1 : i32
    %add3A_6 = arith.addi %add3A_4, %add3A_5 : i32
    %get3A_7 = arith.index_cast %add3A_6 : i32 to index
    %get3A_8 = memref.load %arg1[%get3A_7] : memref<129xi32, #tpu.memory_space<smem>>
    %sub3A = arith.subi %get3A_8, %get3A_2 : i32
    %add3A_9 = arith.constant 7 : i32
    %add3A_10 = arith.addi %sub3A, %add3A_9 : i32
    %jit3A = arith.constant 8 : i32
    %div3A = arith.divsi %add3A_10, %jit3A : i32
    %sign3A = arith.constant 0 : i32
    %sign3A_11 = arith.cmpi sgt, %add3A_10, %sign3A : i32
    %sign3A_12 = arith.extui %sign3A_11 : i1 to i32
    %sign3A_13 = arith.constant 0 : i32
    %sign3A_14 = arith.cmpi slt, %add3A_10, %sign3A_13 : i32
    %sign3A_15 = arith.extui %sign3A_14 : i1 to i32
    %sign3A_16 = arith.subi %sign3A_12, %sign3A_15 : i32
    %sign3A_17 = arith.constant 0 : i32
    %sign3A_18 = arith.cmpi sgt, %jit3A, %sign3A_17 : i32
    %sign3A_19 = arith.extui %sign3A_18 : i1 to i32
    %sign3A_20 = arith.constant 0 : i32
    %sign3A_21 = arith.cmpi slt, %jit3A, %sign3A_20 : i32
    %sign3A_22 = arith.extui %sign3A_21 : i1 to i32
    %sign3A_23 = arith.subi %sign3A_19, %sign3A_22 : i32
    %ne3A = arith.cmpi ne, %sign3A_16, %sign3A_23 : i32
    %rem3A = arith.remsi %add3A_10, %jit3A : i32
    %ne3A_24 = arith.constant 0 : i32
    %ne3A_25 = arith.cmpi ne, %rem3A, %ne3A_24 : i32
    %and3A = arith.andi %ne3A, %ne3A_25 : i1
    %sub3A_26 = arith.constant 1 : i32
    %sub3A_27 = arith.subi %div3A, %sub3A_26 : i32
    %select_n3A = arith.select %and3A, %sub3A_27, %div3A : i32
    %broadcast_in_dim3A = arith.constant 0xFF800000 : f32
    %broadcast_in_dim3A_28 = vector.broadcast %broadcast_in_dim3A : f32 to vector<8x128xf32>
    %while3A = arith.constant 0 : i32
    %while3A_29 = arith.subi %select_n3A, %while3A : i32
    %while3A_30 = arith.addi %while3A, %while3A_29 : i32
    %while3A_31 = arith.constant 1 : i32
    %while3A_32 = arith.divsi %while3A_29, %while3A_31 : i32
    %while3A_33 = arith.muli %while3A_32, %while3A_31 : i32
    %while3A_34 = arith.addi %while3A, %while3A_33 : i32
    %while3A_35 = arith.constant 1 : i32
    %while3A_36 = scf.for %while3A_443 = %while3A to %while3A_34 step %while3A_35 iter_args(%while3A_444 = %broadcast_in_dim3A_28) -> (vector<8x128xf32>)  : i32 {
      %mul3A_445 = arith.constant 8 : i32
      %mul3A_446 = arith.muli %while3A_443, %mul3A_445 : i32
      %add3A_447 = arith.addi %get3A_2, %mul3A_446 : i32
      %get3A_448 = arith.index_cast %add3A_447 : i32 to index
      %get3A_449 = arith.constant 0 : index
      %get3A_450 = vector.load %arg2[%get3A_448, %get3A_449] : memref<10240x128xf32, #tpu.memory_space<vmem>>, vector<8x128xf32>
      %iota3A = tpu.iota {dimensions = array<i32: 0>} : vector<8x1xi32>
      %add3A_451 = vector.broadcast %add3A_447 : i32 to vector<8x1xi32>
      %add3A_452 = arith.addi %add3A_451, %iota3A : vector<8x1xi32>
      %lt3A = vector.broadcast %get3A_8 : i32 to vector<8x1xi32>
      %lt3A_453 = arith.cmpi slt, %add3A_452, %lt3A : vector<8x1xi32>
      %jit3A_454 = arith.constant 0xFF800000 : f32
      %broadcast_in_dim3A_455 = vector.shape_cast %lt3A_453 : vector<8x1xi1> to vector<8x1xi1>
      %broadcast_in_dim3A_456 = vector.broadcast %broadcast_in_dim3A_455 : vector<8x1xi1> to vector<8x128xi1>
      %broadcast_in_dim3A_457 = vector.broadcast %jit3A_454 : f32 to vector<8x128xf32>
      %select_n3A_458 = arith.select %broadcast_in_dim3A_456, %get3A_450, %broadcast_in_dim3A_457 : vector<8x128xi1>, vector<8x128xf32>
      %max3A = arith.maximumf %while3A_444, %select_n3A_458 : vector<8x128xf32>
      scf.yield %max3A : vector<8x128xf32>
    }
    %while3A_37 = arith.constant 1 : i32
    %while3A_38 = scf.for %while3A_443 = %while3A_34 to %while3A_30 step %while3A_37 iter_args(%while3A_444 = %while3A_36) -> (vector<8x128xf32>)  : i32 {
      %mul3A_445 = arith.constant 8 : i32
      %mul3A_446 = arith.muli %while3A_443, %mul3A_445 : i32
      %add3A_447 = arith.addi %get3A_2, %mul3A_446 : i32
      %get3A_448 = arith.index_cast %add3A_447 : i32 to index
      %get3A_449 = arith.constant 0 : index
      %get3A_450 = vector.load %arg2[%get3A_448, %get3A_449] : memref<10240x128xf32, #tpu.memory_space<vmem>>, vector<8x128xf32>
      %iota3A = tpu.iota {dimensions = array<i32: 0>} : vector<8x1xi32>
      %add3A_451 = vector.broadcast %add3A_447 : i32 to vector<8x1xi32>
      %add3A_452 = arith.addi %add3A_451, %iota3A : vector<8x1xi32>
      %lt3A = vector.broadcast %get3A_8 : i32 to vector<8x1xi32>
      %lt3A_453 = arith.cmpi slt, %add3A_452, %lt3A : vector<8x1xi32>
      %jit3A_454 = arith.constant 0xFF800000 : f32
      %broadcast_in_dim3A_455 = vector.shape_cast %lt3A_453 : vector<8x1xi1> to vector<8x1xi1>
      %broadcast_in_dim3A_456 = vector.broadcast %broadcast_in_dim3A_455 : vector<8x1xi1> to vector<8x128xi1>
      %broadcast_in_dim3A_457 = vector.broadcast %jit3A_454 : f32 to vector<8x128xf32>
      %select_n3A_458 = arith.select %broadcast_in_dim3A_456, %get3A_450, %broadcast_in_dim3A_457 : vector<8x128xi1>, vector<8x128xf32>
      %max3A = arith.maximumf %while3A_444, %select_n3A_458 : vector<8x128xf32>
      scf.yield %max3A : vector<8x128xf32>
    }
    %reduce_max3A = arith.constant dense<0xFF800000> : vector<128xf32>
    %reduce_max3A_39 = vector.multi_reduction <maximumf>, %while3A_38, %reduce_max3A [0] : vector<8x128xf32> to vector<128xf32>
    %swap3A = arith.constant 0 : index
    %swap3A_40 = arith.constant 0 : index
    %swap3A_41 = vector.load %arg3[%swap3A, %swap3A_40] : memref<8x128xf32, #tpu.memory_space<vmem>>, vector<1x128xf32>
    %swap3A_42 = vector.shape_cast %swap3A_41 : vector<1x128xf32> to vector<128xf32>
    %swap3A_43 = vector.shape_cast %reduce_max3A_39 : vector<128xf32> to vector<1x128xf32>
    tpu.vector_store %arg3[%swap3A, %swap3A_40], %swap3A_43 {strides = array<i32>} : memref<8x128xf32, #tpu.memory_space<vmem>>, vector<1x128xf32>,
    %add3A_44 = arith.constant 1 : i32
    %add3A_45 = arith.addi %mul3A_0, %add3A_44 : i32
    %get3A_46 = arith.index_cast %add3A_45 : i32 to index
    %get3A_47 = memref.load %arg1[%get3A_46] : memref<129xi32, #tpu.memory_space<smem>>
    %add3A_48 = arith.constant 1 : i32
    %add3A_49 = arith.addi %mul3A_0, %add3A_48 : i32
    %add3A_50 = arith.constant 1 : i32
    %add3A_51 = arith.addi %add3A_49, %add3A_50 : i32
    %get3A_52 = arith.index_cast %add3A_51 : i32 to index
    %get3A_53 = memref.load %arg1[%get3A_52] : memref<129xi32, #tpu.memory_space<smem>>
    %sub3A_54 = arith.subi %get3A_53, %get3A_47 : i32
    %add3A_55 = arith.constant 7 : i32
    %add3A_56 = arith.addi %sub3A_54, %add3A_55 : i32
    %jit3A_57 = arith.constant 8 : i32
    %div3A_58 = arith.divsi %add3A_56, %jit3A_57 : i32
    %sign3A_59 = arith.constant 0 : i32
    %sign3A_60 = arith.cmpi sgt, %add3A_56, %sign3A_59 : i32
    %sign3A_61 = arith.extui %sign3A_60 : i1 to i32
    %sign3A_62 = arith.constant 0 : i32
    %sign3A_63 = arith.cmpi slt, %add3A_56, %sign3A_62 : i32
    %sign3A_64 = arith.extui %sign3A_63 : i1 to i32
    %sign3A_65 = arith.subi %sign3A_61, %sign3A_64 : i32
    %sign3A_66 = arith.constant 0 : i32
    %sign3A_67 = arith.cmpi sgt, %jit3A_57, %sign3A_66 : i32
    %sign3A_68 = arith.extui %sign3A_67 : i1 to i32
    %sign3A_69 = arith.constant 0 : i32
    %sign3A_70 = arith.cmpi slt, %jit3A_57, %sign3A_69 : i32
    %sign3A_71 = arith.extui %sign3A_70 : i1 to i32
    %sign3A_72 = arith.subi %sign3A_68, %sign3A_71 : i32
    %ne3A_73 = arith.cmpi ne, %sign3A_65, %sign3A_72 : i32
    %rem3A_74 = arith.remsi %add3A_56, %jit3A_57 : i32
    %ne3A_75 = arith.constant 0 : i32
    %ne3A_76 = arith.cmpi ne, %rem3A_74, %ne3A_75 : i32
    %and3A_77 = arith.andi %ne3A_73, %ne3A_76 : i1
    %sub3A_78 = arith.constant 1 : i32
    %sub3A_79 = arith.subi %div3A_58, %sub3A_78 : i32
    %select_n3A_80 = arith.select %and3A_77, %sub3A_79, %div3A_58 : i32
    %broadcast_in_dim3A_81 = arith.constant 0xFF800000 : f32
    %broadcast_in_dim3A_82 = vector.broadcast %broadcast_in_dim3A_81 : f32 to vector<8x128xf32>
    %while3A_83 = arith.constant 0 : i32
    %while3A_84 = arith.subi %select_n3A_80, %while3A_83 : i32
    %while3A_85 = arith.addi %while3A_83, %while3A_84 : i32
    %while3A_86 = arith.constant 1 : i32
    %while3A_87 = arith.divsi %while3A_84, %while3A_86 : i32
    %while3A_88 = arith.muli %while3A_87, %while3A_86 : i32
    %while3A_89 = arith.addi %while3A_83, %while3A_88 : i32
    %while3A_90 = arith.constant 1 : i32
    %while3A_91 = scf.for %while3A_443 = %while3A_83 to %while3A_89 step %while3A_90 iter_args(%while3A_444 = %broadcast_in_dim3A_82) -> (vector<8x128xf32>)  : i32 {
      %mul3A_445 = arith.constant 8 : i32
      %mul3A_446 = arith.muli %while3A_443, %mul3A_445 : i32
      %add3A_447 = arith.addi %get3A_47, %mul3A_446 : i32
      %get3A_448 = arith.index_cast %add3A_447 : i32 to index
      %get3A_449 = arith.constant 0 : index
      %get3A_450 = vector.load %arg2[%get3A_448, %get3A_449] : memref<10240x128xf32, #tpu.memory_space<vmem>>, vector<8x128xf32>
      %iota3A = tpu.iota {dimensions = array<i32: 0>} : vector<8x1xi32>
      %add3A_451 = vector.broadcast %add3A_447 : i32 to vector<8x1xi32>
      %add3A_452 = arith.addi %add3A_451, %iota3A : vector<8x1xi32>
      %lt3A = vector.broadcast %get3A_53 : i32 to vector<8x1xi32>
      %lt3A_453 = arith.cmpi slt, %add3A_452, %lt3A : vector<8x1xi32>
      %jit3A_454 = arith.constant 0xFF800000 : f32
      %broadcast_in_dim3A_455 = vector.shape_cast %lt3A_453 : vector<8x1xi1> to vector<8x1xi1>
      %broadcast_in_dim3A_456 = vector.broadcast %broadcast_in_dim3A_455 : vector<8x1xi1> to vector<8x128xi1>
      %broadcast_in_dim3A_457 = vector.broadcast %jit3A_454 : f32 to vector<8x128xf32>
      %select_n3A_458 = arith.select %broadcast_in_dim3A_456, %get3A_450, %broadcast_in_dim3A_457 : vector<8x128xi1>, vector<8x128xf32>
      %max3A = arith.maximumf %while3A_444, %select_n3A_458 : vector<8x128xf32>
      scf.yield %max3A : vector<8x128xf32>
    }
    %while3A_92 = arith.constant 1 : i32
    %while3A_93 = scf.for %while3A_443 = %while3A_89 to %while3A_85 step %while3A_92 iter_args(%while3A_444 = %while3A_91) -> (vector<8x128xf32>)  : i32 {
      %mul3A_445 = arith.constant 8 : i32
      %mul3A_446 = arith.muli %while3A_443, %mul3A_445 : i32
      %add3A_447 = arith.addi %get3A_47, %mul3A_446 : i32
      %get3A_448 = arith.index_cast %add3A_447 : i32 to index
      %get3A_449 = arith.constant 0 : index
      %get3A_450 = vector.load %arg2[%get3A_448, %get3A_449] : memref<10240x128xf32, #tpu.memory_space<vmem>>, vector<8x128xf32>
      %iota3A = tpu.iota {dimensions = array<i32: 0>} : vector<8x1xi32>
      %add3A_451 = vector.broadcast %add3A_447 : i32 to vector<8x1xi32>
      %add3A_452 = arith.addi %add3A_451, %iota3A : vector<8x1xi32>
      %lt3A = vector.broadcast %get3A_53 : i32 to vector<8x1xi32>
      %lt3A_453 = arith.cmpi slt, %add3A_452, %lt3A : vector<8x1xi32>
      %jit3A_454 = arith.constant 0xFF800000 : f32
      %broadcast_in_dim3A_455 = vector.shape_cast %lt3A_453 : vector<8x1xi1> to vector<8x1xi1>
      %broadcast_in_dim3A_456 = vector.broadcast %broadcast_in_dim3A_455 : vector<8x1xi1> to vector<8x128xi1>
      %broadcast_in_dim3A_457 = vector.broadcast %jit3A_454 : f32 to vector<8x128xf32>
      %select_n3A_458 = arith.select %broadcast_in_dim3A_456, %get3A_450, %broadcast_in_dim3A_457 : vector<8x128xi1>, vector<8x128xf32>
      %max3A = arith.maximumf %while3A_444, %select_n3A_458 : vector<8x128xf32>
      scf.yield %max3A : vector<8x128xf32>
    }
    %reduce_max3A_94 = arith.constant dense<0xFF800000> : vector<128xf32>
    %reduce_max3A_95 = vector.multi_reduction <maximumf>, %while3A_93, %reduce_max3A_94 [0] : vector<8x128xf32> to vector<128xf32>
    %swap3A_96 = arith.constant 1 : index
    %swap3A_97 = arith.constant 0 : index
    %swap3A_98 = vector.load %arg3[%swap3A_96, %swap3A_97] : memref<8x128xf32, #tpu.memory_space<vmem>>, vector<1x128xf32>
    %swap3A_99 = vector.shape_cast %swap3A_98 : vector<1x128xf32> to vector<128xf32>
    %swap3A_100 = vector.shape_cast %reduce_max3A_95 : vector<128xf32> to vector<1x128xf32>
    tpu.vector_store %arg3[%swap3A_96, %swap3A_97], %swap3A_100 {strides = array<i32>} : memref<8x128xf32, #tpu.memory_space<vmem>>, vector<1x128xf32>,
    %add3A_101 = arith.constant 2 : i32
    %add3A_102 = arith.addi %mul3A_0, %add3A_101 : i32
    %get3A_103 = arith.index_cast %add3A_102 : i32 to index
    %get3A_104 = memref.load %arg1[%get3A_103] : memref<129xi32, #tpu.memory_space<smem>>
    %add3A_105 = arith.constant 2 : i32
    %add3A_106 = arith.addi %mul3A_0, %add3A_105 : i32
    %add3A_107 = arith.constant 1 : i32
    %add3A_108 = arith.addi %add3A_106, %add3A_107 : i32
    %get3A_109 = arith.index_cast %add3A_108 : i32 to index
    %get3A_110 = memref.load %arg1[%get3A_109] : memref<129xi32, #tpu.memory_space<smem>>
    %sub3A_111 = arith.subi %get3A_110, %get3A_104 : i32
    %add3A_112 = arith.constant 7 : i32
    %add3A_113 = arith.addi %sub3A_111, %add3A_112 : i32
    %jit3A_114 = arith.constant 8 : i32
    %div3A_115 = arith.divsi %add3A_113, %jit3A_114 : i32
    %sign3A_116 = arith.constant 0 : i32
    %sign3A_117 = arith.cmpi sgt, %add3A_113, %sign3A_116 : i32
    %sign3A_118 = arith.extui %sign3A_117 : i1 to i32
    %sign3A_119 = arith.constant 0 : i32
    %sign3A_120 = arith.cmpi slt, %add3A_113, %sign3A_119 : i32
    %sign3A_121 = arith.extui %sign3A_120 : i1 to i32
    %sign3A_122 = arith.subi %sign3A_118, %sign3A_121 : i32
    %sign3A_123 = arith.constant 0 : i32
    %sign3A_124 = arith.cmpi sgt, %jit3A_114, %sign3A_123 : i32
    %sign3A_125 = arith.extui %sign3A_124 : i1 to i32
    %sign3A_126 = arith.constant 0 : i32
    %sign3A_127 = arith.cmpi slt, %jit3A_114, %sign3A_126 : i32
    %sign3A_128 = arith.extui %sign3A_127 : i1 to i32
    %sign3A_129 = arith.subi %sign3A_125, %sign3A_128 : i32
    %ne3A_130 = arith.cmpi ne, %sign3A_122, %sign3A_129 : i32
    %rem3A_131 = arith.remsi %add3A_113, %jit3A_114 : i32
    %ne3A_132 = arith.constant 0 : i32
    %ne3A_133 = arith.cmpi ne, %rem3A_131, %ne3A_132 : i32
    %and3A_134 = arith.andi %ne3A_130, %ne3A_133 : i1
    %sub3A_135 = arith.constant 1 : i32
    %sub3A_136 = arith.subi %div3A_115, %sub3A_135 : i32
    %select_n3A_137 = arith.select %and3A_134, %sub3A_136, %div3A_115 : i32
    %broadcast_in_dim3A_138 = arith.constant 0xFF800000 : f32
    %broadcast_in_dim3A_139 = vector.broadcast %broadcast_in_dim3A_138 : f32 to vector<8x128xf32>
    %while3A_140 = arith.constant 0 : i32
    %while3A_141 = arith.subi %select_n3A_137, %while3A_140 : i32
    %while3A_142 = arith.addi %while3A_140, %while3A_141 : i32
    %while3A_143 = arith.constant 1 : i32
    %while3A_144 = arith.divsi %while3A_141, %while3A_143 : i32
    %while3A_145 = arith.muli %while3A_144, %while3A_143 : i32
    %while3A_146 = arith.addi %while3A_140, %while3A_145 : i32
    %while3A_147 = arith.constant 1 : i32
    %while3A_148 = scf.for %while3A_443 = %while3A_140 to %while3A_146 step %while3A_147 iter_args(%while3A_444 = %broadcast_in_dim3A_139) -> (vector<8x128xf32>)  : i32 {
      %mul3A_445 = arith.constant 8 : i32
      %mul3A_446 = arith.muli %while3A_443, %mul3A_445 : i32
      %add3A_447 = arith.addi %get3A_104, %mul3A_446 : i32
      %get3A_448 = arith.index_cast %add3A_447 : i32 to index
      %get3A_449 = arith.constant 0 : index
      %get3A_450 = vector.load %arg2[%get3A_448, %get3A_449] : memref<10240x128xf32, #tpu.memory_space<vmem>>, vector<8x128xf32>
      %iota3A = tpu.iota {dimensions = array<i32: 0>} : vector<8x1xi32>
      %add3A_451 = vector.broadcast %add3A_447 : i32 to vector<8x1xi32>
      %add3A_452 = arith.addi %add3A_451, %iota3A : vector<8x1xi32>
      %lt3A = vector.broadcast %get3A_110 : i32 to vector<8x1xi32>
      %lt3A_453 = arith.cmpi slt, %add3A_452, %lt3A : vector<8x1xi32>
      %jit3A_454 = arith.constant 0xFF800000 : f32
      %broadcast_in_dim3A_455 = vector.shape_cast %lt3A_453 : vector<8x1xi1> to vector<8x1xi1>
      %broadcast_in_dim3A_456 = vector.broadcast %broadcast_in_dim3A_455 : vector<8x1xi1> to vector<8x128xi1>
      %broadcast_in_dim3A_457 = vector.broadcast %jit3A_454 : f32 to vector<8x128xf32>
      %select_n3A_458 = arith.select %broadcast_in_dim3A_456, %get3A_450, %broadcast_in_dim3A_457 : vector<8x128xi1>, vector<8x128xf32>
      %max3A = arith.maximumf %while3A_444, %select_n3A_458 : vector<8x128xf32>
      scf.yield %max3A : vector<8x128xf32>
    }
    %while3A_149 = arith.constant 1 : i32
    %while3A_150 = scf.for %while3A_443 = %while3A_146 to %while3A_142 step %while3A_149 iter_args(%while3A_444 = %while3A_148) -> (vector<8x128xf32>)  : i32 {
      %mul3A_445 = arith.constant 8 : i32
      %mul3A_446 = arith.muli %while3A_443, %mul3A_445 : i32
      %add3A_447 = arith.addi %get3A_104, %mul3A_446 : i32
      %get3A_448 = arith.index_cast %add3A_447 : i32 to index
      %get3A_449 = arith.constant 0 : index
      %get3A_450 = vector.load %arg2[%get3A_448, %get3A_449] : memref<10240x128xf32, #tpu.memory_space<vmem>>, vector<8x128xf32>
      %iota3A = tpu.iota {dimensions = array<i32: 0>} : vector<8x1xi32>
      %add3A_451 = vector.broadcast %add3A_447 : i32 to vector<8x1xi32>
      %add3A_452 = arith.addi %add3A_451, %iota3A : vector<8x1xi32>
      %lt3A = vector.broadcast %get3A_110 : i32 to vector<8x1xi32>
      %lt3A_453 = arith.cmpi slt, %add3A_452, %lt3A : vector<8x1xi32>
      %jit3A_454 = arith.constant 0xFF800000 : f32
      %broadcast_in_dim3A_455 = vector.shape_cast %lt3A_453 : vector<8x1xi1> to vector<8x1xi1>
      %broadcast_in_dim3A_456 = vector.broadcast %broadcast_in_dim3A_455 : vector<8x1xi1> to vector<8x128xi1>
      %broadcast_in_dim3A_457 = vector.broadcast %jit3A_454 : f32 to vector<8x128xf32>
      %select_n3A_458 = arith.select %broadcast_in_dim3A_456, %get3A_450, %broadcast_in_dim3A_457 : vector<8x128xi1>, vector<8x128xf32>
      %max3A = arith.maximumf %while3A_444, %select_n3A_458 : vector<8x128xf32>
      scf.yield %max3A : vector<8x128xf32>
    }
    %reduce_max3A_151 = arith.constant dense<0xFF800000> : vector<128xf32>
    %reduce_max3A_152 = vector.multi_reduction <maximumf>, %while3A_150, %reduce_max3A_151 [0] : vector<8x128xf32> to vector<128xf32>
    %swap3A_153 = arith.constant 2 : index
    %swap3A_154 = arith.constant 0 : index
    %swap3A_155 = vector.load %arg3[%swap3A_153, %swap3A_154] : memref<8x128xf32, #tpu.memory_space<vmem>>, vector<1x128xf32>
    %swap3A_156 = vector.shape_cast %swap3A_155 : vector<1x128xf32> to vector<128xf32>
    %swap3A_157 = vector.shape_cast %reduce_max3A_152 : vector<128xf32> to vector<1x128xf32>
    tpu.vector_store %arg3[%swap3A_153, %swap3A_154], %swap3A_157 {strides = array<i32>} : memref<8x128xf32, #tpu.memory_space<vmem>>, vector<1x128xf32>,
    %add3A_158 = arith.constant 3 : i32
    %add3A_159 = arith.addi %mul3A_0, %add3A_158 : i32
    %get3A_160 = arith.index_cast %add3A_159 : i32 to index
    %get3A_161 = memref.load %arg1[%get3A_160] : memref<129xi32, #tpu.memory_space<smem>>
    %add3A_162 = arith.constant 3 : i32
    %add3A_163 = arith.addi %mul3A_0, %add3A_162 : i32
    %add3A_164 = arith.constant 1 : i32
    %add3A_165 = arith.addi %add3A_163, %add3A_164 : i32
    %get3A_166 = arith.index_cast %add3A_165 : i32 to index
    %get3A_167 = memref.load %arg1[%get3A_166] : memref<129xi32, #tpu.memory_space<smem>>
    %sub3A_168 = arith.subi %get3A_167, %get3A_161 : i32
    %add3A_169 = arith.constant 7 : i32
    %add3A_170 = arith.addi %sub3A_168, %add3A_169 : i32
    %jit3A_171 = arith.constant 8 : i32
    %div3A_172 = arith.divsi %add3A_170, %jit3A_171 : i32
    %sign3A_173 = arith.constant 0 : i32
    %sign3A_174 = arith.cmpi sgt, %add3A_170, %sign3A_173 : i32
    %sign3A_175 = arith.extui %sign3A_174 : i1 to i32
    %sign3A_176 = arith.constant 0 : i32
    %sign3A_177 = arith.cmpi slt, %add3A_170, %sign3A_176 : i32
    %sign3A_178 = arith.extui %sign3A_177 : i1 to i32
    %sign3A_179 = arith.subi %sign3A_175, %sign3A_178 : i32
    %sign3A_180 = arith.constant 0 : i32
    %sign3A_181 = arith.cmpi sgt, %jit3A_171, %sign3A_180 : i32
    %sign3A_182 = arith.extui %sign3A_181 : i1 to i32
    %sign3A_183 = arith.constant 0 : i32
    %sign3A_184 = arith.cmpi slt, %jit3A_171, %sign3A_183 : i32
    %sign3A_185 = arith.extui %sign3A_184 : i1 to i32
    %sign3A_186 = arith.subi %sign3A_182, %sign3A_185 : i32
    %ne3A_187 = arith.cmpi ne, %sign3A_179, %sign3A_186 : i32
    %rem3A_188 = arith.remsi %add3A_170, %jit3A_171 : i32
    %ne3A_189 = arith.constant 0 : i32
    %ne3A_190 = arith.cmpi ne, %rem3A_188, %ne3A_189 : i32
    %and3A_191 = arith.andi %ne3A_187, %ne3A_190 : i1
    %sub3A_192 = arith.constant 1 : i32
    %sub3A_193 = arith.subi %div3A_172, %sub3A_192 : i32
    %select_n3A_194 = arith.select %and3A_191, %sub3A_193, %div3A_172 : i32
    %broadcast_in_dim3A_195 = arith.constant 0xFF800000 : f32
    %broadcast_in_dim3A_196 = vector.broadcast %broadcast_in_dim3A_195 : f32 to vector<8x128xf32>
    %while3A_197 = arith.constant 0 : i32
    %while3A_198 = arith.subi %select_n3A_194, %while3A_197 : i32
    %while3A_199 = arith.addi %while3A_197, %while3A_198 : i32
    %while3A_200 = arith.constant 1 : i32
    %while3A_201 = arith.divsi %while3A_198, %while3A_200 : i32
    %while3A_202 = arith.muli %while3A_201, %while3A_200 : i32
    %while3A_203 = arith.addi %while3A_197, %while3A_202 : i32
    %while3A_204 = arith.constant 1 : i32
    %while3A_205 = scf.for %while3A_443 = %while3A_197 to %while3A_203 step %while3A_204 iter_args(%while3A_444 = %broadcast_in_dim3A_196) -> (vector<8x128xf32>)  : i32 {
      %mul3A_445 = arith.constant 8 : i32
      %mul3A_446 = arith.muli %while3A_443, %mul3A_445 : i32
      %add3A_447 = arith.addi %get3A_161, %mul3A_446 : i32
      %get3A_448 = arith.index_cast %add3A_447 : i32 to index
      %get3A_449 = arith.constant 0 : index
      %get3A_450 = vector.load %arg2[%get3A_448, %get3A_449] : memref<10240x128xf32, #tpu.memory_space<vmem>>, vector<8x128xf32>
      %iota3A = tpu.iota {dimensions = array<i32: 0>} : vector<8x1xi32>
      %add3A_451 = vector.broadcast %add3A_447 : i32 to vector<8x1xi32>
      %add3A_452 = arith.addi %add3A_451, %iota3A : vector<8x1xi32>
      %lt3A = vector.broadcast %get3A_167 : i32 to vector<8x1xi32>
      %lt3A_453 = arith.cmpi slt, %add3A_452, %lt3A : vector<8x1xi32>
      %jit3A_454 = arith.constant 0xFF800000 : f32
      %broadcast_in_dim3A_455 = vector.shape_cast %lt3A_453 : vector<8x1xi1> to vector<8x1xi1>
      %broadcast_in_dim3A_456 = vector.broadcast %broadcast_in_dim3A_455 : vector<8x1xi1> to vector<8x128xi1>
      %broadcast_in_dim3A_457 = vector.broadcast %jit3A_454 : f32 to vector<8x128xf32>
      %select_n3A_458 = arith.select %broadcast_in_dim3A_456, %get3A_450, %broadcast_in_dim3A_457 : vector<8x128xi1>, vector<8x128xf32>
      %max3A = arith.maximumf %while3A_444, %select_n3A_458 : vector<8x128xf32>
      scf.yield %max3A : vector<8x128xf32>
    }
    %while3A_206 = arith.constant 1 : i32
    %while3A_207 = scf.for %while3A_443 = %while3A_203 to %while3A_199 step %while3A_206 iter_args(%while3A_444 = %while3A_205) -> (vector<8x128xf32>)  : i32 {
      %mul3A_445 = arith.constant 8 : i32
      %mul3A_446 = arith.muli %while3A_443, %mul3A_445 : i32
      %add3A_447 = arith.addi %get3A_161, %mul3A_446 : i32
      %get3A_448 = arith.index_cast %add3A_447 : i32 to index
      %get3A_449 = arith.constant 0 : index
      %get3A_450 = vector.load %arg2[%get3A_448, %get3A_449] : memref<10240x128xf32, #tpu.memory_space<vmem>>, vector<8x128xf32>
      %iota3A = tpu.iota {dimensions = array<i32: 0>} : vector<8x1xi32>
      %add3A_451 = vector.broadcast %add3A_447 : i32 to vector<8x1xi32>
      %add3A_452 = arith.addi %add3A_451, %iota3A : vector<8x1xi32>
      %lt3A = vector.broadcast %get3A_167 : i32 to vector<8x1xi32>
      %lt3A_453 = arith.cmpi slt, %add3A_452, %lt3A : vector<8x1xi32>
      %jit3A_454 = arith.constant 0xFF800000 : f32
      %broadcast_in_dim3A_455 = vector.shape_cast %lt3A_453 : vector<8x1xi1> to vector<8x1xi1>
      %broadcast_in_dim3A_456 = vector.broadcast %broadcast_in_dim3A_455 : vector<8x1xi1> to vector<8x128xi1>
      %broadcast_in_dim3A_457 = vector.broadcast %jit3A_454 : f32 to vector<8x128xf32>
      %select_n3A_458 = arith.select %broadcast_in_dim3A_456, %get3A_450, %broadcast_in_dim3A_457 : vector<8x128xi1>, vector<8x128xf32>
      %max3A = arith.maximumf %while3A_444, %select_n3A_458 : vector<8x128xf32>
      scf.yield %max3A : vector<8x128xf32>
    }
    %reduce_max3A_208 = arith.constant dense<0xFF800000> : vector<128xf32>
    %reduce_max3A_209 = vector.multi_reduction <maximumf>, %while3A_207, %reduce_max3A_208 [0] : vector<8x128xf32> to vector<128xf32>
    %swap3A_210 = arith.constant 3 : index
    %swap3A_211 = arith.constant 0 : index
    %swap3A_212 = vector.load %arg3[%swap3A_210, %swap3A_211] : memref<8x128xf32, #tpu.memory_space<vmem>>, vector<1x128xf32>
    %swap3A_213 = vector.shape_cast %swap3A_212 : vector<1x128xf32> to vector<128xf32>
    %swap3A_214 = vector.shape_cast %reduce_max3A_209 : vector<128xf32> to vector<1x128xf32>
    tpu.vector_store %arg3[%swap3A_210, %swap3A_211], %swap3A_214 {strides = array<i32>} : memref<8x128xf32, #tpu.memory_space<vmem>>, vector<1x128xf32>,
    %add3A_215 = arith.constant 4 : i32
    %add3A_216 = arith.addi %mul3A_0, %add3A_215 : i32
    %get3A_217 = arith.index_cast %add3A_216 : i32 to index
    %get3A_218 = memref.load %arg1[%get3A_217] : memref<129xi32, #tpu.memory_space<smem>>
    %add3A_219 = arith.constant 4 : i32
    %add3A_220 = arith.addi %mul3A_0, %add3A_219 : i32
    %add3A_221 = arith.constant 1 : i32
    %add3A_222 = arith.addi %add3A_220, %add3A_221 : i32
    %get3A_223 = arith.index_cast %add3A_222 : i32 to index
    %get3A_224 = memref.load %arg1[%get3A_223] : memref<129xi32, #tpu.memory_space<smem>>
    %sub3A_225 = arith.subi %get3A_224, %get3A_218 : i32
    %add3A_226 = arith.constant 7 : i32
    %add3A_227 = arith.addi %sub3A_225, %add3A_226 : i32
    %jit3A_228 = arith.constant 8 : i32
    %div3A_229 = arith.divsi %add3A_227, %jit3A_228 : i32
    %sign3A_230 = arith.constant 0 : i32
    %sign3A_231 = arith.cmpi sgt, %add3A_227, %sign3A_230 : i32
    %sign3A_232 = arith.extui %sign3A_231 : i1 to i32
    %sign3A_233 = arith.constant 0 : i32
    %sign3A_234 = arith.cmpi slt, %add3A_227, %sign3A_233 : i32
    %sign3A_235 = arith.extui %sign3A_234 : i1 to i32
    %sign3A_236 = arith.subi %sign3A_232, %sign3A_235 : i32
    %sign3A_237 = arith.constant 0 : i32
    %sign3A_238 = arith.cmpi sgt, %jit3A_228, %sign3A_237 : i32
    %sign3A_239 = arith.extui %sign3A_238 : i1 to i32
    %sign3A_240 = arith.constant 0 : i32
    %sign3A_241 = arith.cmpi slt, %jit3A_228, %sign3A_240 : i32
    %sign3A_242 = arith.extui %sign3A_241 : i1 to i32
    %sign3A_243 = arith.subi %sign3A_239, %sign3A_242 : i32
    %ne3A_244 = arith.cmpi ne, %sign3A_236, %sign3A_243 : i32
    %rem3A_245 = arith.remsi %add3A_227, %jit3A_228 : i32
    %ne3A_246 = arith.constant 0 : i32
    %ne3A_247 = arith.cmpi ne, %rem3A_245, %ne3A_246 : i32
    %and3A_248 = arith.andi %ne3A_244, %ne3A_247 : i1
    %sub3A_249 = arith.constant 1 : i32
    %sub3A_250 = arith.subi %div3A_229, %sub3A_249 : i32
    %select_n3A_251 = arith.select %and3A_248, %sub3A_250, %div3A_229 : i32
    %broadcast_in_dim3A_252 = arith.constant 0xFF800000 : f32
    %broadcast_in_dim3A_253 = vector.broadcast %broadcast_in_dim3A_252 : f32 to vector<8x128xf32>
    %while3A_254 = arith.constant 0 : i32
    %while3A_255 = arith.subi %select_n3A_251, %while3A_254 : i32
    %while3A_256 = arith.addi %while3A_254, %while3A_255 : i32
    %while3A_257 = arith.constant 1 : i32
    %while3A_258 = arith.divsi %while3A_255, %while3A_257 : i32
    %while3A_259 = arith.muli %while3A_258, %while3A_257 : i32
    %while3A_260 = arith.addi %while3A_254, %while3A_259 : i32
    %while3A_261 = arith.constant 1 : i32
    %while3A_262 = scf.for %while3A_443 = %while3A_254 to %while3A_260 step %while3A_261 iter_args(%while3A_444 = %broadcast_in_dim3A_253) -> (vector<8x128xf32>)  : i32 {
      %mul3A_445 = arith.constant 8 : i32
      %mul3A_446 = arith.muli %while3A_443, %mul3A_445 : i32
      %add3A_447 = arith.addi %get3A_218, %mul3A_446 : i32
      %get3A_448 = arith.index_cast %add3A_447 : i32 to index
      %get3A_449 = arith.constant 0 : index
      %get3A_450 = vector.load %arg2[%get3A_448, %get3A_449] : memref<10240x128xf32, #tpu.memory_space<vmem>>, vector<8x128xf32>
      %iota3A = tpu.iota {dimensions = array<i32: 0>} : vector<8x1xi32>
      %add3A_451 = vector.broadcast %add3A_447 : i32 to vector<8x1xi32>
      %add3A_452 = arith.addi %add3A_451, %iota3A : vector<8x1xi32>
      %lt3A = vector.broadcast %get3A_224 : i32 to vector<8x1xi32>
      %lt3A_453 = arith.cmpi slt, %add3A_452, %lt3A : vector<8x1xi32>
      %jit3A_454 = arith.constant 0xFF800000 : f32
      %broadcast_in_dim3A_455 = vector.shape_cast %lt3A_453 : vector<8x1xi1> to vector<8x1xi1>
      %broadcast_in_dim3A_456 = vector.broadcast %broadcast_in_dim3A_455 : vector<8x1xi1> to vector<8x128xi1>
      %broadcast_in_dim3A_457 = vector.broadcast %jit3A_454 : f32 to vector<8x128xf32>
      %select_n3A_458 = arith.select %broadcast_in_dim3A_456, %get3A_450, %broadcast_in_dim3A_457 : vector<8x128xi1>, vector<8x128xf32>
      %max3A = arith.maximumf %while3A_444, %select_n3A_458 : vector<8x128xf32>
      scf.yield %max3A : vector<8x128xf32>
    }
    %while3A_263 = arith.constant 1 : i32
    %while3A_264 = scf.for %while3A_443 = %while3A_260 to %while3A_256 step %while3A_263 iter_args(%while3A_444 = %while3A_262) -> (vector<8x128xf32>)  : i32 {
      %mul3A_445 = arith.constant 8 : i32
      %mul3A_446 = arith.muli %while3A_443, %mul3A_445 : i32
      %add3A_447 = arith.addi %get3A_218, %mul3A_446 : i32
      %get3A_448 = arith.index_cast %add3A_447 : i32 to index
      %get3A_449 = arith.constant 0 : index
      %get3A_450 = vector.load %arg2[%get3A_448, %get3A_449] : memref<10240x128xf32, #tpu.memory_space<vmem>>, vector<8x128xf32>
      %iota3A = tpu.iota {dimensions = array<i32: 0>} : vector<8x1xi32>
      %add3A_451 = vector.broadcast %add3A_447 : i32 to vector<8x1xi32>
      %add3A_452 = arith.addi %add3A_451, %iota3A : vector<8x1xi32>
      %lt3A = vector.broadcast %get3A_224 : i32 to vector<8x1xi32>
      %lt3A_453 = arith.cmpi slt, %add3A_452, %lt3A : vector<8x1xi32>
      %jit3A_454 = arith.constant 0xFF800000 : f32
      %broadcast_in_dim3A_455 = vector.shape_cast %lt3A_453 : vector<8x1xi1> to vector<8x1xi1>
      %broadcast_in_dim3A_456 = vector.broadcast %broadcast_in_dim3A_455 : vector<8x1xi1> to vector<8x128xi1>
      %broadcast_in_dim3A_457 = vector.broadcast %jit3A_454 : f32 to vector<8x128xf32>
      %select_n3A_458 = arith.select %broadcast_in_dim3A_456, %get3A_450, %broadcast_in_dim3A_457 : vector<8x128xi1>, vector<8x128xf32>
      %max3A = arith.maximumf %while3A_444, %select_n3A_458 : vector<8x128xf32>
      scf.yield %max3A : vector<8x128xf32>
    }
    %reduce_max3A_265 = arith.constant dense<0xFF800000> : vector<128xf32>
    %reduce_max3A_266 = vector.multi_reduction <maximumf>, %while3A_264, %reduce_max3A_265 [0] : vector<8x128xf32> to vector<128xf32>
    %swap3A_267 = arith.constant 4 : index
    %swap3A_268 = arith.constant 0 : index
    %swap3A_269 = vector.load %arg3[%swap3A_267, %swap3A_268] : memref<8x128xf32, #tpu.memory_space<vmem>>, vector<1x128xf32>
    %swap3A_270 = vector.shape_cast %swap3A_269 : vector<1x128xf32> to vector<128xf32>
    %swap3A_271 = vector.shape_cast %reduce_max3A_266 : vector<128xf32> to vector<1x128xf32>
    tpu.vector_store %arg3[%swap3A_267, %swap3A_268], %swap3A_271 {strides = array<i32>} : memref<8x128xf32, #tpu.memory_space<vmem>>, vector<1x128xf32>,
    %add3A_272 = arith.constant 5 : i32
    %add3A_273 = arith.addi %mul3A_0, %add3A_272 : i32
    %get3A_274 = arith.index_cast %add3A_273 : i32 to index
    %get3A_275 = memref.load %arg1[%get3A_274] : memref<129xi32, #tpu.memory_space<smem>>
    %add3A_276 = arith.constant 5 : i32
    %add3A_277 = arith.addi %mul3A_0, %add3A_276 : i32
    %add3A_278 = arith.constant 1 : i32
    %add3A_279 = arith.addi %add3A_277, %add3A_278 : i32
    %get3A_280 = arith.index_cast %add3A_279 : i32 to index
    %get3A_281 = memref.load %arg1[%get3A_280] : memref<129xi32, #tpu.memory_space<smem>>
    %sub3A_282 = arith.subi %get3A_281, %get3A_275 : i32
    %add3A_283 = arith.constant 7 : i32
    %add3A_284 = arith.addi %sub3A_282, %add3A_283 : i32
    %jit3A_285 = arith.constant 8 : i32
    %div3A_286 = arith.divsi %add3A_284, %jit3A_285 : i32
    %sign3A_287 = arith.constant 0 : i32
    %sign3A_288 = arith.cmpi sgt, %add3A_284, %sign3A_287 : i32
    %sign3A_289 = arith.extui %sign3A_288 : i1 to i32
    %sign3A_290 = arith.constant 0 : i32
    %sign3A_291 = arith.cmpi slt, %add3A_284, %sign3A_290 : i32
    %sign3A_292 = arith.extui %sign3A_291 : i1 to i32
    %sign3A_293 = arith.subi %sign3A_289, %sign3A_292 : i32
    %sign3A_294 = arith.constant 0 : i32
    %sign3A_295 = arith.cmpi sgt, %jit3A_285, %sign3A_294 : i32
    %sign3A_296 = arith.extui %sign3A_295 : i1 to i32
    %sign3A_297 = arith.constant 0 : i32
    %sign3A_298 = arith.cmpi slt, %jit3A_285, %sign3A_297 : i32
    %sign3A_299 = arith.extui %sign3A_298 : i1 to i32
    %sign3A_300 = arith.subi %sign3A_296, %sign3A_299 : i32
    %ne3A_301 = arith.cmpi ne, %sign3A_293, %sign3A_300 : i32
    %rem3A_302 = arith.remsi %add3A_284, %jit3A_285 : i32
    %ne3A_303 = arith.constant 0 : i32
    %ne3A_304 = arith.cmpi ne, %rem3A_302, %ne3A_303 : i32
    %and3A_305 = arith.andi %ne3A_301, %ne3A_304 : i1
    %sub3A_306 = arith.constant 1 : i32
    %sub3A_307 = arith.subi %div3A_286, %sub3A_306 : i32
    %select_n3A_308 = arith.select %and3A_305, %sub3A_307, %div3A_286 : i32
    %broadcast_in_dim3A_309 = arith.constant 0xFF800000 : f32
    %broadcast_in_dim3A_310 = vector.broadcast %broadcast_in_dim3A_309 : f32 to vector<8x128xf32>
    %while3A_311 = arith.constant 0 : i32
    %while3A_312 = arith.subi %select_n3A_308, %while3A_311 : i32
    %while3A_313 = arith.addi %while3A_311, %while3A_312 : i32
    %while3A_314 = arith.constant 1 : i32
    %while3A_315 = arith.divsi %while3A_312, %while3A_314 : i32
    %while3A_316 = arith.muli %while3A_315, %while3A_314 : i32
    %while3A_317 = arith.addi %while3A_311, %while3A_316 : i32
    %while3A_318 = arith.constant 1 : i32
    %while3A_319 = scf.for %while3A_443 = %while3A_311 to %while3A_317 step %while3A_318 iter_args(%while3A_444 = %broadcast_in_dim3A_310) -> (vector<8x128xf32>)  : i32 {
      %mul3A_445 = arith.constant 8 : i32
      %mul3A_446 = arith.muli %while3A_443, %mul3A_445 : i32
      %add3A_447 = arith.addi %get3A_275, %mul3A_446 : i32
      %get3A_448 = arith.index_cast %add3A_447 : i32 to index
      %get3A_449 = arith.constant 0 : index
      %get3A_450 = vector.load %arg2[%get3A_448, %get3A_449] : memref<10240x128xf32, #tpu.memory_space<vmem>>, vector<8x128xf32>
      %iota3A = tpu.iota {dimensions = array<i32: 0>} : vector<8x1xi32>
      %add3A_451 = vector.broadcast %add3A_447 : i32 to vector<8x1xi32>
      %add3A_452 = arith.addi %add3A_451, %iota3A : vector<8x1xi32>
      %lt3A = vector.broadcast %get3A_281 : i32 to vector<8x1xi32>
      %lt3A_453 = arith.cmpi slt, %add3A_452, %lt3A : vector<8x1xi32>
      %jit3A_454 = arith.constant 0xFF800000 : f32
      %broadcast_in_dim3A_455 = vector.shape_cast %lt3A_453 : vector<8x1xi1> to vector<8x1xi1>
      %broadcast_in_dim3A_456 = vector.broadcast %broadcast_in_dim3A_455 : vector<8x1xi1> to vector<8x128xi1>
      %broadcast_in_dim3A_457 = vector.broadcast %jit3A_454 : f32 to vector<8x128xf32>
      %select_n3A_458 = arith.select %broadcast_in_dim3A_456, %get3A_450, %broadcast_in_dim3A_457 : vector<8x128xi1>, vector<8x128xf32>
      %max3A = arith.maximumf %while3A_444, %select_n3A_458 : vector<8x128xf32>
      scf.yield %max3A : vector<8x128xf32>
    }
    %while3A_320 = arith.constant 1 : i32
    %while3A_321 = scf.for %while3A_443 = %while3A_317 to %while3A_313 step %while3A_320 iter_args(%while3A_444 = %while3A_319) -> (vector<8x128xf32>)  : i32 {
      %mul3A_445 = arith.constant 8 : i32
      %mul3A_446 = arith.muli %while3A_443, %mul3A_445 : i32
      %add3A_447 = arith.addi %get3A_275, %mul3A_446 : i32
      %get3A_448 = arith.index_cast %add3A_447 : i32 to index
      %get3A_449 = arith.constant 0 : index
      %get3A_450 = vector.load %arg2[%get3A_448, %get3A_449] : memref<10240x128xf32, #tpu.memory_space<vmem>>, vector<8x128xf32>
      %iota3A = tpu.iota {dimensions = array<i32: 0>} : vector<8x1xi32>
      %add3A_451 = vector.broadcast %add3A_447 : i32 to vector<8x1xi32>
      %add3A_452 = arith.addi %add3A_451, %iota3A : vector<8x1xi32>
      %lt3A = vector.broadcast %get3A_281 : i32 to vector<8x1xi32>
      %lt3A_453 = arith.cmpi slt, %add3A_452, %lt3A : vector<8x1xi32>
      %jit3A_454 = arith.constant 0xFF800000 : f32
      %broadcast_in_dim3A_455 = vector.shape_cast %lt3A_453 : vector<8x1xi1> to vector<8x1xi1>
      %broadcast_in_dim3A_456 = vector.broadcast %broadcast_in_dim3A_455 : vector<8x1xi1> to vector<8x128xi1>
      %broadcast_in_dim3A_457 = vector.broadcast %jit3A_454 : f32 to vector<8x128xf32>
      %select_n3A_458 = arith.select %broadcast_in_dim3A_456, %get3A_450, %broadcast_in_dim3A_457 : vector<8x128xi1>, vector<8x128xf32>
      %max3A = arith.maximumf %while3A_444, %select_n3A_458 : vector<8x128xf32>
      scf.yield %max3A : vector<8x128xf32>
    }
    %reduce_max3A_322 = arith.constant dense<0xFF800000> : vector<128xf32>
    %reduce_max3A_323 = vector.multi_reduction <maximumf>, %while3A_321, %reduce_max3A_322 [0] : vector<8x128xf32> to vector<128xf32>
    %swap3A_324 = arith.constant 5 : index
    %swap3A_325 = arith.constant 0 : index
    %swap3A_326 = vector.load %arg3[%swap3A_324, %swap3A_325] : memref<8x128xf32, #tpu.memory_space<vmem>>, vector<1x128xf32>
    %swap3A_327 = vector.shape_cast %swap3A_326 : vector<1x128xf32> to vector<128xf32>
    %swap3A_328 = vector.shape_cast %reduce_max3A_323 : vector<128xf32> to vector<1x128xf32>
    tpu.vector_store %arg3[%swap3A_324, %swap3A_325], %swap3A_328 {strides = array<i32>} : memref<8x128xf32, #tpu.memory_space<vmem>>, vector<1x128xf32>,
    %add3A_329 = arith.constant 6 : i32
    %add3A_330 = arith.addi %mul3A_0, %add3A_329 : i32
    %get3A_331 = arith.index_cast %add3A_330 : i32 to index
    %get3A_332 = memref.load %arg1[%get3A_331] : memref<129xi32, #tpu.memory_space<smem>>
    %add3A_333 = arith.constant 6 : i32
    %add3A_334 = arith.addi %mul3A_0, %add3A_333 : i32
    %add3A_335 = arith.constant 1 : i32
    %add3A_336 = arith.addi %add3A_334, %add3A_335 : i32
    %get3A_337 = arith.index_cast %add3A_336 : i32 to index
    %get3A_338 = memref.load %arg1[%get3A_337] : memref<129xi32, #tpu.memory_space<smem>>
    %sub3A_339 = arith.subi %get3A_338, %get3A_332 : i32
    %add3A_340 = arith.constant 7 : i32
    %add3A_341 = arith.addi %sub3A_339, %add3A_340 : i32
    %jit3A_342 = arith.constant 8 : i32
    %div3A_343 = arith.divsi %add3A_341, %jit3A_342 : i32
    %sign3A_344 = arith.constant 0 : i32
    %sign3A_345 = arith.cmpi sgt, %add3A_341, %sign3A_344 : i32
    %sign3A_346 = arith.extui %sign3A_345 : i1 to i32
    %sign3A_347 = arith.constant 0 : i32
    %sign3A_348 = arith.cmpi slt, %add3A_341, %sign3A_347 : i32
    %sign3A_349 = arith.extui %sign3A_348 : i1 to i32
    %sign3A_350 = arith.subi %sign3A_346, %sign3A_349 : i32
    %sign3A_351 = arith.constant 0 : i32
    %sign3A_352 = arith.cmpi sgt, %jit3A_342, %sign3A_351 : i32
    %sign3A_353 = arith.extui %sign3A_352 : i1 to i32
    %sign3A_354 = arith.constant 0 : i32
    %sign3A_355 = arith.cmpi slt, %jit3A_342, %sign3A_354 : i32
    %sign3A_356 = arith.extui %sign3A_355 : i1 to i32
    %sign3A_357 = arith.subi %sign3A_353, %sign3A_356 : i32
    %ne3A_358 = arith.cmpi ne, %sign3A_350, %sign3A_357 : i32
    %rem3A_359 = arith.remsi %add3A_341, %jit3A_342 : i32
    %ne3A_360 = arith.constant 0 : i32
    %ne3A_361 = arith.cmpi ne, %rem3A_359, %ne3A_360 : i32
    %and3A_362 = arith.andi %ne3A_358, %ne3A_361 : i1
    %sub3A_363 = arith.constant 1 : i32
    %sub3A_364 = arith.subi %div3A_343, %sub3A_363 : i32
    %select_n3A_365 = arith.select %and3A_362, %sub3A_364, %div3A_343 : i32
    %broadcast_in_dim3A_366 = arith.constant 0xFF800000 : f32
    %broadcast_in_dim3A_367 = vector.broadcast %broadcast_in_dim3A_366 : f32 to vector<8x128xf32>
    %while3A_368 = arith.constant 0 : i32
    %while3A_369 = arith.subi %select_n3A_365, %while3A_368 : i32
    %while3A_370 = arith.addi %while3A_368, %while3A_369 : i32
    %while3A_371 = arith.constant 1 : i32
    %while3A_372 = arith.divsi %while3A_369, %while3A_371 : i32
    %while3A_373 = arith.muli %while3A_372, %while3A_371 : i32
    %while3A_374 = arith.addi %while3A_368, %while3A_373 : i32
    %while3A_375 = arith.constant 1 : i32
    %while3A_376 = scf.for %while3A_443 = %while3A_368 to %while3A_374 step %while3A_375 iter_args(%while3A_444 = %broadcast_in_dim3A_367) -> (vector<8x128xf32>)  : i32 {
      %mul3A_445 = arith.constant 8 : i32
      %mul3A_446 = arith.muli %while3A_443, %mul3A_445 : i32
      %add3A_447 = arith.addi %get3A_332, %mul3A_446 : i32
      %get3A_448 = arith.index_cast %add3A_447 : i32 to index
      %get3A_449 = arith.constant 0 : index
      %get3A_450 = vector.load %arg2[%get3A_448, %get3A_449] : memref<10240x128xf32, #tpu.memory_space<vmem>>, vector<8x128xf32>
      %iota3A = tpu.iota {dimensions = array<i32: 0>} : vector<8x1xi32>
      %add3A_451 = vector.broadcast %add3A_447 : i32 to vector<8x1xi32>
      %add3A_452 = arith.addi %add3A_451, %iota3A : vector<8x1xi32>
      %lt3A = vector.broadcast %get3A_338 : i32 to vector<8x1xi32>
      %lt3A_453 = arith.cmpi slt, %add3A_452, %lt3A : vector<8x1xi32>
      %jit3A_454 = arith.constant 0xFF800000 : f32
      %broadcast_in_dim3A_455 = vector.shape_cast %lt3A_453 : vector<8x1xi1> to vector<8x1xi1>
      %broadcast_in_dim3A_456 = vector.broadcast %broadcast_in_dim3A_455 : vector<8x1xi1> to vector<8x128xi1>
      %broadcast_in_dim3A_457 = vector.broadcast %jit3A_454 : f32 to vector<8x128xf32>
      %select_n3A_458 = arith.select %broadcast_in_dim3A_456, %get3A_450, %broadcast_in_dim3A_457 : vector<8x128xi1>, vector<8x128xf32>
      %max3A = arith.maximumf %while3A_444, %select_n3A_458 : vector<8x128xf32>
      scf.yield %max3A : vector<8x128xf32>
    }
    %while3A_377 = arith.constant 1 : i32
    %while3A_378 = scf.for %while3A_443 = %while3A_374 to %while3A_370 step %while3A_377 iter_args(%while3A_444 = %while3A_376) -> (vector<8x128xf32>)  : i32 {
      %mul3A_445 = arith.constant 8 : i32
      %mul3A_446 = arith.muli %while3A_443, %mul3A_445 : i32
      %add3A_447 = arith.addi %get3A_332, %mul3A_446 : i32
      %get3A_448 = arith.index_cast %add3A_447 : i32 to index
      %get3A_449 = arith.constant 0 : index
      %get3A_450 = vector.load %arg2[%get3A_448, %get3A_449] : memref<10240x128xf32, #tpu.memory_space<vmem>>, vector<8x128xf32>
      %iota3A = tpu.iota {dimensions = array<i32: 0>} : vector<8x1xi32>
      %add3A_451 = vector.broadcast %add3A_447 : i32 to vector<8x1xi32>
      %add3A_452 = arith.addi %add3A_451, %iota3A : vector<8x1xi32>
      %lt3A = vector.broadcast %get3A_338 : i32 to vector<8x1xi32>
      %lt3A_453 = arith.cmpi slt, %add3A_452, %lt3A : vector<8x1xi32>
      %jit3A_454 = arith.constant 0xFF800000 : f32
      %broadcast_in_dim3A_455 = vector.shape_cast %lt3A_453 : vector<8x1xi1> to vector<8x1xi1>
      %broadcast_in_dim3A_456 = vector.broadcast %broadcast_in_dim3A_455 : vector<8x1xi1> to vector<8x128xi1>
      %broadcast_in_dim3A_457 = vector.broadcast %jit3A_454 : f32 to vector<8x128xf32>
      %select_n3A_458 = arith.select %broadcast_in_dim3A_456, %get3A_450, %broadcast_in_dim3A_457 : vector<8x128xi1>, vector<8x128xf32>
      %max3A = arith.maximumf %while3A_444, %select_n3A_458 : vector<8x128xf32>
      scf.yield %max3A : vector<8x128xf32>
    }
    %reduce_max3A_379 = arith.constant dense<0xFF800000> : vector<128xf32>
    %reduce_max3A_380 = vector.multi_reduction <maximumf>, %while3A_378, %reduce_max3A_379 [0] : vector<8x128xf32> to vector<128xf32>
    %swap3A_381 = arith.constant 6 : index
    %swap3A_382 = arith.constant 0 : index
    %swap3A_383 = vector.load %arg3[%swap3A_381, %swap3A_382] : memref<8x128xf32, #tpu.memory_space<vmem>>, vector<1x128xf32>
    %swap3A_384 = vector.shape_cast %swap3A_383 : vector<1x128xf32> to vector<128xf32>
    %swap3A_385 = vector.shape_cast %reduce_max3A_380 : vector<128xf32> to vector<1x128xf32>
    tpu.vector_store %arg3[%swap3A_381, %swap3A_382], %swap3A_385 {strides = array<i32>} : memref<8x128xf32, #tpu.memory_space<vmem>>, vector<1x128xf32>,
    %add3A_386 = arith.constant 7 : i32
    %add3A_387 = arith.addi %mul3A_0, %add3A_386 : i32
    %get3A_388 = arith.index_cast %add3A_387 : i32 to index
    %get3A_389 = memref.load %arg1[%get3A_388] : memref<129xi32, #tpu.memory_space<smem>>
    %add3A_390 = arith.constant 7 : i32
    %add3A_391 = arith.addi %mul3A_0, %add3A_390 : i32
    %add3A_392 = arith.constant 1 : i32
    %add3A_393 = arith.addi %add3A_391, %add3A_392 : i32
    %get3A_394 = arith.index_cast %add3A_393 : i32 to index
    %get3A_395 = memref.load %arg1[%get3A_394] : memref<129xi32, #tpu.memory_space<smem>>
    %sub3A_396 = arith.subi %get3A_395, %get3A_389 : i32
    %add3A_397 = arith.constant 7 : i32
    %add3A_398 = arith.addi %sub3A_396, %add3A_397 : i32
    %jit3A_399 = arith.constant 8 : i32
    %div3A_400 = arith.divsi %add3A_398, %jit3A_399 : i32
    %sign3A_401 = arith.constant 0 : i32
    %sign3A_402 = arith.cmpi sgt, %add3A_398, %sign3A_401 : i32
    %sign3A_403 = arith.extui %sign3A_402 : i1 to i32
    %sign3A_404 = arith.constant 0 : i32
    %sign3A_405 = arith.cmpi slt, %add3A_398, %sign3A_404 : i32
    %sign3A_406 = arith.extui %sign3A_405 : i1 to i32
    %sign3A_407 = arith.subi %sign3A_403, %sign3A_406 : i32
    %sign3A_408 = arith.constant 0 : i32
    %sign3A_409 = arith.cmpi sgt, %jit3A_399, %sign3A_408 : i32
    %sign3A_410 = arith.extui %sign3A_409 : i1 to i32
    %sign3A_411 = arith.constant 0 : i32
    %sign3A_412 = arith.cmpi slt, %jit3A_399, %sign3A_411 : i32
    %sign3A_413 = arith.extui %sign3A_412 : i1 to i32
    %sign3A_414 = arith.subi %sign3A_410, %sign3A_413 : i32
    %ne3A_415 = arith.cmpi ne, %sign3A_407, %sign3A_414 : i32
    %rem3A_416 = arith.remsi %add3A_398, %jit3A_399 : i32
    %ne3A_417 = arith.constant 0 : i32
    %ne3A_418 = arith.cmpi ne, %rem3A_416, %ne3A_417 : i32
    %and3A_419 = arith.andi %ne3A_415, %ne3A_418 : i1
    %sub3A_420 = arith.constant 1 : i32
    %sub3A_421 = arith.subi %div3A_400, %sub3A_420 : i32
    %select_n3A_422 = arith.select %and3A_419, %sub3A_421, %div3A_400 : i32
    %broadcast_in_dim3A_423 = arith.constant 0xFF800000 : f32
    %broadcast_in_dim3A_424 = vector.broadcast %broadcast_in_dim3A_423 : f32 to vector<8x128xf32>
    %while3A_425 = arith.constant 0 : i32
    %while3A_426 = arith.subi %select_n3A_422, %while3A_425 : i32
    %while3A_427 = arith.addi %while3A_425, %while3A_426 : i32
    %while3A_428 = arith.constant 1 : i32
    %while3A_429 = arith.divsi %while3A_426, %while3A_428 : i32
    %while3A_430 = arith.muli %while3A_429, %while3A_428 : i32
    %while3A_431 = arith.addi %while3A_425, %while3A_430 : i32
    %while3A_432 = arith.constant 1 : i32
    %while3A_433 = scf.for %while3A_443 = %while3A_425 to %while3A_431 step %while3A_432 iter_args(%while3A_444 = %broadcast_in_dim3A_424) -> (vector<8x128xf32>)  : i32 {
      %mul3A_445 = arith.constant 8 : i32
      %mul3A_446 = arith.muli %while3A_443, %mul3A_445 : i32
      %add3A_447 = arith.addi %get3A_389, %mul3A_446 : i32
      %get3A_448 = arith.index_cast %add3A_447 : i32 to index
      %get3A_449 = arith.constant 0 : index
      %get3A_450 = vector.load %arg2[%get3A_448, %get3A_449] : memref<10240x128xf32, #tpu.memory_space<vmem>>, vector<8x128xf32>
      %iota3A = tpu.iota {dimensions = array<i32: 0>} : vector<8x1xi32>
      %add3A_451 = vector.broadcast %add3A_447 : i32 to vector<8x1xi32>
      %add3A_452 = arith.addi %add3A_451, %iota3A : vector<8x1xi32>
      %lt3A = vector.broadcast %get3A_395 : i32 to vector<8x1xi32>
      %lt3A_453 = arith.cmpi slt, %add3A_452, %lt3A : vector<8x1xi32>
      %jit3A_454 = arith.constant 0xFF800000 : f32
      %broadcast_in_dim3A_455 = vector.shape_cast %lt3A_453 : vector<8x1xi1> to vector<8x1xi1>
      %broadcast_in_dim3A_456 = vector.broadcast %broadcast_in_dim3A_455 : vector<8x1xi1> to vector<8x128xi1>
      %broadcast_in_dim3A_457 = vector.broadcast %jit3A_454 : f32 to vector<8x128xf32>
      %select_n3A_458 = arith.select %broadcast_in_dim3A_456, %get3A_450, %broadcast_in_dim3A_457 : vector<8x128xi1>, vector<8x128xf32>
      %max3A = arith.maximumf %while3A_444, %select_n3A_458 : vector<8x128xf32>
      scf.yield %max3A : vector<8x128xf32>
    }
    %while3A_434 = arith.constant 1 : i32
    %while3A_435 = scf.for %while3A_443 = %while3A_431 to %while3A_427 step %while3A_434 iter_args(%while3A_444 = %while3A_433) -> (vector<8x128xf32>)  : i32 {
      %mul3A_445 = arith.constant 8 : i32
      %mul3A_446 = arith.muli %while3A_443, %mul3A_445 : i32
      %add3A_447 = arith.addi %get3A_389, %mul3A_446 : i32
      %get3A_448 = arith.index_cast %add3A_447 : i32 to index
      %get3A_449 = arith.constant 0 : index
      %get3A_450 = vector.load %arg2[%get3A_448, %get3A_449] : memref<10240x128xf32, #tpu.memory_space<vmem>>, vector<8x128xf32>
      %iota3A = tpu.iota {dimensions = array<i32: 0>} : vector<8x1xi32>
      %add3A_451 = vector.broadcast %add3A_447 : i32 to vector<8x1xi32>
      %add3A_452 = arith.addi %add3A_451, %iota3A : vector<8x1xi32>
      %lt3A = vector.broadcast %get3A_395 : i32 to vector<8x1xi32>
      %lt3A_453 = arith.cmpi slt, %add3A_452, %lt3A : vector<8x1xi32>
      %jit3A_454 = arith.constant 0xFF800000 : f32
      %broadcast_in_dim3A_455 = vector.shape_cast %lt3A_453 : vector<8x1xi1> to vector<8x1xi1>
      %broadcast_in_dim3A_456 = vector.broadcast %broadcast_in_dim3A_455 : vector<8x1xi1> to vector<8x128xi1>
      %broadcast_in_dim3A_457 = vector.broadcast %jit3A_454 : f32 to vector<8x128xf32>
      %select_n3A_458 = arith.select %broadcast_in_dim3A_456, %get3A_450, %broadcast_in_dim3A_457 : vector<8x128xi1>, vector<8x128xf32>
      %max3A = arith.maximumf %while3A_444, %select_n3A_458 : vector<8x128xf32>
      scf.yield %max3A : vector<8x128xf32>
    }
    %reduce_max3A_436 = arith.constant dense<0xFF800000> : vector<128xf32>
    %reduce_max3A_437 = vector.multi_reduction <maximumf>, %while3A_435, %reduce_max3A_436 [0] : vector<8x128xf32> to vector<128xf32>
    %swap3A_438 = arith.constant 7 : index
    %swap3A_439 = arith.constant 0 : index
    %swap3A_440 = vector.load %arg3[%swap3A_438, %swap3A_439] : memref<8x128xf32, #tpu.memory_space<vmem>>, vector<1x128xf32>
    %swap3A_441 = vector.shape_cast %swap3A_440 : vector<1x128xf32> to vector<128xf32>
    %swap3A_442 = vector.shape_cast %reduce_max3A_437 : vector<128xf32> to vector<1x128xf32>
    tpu.vector_store %arg3[%swap3A_438, %swap3A_439], %swap3A_442 {strides = array<i32>} : memref<8x128xf32, #tpu.memory_space<vmem>>, vector<1x128xf32>,
    return
  }
  func.func @transform_0(%arg0: i32, %arg1: memref<129xi32, #tpu.memory_space<smem>>) -> (i32, i32) {
    %c0_i32 = arith.constant 0 : i32
    %c0_i32_0 = arith.constant 0 : i32
    %c0_i32_1 = arith.constant 0 : i32
    return %c0_i32, %c0_i32_0 : i32, i32
  }
  func.func @transform_1(%arg0: i32, %arg1: memref<129xi32, #tpu.memory_space<smem>>) -> (i32, i32) {
    %c0_i32 = arith.constant 0 : i32
    %c0_i32_0 = arith.constant 0 : i32
    return %arg0, %c0_i32 : i32, i32
  }
}

module attributes {stable_mosaic.version = 14 : i64} {
  func.func @body(%arg0: memref<128x128xf32, #tpu.memory_space<vmem>>, %arg1: memref<128x10xf32, #tpu.memory_space<vmem>>, %arg2: memref<1x10xf32, #tpu.memory_space<vmem>>, %arg3: memref<128x10xf32, #tpu.memory_space<vmem>>) attributes {dimension_semantics = [], scalar_prefetch = 0 : i64, scratch_operands = 0 : i64, tpu.core_type = #tpu.core_type<tc>} {
    %get3A = arith.constant 0 : index
    %get3A_0 = arith.constant 0 : index
    %get3A_1 = vector.load %arg0[%get3A, %get3A_0] : memref<128x128xf32, #tpu.memory_space<vmem>>, vector<128x128xf32>
    %get3A_2 = arith.constant 0 : index
    %get3A_3 = arith.constant 0 : index
    %get3A_4 = vector.load %arg1[%get3A_2, %get3A_3] : memref<128x10xf32, #tpu.memory_space<vmem>>, vector<128x10xf32>
    %dot_general3A = arith.constant dense<0.000000e+00> : vector<128x10xf32>
    %dot_general3A_5 = tpu.matmul %get3A_1, %get3A_4, %dot_general3A {dimension_numbers = #tpu.dot_dimension_numbers<[1], [0], [0], [1], [0, 0, 1, 1], [], []>, transpose_lhs_hint = false} : vector<128x128xf32>, vector<128x10xf32>, vector<128x10xf32> -> vector<128x10xf32>
    %get3A_6 = arith.constant 0 : index
    %get3A_7 = arith.constant 0 : index
    %get3A_8 = vector.load %arg2[%get3A_6, %get3A_7] : memref<1x10xf32, #tpu.memory_space<vmem>>, vector<1x10xf32>
    %add3A = vector.broadcast %get3A_8 : vector<1x10xf32> to vector<128x10xf32>
    %add3A_9 = arith.addf %dot_general3A_5, %add3A : vector<128x10xf32>
    %swap3A = arith.constant 0 : index
    %swap3A_10 = arith.constant 0 : index
    %swap3A_11 = vector.load %arg3[%swap3A, %swap3A_10] : memref<128x10xf32, #tpu.memory_space<vmem>>, vector<128x10xf32>
    tpu.vector_store %arg3[%swap3A, %swap3A_10], %add3A_9 {strides = array<i32>} : memref<128x10xf32, #tpu.memory_space<vmem>>, vector<128x10xf32>,
    return
  }
}

</mosaic_0001>

<sc_bundles>
// kernel: kernel.11.cloned.1.call-start
scs
__scs_entry_jumppad:
0x0: {  	(pc) =	sbr.rel $0x88, $3  }
0x1: {  	(tag) =	ssettag $0x0;
	lr =	simm.s32 $0x1  }
0x2: {  	[smem:$0x3F98] =	sst lr;
	_ =	strace $0xD0000000  }
0x3: {  	_ = 	snop  }
0x4: {  	_ = 	snop  }
0x5: {  	_ = 	snop  }
0x6: {  	_ = 	snop  }
0x7: {  	_ = 	snop  }
__scs_overlays_trampoline_lowered:
0x8: {  	[smem:$0x3FA7] =	sst s0  }
0x9: {  	[smem:$0x3FA8] =	sst s1  }
0xa: {  	[smem:$0x3FA9] =	sst s2  }
0xb: {  	[smem:$0x3FAA] =	sst s3  }
0xc: {  	[smem:$0x3FAB] =	sst s4  }
0xd: {  	[smem:$0x3FAC] =	sst s5  }
0xe: {  	[smem:$0x3FAD] =	sst s6  }
0xf: {  	[smem:$0x3FAE] =	sst s7  }
0x10: {  	[smem:$0x3FAF] =	sst s8  }
0x11: {  	[smem:$0x3FB0] =	sst s9;
	s0 =	simm.s32 @!p0 $0x0  }
0x12: {  	s1 =	sld [smem:$0x3F96];
	s0 =	simm.s32 @p0 $0x1  }
0x13: {  	[smem:$0x3FB1] =	sst s0;
	s0 =	simm.s32 @!p1 $0x0  }
0x14: {  	s2 =	sld [smem:$0x3F95];
	s0 =	simm.s32 @p1 $0x1  }
0x15: {  	[smem:$0x3FB2] =	sst s0;
	s0 =	simm.s32 @!p2 $0x0  }
0x16: {  	s3 =	sld [smem:$0x3FDB];
	s0 =	simm.s32 @p2 $0x1  }
0x17: {  	s4 =	simm.s32 $0x1BF5;
	[smem:$0x3FB4] =	sst s0  }
0x18: {  	s0 =	sld [smem:$0x3F97];
	_ =	swait.ge [sflag:s4], $0x0  }
0x19: {  	s7 =	sld [smem:$0x3F98]  }
0x1a: {  	s8 =	sadd.s32 $0xFFFFE003, lr  }
0x1b: {  	s9 =	sadd.s32 $0xFFFFFEF7, lr;
	s5 =	simm.s32 $0xFFFFFFFF;
	p2 =	slt.u32 s8, $0xFFFFF086  }
0x1c: {  	p1 =	slt.u32 s9, $0xF7A;
	s5 =	simm.s32 @!p2 $0x0  }
0x1d: {  	s5 =	simm.s32 @p1 $0x1;
	p0 =	seq.s32 s7, s2  }
0x1e: {  	s7 =	smul.u32 @!p0 $0xF7A, s2;
	p2 =	seq.s32 @!p0 s5, $0x0  }
0x1f: {  	s9 =	smul.u32 $0xF7A, s1;
	s8 =	simm.s32 @!p0 $0x1BF5;
	p2 =	por !p2, p0  }
0x20: {  	[sflag:s8] =	ssyncset.s32 @!p0 $0xFFFFF086;
	s6 =	sadd.s32 @!p0 s3, s7;
	s7 =	simm.s32 @!p0 $0x108  }
0x21: {  	s3 =	sadd.s32 s3, s9;
	s6 =	sadd.s32 @!p0 $0x88, s6;
	s7 =	simm.s32 @p2 $0x1082  }
0x22: {  	[simem:s7], [sflag:s8] =	dma.local @!p0 [hbm:s6], $0xF7A  }
0x23: {  	s9 =	sor.u32 $0xD0000000, s2;
	s6 =	simm.s32 $0x108;
	_ =	swait.ge @!p0 [sflag:s8], $0x0  }
0x24: {  	s3 =	sadd.s32 $0x88, s3;
	s6 =	simm.s32 @!p1 $0x1082;
	[sflag:s4] =	ssyncset.s32 $0xFFFFF086  }
0x25: {  	[simem:s6], [sflag:s4] =	dma.local [hbm:s3], $0xF7A  }
0x26: {  	[smem:$0x3F98] =	sst s1;
	(tag) =	ssettag s2;
	_ =	strace s9  }
0x27: {  	s1 =	sld [smem:$0x3FA8]  }
0x28: {  	s2 =	sld [smem:$0x3FA9]  }
0x29: {  	s4 =	sld [smem:$0x3FAB]  }
0x2a: {  	p0 =	seq.s32 s5, $0x0;
	s5 =	sld [smem:$0x3FAC]  }
0x2b: {  	s6 =	sld [smem:$0x3FAD]  }
0x2c: {  	s7 =	sld [smem:$0x3FAE]  }
0x2d: {  	s3 =	simm.s32 $0x108;
	s8 =	sld [smem:$0x3FAF]  }
0x2e: {  	s3 =	simm.s32 @!p0 $0x1082;
	s9 =	sld [smem:$0x3FB0]  }
0x2f: {  	lr =	sadd.s32 s0, s3;
	s0 =	sld [smem:$0x3FA7]  }
0x30: {  	s3 =	sld [smem:$0x3FAA]  }
0x31: {  	[smem:$0x3FB3] =	sst s10  }
0x32: {  	s10 =	sld [smem:$0x3FB1];
	_ =	sdelay $0x3  }
0x33: {  	p0 =	seq.s32 s10, $0x1;
	s10 =	sld [smem:$0x3FB3];
	_ =	sdelay $0x3  }
0x34: {  	[smem:$0x3FB3] =	sst s10  }
0x35: {  	s10 =	sld [smem:$0x3FB2];
	_ =	sdelay $0x3  }
0x36: {  	p1 =	seq.s32 s10, $0x1;
	s10 =	sld [smem:$0x3FB3];
	_ =	sdelay $0x3  }
0x37: {  	[smem:$0x3FB3] =	sst s10  }
0x38: {  	s10 =	sld [smem:$0x3FB4]  }
0x39: {  	_ = 	snop;
	(pc) =	sbr.ind lr, $3  }
0x3a: {  	_ = 	snop  }
0x3b: {  	_ = 	snop  }
0x3c: {  	p2 =	seq.s32 s10, $0x1;
	s10 =	sld [smem:$0x3FB3]  }
0x3d: {  	_ =	shalt  }
0x3e: {  	_ =	shalt  }
0x3f: {  	_ =	shalt  }
0x40: {  	_ =	shalt  }
0x41: {  	_ =	shalt  }
0x42: {  	_ =	shalt  }
0x43: {  	_ =	shalt  }
0x44: {  	_ =	shalt  }
0x45: {  	_ =	shalt  }
0x46: {  	_ =	shalt  }
0x47: {  	_ =	shalt  }
0x48: {  	_ =	shalt  }
0x49: {  	_ =	shalt  }
0x4a: {  	_ =	shalt  }
0x4b: {  	_ =	shalt  }
0x4c: {  	_ =	shalt  }
0x4d: {  	_ =	shalt  }
0x4e: {  	_ =	shalt  }
0x4f: {  	_ =	shalt  }
0x50: {  	_ =	shalt  }
0x51: {  	_ =	shalt  }
0x52: {  	_ =	shalt  }
0x53: {  	_ =	shalt  }
0x54: {  	_ =	shalt  }
0x55: {  	_ =	shalt  }
0x56: {  	_ =	shalt  }
0x57: {  	_ =	shalt  }
0x58: {  	_ =	shalt  }
0x59: {  	_ =	shalt  }
0x5a: {  	_ =	shalt  }
0x5b: {  	_ =	shalt  }
0x5c: {  	_ =	shalt  }
0x5d: {  	_ =	shalt  }
0x5e: {  	_ =	shalt  }
0x5f: {  	_ =	shalt  }
0x60: {  	_ =	shalt  }
0x61: {  	_ =	shalt  }
0x62: {  	_ =	shalt  }
0x63: {  	_ =	shalt  }
0x64: {  	_ =	shalt  }
0x65: {  	_ =	shalt  }
0x66: {  	_ =	shalt  }
0x67: {  	_ =	shalt  }
0x68: {  	_ =	shalt  }
0x69: {  	_ =	shalt  }
0x6a: {  	_ =	shalt  }
0x6b: {  	_ =	shalt  }
0x6c: {  	_ =	shalt  }
0x6d: {  	_ =	shalt  }
0x6e: {  	_ =	shalt  }
0x6f: {  	_ =	shalt  }
0x70: {  	_ =	shalt  }
0x71: {  	_ =	shalt  }
0x72: {  	_ =	shalt  }
0x73: {  	_ =	shalt  }
0x74: {  	_ =	shalt  }
0x75: {  	_ =	shalt  }
0x76: {  	_ =	shalt  }
0x77: {  	_ =	shalt  }
0x78: {  	_ =	shalt  }
0x79: {  	_ =	shalt  }
0x7a: {  	_ =	shalt  }
0x7b: {  	_ =	shalt  }
0x7c: {  	_ =	shalt  }
0x7d: {  	_ =	shalt  }
0x7e: {  	_ =	shalt  }
0x7f: {  	_ =	shalt  }
0x80: {  	_ =	shalt  }
0x81: {  	_ =	shalt  }
0x82: {  	_ =	shalt  }
0x83: {  	_ =	shalt  }
0x84: {  	_ =	shalt  }
0x85: {  	_ =	shalt  }
0x86: {  	_ =	shalt  }
0x87: {  	_ =	shalt  }
.Lfunc_end0:
.L_simem_size_0:
called_computation_lowered:
.L_overlay_start_0:
0x88: {  	s2 =	sld [smem:$0x3FD9]  }
0x89: {  	s3 =	sld [smem:$0x3FFE];
	_ =	sdelay $0x1  }
0x8a: {  	s1 =	srdreg.scid  }
0x8b: {  	s0 =	sand.u32 $0x1, s1  }
0x8c: {  	s17 =	sshll.u32 s0, $0xA;
	s2 =	sadd.s32 s3, s2  }
0x8d: {  	s2 =	sadd.s32 s2, s17  }
0x8e: {  	[smem:$0x3FBF] =	sst s2  }
0x8f: {  	_ = 	snop  }
0x90: {  	s2 =	sld [smem:$0x3FC8];
	(tm) =	ssettm $0x1  }
0x91: {  	s18 =	sld [smem:$0x3FFB];
	_ =	sdelay $0x3  }
0x92: {  	_ =	strace s18  }
0x93: {  	s3 =	sld [smem:$0x3FFC];
	_ =	sdelay $0x3  }
0x94: {  	_ =	strace s3  }
0x95: {  	s3 =	sld [smem:$0x3FFD];
	_ =	sdelay $0x3  }
0x96: {  	_ =	strace s3  }
0x97: {  	_ =	strace $0x8FFFFFFF  }
0x98: {  	s19 =	sld [smem:$0x3FDB];
	_ =	sdelay $0x1  }
0x99: {  	s4 =	simm.s32 $_scs_section_size  }
0x9a: {  	s5 =	simm.s32 $_size__tile_overlayer_lowered;
	s6 =	simm.s32 $_tile_overlayer_lowered  }
0x9b: {  	s22 =	simm.s32 $0x1BFF;
	s21 =	sshll.u32 s6, $0x1;
	s3 =	sadd.s32 s4, s19  }
0x9c: {  	s7 =	simm.s32 $0x0;
	s20 =	sshll.u32 s5, $0x1;
	s5 =	sadd.s32 s21, s3  }
0x9d: {  	[timem:s7], [sflag:s22] =	dma.local [hbm:s5], s20  }
0x9e: {  	_ =	swait.ge [sflag:s22], s20  }
0x9f: {  	s4 =	ssub.s32 $0x0, s20;
	[sflag:s22] =	ssyncset.done $0x0  }
0xa0: {  	[sflag:s22] =	ssyncadd.s32 s4;
	_ =	sdelay $0x1  }
0xa1: {  	s23 =	simm.s32 $0x1B8B  }
0xa2: {  	_ =	swait.ge [sflag:s23], $0x1  }
0xa3: {  	[sflag:s23] =	ssyncset.done $0x0  }
0xa4: {  	s25 =	simm.s32 $0x1B8E;
	s24 =	sld [smem:$0x3FFE];
	[sflag:s23] =	ssyncadd.s32 $0xFFFFFFFF  }
0xa5: {  	s26 =	simm.s32 $execute0_lowered;
	[smem:$0x3FD2] =	sst s25  }
0xa6: {  	s5 =	sshll.u32 s26, $0x1;
	_ =	strace $0x80000046;
	[dreg:$0x1] =	wrdreg $0xFFFFFFFF  }
0xa7: {  	s28 =	simm.s32 $_size_execute0_lowered;
	s3 =	sadd.s32 s3, s5;
	[dreg:$0x0] =	wrdreg $0x0  }
0xa8: {  	s5 =	sshll.u32 s28, $0x1;
	[dreg:$0x2] =	wrdreg s3  }
0xa9: {  	[dreg:$0x3] =	wrdreg s5  }
0xaa: {  	[dreg:$0x4] =	wrdreg $0xC0  }
0xab: {  	_ =	task [dreg:s7], $0x5FFFF  }
0xac: {  	[dreg:$0x1] =	wrdreg $0xFFFFFFFF  }
0xad: {  	[dreg:$0x0] =	wrdreg $0x60  }
0xae: {  	[dreg:$0x2] =	wrdreg s2  }
0xaf: {  	[dreg:$0x3] =	wrdreg s24  }
0xb0: {  	[dreg:$0x4] =	wrdreg $0x51000  }
0xb1: {  	[dreg:$0x5] =	wrdreg $0x9  }
0xb2: {  	_ =	task.clear_ibuf [dreg:s7], $0x6FFFF;
	_ =	strace $0x90000046  }
0xb3: {  	s29 =	simm.s32 $0x9;
	_ =	strace $0x80000048  }
0xb4: {  	_ =	swait.ge [sflag:s29], $0x1  }
0xb5: {  	[sflag:s29] =	ssyncadd.s32 $0xFFFFFFFF  }
0xb6: {  	_ =	strace $0x90000048  }
0xb7: {  	_ =	sfence  }
0xb8: {  	s30 =	sld [smem:$0x0];
	_ =	sdelay $0x2  }
0xb9: {  	s31 =	sshll.u32 s1, $0xD;
	s1 =	sshrl.u32 s1, $0x2  }
0xba: {  	s3 =	sand.u32 $0x4000, s31;
	s1 =	sadd.s32 s1, s30  }
0xbb: {  	s0 =	sor.u32 s3, s0;
	s1 =	sshll.u32 s1, $0x11  }
0xbc: {  	s0 =	sor.u32 s1, s0  }
0xbd: {  	s0 =	sadd.s32 $0x8F2B, s0  }
0xbe: {  	[sflag:s0] =	ssyncadd.remote.s32 $0x1  }
0xbf: {  	_ =	sfence.sel $0xFFFF  }
0xc0: {  	[dreg:$0x0] =	wrdreg $0xFFFFFFFF;
	(pc) =	sbr.abs _section_cstart, $3  }
0xc1: {  	[dreg:$0x1] =	wrdreg $0xFFFFFFFF  }
0xc2: {  	_ =	task.clear_ibuf [dreg:s7], $0x2FFFF;
	_ =	strace $0x9FFFFFFF  }
0xc3: {  	(tm) =	ssettm $0x7FFFFFFF  }
tec
execute0_lowered:
.L_overlay_start_1:
0x0: {  	(tag) =	ssettag $0x1  }
0x1: {  	s0 =	rddreg [dreg:$0x0]  }
0x2: {  	s1 =	rddreg [dreg:$0x1]  }
0x3: {  	s3 =	srdreg.scid;
	s11 =	stileid.u32  }
0x4: {  	s4 =	rddreg [dreg:$0x2];
	s5 =	sand.u32 $0x1, s3;
	s6 =	smul.u32 $0x500, s11  }
0x5: {  	s2 =	simm.s32 $0x0;
	s10 =	smul.u32 $0x5000, s11;
	s7 =	sshll.u32 s5, $0x7  }
0x6: {  	[smem:$0x7FF] =	sst s2;
	s6 =	sor.u32 s7, s6  }
0x7: {  	s3 =	sadd.s32 $0x3200, s1;
	s12 =	sshrl.u32 s10, $0x2;
	s6 =	sshrl.u32 s6, $0x3  }
0x8: {  	s23 =	sshrl.u32 s11, $0x3;
	s1 =	sadd.s32 s6, s1;
	s6 =	sadd.s32 s12, s4  }
0x9: {  	s19 =	smul.u32 $0x2800, s11;
	_ =	strace $0x80000047;
	s15 =	sadd.s32 $0x80, s6  }
0xa: {  	s8 =	sshll.u32 s5, $0x4;
	s17 =	sadd.s32 $0x100, s6;
	[dreg:$0x7] =	wrdreg s15  }
0xb: {  	s24 =	ssub.s32 $0x2, s5;
	s18 =	sadd.s32 $0x180, s6;
	[dreg:$0x8] =	wrdreg s17  }
0xc: {  	s22 =	sor.u32 s11, s8;
	s20 =	sadd.s32 $0x280, s6;
	[dreg:$0x9] =	wrdreg s18  }
0xd: {  	s7 =	smul.u32 $0xA00, s22;
	s22 =	sadd.s32 $0x300, s6;
	[dreg:$0xb] =	wrdreg s20  }
0xe: {  	s8 =	smul.u32 $0x50000, s23;
	s23 =	sadd.s32 $0x380, s6;
	[dreg:$0xc] =	wrdreg s22  }
0xf: {  	s21 =	smul.u32 $0xA000, s5;
	s12 =	sadd.s32 $0x14000, s6;
	[dreg:$0xd] =	wrdreg s23  }
0x10: {  	s7 =	sadd.s32 s7, s0;
	s1 =	sadd.s32 $0x3600, s1;
	[dreg:$0xe] =	wrdreg s12  }
0x11: {  	s0 =	sadd.s32 s21, s0;
	s21 =	sadd.s32 $0x14380, s6;
	[dreg:$0x14] =	wrdreg s1  }
0x12: {  	s16 =	smul.u32 $0x28000, s5;
	s10 =	sadd.s32 $0x1100, s6;
	[dreg:$0x19] =	wrdreg s21  }
0x13: {  	s9 =	sshrl.u32 s24, $0x1;
	s25 =	sadd.s32 $0x10, s7;
	[smem:$0x7D8] =	sst s10  }
0x14: {  	s9 =	ssub.s32 s24, s9;
	s26 =	sadd.s32 $0x30, s7;
	[dreg:$0x4] =	wrdreg s25  }
0x15: {  	s18 =	sadd.s32 s19, s16;
	s16 =	sadd.s32 $0x14280, s6;
	[dreg:$0x5] =	wrdreg s26  }
0x16: {  	s17 =	smax.u32 s9, $0x1;
	[dreg:$0x13] =	wrdreg s16  }
0x17: {  	s20 =	sadd.s32 $0x14300, s6;
	[dreg:$0x15] =	wrdreg s17  }
0x18: {  	s24 =	smul.u32 $0xA00, s11;
	s22 =	sadd.s32 $0x400, s6;
	[dreg:$0x18] =	wrdreg s20  }
0x19: {  	s23 =	sadd.s32 $0x800, s6;
	[dreg:$0x1a] =	wrdreg s22  }
0x1a: {  	s0 =	sadd.s32 s24, s0;
	s24 =	sadd.s32 $0xC00, s6;
	[dreg:$0x1b] =	wrdreg s23  }
0x1b: {  	s1 =	sadd.s32 $0x880, s6;
	[dreg:$0x1c] =	wrdreg s24  }
0x1c: {  	s7 =	sshll.u32 s11, $0x7;
	s9 =	sadd.s32 $0xD00, s6;
	[dreg:$0x1f] =	wrdreg s1  }
0x1d: {  	s12 =	smul.u32 $0x50, s11;
	s11 =	sadd.s32 $0x580, s6;
	[smem:$0x7D7] =	sst s9  }
0x1e: {  	s8 =	sshrl.u32 s8, $0x2;
	s21 =	sadd.s32 $0xA80, s6;
	[smem:$0x7D9] =	sst s11  }
0x1f: {  	s10 =	sadd.s32 $0x14800, s6;
	s13 =	sand.u32 $0x380, s7;
	[smem:$0x7E2] =	sst s21  }
0x20: {  	s7 =	sadd.s32 s8, s4;
	s8 =	sadd.s32 $0x200, s6;
	[smem:$0x7EE] =	sst s10  }
0x21: {  	s25 =	sadd.s32 $0x14080, s6;
	[dreg:$0xa] =	wrdreg s8  }
0x22: {  	s26 =	sadd.s32 $0x14100, s6;
	[dreg:$0xf] =	wrdreg s25  }
0x23: {  	s0 =	sadd.s32 $0x70, s0;
	[dreg:$0x10] =	wrdreg s26  }
0x24: {  	s4 =	sadd.s32 $0xC80, s6;
	[dreg:$0x16] =	wrdreg s0  }
0x25: {  	s16 =	sadd.s32 $0xA00, s6;
	[smem:$0x7D3] =	sst s4  }
0x26: {  	s17 =	sadd.s32 $0xE00, s6;
	[smem:$0x7DE] =	sst s16  }
0x27: {  	s20 =	sadd.s32 $0x680, s6;
	[smem:$0x7DF] =	sst s17  }
0x28: {  	s22 =	sadd.s32 $0xE80, s6;
	[smem:$0x7E1] =	sst s20  }
0x29: {  	s23 =	sadd.s32 $0x1280, s6;
	[smem:$0x7E3] =	sst s22  }
0x2a: {  	s24 =	sadd.s32 $0x700, s6;
	[smem:$0x7E4] =	sst s23  }
0x2b: {  	s1 =	sadd.s32 $0x1300, s6;
	[smem:$0x7E5] =	sst s24  }
0x2c: {  	s9 =	sadd.s32 $0x14400, s6;
	[smem:$0x7E8] =	sst s1  }
0x2d: {  	s11 =	sadd.s32 $0x14C00, s6;
	[smem:$0x7ED] =	sst s9  }
0x2e: {  	s21 =	sadd.s32 $0x15100, s6;
	[smem:$0x7EF] =	sst s11  }
0x2f: {  	s14 =	sadd.s32 s13, s7;
	[smem:$0x7F8] =	sst s21  }
0x30: {  	s13 =	sadd.s32 $0x14180, s6;
	[dreg:$0x6] =	wrdreg s14  }
0x31: {  	s5 =	smul.u32 $0x500, s5;
	s25 =	sadd.s32 $0x1000, s6;
	[dreg:$0x11] =	wrdreg s13  }
0x32: {  	s26 =	sadd.s32 $0x480, s6;
	[dreg:$0x1d] =	wrdreg s25  }
0x33: {  	s15 =	sadd.s32 s12, s5;
	s5 =	sadd.s32 $0x1080, s6;
	[dreg:$0x1e] =	wrdreg s26  }
0x34: {  	s7 =	sadd.s32 $0x500, s6;
	[smem:$0x7D4] =	sst s5  }
0x35: {  	s8 =	sadd.s32 $0x900, s6;
	[smem:$0x7D5] =	sst s7  }
0x36: {  	s12 =	sadd.s32 $0x980, s6;
	[smem:$0x7D6] =	sst s8  }
0x37: {  	s4 =	sadd.s32 $0x780, s6;
	[smem:$0x7DA] =	sst s12  }
0x38: {  	s16 =	sadd.s32 $0x15080, s6;
	[smem:$0x7E9] =	sst s4  }
0x39: {  	s17 =	sadd.s32 $0x14500, s6;
	[smem:$0x7F4] =	sst s16  }
0x3a: {  	s20 =	sadd.s32 $0x14D00, s6;
	[smem:$0x7F5] =	sst s17  }
0x3b: {  	s22 =	sadd.s32 $0x14580, s6;
	[smem:$0x7F7] =	sst s20  }
0x3c: {  	s28 =	sadd.s32 $0x15200, s6;
	s23 =	sadd.s32 $0x14980, s6;
	[smem:$0x7F9] =	sst s22  }
0x3d: {  	s29 =	sadd.s32 $0x14680, s6;
	s24 =	sadd.s32 $0x14D80, s6;
	[smem:$0x7FA] =	sst s23  }
0x3e: {  	s30 =	sadd.s32 $0x14A80, s6;
	s14 =	sadd.s32 $0x14200, s6;
	[smem:$0x7FB] =	sst s24  }
0x3f: {  	s31 =	sadd.s32 $0x15280, s6;
	s19 =	sor.u32 $0x1, s15;
	[dreg:$0x12] =	wrdreg s14  }
0x40: {  	s10 =	simm.s32 $0x2800;
	s13 =	sadd.s32 $0xD80, s6;
	[dreg:$0x17] =	wrdreg s19  }
0x41: {  	s0 =	sadd.s32 $0x14B00, s6;
	s15 =	sadd.s32 $0x600, s6;
	[smem:$0x7DB] =	sst s13  }
0x42: {  	s1 =	sadd.s32 $0x14F00, s6;
	s25 =	sadd.s32 $0xB00, s6;
	[smem:$0x7DD] =	sst s15  }
0x43: {  	s9 =	sadd.s32 $0x15380, s6;
	s26 =	sadd.s32 $0xF00, s6;
	[smem:$0x7E6] =	sst s25  }
0x44: {  	s11 =	simm.s32 $0x2880;
	s5 =	sadd.s32 $0xB80, s6;
	[smem:$0x7E7] =	sst s26  }
0x45: {  	s7 =	sadd.s32 $0xF80, s6;
	s8 =	sadd.s32 $0x1380, s6;
	[smem:$0x7EA] =	sst s5  }
0x46: {  	s12 =	sadd.s32 $0x15000, s6;
	s23 =	sadd.s32 $0x14A00, s6;
	[smem:$0x7EB] =	sst s7  }
0x47: {  	s24 =	sadd.s32 $0x14E80, s6;
	s4 =	sadd.s32 $0x15300, s6;
	[smem:$0x7EC] =	sst s8  }
0x48: {  	s16 =	simm.s32 $0x0;
	s14 =	sadd.s32 $0x1180, s6;
	[smem:$0x7F0] =	sst s12  }
0x49: {  	s19 =	sadd.s32 $0x1200, s6;
	s13 =	sadd.s32 $0x14480, s6;
	[smem:$0x7DC] =	sst s14  }
0x4a: {  	s15 =	sadd.s32 $0x14C80, s6;
	s25 =	sadd.s32 $0x15180, s6;
	[smem:$0x7E0] =	sst s19  }
0x4b: {  	s26 =	sadd.s32 $0x14600, s6;
	s5 =	sadd.s32 $0x14780, s6;
	[smem:$0x7F1] =	sst s13  }
0x4c: {  	s7 =	sadd.s32 $0x14B80, s6;
	s8 =	sadd.s32 $0x14F80, s6;
	[smem:$0x7F3] =	sst s15  }
0x4d: {  	s12 =	simm.s32 $0x1;
	s14 =	sadd.s32 $0x14880, s6;
	[smem:$0x7FC] =	sst s25  }
0x4e: {  	s19 =	sadd.s32 $0x14900, s6;
	[smem:$0x7FD] =	sst s26;
	s26 =	sadd.s32 $0x14E00, s6  }
0x4f: {  	s25 =	sadd.s32 $0x14700, s6;
	s13 =	simm.s32 $0x2;
	[smem:$0x7F2] =	sst s14  }
0x50: {  	v0 =	vimm.f32 $0.0e+00;
	v1 =	vimm.f32 $1.000000000e+00;
	s15 =	simm.s32 $0x3;
	[smem:$0x7F6] =	sst s19;
	s14 =	simm.s32 $0x80  }
.LBB2_1:
0x51: {  	s17 =	simm.s32 $0x40;
	s19 =	simm.s32 $0x0  }
.LBB2_2:
0x52: {  	p0 =	sne.s32 s17, $0x9FC0;
	[tilespmem:s19+$0x0] =	vst v0;
	s19 =	smov.u32 s17;
	s17 =	sadd.s32 $0x40, s17  }
.Ltmp0:
0x53: {  	(pc) =	sbr.rel @p0 .LBB2_2-.Ltmp0, $2  }
0x54: {  	_ =	sdelay $0x2  }
0x55: {  	s19 =	sshra.s32 s19, $0x2  }
0x56: {  	s21 =	rddreg [dreg:$0x4]  }
0x57: {  	s22 =	rddreg [dreg:$0x5]  }
0x58: {  	[tilespmem:s19+$0x0] =	vst v0;
	s17 =	simm.s32 $0x0;
	s19 =	rddreg [dreg:$0x17]  }
0x59: {  	[tilespmem:s10], [sflag:$0x1] =	stream.linear.gather [hbm4b:s21+s17], $0x80, $0x38;
	[tilespmem:$0x7900] =	vst v63  }
0x5a: {  	s20 =	rddreg [dreg:$0x16]  }
0x5b: {  	[tilespmem:s11], [sflag:$0x2] =	stream.linear.gather [hbm4b:s22+s17], $0x80, $0x38;
	[tilespmem:$0x7900] =	vst v63  }
.LBB2_4:
0x5c: {  	_ =	swait.ge [sflag:s12], $0x80  }
0x5d: {  	[sflag:s12] =	ssyncset.done $0x0  }
0x5e: {  	[sflag:s12] =	ssyncadd.s32 $0xFFFFFF80  }
0x5f: {  	v2 =	vld [tilespmem:$0x2800];
	_ =	sdelay $0x7  }
0x60: {  	[tilespmem:v2+s2+$0x0] =	vst.idx.add.f32.msk $0xffff, v1  }
0x61: {  	v2 =	vld [tilespmem:$0x2810];
	_ =	sdelay $0x7  }
0x62: {  	[tilespmem:v2+s2+$0x0] =	vst.idx.add.f32.msk $0xffff, v1  }
0x63: {  	v2 =	vld [tilespmem:$0x2820];
	_ =	sdelay $0x7  }
0x64: {  	[tilespmem:v2+s2+$0x0] =	vst.idx.add.f32.msk $0xffff, v1  }
0x65: {  	v2 =	vld [tilespmem:$0x2830];
	_ =	sdelay $0x7  }
0x66: {  	[tilespmem:v2+s2+$0x0] =	vst.idx.add.f32.msk $0xffff, v1  }
0x67: {  	v2 =	vld [tilespmem:$0x2840];
	_ =	sdelay $0x7  }
0x68: {  	[tilespmem:v2+s2+$0x0] =	vst.idx.add.f32.msk $0xffff, v1  }
0x69: {  	v2 =	vld [tilespmem:$0x2850];
	_ =	sdelay $0x7  }
0x6a: {  	[tilespmem:v2+s2+$0x0] =	vst.idx.add.f32.msk $0xffff, v1  }
0x6b: {  	v2 =	vld [tilespmem:$0x2860];
	_ =	sdelay $0x7  }
0x6c: {  	[tilespmem:v2+s2+$0x0] =	vst.idx.add.f32.msk $0xffff, v1  }
0x6d: {  	v2 =	vld [tilespmem:$0x2870];
	_ =	sdelay $0x1  }
0x6e: {  	s21 =	sadd.s32 $0xFFFFFFFF, s19  }
0x6f: {  	p0 =	sgt.u32 s21, $0x9C1  }
0x70: {  	s21 =	sadd.s32 @p0 s17, s18  }
0x71: {  	s21 =	sadd.s32 @p0 $0xFFFB1F00, s21  }
0x72: {  	s21 =	sshrl.u32 @p0 s21, $0x3  }
0x73: {  	s22 =	sadd.s32 @!p0 $0xFFFFFFE0, s20;
	s21 =	sadd.s32 @p0 s3, s21  }
0x74: {  	s22 =	smov.u32 @p0 s21;
	[tilespmem:v2+s2+$0x0] =	vst.idx.add.f32.msk $0xffff, v1  }
0x75: {  	[tilespmem:s10], [sflag:$0x1] =	stream.linear.gather [hbm4b:s22+s2], $0x80, $0x38;
	[tilespmem:$0x7900] =	vst v63  }
0x76: {  	_ =	swait.ge [sflag:s13], $0x80  }
0x77: {  	[sflag:s13] =	ssyncset.done $0x0  }
0x78: {  	[sflag:s13] =	ssyncadd.s32 $0xFFFFFF80  }
0x79: {  	v2 =	vld [tilespmem:$0x2880];
	_ =	sdelay $0x7  }
0x7a: {  	[tilespmem:v2+s2+$0x0] =	vst.idx.add.f32.msk $0xffff, v1  }
0x7b: {  	v2 =	vld [tilespmem:$0x2890];
	_ =	sdelay $0x7  }
0x7c: {  	[tilespmem:v2+s2+$0x0] =	vst.idx.add.f32.msk $0xffff, v1  }
0x7d: {  	v2 =	vld [tilespmem:$0x28A0];
	_ =	sdelay $0x7  }
0x7e: {  	[tilespmem:v2+s2+$0x0] =	vst.idx.add.f32.msk $0xffff, v1  }
0x7f: {  	v2 =	vld [tilespmem:$0x28B0];
	_ =	sdelay $0x7  }
0x80: {  	[tilespmem:v2+s2+$0x0] =	vst.idx.add.f32.msk $0xffff, v1  }
0x81: {  	v2 =	vld [tilespmem:$0x28C0];
	_ =	sdelay $0x7  }
0x82: {  	[tilespmem:v2+s2+$0x0] =	vst.idx.add.f32.msk $0xffff, v1  }
0x83: {  	v2 =	vld [tilespmem:$0x28D0];
	_ =	sdelay $0x7  }
0x84: {  	[tilespmem:v2+s2+$0x0] =	vst.idx.add.f32.msk $0xffff, v1  }
0x85: {  	v2 =	vld [tilespmem:$0x28E0];
	_ =	sdelay $0x7  }
0x86: {  	[tilespmem:v2+s2+$0x0] =	vst.idx.add.f32.msk $0xffff, v1  }
0x87: {  	s22 =	sadd.s32 s17, s18;
	v2 =	vld [tilespmem:$0x28F0]  }
0x88: {  	s21 =	sadd.s32 $0xFFFB1F80, s22  }
0x89: {  	s21 =	sshrl.u32 s21, $0x3  }
0x8a: {  	p0 =	slt.u32 s19, $0x9C2;
	s17 =	sadd.s32 $0x100, s17;
	s21 =	sadd.s32 s3, s21  }
0x8b: {  	s21 =	smov.u32 @p0 s20;
	p0 =	sne.s32 s17, $0x2700  }
.Ltmp1:
0x8c: {  	_ = 	snop;
	(pc) =	sbr.rel @p0 .LBB2_4-.Ltmp1, $3  }
0x8d: {  	_ =	sdelay $0x1  }
0x8e: {  	s19 =	sadd.s32 $0x2, s19;
	s20 =	sadd.s32 $0x40, s20;
	[tilespmem:v2+s2+$0x0] =	vst.idx.add.f32.msk $0xffff, v1  }
0x8f: {  	[tilespmem:s11], [sflag:$0x2] =	stream.linear.gather [hbm4b:s21+s2], $0x80, $0x38;
	[tilespmem:$0x7900] =	vst v63  }
0x90: {  	_ =	swait.ge [sflag:s12], $0x80  }
0x91: {  	[sflag:s12] =	ssyncset.done $0x0  }
0x92: {  	[sflag:s12] =	ssyncadd.s32 $0xFFFFFF80  }
0x93: {  	v2 =	vld [tilespmem:$0x2800];
	_ =	sdelay $0x6  }
0x94: {  	s17 =	simm.s32 $0x0  }
0x95: {  	[tilespmem:v2+s17+$0x0] =	vst.idx.add.f32.msk $0xffff, v1  }
0x96: {  	v2 =	vld [tilespmem:$0x2810];
	_ =	sdelay $0x7  }
0x97: {  	[tilespmem:v2+s17+$0x0] =	vst.idx.add.f32.msk $0xffff, v1  }
0x98: {  	v2 =	vld [tilespmem:$0x2820];
	_ =	sdelay $0x7  }
0x99: {  	[tilespmem:v2+s17+$0x0] =	vst.idx.add.f32.msk $0xffff, v1  }
0x9a: {  	v2 =	vld [tilespmem:$0x2830];
	_ =	sdelay $0x7  }
0x9b: {  	[tilespmem:v2+s17+$0x0] =	vst.idx.add.f32.msk $0xffff, v1  }
0x9c: {  	v2 =	vld [tilespmem:$0x2840];
	_ =	sdelay $0x7  }
0x9d: {  	[tilespmem:v2+s17+$0x0] =	vst.idx.add.f32.msk $0xffff, v1  }
0x9e: {  	v2 =	vld [tilespmem:$0x2850];
	_ =	sdelay $0x7  }
0x9f: {  	[tilespmem:v2+s17+$0x0] =	vst.idx.add.f32.msk $0xffff, v1  }
0xa0: {  	v2 =	vld [tilespmem:$0x2860];
	_ =	sdelay $0x7  }
0xa1: {  	[tilespmem:v2+s17+$0x0] =	vst.idx.add.f32.msk $0xffff, v1  }
0xa2: {  	v2 =	vld [tilespmem:$0x2870];
	_ =	sdelay $0x7  }
0xa3: {  	[tilespmem:v2+s17+$0x0] =	vst.idx.add.f32.msk $0xffff, v1  }
0xa4: {  	_ =	swait.ge [sflag:s13], $0x80  }
0xa5: {  	[sflag:s13] =	ssyncset.done $0x0  }
0xa6: {  	[sflag:s13] =	ssyncadd.s32 $0xFFFFFF80  }
0xa7: {  	v2 =	vld [tilespmem:$0x2880];
	_ =	sdelay $0x7  }
0xa8: {  	[tilespmem:v2+s17+$0x0] =	vst.idx.add.f32.msk $0xffff, v1  }
0xa9: {  	v2 =	vld [tilespmem:$0x2890];
	_ =	sdelay $0x7  }
0xaa: {  	[tilespmem:v2+s17+$0x0] =	vst.idx.add.f32.msk $0xffff, v1  }
0xab: {  	v2 =	vld [tilespmem:$0x28A0];
	_ =	sdelay $0x7  }
0xac: {  	[tilespmem:v2+s17+$0x0] =	vst.idx.add.f32.msk $0xffff, v1  }
0xad: {  	v2 =	vld [tilespmem:$0x28B0];
	_ =	sdelay $0x7  }
0xae: {  	[tilespmem:v2+s17+$0x0] =	vst.idx.add.f32.msk $0xffff, v1  }
0xaf: {  	v2 =	vld [tilespmem:$0x28C0];
	_ =	sdelay $0x7  }
0xb0: {  	[tilespmem:v2+s17+$0x0] =	vst.idx.add.f32.msk $0xffff, v1  }
0xb1: {  	v2 =	vld [tilespmem:$0x28D0];
	_ =	sdelay $0x7  }
0xb2: {  	[tilespmem:v2+s17+$0x0] =	vst.idx.add.f32.msk $0xffff, v1  }
0xb3: {  	v2 =	vld [tilespmem:$0x28E0];
	_ =	sdelay $0x7  }
0xb4: {  	[tilespmem:v2+s17+$0x0] =	vst.idx.add.f32.msk $0xffff, v1  }
0xb5: {  	v2 =	vld [tilespmem:$0x28F0];
	_ =	sdelay $0x7  }
0xb6: {  	s20 =	simm.s32 $0x400;
	s19 =	rddreg [dreg:$0x6];
	[tilespmem:v2+s17+$0x0] =	vst.idx.add.f32.msk $0xffff, v1  }
0xb7: {  	[spmem:s19] =	stream.strided.scatter [tilespmem:s17], [sflag:$0x3], $0x2800, s20, s14, $0x38;
	[tilespmem:$0x7900] =	vst v63  }
0xb8: {  	_ =	swait.ge [sflag:s15], $0x2800  }
0xb9: {  	[sflag:s15] =	ssyncset.done $0x0  }
0xba: {  	[sflag:s15] =	ssyncadd.s32 $0xFFFFD800  }
0xbb: {  	s20 =	simm.s32 $0x2900;
	[bflag:$0x0] =	sbarrier.arrive $0xFFFF  }
0xbc: {  	[tilespmem:s20], [sflag:$0x1] =	stream.linear.gather [spmem:s6], $0x80, $0x38;
	[tilespmem:$0x7900] =	vst v63  }
0xbd: {  	s22 =	simm.s32 $0x2D00;
	s21 =	rddreg [dreg:$0x1a]  }
0xbe: {  	[tilespmem:s22], [sflag:$0x1] =	stream.linear.gather [spmem:s21], $0x80, $0x38;
	[tilespmem:$0x7900] =	vst v63  }
0xbf: {  	s21 =	rddreg [dreg:$0x1b];
	s22 =	simm.s32 $0x3100  }
0xc0: {  	[tilespmem:s22], [sflag:$0x1] =	stream.linear.gather [spmem:s21], $0x80, $0x38;
	[tilespmem:$0x7900] =	vst v63  }
0xc1: {  	s21 =	rddreg [dreg:$0x1c];
	s22 =	simm.s32 $0x3500  }
0xc2: {  	[tilespmem:s22], [sflag:$0x1] =	stream.linear.gather [spmem:s21], $0x80, $0x38;
	[tilespmem:$0x7900] =	vst v63  }
0xc3: {  	s21 =	rddreg [dreg:$0x1d];
	s22 =	simm.s32 $0x3900  }
0xc4: {  	[tilespmem:s22], [sflag:$0x1] =	stream.linear.gather [spmem:s21], $0x80, $0x38;
	[tilespmem:$0x7900] =	vst v63  }
0xc5: {  	s21 =	rddreg [dreg:$0x7];
	s22 =	simm.s32 $0x2980  }
0xc6: {  	[tilespmem:s22], [sflag:$0x1] =	stream.linear.gather [spmem:s21], $0x80, $0x38;
	[tilespmem:$0x7900] =	vst v63  }
0xc7: {  	s21 =	rddreg [dreg:$0x1e];
	s22 =	simm.s32 $0x2D80  }
0xc8: {  	[tilespmem:s22], [sflag:$0x1] =	stream.linear.gather [spmem:s21], $0x80, $0x38;
	[tilespmem:$0x7900] =	vst v63  }
0xc9: {  	s21 =	rddreg [dreg:$0x1f];
	s22 =	simm.s32 $0x3180  }
0xca: {  	[tilespmem:s22], [sflag:$0x1] =	stream.linear.gather [spmem:s21], $0x80, $0x38;
	[tilespmem:$0x7900] =	vst v63  }
0xcb: {  	s21 =	sld [smem:$0x7D3];
	_ =	sdelay $0x1  }
0xcc: {  	s22 =	simm.s32 $0x3580  }
0xcd: {  	[tilespmem:s22], [sflag:$0x1] =	stream.linear.gather [spmem:s21], $0x80, $0x38;
	[tilespmem:$0x7900] =	vst v63  }
0xce: {  	s21 =	sld [smem:$0x7D4];
	_ =	sdelay $0x1  }
0xcf: {  	s22 =	simm.s32 $0x3980  }
0xd0: {  	[tilespmem:s22], [sflag:$0x1] =	stream.linear.gather [spmem:s21], $0x80, $0x38;
	[tilespmem:$0x7900] =	vst v63  }
0xd1: {  	s21 =	rddreg [dreg:$0x8];
	s22 =	simm.s32 $0x2A00  }
0xd2: {  	[tilespmem:s22], [sflag:$0x1] =	stream.linear.gather [spmem:s21], $0x80, $0x38;
	[tilespmem:$0x7900] =	vst v63  }
0xd3: {  	s21 =	sld [smem:$0x7D5];
	_ =	sdelay $0x1  }
0xd4: {  	s22 =	simm.s32 $0x2E00  }
0xd5: {  	[tilespmem:s22], [sflag:$0x1] =	stream.linear.gather [spmem:s21], $0x80, $0x38;
	[tilespmem:$0x7900] =	vst v63  }
0xd6: {  	s21 =	sld [smem:$0x7D6];
	_ =	sdelay $0x1  }
0xd7: {  	s22 =	simm.s32 $0x3200  }
0xd8: {  	[tilespmem:s22], [sflag:$0x1] =	stream.linear.gather [spmem:s21], $0x80, $0x38;
	[tilespmem:$0x7900] =	vst v63  }
0xd9: {  	s21 =	sld [smem:$0x7D7];
	_ =	sdelay $0x1  }
0xda: {  	s22 =	simm.s32 $0x3600  }
0xdb: {  	[tilespmem:s22], [sflag:$0x1] =	stream.linear.gather [spmem:s21], $0x80, $0x38;
	[tilespmem:$0x7900] =	vst v63  }
0xdc: {  	s21 =	sld [smem:$0x7D8];
	_ =	sdelay $0x1  }
0xdd: {  	s22 =	simm.s32 $0x3A00  }
0xde: {  	[tilespmem:s22], [sflag:$0x1] =	stream.linear.gather [spmem:s21], $0x80, $0x38;
	[tilespmem:$0x7900] =	vst v63  }
0xdf: {  	s21 =	rddreg [dreg:$0x9];
	s22 =	simm.s32 $0x2A80  }
0xe0: {  	[tilespmem:s22], [sflag:$0x1] =	stream.linear.gather [spmem:s21], $0x80, $0x38;
	[tilespmem:$0x7900] =	vst v63  }
0xe1: {  	s21 =	sld [smem:$0x7D9];
	_ =	sdelay $0x1  }
0xe2: {  	s22 =	simm.s32 $0x2E80  }
0xe3: {  	[tilespmem:s22], [sflag:$0x1] =	stream.linear.gather [spmem:s21], $0x80, $0x38;
	[tilespmem:$0x7900] =	vst v63  }
0xe4: {  	s21 =	sld [smem:$0x7DA];
	_ =	sdelay $0x1  }
0xe5: {  	s22 =	simm.s32 $0x3280  }
0xe6: {  	[tilespmem:s22], [sflag:$0x1] =	stream.linear.gather [spmem:s21], $0x80, $0x38;
	[tilespmem:$0x7900] =	vst v63  }
0xe7: {  	s21 =	sld [smem:$0x7DB];
	_ =	sdelay $0x1  }
0xe8: {  	s22 =	simm.s32 $0x3680  }
0xe9: {  	[tilespmem:s22], [sflag:$0x1] =	stream.linear.gather [spmem:s21], $0x80, $0x38;
	[tilespmem:$0x7900] =	vst v63  }
0xea: {  	s21 =	sld [smem:$0x7DC];
	_ =	sdelay $0x1  }
0xeb: {  	s22 =	simm.s32 $0x3A80  }
0xec: {  	[tilespmem:s22], [sflag:$0x1] =	stream.linear.gather [spmem:s21], $0x80, $0x38;
	[tilespmem:$0x7900] =	vst v63  }
0xed: {  	s21 =	rddreg [dreg:$0xa];
	s22 =	simm.s32 $0x2B00  }
0xee: {  	[tilespmem:s22], [sflag:$0x1] =	stream.linear.gather [spmem:s21], $0x80, $0x38;
	[tilespmem:$0x7900] =	vst v63  }
0xef: {  	s21 =	sld [smem:$0x7DD];
	_ =	sdelay $0x1  }
0xf0: {  	s22 =	simm.s32 $0x2F00  }
0xf1: {  	[tilespmem:s22], [sflag:$0x1] =	stream.linear.gather [spmem:s21], $0x80, $0x38;
	[tilespmem:$0x7900] =	vst v63  }
0xf2: {  	s21 =	sld [smem:$0x7DE];
	_ =	sdelay $0x1  }
0xf3: {  	s22 =	simm.s32 $0x3300  }
0xf4: {  	[tilespmem:s22], [sflag:$0x1] =	stream.linear.gather [spmem:s21], $0x80, $0x38;
	[tilespmem:$0x7900] =	vst v63  }
0xf5: {  	s21 =	sld [smem:$0x7DF];
	_ =	sdelay $0x1  }
0xf6: {  	s22 =	simm.s32 $0x3700  }
0xf7: {  	[tilespmem:s22], [sflag:$0x1] =	stream.linear.gather [spmem:s21], $0x80, $0x38;
	[tilespmem:$0x7900] =	vst v63  }
0xf8: {  	s21 =	sld [smem:$0x7E0];
	_ =	sdelay $0x1  }
0xf9: {  	s22 =	simm.s32 $0x3B00  }
0xfa: {  	[tilespmem:s22], [sflag:$0x1] =	stream.linear.gather [spmem:s21], $0x80, $0x38;
	[tilespmem:$0x7900] =	vst v63  }
0xfb: {  	s21 =	rddreg [dreg:$0xb];
	s22 =	simm.s32 $0x2B80  }
0xfc: {  	[tilespmem:s22], [sflag:$0x1] =	stream.linear.gather [spmem:s21], $0x80, $0x38;
	[tilespmem:$0x7900] =	vst v63  }
0xfd: {  	s21 =	sld [smem:$0x7E1];
	_ =	sdelay $0x1  }
0xfe: {  	s22 =	simm.s32 $0x2F80  }
0xff: {  	[tilespmem:s22], [sflag:$0x1] =	stream.linear.gather [spmem:s21], $0x80, $0x38;
	[tilespmem:$0x7900] =	vst v63  }
0x100: {  	s21 =	sld [smem:$0x7E2];
	_ =	sdelay $0x1  }
0x101: {  	s22 =	simm.s32 $0x3380  }
0x102: {  	[tilespmem:s22], [sflag:$0x1] =	stream.linear.gather [spmem:s21], $0x80, $0x38;
	[tilespmem:$0x7900] =	vst v63  }
0x103: {  	s21 =	sld [smem:$0x7E3];
	_ =	sdelay $0x1  }
0x104: {  	s22 =	simm.s32 $0x3780  }
0x105: {  	[tilespmem:s22], [sflag:$0x1] =	stream.linear.gather [spmem:s21], $0x80, $0x38;
	[tilespmem:$0x7900] =	vst v63  }
0x106: {  	s21 =	sld [smem:$0x7E4];
	_ =	sdelay $0x1  }
0x107: {  	s22 =	simm.s32 $0x3B80  }
0x108: {  	[tilespmem:s22], [sflag:$0x1] =	stream.linear.gather [spmem:s21], $0x80, $0x38;
	[tilespmem:$0x7900] =	vst v63  }
0x109: {  	s21 =	rddreg [dreg:$0xc];
	s22 =	simm.s32 $0x2C00  }
0x10a: {  	[tilespmem:s22], [sflag:$0x1] =	stream.linear.gather [spmem:s21], $0x80, $0x38;
	[tilespmem:$0x7900] =	vst v63  }
0x10b: {  	s21 =	sld [smem:$0x7E5];
	_ =	sdelay $0x1  }
0x10c: {  	s22 =	simm.s32 $0x3000  }
0x10d: {  	[tilespmem:s22], [sflag:$0x1] =	stream.linear.gather [spmem:s21], $0x80, $0x38;
	[tilespmem:$0x7900] =	vst v63  }
0x10e: {  	s21 =	sld [smem:$0x7E6];
	_ =	sdelay $0x1  }
0x10f: {  	s22 =	simm.s32 $0x3400  }
0x110: {  	[tilespmem:s22], [sflag:$0x1] =	stream.linear.gather [spmem:s21], $0x80, $0x38;
	[tilespmem:$0x7900] =	vst v63  }
0x111: {  	s21 =	sld [smem:$0x7E7];
	_ =	sdelay $0x1  }
0x112: {  	s22 =	simm.s32 $0x3800  }
0x113: {  	[tilespmem:s22], [sflag:$0x1] =	stream.linear.gather [spmem:s21], $0x80, $0x38;
	[tilespmem:$0x7900] =	vst v63  }
0x114: {  	s21 =	sld [smem:$0x7E8];
	_ =	sdelay $0x1  }
0x115: {  	s22 =	simm.s32 $0x3C00  }
0x116: {  	[tilespmem:s22], [sflag:$0x1] =	stream.linear.gather [spmem:s21], $0x80, $0x38;
	[tilespmem:$0x7900] =	vst v63  }
0x117: {  	s21 =	rddreg [dreg:$0xd];
	s22 =	simm.s32 $0x2C80  }
0x118: {  	[tilespmem:s22], [sflag:$0x1] =	stream.linear.gather [spmem:s21], $0x80, $0x38;
	[tilespmem:$0x7900] =	vst v63  }
0x119: {  	s21 =	sld [smem:$0x7E9];
	_ =	sdelay $0x1  }
0x11a: {  	s22 =	simm.s32 $0x3080  }
0x11b: {  	[tilespmem:s22], [sflag:$0x1] =	stream.linear.gather [spmem:s21], $0x80, $0x38;
	[tilespmem:$0x7900] =	vst v63  }
0x11c: {  	s21 =	sld [smem:$0x7EA];
	_ =	sdelay $0x1  }
0x11d: {  	s22 =	simm.s32 $0x3480  }
0x11e: {  	[tilespmem:s22], [sflag:$0x1] =	stream.linear.gather [spmem:s21], $0x80, $0x38;
	[tilespmem:$0x7900] =	vst v63  }
0x11f: {  	s21 =	sld [smem:$0x7EB];
	_ =	sdelay $0x1  }
0x120: {  	s22 =	simm.s32 $0x3880  }
0x121: {  	[tilespmem:s22], [sflag:$0x1] =	stream.linear.gather [spmem:s21], $0x80, $0x38;
	[tilespmem:$0x7900] =	vst v63  }
0x122: {  	s21 =	sld [smem:$0x7EC];
	_ =	sdelay $0x1  }
0x123: {  	s22 =	simm.s32 $0x3C80  }
0x124: {  	[tilespmem:s22], [sflag:$0x1] =	stream.linear.gather [spmem:s21], $0x80, $0x38;
	[tilespmem:$0x7900] =	vst v63  }
0x125: {  	s21 =	rddreg [dreg:$0xe];
	s22 =	simm.s32 $0x3D00  }
0x126: {  	[tilespmem:s22], [sflag:$0x1] =	stream.linear.gather [spmem:s21], $0x80, $0x38;
	[tilespmem:$0x7900] =	vst v63  }
0x127: {  	s21 =	sld [smem:$0x7ED];
	_ =	sdelay $0x1  }
0x128: {  	s22 =	simm.s32 $0x4100  }
0x129: {  	[tilespmem:s22], [sflag:$0x1] =	stream.linear.gather [spmem:s21], $0x80, $0x38;
	[tilespmem:$0x7900] =	vst v63  }
0x12a: {  	s21 =	sld [smem:$0x7EE];
	_ =	sdelay $0x1  }
0x12b: {  	s22 =	simm.s32 $0x4500  }
0x12c: {  	[tilespmem:s22], [sflag:$0x1] =	stream.linear.gather [spmem:s21], $0x80, $0x38;
	[tilespmem:$0x7900] =	vst v63  }
0x12d: {  	s21 =	sld [smem:$0x7EF];
	_ =	sdelay $0x1  }
0x12e: {  	s22 =	simm.s32 $0x4900  }
0x12f: {  	[tilespmem:s22], [sflag:$0x1] =	stream.linear.gather [spmem:s21], $0x80, $0x38;
	[tilespmem:$0x7900] =	vst v63  }
0x130: {  	s21 =	sld [smem:$0x7F0];
	_ =	sdelay $0x1  }
0x131: {  	s22 =	simm.s32 $0x4D00  }
0x132: {  	[tilespmem:s22], [sflag:$0x1] =	stream.linear.gather [spmem:s21], $0x80, $0x38;
	[tilespmem:$0x7900] =	vst v63  }
0x133: {  	s21 =	rddreg [dreg:$0xf];
	s22 =	simm.s32 $0x3D80  }
0x134: {  	[tilespmem:s22], [sflag:$0x1] =	stream.linear.gather [spmem:s21], $0x80, $0x38;
	[tilespmem:$0x7900] =	vst v63  }
0x135: {  	s21 =	sld [smem:$0x7F1];
	_ =	sdelay $0x1  }
0x136: {  	s22 =	simm.s32 $0x4180  }
0x137: {  	[tilespmem:s22], [sflag:$0x1] =	stream.linear.gather [spmem:s21], $0x80, $0x38;
	[tilespmem:$0x7900] =	vst v63  }
0x138: {  	s21 =	sld [smem:$0x7F2];
	_ =	sdelay $0x1  }
0x139: {  	s22 =	simm.s32 $0x4580  }
0x13a: {  	[tilespmem:s22], [sflag:$0x1] =	stream.linear.gather [spmem:s21], $0x80, $0x38;
	[tilespmem:$0x7900] =	vst v63  }
0x13b: {  	s21 =	sld [smem:$0x7F3];
	_ =	sdelay $0x1  }
0x13c: {  	s22 =	simm.s32 $0x4980  }
0x13d: {  	[tilespmem:s22], [sflag:$0x1] =	stream.linear.gather [spmem:s21], $0x80, $0x38;
	[tilespmem:$0x7900] =	vst v63  }
0x13e: {  	s21 =	sld [smem:$0x7F4];
	_ =	sdelay $0x1  }
0x13f: {  	s22 =	simm.s32 $0x4D80  }
0x140: {  	[tilespmem:s22], [sflag:$0x1] =	stream.linear.gather [spmem:s21], $0x80, $0x38;
	[tilespmem:$0x7900] =	vst v63  }
0x141: {  	s21 =	rddreg [dreg:$0x10];
	s22 =	simm.s32 $0x3E00  }
0x142: {  	[tilespmem:s22], [sflag:$0x1] =	stream.linear.gather [spmem:s21], $0x80, $0x38;
	[tilespmem:$0x7900] =	vst v63  }
0x143: {  	s21 =	sld [smem:$0x7F5];
	_ =	sdelay $0x1  }
0x144: {  	s22 =	simm.s32 $0x4200  }
0x145: {  	[tilespmem:s22], [sflag:$0x1] =	stream.linear.gather [spmem:s21], $0x80, $0x38;
	[tilespmem:$0x7900] =	vst v63  }
0x146: {  	s21 =	sld [smem:$0x7F6];
	_ =	sdelay $0x1  }
0x147: {  	s22 =	simm.s32 $0x4600  }
0x148: {  	[tilespmem:s22], [sflag:$0x1] =	stream.linear.gather [spmem:s21], $0x80, $0x38;
	[tilespmem:$0x7900] =	vst v63  }
0x149: {  	s21 =	sld [smem:$0x7F7];
	_ =	sdelay $0x1  }
0x14a: {  	s22 =	simm.s32 $0x4A00  }
0x14b: {  	[tilespmem:s22], [sflag:$0x1] =	stream.linear.gather [spmem:s21], $0x80, $0x38;
	[tilespmem:$0x7900] =	vst v63  }
0x14c: {  	s21 =	sld [smem:$0x7F8];
	_ =	sdelay $0x1  }
0x14d: {  	s22 =	simm.s32 $0x4E00  }
0x14e: {  	[tilespmem:s22], [sflag:$0x1] =	stream.linear.gather [spmem:s21], $0x80, $0x38;
	[tilespmem:$0x7900] =	vst v63  }
0x14f: {  	s21 =	rddreg [dreg:$0x11];
	s22 =	simm.s32 $0x3E80  }
0x150: {  	[tilespmem:s22], [sflag:$0x1] =	stream.linear.gather [spmem:s21], $0x80, $0x38;
	[tilespmem:$0x7900] =	vst v63  }
0x151: {  	s21 =	sld [smem:$0x7F9];
	_ =	sdelay $0x1  }
0x152: {  	s22 =	simm.s32 $0x4280  }
0x153: {  	[tilespmem:s22], [sflag:$0x1] =	stream.linear.gather [spmem:s21], $0x80, $0x38;
	[tilespmem:$0x7900] =	vst v63  }
0x154: {  	s21 =	sld [smem:$0x7FA];
	_ =	sdelay $0x1  }
0x155: {  	s22 =	simm.s32 $0x4680  }
0x156: {  	[tilespmem:s22], [sflag:$0x1] =	stream.linear.gather [spmem:s21], $0x80, $0x38;
	[tilespmem:$0x7900] =	vst v63  }
0x157: {  	s21 =	sld [smem:$0x7FB];
	_ =	sdelay $0x1  }
0x158: {  	s22 =	simm.s32 $0x4A80  }
0x159: {  	[tilespmem:s22], [sflag:$0x1] =	stream.linear.gather [spmem:s21], $0x80, $0x38;
	[tilespmem:$0x7900] =	vst v63  }
0x15a: {  	s21 =	sld [smem:$0x7FC];
	_ =	sdelay $0x1  }
0x15b: {  	s22 =	simm.s32 $0x4E80  }
0x15c: {  	[tilespmem:s22], [sflag:$0x1] =	stream.linear.gather [spmem:s21], $0x80, $0x38;
	[tilespmem:$0x7900] =	vst v63  }
0x15d: {  	s21 =	rddreg [dreg:$0x12];
	s22 =	simm.s32 $0x3F00  }
0x15e: {  	[tilespmem:s22], [sflag:$0x1] =	stream.linear.gather [spmem:s21], $0x80, $0x38;
	[tilespmem:$0x7900] =	vst v63  }
0x15f: {  	s21 =	sld [smem:$0x7FD];
	_ =	sdelay $0x1  }
0x160: {  	s22 =	simm.s32 $0x4300  }
0x161: {  	[tilespmem:s22], [sflag:$0x1] =	stream.linear.gather [spmem:s21], $0x80, $0x38;
	[tilespmem:$0x7900] =	vst v63  }
0x162: {  	s20 =	simm.s32 $0x4700  }
0x163: {  	[tilespmem:s20], [sflag:$0x1] =	stream.linear.gather [spmem:s23], $0x80, $0x38;
	[tilespmem:$0x7900] =	vst v63  }
0x164: {  	s21 =	simm.s32 $0x4B00  }
0x165: {  	[tilespmem:s21], [sflag:$0x1] =	stream.linear.gather [spmem:s26], $0x80, $0x38;
	[tilespmem:$0x7900] =	vst v63  }
0x166: {  	s22 =	simm.s32 $0x4F00  }
0x167: {  	[tilespmem:s22], [sflag:$0x1] =	stream.linear.gather [spmem:s28], $0x80, $0x38;
	[tilespmem:$0x7900] =	vst v63  }
0x168: {  	s20 =	rddreg [dreg:$0x13];
	s21 =	simm.s32 $0x3F80  }
0x169: {  	[tilespmem:s21], [sflag:$0x1] =	stream.linear.gather [spmem:s20], $0x80, $0x38;
	[tilespmem:$0x7900] =	vst v63  }
0x16a: {  	s22 =	simm.s32 $0x4380  }
0x16b: {  	[tilespmem:s22], [sflag:$0x1] =	stream.linear.gather [spmem:s29], $0x80, $0x38;
	[tilespmem:$0x7900] =	vst v63  }
0x16c: {  	s20 =	simm.s32 $0x4780  }
0x16d: {  	[tilespmem:s20], [sflag:$0x1] =	stream.linear.gather [spmem:s30], $0x80, $0x38;
	[tilespmem:$0x7900] =	vst v63  }
0x16e: {  	s21 =	simm.s32 $0x4B80  }
0x16f: {  	[tilespmem:s21], [sflag:$0x1] =	stream.linear.gather [spmem:s24], $0x80, $0x38;
	[tilespmem:$0x7900] =	vst v63  }
0x170: {  	s22 =	simm.s32 $0x4F80  }
0x171: {  	[tilespmem:s22], [sflag:$0x1] =	stream.linear.gather [spmem:s31], $0x80, $0x38;
	[tilespmem:$0x7900] =	vst v63  }
0x172: {  	s20 =	rddreg [dreg:$0x18];
	s21 =	simm.s32 $0x4000  }
0x173: {  	[tilespmem:s21], [sflag:$0x1] =	stream.linear.gather [spmem:s20], $0x80, $0x38;
	[tilespmem:$0x7900] =	vst v63  }
0x174: {  	s22 =	simm.s32 $0x4400  }
0x175: {  	[tilespmem:s22], [sflag:$0x1] =	stream.linear.gather [spmem:s25], $0x80, $0x38;
	[tilespmem:$0x7900] =	vst v63  }
0x176: {  	s20 =	simm.s32 $0x4800  }
0x177: {  	[tilespmem:s20], [sflag:$0x1] =	stream.linear.gather [spmem:s0], $0x80, $0x38;
	[tilespmem:$0x7900] =	vst v63  }
0x178: {  	s21 =	simm.s32 $0x4C00  }
0x179: {  	[tilespmem:s21], [sflag:$0x1] =	stream.linear.gather [spmem:s1], $0x80, $0x38;
	[tilespmem:$0x7900] =	vst v63  }
0x17a: {  	s22 =	simm.s32 $0x5000  }
0x17b: {  	[tilespmem:s22], [sflag:$0x1] =	stream.linear.gather [spmem:s4], $0x80, $0x38;
	[tilespmem:$0x7900] =	vst v63  }
0x17c: {  	s20 =	rddreg [dreg:$0x19];
	s21 =	simm.s32 $0x4080  }
0x17d: {  	[tilespmem:s21], [sflag:$0x1] =	stream.linear.gather [spmem:s20], $0x80, $0x38;
	[tilespmem:$0x7900] =	vst v63  }
0x17e: {  	s22 =	simm.s32 $0x4480  }
0x17f: {  	[tilespmem:s22], [sflag:$0x1] =	stream.linear.gather [spmem:s5], $0x80, $0x38;
	[tilespmem:$0x7900] =	vst v63  }
0x180: {  	s20 =	simm.s32 $0x4880  }
0x181: {  	[tilespmem:s20], [sflag:$0x1] =	stream.linear.gather [spmem:s7], $0x80, $0x38;
	[tilespmem:$0x7900] =	vst v63  }
0x182: {  	s21 =	simm.s32 $0x4C80  }
0x183: {  	[tilespmem:s21], [sflag:$0x1] =	stream.linear.gather [spmem:s8], $0x80, $0x38;
	[tilespmem:$0x7900] =	vst v63  }
0x184: {  	s22 =	simm.s32 $0x5080  }
0x185: {  	[tilespmem:s22], [sflag:$0x1] =	stream.linear.gather [spmem:s9], $0x80, $0x38;
	[tilespmem:$0x7900] =	vst v63  }
0x186: {  	_ =	swait.ge [sflag:s12], $0x280  }
0x187: {  	[sflag:s12] =	ssyncset.done $0x0  }
0x188: {  	[sflag:s12] =	ssyncadd.s32 $0xFFFFFD80  }
0x189: {  	_ =	swait.ge [sflag:s12], $0x280  }
0x18a: {  	[sflag:s12] =	ssyncset.done $0x0  }
0x18b: {  	[sflag:s12] =	ssyncadd.s32 $0xFFFFFD80  }
0x18c: {  	_ =	swait.ge [sflag:s12], $0x280  }
0x18d: {  	[sflag:s12] =	ssyncset.done $0x0  }
0x18e: {  	[sflag:s12] =	ssyncadd.s32 $0xFFFFFD80  }
0x18f: {  	_ =	swait.ge [sflag:s12], $0x280  }
0x190: {  	[sflag:s12] =	ssyncset.done $0x0  }
0x191: {  	[sflag:s12] =	ssyncadd.s32 $0xFFFFFD80  }
0x192: {  	_ =	swait.ge [sflag:s12], $0x280  }
0x193: {  	[sflag:s12] =	ssyncset.done $0x0  }
0x194: {  	[sflag:s12] =	ssyncadd.s32 $0xFFFFFD80  }
0x195: {  	_ =	swait.ge [sflag:s12], $0x280  }
0x196: {  	[sflag:s12] =	ssyncset.done $0x0  }
0x197: {  	[sflag:s12] =	ssyncadd.s32 $0xFFFFFD80  }
0x198: {  	_ =	swait.ge [sflag:s12], $0x280  }
0x199: {  	[sflag:s12] =	ssyncset.done $0x0  }
0x19a: {  	[sflag:s12] =	ssyncadd.s32 $0xFFFFFD80  }
0x19b: {  	_ =	swait.ge [sflag:s12], $0x280  }
0x19c: {  	[sflag:s12] =	ssyncset.done $0x0  }
0x19d: {  	[sflag:s12] =	ssyncadd.s32 $0xFFFFFD80  }
0x19e: {  	_ =	swait.ge [sflag:s12], $0x280  }
0x19f: {  	[sflag:s12] =	ssyncset.done $0x0  }
0x1a0: {  	[sflag:s12] =	ssyncadd.s32 $0xFFFFFD80  }
0x1a1: {  	_ =	swait.ge [sflag:s12], $0x280  }
0x1a2: {  	[sflag:s12] =	ssyncset.done $0x0  }
0x1a3: {  	[sflag:s12] =	ssyncadd.s32 $0xFFFFFD80  }
0x1a4: {  	_ =	swait.ge [sflag:s12], $0x280  }
0x1a5: {  	[sflag:s12] =	ssyncset.done $0x0  }
0x1a6: {  	[sflag:s12] =	ssyncadd.s32 $0xFFFFFD80  }
0x1a7: {  	_ =	swait.ge [sflag:s12], $0x280  }
0x1a8: {  	[sflag:s12] =	ssyncset.done $0x0  }
0x1a9: {  	[sflag:s12] =	ssyncadd.s32 $0xFFFFFD80  }
0x1aa: {  	_ =	swait.ge [sflag:s12], $0x280  }
0x1ab: {  	[sflag:s12] =	ssyncset.done $0x0  }
0x1ac: {  	[sflag:s12] =	ssyncadd.s32 $0xFFFFFD80  }
0x1ad: {  	_ =	swait.ge [sflag:s12], $0x280  }
0x1ae: {  	[sflag:s12] =	ssyncset.done $0x0  }
0x1af: {  	[sflag:s12] =	ssyncadd.s32 $0xFFFFFD80  }
0x1b0: {  	_ =	swait.ge [sflag:s12], $0x280  }
0x1b1: {  	[sflag:s12] =	ssyncset.done $0x0  }
0x1b2: {  	[sflag:s12] =	ssyncadd.s32 $0xFFFFFD80  }
0x1b3: {  	_ =	swait.ge [sflag:s12], $0x280  }
0x1b4: {  	s20 =	sand.u32 $0x70, s17;
	s21 =	sand.u32 $0x1C00, s17;
	[sflag:s12] =	ssyncset.done $0x0  }
0x1b5: {  	s19 =	sor.u32 s20, s21;
	[sflag:s12] =	ssyncadd.s32 $0xFFFFFD80  }
0x1b6: {  	v2 =	vld [tilespmem:s19+$0x2980]  }
0x1b7: {  	v3 =	vld [tilespmem:s19+$0x2900];
	_ =	sdelay $0x1  }
0x1b8: {  	v4 =	vld [tilespmem:s19+$0x2A00];
	_ =	sdelay $0x1  }
0x1b9: {  	v5 =	vld [tilespmem:s19+$0x2A80]  }
0x1ba: {  	v2 =	vadd.f32 v2, v3  }
0x1bb: {  	v3 =	vld [tilespmem:s19+$0x2B00]  }
0x1bc: {  	v2 =	vadd.f32 v4, v2  }
0x1bd: {  	v56 =	vld [tilespmem:s19+$0x2B80]  }
0x1be: {  	v2 =	vadd.f32 v5, v2  }
0x1bf: {  	v57 =	vld [tilespmem:s19+$0x2C00]  }
0x1c0: {  	v2 =	vadd.f32 v3, v2  }
0x1c1: {  	v3 =	vld [tilespmem:s19+$0x2C80]  }
0x1c2: {  	v2 =	vadd.f32 v56, v2  }
0x1c3: {  	v58 =	vld [tilespmem:s19+$0x3D00]  }
0x1c4: {  	v2 =	vadd.f32 v57, v2  }
0x1c5: {  	v59 =	vld [tilespmem:s19+$0x3D80]  }
0x1c6: {  	v2 =	vadd.f32 v3, v2  }
0x1c7: {  	v3 =	vld [tilespmem:s19+$0x3E00]  }
0x1c8: {  	v2 =	vadd.f32 v58, v2  }
0x1c9: {  	v60 =	vld [tilespmem:s19+$0x3E80]  }
0x1ca: {  	v2 =	vadd.f32 v59, v2  }
0x1cb: {  	v61 =	vld [tilespmem:s19+$0x3F00]  }
0x1cc: {  	v2 =	vadd.f32 v3, v2  }
0x1cd: {  	v3 =	vld [tilespmem:s19+$0x3F80]  }
0x1ce: {  	v2 =	vadd.f32 v60, v2  }
0x1cf: {  	v62 =	vld [tilespmem:s19+$0x4000]  }
0x1d0: {  	v2 =	vadd.f32 v61, v2  }
0x1d1: {  	v63 =	vld [tilespmem:s19+$0x4080]  }
0x1d2: {  	v2 =	vadd.f32 v3, v2;
	_ =	sdelay $0x1  }
0x1d3: {  	v2 =	vadd.f32 v62, v2;
	_ =	sdelay $0x1  }
0x1d4: {  	s20 =	simm.s32 $0x80;
	s22 =	simm.s32 $0x10;
	v2 =	vadd.f32 v63, v2  }
0x1d5: {  	s21 =	sand.u32 $0x1C00, s20;
	s19 =	sand.u32 $0x70, s22  }
0x1d6: {  	s19 =	sor.u32 s19, s21;
	s21 =	simm.s32 $0x20;
	[tilespmem:s17+$0x0] =	vst v2  }
.LBB2_6:
0x1d7: {  	p0 =	sne.s32 s21, $0x270;
	v2 =	vld [tilespmem:s19+$0x2980]  }
0x1d8: {  	v3 =	vld [tilespmem:s19+$0x2900];
	_ =	sdelay $0x1  }
0x1d9: {  	v4 =	vld [tilespmem:s19+$0x2A00];
	_ =	sdelay $0x1  }
0x1da: {  	v5 =	vld [tilespmem:s19+$0x2A80]  }
0x1db: {  	v2 =	vadd.f32 v2, v3  }
0x1dc: {  	v3 =	vld [tilespmem:s19+$0x2B00]  }
0x1dd: {  	v2 =	vadd.f32 v4, v2  }
0x1de: {  	v4 =	vld [tilespmem:s19+$0x2B80]  }
0x1df: {  	v2 =	vadd.f32 v5, v2  }
0x1e0: {  	v5 =	vld [tilespmem:s19+$0x2C00]  }
0x1e1: {  	v2 =	vadd.f32 v3, v2  }
0x1e2: {  	v3 =	vld [tilespmem:s19+$0x2C80]  }
0x1e3: {  	v2 =	vadd.f32 v4, v2  }
0x1e4: {  	v4 =	vld [tilespmem:s19+$0x3D00]  }
0x1e5: {  	v2 =	vadd.f32 v5, v2  }
0x1e6: {  	v5 =	vld [tilespmem:s19+$0x3D80]  }
0x1e7: {  	v2 =	vadd.f32 v3, v2  }
0x1e8: {  	v3 =	vld [tilespmem:s19+$0x3E00]  }
0x1e9: {  	v2 =	vadd.f32 v4, v2  }
0x1ea: {  	v4 =	vld [tilespmem:s19+$0x3E80]  }
0x1eb: {  	v2 =	vadd.f32 v5, v2  }
0x1ec: {  	v5 =	vld [tilespmem:s19+$0x3F00]  }
0x1ed: {  	v2 =	vadd.f32 v3, v2  }
0x1ee: {  	v3 =	vld [tilespmem:s19+$0x3F80]  }
0x1ef: {  	v2 =	vadd.f32 v4, v2  }
0x1f0: {  	v4 =	vld [tilespmem:s19+$0x4000]  }
0x1f1: {  	v2 =	vadd.f32 v5, v2  }
0x1f2: {  	v5 =	vld [tilespmem:s19+$0x4080]  }
0x1f3: {  	v2 =	vadd.f32 v3, v2;
	_ =	sdelay $0x1  }
.Ltmp2:
0x1f4: {  	v2 =	vadd.f32 v4, v2;
	(pc) =	sbr.rel @p0 .LBB2_6-.Ltmp2, $4  }
0x1f5: {  	_ = 	snop  }
0x1f6: {  	s20 =	sadd.s32 $0x80, s20;
	v2 =	vadd.f32 v5, v2  }
0x1f7: {  	s17 =	sadd.s32 $0x10, s17;
	s22 =	sand.u32 $0x1C00, s20;
	s19 =	sand.u32 $0x70, s21  }
0x1f8: {  	s21 =	sadd.s32 $0x10, s21;
	s19 =	sor.u32 s19, s22;
	[tilespmem:s17+$0x0] =	vst v2  }
0x1f9: {  	v2 =	vld [tilespmem:s19+$0x2980]  }
0x1fa: {  	v3 =	vld [tilespmem:s19+$0x2900];
	_ =	sdelay $0x1  }
0x1fb: {  	v4 =	vld [tilespmem:s19+$0x2A00];
	_ =	sdelay $0x1  }
0x1fc: {  	v5 =	vld [tilespmem:s19+$0x2A80]  }
0x1fd: {  	v2 =	vadd.f32 v2, v3  }
0x1fe: {  	v3 =	vld [tilespmem:s19+$0x2B00]  }
0x1ff: {  	v2 =	vadd.f32 v4, v2  }
0x200: {  	v56 =	vld [tilespmem:s19+$0x2B80]  }
0x201: {  	v2 =	vadd.f32 v5, v2  }
0x202: {  	v57 =	vld [tilespmem:s19+$0x2C00]  }
0x203: {  	v2 =	vadd.f32 v3, v2  }
0x204: {  	v3 =	vld [tilespmem:s19+$0x2C80]  }
0x205: {  	v2 =	vadd.f32 v56, v2  }
0x206: {  	v58 =	vld [tilespmem:s19+$0x3D00]  }
0x207: {  	v2 =	vadd.f32 v57, v2  }
0x208: {  	v59 =	vld [tilespmem:s19+$0x3D80]  }
0x209: {  	v2 =	vadd.f32 v3, v2  }
0x20a: {  	v3 =	vld [tilespmem:s19+$0x3E00]  }
0x20b: {  	v2 =	vadd.f32 v58, v2  }
0x20c: {  	v60 =	vld [tilespmem:s19+$0x3E80]  }
0x20d: {  	v2 =	vadd.f32 v59, v2  }
0x20e: {  	v61 =	vld [tilespmem:s19+$0x3F00]  }
0x20f: {  	v2 =	vadd.f32 v3, v2  }
0x210: {  	v3 =	vld [tilespmem:s19+$0x3F80]  }
0x211: {  	v2 =	vadd.f32 v60, v2  }
0x212: {  	v62 =	vld [tilespmem:s19+$0x4000]  }
0x213: {  	v2 =	vadd.f32 v61, v2  }
0x214: {  	v63 =	vld [tilespmem:s19+$0x4080]  }
0x215: {  	v2 =	vadd.f32 v3, v2;
	_ =	sdelay $0x1  }
0x216: {  	v2 =	vadd.f32 v62, v2;
	_ =	sdelay $0x1  }
0x217: {  	v2 =	vadd.f32 v63, v2  }
0x218: {  	s17 =	sadd.s32 $0x10, s17  }
0x219: {  	s20 =	rddreg [dreg:$0x14];
	s21 =	simm.s32 $0x100;
	[tilespmem:s17+$0x0] =	vst v2  }
0x21a: {  	[hbm4b:s20+s14] =	stream.strided.scatter [tilespmem:s2], [sflag:$0x3], $0x280, s21, s14, $0x38;
	[tilespmem:$0x7900] =	vst v63  }
0x21b: {  	_ =	swait.ge [sflag:s15], $0x280  }
0x21c: {  	s16 =	sadd.s32 $0x1, s16;
	s22 =	rddreg [dreg:$0x15]  }
0x21d: {  	p0 =	sne.s32 s16, s22  }
.Ltmp3:
0x21e: {  	_ = 	snop;
	(pc) =	sbr.rel @p0 .LBB2_1-.Ltmp3, $3  }
0x21f: {  	_ =	sdelay $0x1  }
0x220: {  	[sflag:s15] =	ssyncset.done $0x0  }
0x221: {  	[sflag:s15] =	ssyncadd.s32 $0xFFFFFD80  }
0x222: {  	_ =	sfence.sel $0x180000  }
0x223: {  	[bflag:$0x0] =	sbarrier.arrive $0xFFFF  }
0x224: {  	_ =	strace $0x90000047  }
0x225: {  	s0 =	stileid.u32;
	[bflag:$0x2] =	sbarrier.arrive $0xFFFF  }
0x226: {  	p0 =	sne.s32 s0, $0x0;
	s0 =	rddreg [dreg:$0x3]  }
0x227: {  	s0 =	sadd.s32 @!p0 $0x100000, s0  }
0x228: {  	[sflag:s0] =	ssyncadd.tile.s32 @!p0 $0x1;
	_ =	shalt  }
.Lfunc_end2:
_tile_overlayer_lowered:
.L_overlay_start_2:
0x229: {  	(tag) =	ssettag $0x2  }
0x22a: {  	s0 =	rddreg [dreg:$0x0];
	s2 =	stileid.u32  }
0x22b: {  	s1 =	rddreg [dreg:$0x1];
	p0 =	sne.s32 s2, $0x0  }
0x22c: {  	s3 =	rddreg [dreg:$0x2];
	[bflag:$0x3] =	sbarrier.arrive $0xFFFF;
	s2 =	simm.s32 @!p0 $0x1C03  }
0x22d: {  	[timem:s3], [sflag:s2] =	dma.local @!p0 [hbm:s0], s1  }
0x22e: {  	s0 =	simm.s32 @!p0 $0x3  }
0x22f: {  	_ =	swait.ge @!p0 [sflag:s0], s1  }
0x230: {  	s1 =	ssub.s32 @!p0 $0x0, s1;
	[sflag:s0] =	ssyncset.done @!p0 $0x0  }
0x231: {  	[sflag:s0] =	ssyncadd.s32 @!p0 s1  }
0x232: {  	[bflag:$0x3] =	sbarrier.arrive $0xFFFF  }
0x233: {  	_ =	shalt  }

// kernel: kernel.14.cloned.1.call-start
scs
__scs_entry_jumppad:
0x0: {  	(pc) =	sbr.rel $0x88, $3  }
0x1: {  	(tag) =	ssettag $0x0;
	lr =	simm.s32 $0x1  }
0x2: {  	[smem:$0x3F98] =	sst lr;
	_ =	strace $0xD0000000  }
0x3: {  	_ = 	snop  }
0x4: {  	_ = 	snop  }
0x5: {  	_ = 	snop  }
0x6: {  	_ = 	snop  }
0x7: {  	_ = 	snop  }
__scs_overlays_trampoline_lowered:
0x8: {  	[smem:$0x3FA7] =	sst s0  }
0x9: {  	[smem:$0x3FA8] =	sst s1  }
0xa: {  	[smem:$0x3FA9] =	sst s2  }
0xb: {  	[smem:$0x3FAA] =	sst s3  }
0xc: {  	[smem:$0x3FAB] =	sst s4  }
0xd: {  	[smem:$0x3FAC] =	sst s5  }
0xe: {  	[smem:$0x3FAD] =	sst s6  }
0xf: {  	[smem:$0x3FAE] =	sst s7  }
0x10: {  	[smem:$0x3FAF] =	sst s8  }
0x11: {  	[smem:$0x3FB0] =	sst s9;
	s0 =	simm.s32 @!p0 $0x0  }
0x12: {  	s1 =	sld [smem:$0x3F96];
	s0 =	simm.s32 @p0 $0x1  }
0x13: {  	[smem:$0x3FB1] =	sst s0;
	s0 =	simm.s32 @!p1 $0x0  }
0x14: {  	s2 =	sld [smem:$0x3F95];
	s0 =	simm.s32 @p1 $0x1  }
0x15: {  	[smem:$0x3FB2] =	sst s0;
	s0 =	simm.s32 @!p2 $0x0  }
0x16: {  	s3 =	sld [smem:$0x3FDB];
	s0 =	simm.s32 @p2 $0x1  }
0x17: {  	s4 =	simm.s32 $0x1BF5;
	[smem:$0x3FB4] =	sst s0  }
0x18: {  	s0 =	sld [smem:$0x3F97];
	_ =	swait.ge [sflag:s4], $0x0  }
0x19: {  	s7 =	sld [smem:$0x3F98]  }
0x1a: {  	s8 =	sadd.s32 $0xFFFFE003, lr  }
0x1b: {  	s9 =	sadd.s32 $0xFFFFFEF7, lr;
	s5 =	simm.s32 $0xFFFFFFFF;
	p2 =	slt.u32 s8, $0xFFFFF086  }
0x1c: {  	p1 =	slt.u32 s9, $0xF7A;
	s5 =	simm.s32 @!p2 $0x0  }
0x1d: {  	s5 =	simm.s32 @p1 $0x1;
	p0 =	seq.s32 s7, s2  }
0x1e: {  	s7 =	smul.u32 @!p0 $0xF7A, s2;
	p2 =	seq.s32 @!p0 s5, $0x0  }
0x1f: {  	s9 =	smul.u32 $0xF7A, s1;
	s8 =	simm.s32 @!p0 $0x1BF5;
	p2 =	por !p2, p0  }
0x20: {  	[sflag:s8] =	ssyncset.s32 @!p0 $0xFFFFF086;
	s6 =	sadd.s32 @!p0 s3, s7;
	s7 =	simm.s32 @!p0 $0x108  }
0x21: {  	s3 =	sadd.s32 s3, s9;
	s6 =	sadd.s32 @!p0 $0x88, s6;
	s7 =	simm.s32 @p2 $0x1082  }
0x22: {  	[simem:s7], [sflag:s8] =	dma.local @!p0 [hbm:s6], $0xF7A  }
0x23: {  	s9 =	sor.u32 $0xD0000000, s2;
	s6 =	simm.s32 $0x108;
	_ =	swait.ge @!p0 [sflag:s8], $0x0  }
0x24: {  	s3 =	sadd.s32 $0x88, s3;
	s6 =	simm.s32 @!p1 $0x1082;
	[sflag:s4] =	ssyncset.s32 $0xFFFFF086  }
0x25: {  	[simem:s6], [sflag:s4] =	dma.local [hbm:s3], $0xF7A  }
0x26: {  	[smem:$0x3F98] =	sst s1;
	(tag) =	ssettag s2;
	_ =	strace s9  }
0x27: {  	s1 =	sld [smem:$0x3FA8]  }
0x28: {  	s2 =	sld [smem:$0x3FA9]  }
0x29: {  	s4 =	sld [smem:$0x3FAB]  }
0x2a: {  	p0 =	seq.s32 s5, $0x0;
	s5 =	sld [smem:$0x3FAC]  }
0x2b: {  	s6 =	sld [smem:$0x3FAD]  }
0x2c: {  	s7 =	sld [smem:$0x3FAE]  }
0x2d: {  	s3 =	simm.s32 $0x108;
	s8 =	sld [smem:$0x3FAF]  }
0x2e: {  	s3 =	simm.s32 @!p0 $0x1082;
	s9 =	sld [smem:$0x3FB0]  }
0x2f: {  	lr =	sadd.s32 s0, s3;
	s0 =	sld [smem:$0x3FA7]  }
0x30: {  	s3 =	sld [smem:$0x3FAA]  }
0x31: {  	[smem:$0x3FB3] =	sst s10  }
0x32: {  	s10 =	sld [smem:$0x3FB1];
	_ =	sdelay $0x3  }
0x33: {  	p0 =	seq.s32 s10, $0x1;
	s10 =	sld [smem:$0x3FB3];
	_ =	sdelay $0x3  }
0x34: {  	[smem:$0x3FB3] =	sst s10  }
0x35: {  	s10 =	sld [smem:$0x3FB2];
	_ =	sdelay $0x3  }
0x36: {  	p1 =	seq.s32 s10, $0x1;
	s10 =	sld [smem:$0x3FB3];
	_ =	sdelay $0x3  }
0x37: {  	[smem:$0x3FB3] =	sst s10  }
0x38: {  	s10 =	sld [smem:$0x3FB4]  }
0x39: {  	_ = 	snop;
	(pc) =	sbr.ind lr, $3  }
0x3a: {  	_ = 	snop  }
0x3b: {  	_ = 	snop  }
0x3c: {  	p2 =	seq.s32 s10, $0x1;
	s10 =	sld [smem:$0x3FB3]  }
0x3d: {  	_ =	shalt  }
0x3e: {  	_ =	shalt  }
0x3f: {  	_ =	shalt  }
0x40: {  	_ =	shalt  }
0x41: {  	_ =	shalt  }
0x42: {  	_ =	shalt  }
0x43: {  	_ =	shalt  }
0x44: {  	_ =	shalt  }
0x45: {  	_ =	shalt  }
0x46: {  	_ =	shalt  }
0x47: {  	_ =	shalt  }
0x48: {  	_ =	shalt  }
0x49: {  	_ =	shalt  }
0x4a: {  	_ =	shalt  }
0x4b: {  	_ =	shalt  }
0x4c: {  	_ =	shalt  }
0x4d: {  	_ =	shalt  }
0x4e: {  	_ =	shalt  }
0x4f: {  	_ =	shalt  }
0x50: {  	_ =	shalt  }
0x51: {  	_ =	shalt  }
0x52: {  	_ =	shalt  }
0x53: {  	_ =	shalt  }
0x54: {  	_ =	shalt  }
0x55: {  	_ =	shalt  }
0x56: {  	_ =	shalt  }
0x57: {  	_ =	shalt  }
0x58: {  	_ =	shalt  }
0x59: {  	_ =	shalt  }
0x5a: {  	_ =	shalt  }
0x5b: {  	_ =	shalt  }
0x5c: {  	_ =	shalt  }
0x5d: {  	_ =	shalt  }
0x5e: {  	_ =	shalt  }
0x5f: {  	_ =	shalt  }
0x60: {  	_ =	shalt  }
0x61: {  	_ =	shalt  }
0x62: {  	_ =	shalt  }
0x63: {  	_ =	shalt  }
0x64: {  	_ =	shalt  }
0x65: {  	_ =	shalt  }
0x66: {  	_ =	shalt  }
0x67: {  	_ =	shalt  }
0x68: {  	_ =	shalt  }
0x69: {  	_ =	shalt  }
0x6a: {  	_ =	shalt  }
0x6b: {  	_ =	shalt  }
0x6c: {  	_ =	shalt  }
0x6d: {  	_ =	shalt  }
0x6e: {  	_ =	shalt  }
0x6f: {  	_ =	shalt  }
0x70: {  	_ =	shalt  }
0x71: {  	_ =	shalt  }
0x72: {  	_ =	shalt  }
0x73: {  	_ =	shalt  }
0x74: {  	_ =	shalt  }
0x75: {  	_ =	shalt  }
0x76: {  	_ =	shalt  }
0x77: {  	_ =	shalt  }
0x78: {  	_ =	shalt  }
0x79: {  	_ =	shalt  }
0x7a: {  	_ =	shalt  }
0x7b: {  	_ =	shalt  }
0x7c: {  	_ =	shalt  }
0x7d: {  	_ =	shalt  }
0x7e: {  	_ =	shalt  }
0x7f: {  	_ =	shalt  }
0x80: {  	_ =	shalt  }
0x81: {  	_ =	shalt  }
0x82: {  	_ =	shalt  }
0x83: {  	_ =	shalt  }
0x84: {  	_ =	shalt  }
0x85: {  	_ =	shalt  }
0x86: {  	_ =	shalt  }
0x87: {  	_ =	shalt  }
.Lfunc_end0:
.L_simem_size_0:
called_computation.1_lowered:
.L_overlay_start_0:
0x88: {  	s2 =	sld [smem:$0x3FD9]  }
0x89: {  	s3 =	sld [smem:$0x3FFE];
	_ =	sdelay $0x1  }
0x8a: {  	s1 =	srdreg.scid  }
0x8b: {  	s0 =	sand.u32 $0x1, s1  }
0x8c: {  	s16 =	sshll.u32 s0, $0xA;
	s2 =	sadd.s32 s3, s2  }
0x8d: {  	s2 =	sadd.s32 s2, s16  }
0x8e: {  	[smem:$0x3FBF] =	sst s2  }
0x8f: {  	_ = 	snop  }
0x90: {  	(tm) =	ssettm $0x1  }
0x91: {  	s17 =	sld [smem:$0x3FFB];
	_ =	sdelay $0x3  }
0x92: {  	_ =	strace s17  }
0x93: {  	s2 =	sld [smem:$0x3FFC];
	_ =	sdelay $0x3  }
0x94: {  	_ =	strace s2  }
0x95: {  	s2 =	sld [smem:$0x3FFD];
	_ =	sdelay $0x3  }
0x96: {  	_ =	strace s2  }
0x97: {  	_ =	strace $0x8FFFFFFF  }
0x98: {  	s18 =	sld [smem:$0x3FDB];
	_ =	sdelay $0x1  }
0x99: {  	s19 =	simm.s32 $_scs_section_size  }
0x9a: {  	s4 =	simm.s32 $_size__tile_overlayer_lowered;
	s5 =	simm.s32 $_tile_overlayer_lowered  }
0x9b: {  	s22 =	simm.s32 $0x1BFF;
	s21 =	sshll.u32 s5, $0x1;
	s2 =	sadd.s32 s19, s18  }
0x9c: {  	s6 =	simm.s32 $0x0;
	s20 =	sshll.u32 s4, $0x1;
	s4 =	sadd.s32 s21, s2  }
0x9d: {  	[timem:s6], [sflag:s22] =	dma.local [hbm:s4], s20  }
0x9e: {  	_ =	swait.ge [sflag:s22], s20  }
0x9f: {  	s3 =	ssub.s32 $0x0, s20;
	[sflag:s22] =	ssyncset.done $0x0  }
0xa0: {  	[sflag:s22] =	ssyncadd.s32 s3;
	_ =	sdelay $0x1  }
0xa1: {  	s23 =	simm.s32 $0x1B8B  }
0xa2: {  	_ =	swait.ge [sflag:s23], $0x1  }
0xa3: {  	[sflag:s23] =	ssyncset.done $0x0  }
0xa4: {  	s25 =	simm.s32 $0x1B8E;
	s24 =	sld [smem:$0x3FFE];
	[sflag:s23] =	ssyncadd.s32 $0xFFFFFFFF  }
0xa5: {  	s26 =	simm.s32 $execute0_lowered;
	[smem:$0x3FD2] =	sst s25  }
0xa6: {  	s4 =	sshll.u32 s26, $0x1;
	_ =	strace $0x80000049;
	[dreg:$0x1] =	wrdreg $0xFFFFFFFF  }
0xa7: {  	s28 =	simm.s32 $_size_execute0_lowered;
	s2 =	sadd.s32 s2, s4;
	[dreg:$0x0] =	wrdreg $0x0  }
0xa8: {  	s4 =	sshll.u32 s28, $0x1;
	[dreg:$0x2] =	wrdreg s2  }
0xa9: {  	[dreg:$0x3] =	wrdreg s4  }
0xaa: {  	[dreg:$0x4] =	wrdreg $0xC0  }
0xab: {  	_ =	task [dreg:s6], $0x5FFFF  }
0xac: {  	[dreg:$0x1] =	wrdreg $0xFFFFFFFF  }
0xad: {  	[dreg:$0x0] =	wrdreg $0x60  }
0xae: {  	[dreg:$0x2] =	wrdreg s24  }
0xaf: {  	[dreg:$0x3] =	wrdreg $0xB1000  }
0xb0: {  	[dreg:$0x4] =	wrdreg $0x9  }
0xb1: {  	_ =	task.clear_ibuf [dreg:s6], $0x5FFFF;
	_ =	strace $0x90000049  }
0xb2: {  	s29 =	simm.s32 $0x9;
	_ =	strace $0x8000004B  }
0xb3: {  	_ =	swait.ge [sflag:s29], $0x1  }
0xb4: {  	[sflag:s29] =	ssyncadd.s32 $0xFFFFFFFF  }
0xb5: {  	_ =	strace $0x9000004B  }
0xb6: {  	_ =	sfence  }
0xb7: {  	s30 =	sld [smem:$0x0];
	_ =	sdelay $0x2  }
0xb8: {  	s31 =	sshll.u32 s1, $0xD;
	s1 =	sshrl.u32 s1, $0x2  }
0xb9: {  	s3 =	sand.u32 $0x4000, s31;
	s1 =	sadd.s32 s1, s30  }
0xba: {  	s0 =	sor.u32 s3, s0;
	s1 =	sshll.u32 s1, $0x11  }
0xbb: {  	s0 =	sor.u32 s1, s0  }
0xbc: {  	s0 =	sadd.s32 $0x8F2B, s0  }
0xbd: {  	[sflag:s0] =	ssyncadd.remote.s32 $0x1  }
0xbe: {  	_ =	sfence.sel $0xFFFF  }
0xbf: {  	[dreg:$0x0] =	wrdreg $0xFFFFFFFF;
	(pc) =	sbr.abs _section_cstart, $3  }
0xc0: {  	[dreg:$0x1] =	wrdreg $0xFFFFFFFF  }
0xc1: {  	_ =	task.clear_ibuf [dreg:s6], $0x2FFFF;
	_ =	strace $0x9FFFFFFF  }
0xc2: {  	(tm) =	ssettm $0x7FFFFFFF  }
0xc3: {  	_ =	shalt  }
tec
execute0_lowered:
.L_overlay_start_1:
0x0: {  	(tag) =	ssettag $0x1  }
0x1: {  	s0 =	srdreg.scid;
	s7 =	rddreg [dreg:$0x0]  }
0x2: {  	s2 =	rddreg [dreg:$0x1];
	s4 =	simm.s32 $0x0;
	s15 =	simm.s32 $0x2800  }
0x3: {  	s16 =	simm.s32 $0x80;
	s17 =	simm.s32 $0x2900;
	s18 =	simm.s32 $0x2880  }
0x4: {  	s19 =	simm.s32 $0x6900;
	s20 =	simm.s32 $0x3;
	s21 =	simm.s32 $0x1  }
0x5: {  	s22 =	simm.s32 $0x4;
	s23 =	simm.s32 $0x2;
	s6 =	sand.u32 $0x1, s0  }
0x6: {  	s24 =	simm.s32 $0x0;
	s0 =	stileid.u32;
	s8 =	smul.u32 $0x140000, s6  }
0x7: {  	[smem:$0x7FF] =	sst s4;
	s5 =	sadd.s32 $0x68000, s7;
	s10 =	smul.u32 $0x14000, s0  }
0x8: {  	s1 =	sshll.u32 s6, $0x4;
	s30 =	ssub.s32 $0x2, s6;
	s12 =	smul.u32 $0x50000, s0  }
0x9: {  	s6 =	sadd.s32 $0xE000, s7;
	s1 =	sor.u32 s0, s1;
	s13 =	sshrl.u32 s30, $0x1  }
0xa: {  	s3 =	smul.u32 $0x2800, s1;
	s1 =	rddreg [dreg:$0x2];
	_ =	strace $0x8000004A  }
0xb: {  	s8 =	sadd.s32 s10, s8;
	s13 =	ssub.s32 s30, s13;
	s31 =	sshrl.u32 s12, $0x2  }
0xc: {  	s8 =	sshrl.u32 s8, $0x3;
	s12 =	smax.u32 s13, $0x1;
	s9 =	sshrl.u32 s3, $0x3  }
0xd: {  	s13 =	simm.s32 $0xA900;
	s14 =	sadd.s32 s8, s7;
	s11 =	sadd.s32 s9, s7  }
0xe: {  	s7 =	sadd.s32 s31, s2;
	s9 =	sadd.s32 s6, s9;
	s8 =	sadd.s32 $0x4000, s11  }
0xf: {  	v0 =	vimm.f32 $0.0e+00;
	s10 =	sadd.s32 $0x10, s9;
	s11 =	sadd.s32 $0x90000, s14;
	s14 =	simm.s32 $0x5  }
.LBB2_1:
0x10: {  	s25 =	simm.s32 $0x0;
	s26 =	simm.s32 $0x200  }
.LBB2_2:
0x11: {  	p0 =	sne.s32 s26, $0x1E00;
	[tilespmem:s25+$0xA970] =	vst v0  }
0x12: {  	[tilespmem:s25+$0xA900] =	vst v0  }
0x13: {  	[tilespmem:s25+$0xA910] =	vst v0  }
.Ltmp0:
0x14: {  	[tilespmem:s25+$0xA920] =	vst v0;
	(pc) =	sbr.rel @p0 .LBB2_2-.Ltmp0, $4  }
0x15: {  	[tilespmem:s25+$0xA930] =	vst v0  }
0x16: {  	[tilespmem:s25+$0xA940] =	vst v0  }
0x17: {  	[tilespmem:s25+$0xA950] =	vst v0  }
0x18: {  	[tilespmem:s25+$0xA960] =	vst v0;
	s25 =	sshra.s32 s26, $0x2;
	s26 =	sadd.s32 $0x200, s26  }
0x19: {  	[tilespmem:s25+$0xA970] =	vst v0  }
0x1a: {  	[tilespmem:s25+$0xA900] =	vst v0  }
0x1b: {  	[tilespmem:s25+$0xA910] =	vst v0  }
0x1c: {  	[tilespmem:s25+$0xA920] =	vst v0  }
0x1d: {  	[tilespmem:s25+$0xA930] =	vst v0  }
0x1e: {  	[tilespmem:s25+$0xA940] =	vst v0  }
0x1f: {  	[tilespmem:s25+$0xA950] =	vst v0  }
0x20: {  	[tilespmem:s25+$0xA960] =	vst v0;
	s31 =	sadd.s32 $0x0, s7  }
0x21: {  	[spmem:s31] =	stream.linear.scatter [tilespmem:s13], [sflag:$0x5], $0x800, $0x38;
	[tilespmem:$0x1F100] =	vst v63  }
0x22: {  	s25 =	simm.s32 $0x2000;
	_ =	swait.ge [sflag:s14], $0x800  }
.LBB2_4:
0x23: {  	s26 =	sshra.s32 s25, $0x2;
	[sflag:s14] =	ssyncset.done $0x0;
	p0 =	sne.s32 s25, $0x4E000  }
.Ltmp1:
0x24: {  	s26 =	sadd.s32 s26, s7;
	[sflag:s14] =	ssyncadd.s32 $0xFFFFF800;
	(pc) =	sbr.rel @p0 .LBB2_4-.Ltmp1, $3  }
0x25: {  	[spmem:s26] =	stream.linear.scatter [tilespmem:s13], [sflag:$0x5], $0x800, $0x38;
	[tilespmem:$0x1F100] =	vst v63  }
0x26: {  	s25 =	sadd.s32 $0x2000, s25;
	_ =	sdelay $0x1  }
0x27: {  	_ =	swait.ge [sflag:s14], $0x800  }
0x28: {  	[sflag:s14] =	ssyncset.done $0x0  }
0x29: {  	[sflag:s14] =	ssyncadd.s32 $0xFFFFF800  }
0x2a: {  	[bflag:$0x0] =	sbarrier.arrive $0xFFFF  }
0x2b: {  	[tilespmem:s4], [sflag:$0x5] =	stream.linear.gather [hbm4b:s8+s4], $0x2800, $0x38;
	[tilespmem:$0x1F100] =	vst v63  }
0x2c: {  	_ =	swait.ge [sflag:s14], $0x2800  }
0x2d: {  	[sflag:s14] =	ssyncset.done $0x0  }
0x2e: {  	[sflag:s14] =	ssyncadd.s32 $0xFFFFD800  }
0x2f: {  	[tilespmem:s15], [sflag:$0x3] =	stream.linear.gather [hbm4b:s9+s4], $0x80, $0x38;
	[tilespmem:$0x1F100] =	vst v63  }
0x30: {  	_ = 	snop  }
0x31: {  	[tilespmem:s17], [sflag:$0x1] =	stream.indirect.gather [hbm4b:s5+s16], $0x80, s4, s16, $0xb8;
	[tilespmem:$0x1F100] =	vst v63  }
0x32: {  	_ = 	snop  }
0x33: {  	[tilespmem:s18], [sflag:$0x4] =	stream.linear.gather [hbm4b:s10+s4], $0x80, $0x38;
	[tilespmem:$0x1F100] =	vst v63  }
0x34: {  	_ = 	snop  }
0x35: {  	[tilespmem:s19], [sflag:$0x2] =	stream.indirect.gather [hbm4b:s5+s16], $0x80, s16, s16, $0xb8;
	[tilespmem:$0x1F100] =	vst v63  }
0x36: {  	_ =	swait.ge [sflag:s20], $0x80  }
0x37: {  	[sflag:s20] =	ssyncset.done $0x0  }
0x38: {  	[sflag:s20] =	ssyncadd.s32 $0xFFFFFF80  }
0x39: {  	s25 =	simm.s32 $0x100;
	_ =	swait.ge [sflag:s21], $0x4000  }
0x3a: {  	s26 =	sand.u32 $0x7C00, s25;
	[sflag:s21] =	ssyncset.done $0x0  }
0x3b: {  	s25 =	sand.u32 $0x300, s25;
	s26 =	sadd.s32 s3, s26;
	[sflag:s21] =	ssyncadd.s32 $0xFFFFC000  }
0x3c: {  	[spmem:s2] =	stream.indirect.scatter.add.f32 [tilespmem:s17], [sflag:$0x5], $0x80, s15, s16, $0xb8;
	[tilespmem:$0x1F100] =	vst v63  }
0x3d: {  	s25 =	sor.u32 s25, s26;
	_ =	swait.ge [sflag:s14], $0x4000  }
0x3e: {  	s25 =	sshrl.u32 s25, $0x3;
	[sflag:s14] =	ssyncset.done $0x0  }
0x3f: {  	s25 =	sadd.s32 s6, s25;
	[sflag:s14] =	ssyncadd.s32 $0xFFFFC000  }
0x40: {  	[tilespmem:s15], [sflag:$0x3] =	stream.linear.gather [hbm4b:s25+s4], $0x80, $0x38;
	[tilespmem:$0x1F100] =	vst v63  }
0x41: {  	s29 =	simm.s32 $0x100  }
0x42: {  	[tilespmem:s17], [sflag:$0x1] =	stream.indirect.gather [hbm4b:s5+s16], $0x80, s29, s16, $0xb8;
	[tilespmem:$0x1F100] =	vst v63  }
0x43: {  	_ =	swait.ge [sflag:s22], $0x80  }
0x44: {  	[sflag:s22] =	ssyncset.done $0x0  }
0x45: {  	[sflag:s22] =	ssyncadd.s32 $0xFFFFFF80  }
0x46: {  	s30 =	simm.s32 $0x180;
	_ =	swait.ge [sflag:s23], $0x4000  }
0x47: {  	s31 =	sand.u32 $0x7C00, s30;
	[sflag:s23] =	ssyncset.done $0x0  }
0x48: {  	s26 =	sadd.s32 s3, s31;
	s25 =	sand.u32 $0x380, s30;
	[sflag:s23] =	ssyncadd.s32 $0xFFFFC000  }
0x49: {  	[spmem:s2] =	stream.indirect.scatter.add.f32 [tilespmem:s19], [sflag:$0x5], $0x80, s18, s16, $0xb8;
	[tilespmem:$0x1F100] =	vst v63  }
0x4a: {  	s25 =	sor.u32 s25, s26;
	_ =	swait.ge [sflag:s14], $0x4000  }
0x4b: {  	s25 =	sshrl.u32 s25, $0x3;
	[sflag:s14] =	ssyncset.done $0x0  }
0x4c: {  	s25 =	sadd.s32 s6, s25;
	[sflag:s14] =	ssyncadd.s32 $0xFFFFC000  }
0x4d: {  	[tilespmem:s18], [sflag:$0x4] =	stream.linear.gather [hbm4b:s25+s4], $0x80, $0x38;
	[tilespmem:$0x1F100] =	vst v63  }
0x4e: {  	s28 =	simm.s32 $0x200;
	s26 =	simm.s32 $0x180;
	s25 =	simm.s32 $0x280  }
.LBB2_6:
0x4f: {  	s29 =	sadd.s32 $0x80, s28  }
0x50: {  	p0 =	sne.s32 s25, $0x2780;
	s30 =	smov.u32 s25;
	s25 =	sadd.s32 $0x100, s25  }
0x51: {  	[tilespmem:s19], [sflag:$0x2] =	stream.indirect.gather [hbm4b:s5+s16], $0x80, s26, s16, $0xb8;
	[tilespmem:$0x1F100] =	vst v63  }
0x52: {  	s26 =	smov.u32 s29;
	_ =	swait.ge [sflag:s20], $0x80  }
0x53: {  	[sflag:s20] =	ssyncset.done $0x0  }
0x54: {  	[sflag:s20] =	ssyncadd.s32 $0xFFFFFF80  }
0x55: {  	_ =	swait.ge [sflag:s21], $0x4000  }
0x56: {  	s29 =	sadd.s32 $0xFFFFFF80, s30;
	[sflag:s21] =	ssyncset.done $0x0  }
0x57: {  	s31 =	sand.u32 $0x7C00, s29;
	s29 =	sand.u32 $0x300, s29;
	[sflag:s21] =	ssyncadd.s32 $0xFFFFC000  }
0x58: {  	[spmem:s2] =	stream.indirect.scatter.add.f32 [tilespmem:s17], [sflag:$0x5], $0x80, s15, s16, $0xb8;
	[tilespmem:$0x1F100] =	vst v63  }
0x59: {  	s31 =	sadd.s32 s3, s31;
	_ =	swait.ge [sflag:s14], $0x4000  }
0x5a: {  	s29 =	sor.u32 s29, s31;
	[sflag:s14] =	ssyncset.done $0x0  }
0x5b: {  	s29 =	sshrl.u32 s29, $0x3;
	[sflag:s14] =	ssyncadd.s32 $0xFFFFC000  }
0x5c: {  	s29 =	sadd.s32 s6, s29  }
0x5d: {  	[tilespmem:s15], [sflag:$0x3] =	stream.linear.gather [hbm4b:s29+s4], $0x80, $0x38;
	[tilespmem:$0x1F100] =	vst v63  }
0x5e: {  	_ = 	snop  }
0x5f: {  	[tilespmem:s17], [sflag:$0x1] =	stream.indirect.gather [hbm4b:s5+s16], $0x80, s28, s16, $0xb8;
	[tilespmem:$0x1F100] =	vst v63  }
0x60: {  	_ =	swait.ge [sflag:s22], $0x80  }
0x61: {  	[sflag:s22] =	ssyncset.done $0x0  }
0x62: {  	[sflag:s22] =	ssyncadd.s32 $0xFFFFFF80  }
0x63: {  	_ =	swait.ge [sflag:s23], $0x4000  }
0x64: {  	s29 =	sand.u32 $0x7C00, s30;
	[sflag:s23] =	ssyncset.done $0x0  }
0x65: {  	s30 =	sand.u32 $0x380, s30;
	s29 =	sadd.s32 s3, s29;
	[sflag:s23] =	ssyncadd.s32 $0xFFFFC000  }
0x66: {  	[spmem:s2] =	stream.indirect.scatter.add.f32 [tilespmem:s19], [sflag:$0x5], $0x80, s18, s16, $0xb8;
	[tilespmem:$0x1F100] =	vst v63  }
.Ltmp2:
0x67: {  	_ = 	snop;
	(pc) =	sbr.rel @p0 .LBB2_6-.Ltmp2, $4  }
0x68: {  	s29 =	sor.u32 s30, s29;
	_ =	swait.ge [sflag:s14], $0x4000  }
0x69: {  	s29 =	sshrl.u32 s29, $0x3;
	[sflag:s14] =	ssyncset.done $0x0  }
0x6a: {  	s28 =	sadd.s32 $0x100, s28;
	s29 =	sadd.s32 s6, s29;
	[sflag:s14] =	ssyncadd.s32 $0xFFFFC000  }
0x6b: {  	[tilespmem:s18], [sflag:$0x4] =	stream.linear.gather [hbm4b:s29+s4], $0x80, $0x38;
	[tilespmem:$0x1F100] =	vst v63  }
0x6c: {  	[tilespmem:s19], [sflag:$0x2] =	stream.indirect.gather [hbm4b:s5+s16], $0x80, s26, s16, $0xb8;
	[tilespmem:$0x1F100] =	vst v63  }
0x6d: {  	_ =	swait.ge [sflag:s20], $0x80  }
0x6e: {  	[sflag:s20] =	ssyncset.done $0x0  }
0x6f: {  	[sflag:s20] =	ssyncadd.s32 $0xFFFFFF80  }
0x70: {  	_ =	swait.ge [sflag:s21], $0x4000  }
0x71: {  	[sflag:s21] =	ssyncset.done $0x0  }
0x72: {  	[sflag:s21] =	ssyncadd.s32 $0xFFFFC000  }
0x73: {  	[spmem:s2] =	stream.indirect.scatter.add.f32 [tilespmem:s17], [sflag:$0x5], $0x80, s15, s16, $0xb8;
	[tilespmem:$0x1F100] =	vst v63  }
0x74: {  	_ =	swait.ge [sflag:s14], $0x4000  }
0x75: {  	[sflag:s14] =	ssyncset.done $0x0  }
0x76: {  	[sflag:s14] =	ssyncadd.s32 $0xFFFFC000  }
0x77: {  	_ =	swait.ge [sflag:s22], $0x80  }
0x78: {  	[sflag:s22] =	ssyncset.done $0x0  }
0x79: {  	[sflag:s22] =	ssyncadd.s32 $0xFFFFFF80  }
0x7a: {  	_ =	swait.ge [sflag:s23], $0x4000  }
0x7b: {  	[sflag:s23] =	ssyncset.done $0x0  }
0x7c: {  	[sflag:s23] =	ssyncadd.s32 $0xFFFFC000  }
0x7d: {  	[spmem:s2] =	stream.indirect.scatter.add.f32 [tilespmem:s19], [sflag:$0x5], $0x80, s18, s16, $0xb8;
	[tilespmem:$0x1F100] =	vst v63  }
0x7e: {  	_ =	swait.ge [sflag:s14], $0x4000  }
0x7f: {  	s25 =	sshll.u32 s0, $0x6;
	s24 =	sadd.s32 $0x1, s24;
	[sflag:s14] =	ssyncset.done $0x0  }
0x80: {  	s31 =	sshrl.u32 s7, $0x3;
	p0 =	sne.s32 s24, s12;
	[sflag:s14] =	ssyncadd.s32 $0xFFFFC000  }
.Ltmp3:
0x81: {  	s25 =	sor.u32 $0x1C05, s25;
	[bflag:$0x0] =	sbarrier.arrive $0xFFFF;
	(pc) =	sbr.rel @p0 .LBB2_1-.Ltmp3, $4  }
0x82: {  	[hbm:s11], [sflag:s25] =	dma.local [spmem:s31], $0x2800  }
0x83: {  	_ =	swait.ge [sflag:s14], $0x2800  }
0x84: {  	[sflag:s14] =	ssyncset.done $0x0  }
0x85: {  	[sflag:s14] =	ssyncadd.s32 $0xFFFFD800  }
0x86: {  	_ =	sfence.sel $0x180000  }
0x87: {  	[bflag:$0x0] =	sbarrier.arrive $0xFFFF  }
0x88: {  	p0 =	sne.s32 s0, $0x0;
	_ =	strace $0x9000004A  }
0x89: {  	s0 =	sadd.s32 @!p0 $0x100000, s1;
	[bflag:$0x2] =	sbarrier.arrive $0xFFFF  }
0x8a: {  	[sflag:s0] =	ssyncadd.tile.s32 @!p0 $0x1;
	_ =	shalt  }
.Lfunc_end2:
_tile_overlayer_lowered:
.L_overlay_start_2:
0x8b: {  	(tag) =	ssettag $0x2  }
0x8c: {  	s0 =	rddreg [dreg:$0x0];
	s2 =	stileid.u32  }
0x8d: {  	s1 =	rddreg [dreg:$0x1];
	p0 =	sne.s32 s2, $0x0  }
0x8e: {  	s3 =	rddreg [dreg:$0x2];
	[bflag:$0x3] =	sbarrier.arrive $0xFFFF;
	s2 =	simm.s32 @!p0 $0x1C05  }
0x8f: {  	[timem:s3], [sflag:s2] =	dma.local @!p0 [hbm:s0], s1  }
0x90: {  	s0 =	simm.s32 @!p0 $0x5  }
0x91: {  	_ =	swait.ge @!p0 [sflag:s0], s1  }
0x92: {  	s1 =	ssub.s32 @!p0 $0x0, s1;
	[sflag:s0] =	ssyncset.done @!p0 $0x0  }
0x93: {  	[sflag:s0] =	ssyncadd.s32 @!p0 s1  }
0x94: {  	[bflag:$0x3] =	sbarrier.arrive $0xFFFF  }
0x95: {  	_ =	shalt  }

// kernel: kernel.17.cloned.1.call-start
scs
__scs_entry_jumppad:
0x0: {  	(pc) =	sbr.rel $0x88, $3  }
0x1: {  	(tag) =	ssettag $0x0;
	lr =	simm.s32 $0x1  }
0x2: {  	[smem:$0x3F98] =	sst lr;
	_ =	strace $0xD0000000  }
0x3: {  	_ = 	snop  }
0x4: {  	_ = 	snop  }
0x5: {  	_ = 	snop  }
0x6: {  	_ = 	snop  }
0x7: {  	_ = 	snop  }
__scs_overlays_trampoline_lowered:
0x8: {  	[smem:$0x3FA7] =	sst s0  }
0x9: {  	[smem:$0x3FA8] =	sst s1  }
0xa: {  	[smem:$0x3FA9] =	sst s2  }
0xb: {  	[smem:$0x3FAA] =	sst s3  }
0xc: {  	[smem:$0x3FAB] =	sst s4  }
0xd: {  	[smem:$0x3FAC] =	sst s5  }
0xe: {  	[smem:$0x3FAD] =	sst s6  }
0xf: {  	[smem:$0x3FAE] =	sst s7  }
0x10: {  	[smem:$0x3FAF] =	sst s8  }
0x11: {  	[smem:$0x3FB0] =	sst s9;
	s0 =	simm.s32 @!p0 $0x0  }
0x12: {  	s1 =	sld [smem:$0x3F96];
	s0 =	simm.s32 @p0 $0x1  }
0x13: {  	[smem:$0x3FB1] =	sst s0;
	s0 =	simm.s32 @!p1 $0x0  }
0x14: {  	s2 =	sld [smem:$0x3F95];
	s0 =	simm.s32 @p1 $0x1  }
0x15: {  	[smem:$0x3FB2] =	sst s0;
	s0 =	simm.s32 @!p2 $0x0  }
0x16: {  	s3 =	sld [smem:$0x3FDB];
	s0 =	simm.s32 @p2 $0x1  }
0x17: {  	s4 =	simm.s32 $0x1BF5;
	[smem:$0x3FB4] =	sst s0  }
0x18: {  	s0 =	sld [smem:$0x3F97];
	_ =	swait.ge [sflag:s4], $0x0  }
0x19: {  	s7 =	sld [smem:$0x3F98]  }
0x1a: {  	s8 =	sadd.s32 $0xFFFFE003, lr  }
0x1b: {  	s9 =	sadd.s32 $0xFFFFFEF7, lr;
	s5 =	simm.s32 $0xFFFFFFFF;
	p2 =	slt.u32 s8, $0xFFFFF086  }
0x1c: {  	p1 =	slt.u32 s9, $0xF7A;
	s5 =	simm.s32 @!p2 $0x0  }
0x1d: {  	s5 =	simm.s32 @p1 $0x1;
	p0 =	seq.s32 s7, s2  }
0x1e: {  	s7 =	smul.u32 @!p0 $0xF7A, s2;
	p2 =	seq.s32 @!p0 s5, $0x0  }
0x1f: {  	s9 =	smul.u32 $0xF7A, s1;
	s8 =	simm.s32 @!p0 $0x1BF5;
	p2 =	por !p2, p0  }
0x20: {  	[sflag:s8] =	ssyncset.s32 @!p0 $0xFFFFF086;
	s6 =	sadd.s32 @!p0 s3, s7;
	s7 =	simm.s32 @!p0 $0x108  }
0x21: {  	s3 =	sadd.s32 s3, s9;
	s6 =	sadd.s32 @!p0 $0x88, s6;
	s7 =	simm.s32 @p2 $0x1082  }
0x22: {  	[simem:s7], [sflag:s8] =	dma.local @!p0 [hbm:s6], $0xF7A  }
0x23: {  	s9 =	sor.u32 $0xD0000000, s2;
	s6 =	simm.s32 $0x108;
	_ =	swait.ge @!p0 [sflag:s8], $0x0  }
0x24: {  	s3 =	sadd.s32 $0x88, s3;
	s6 =	simm.s32 @!p1 $0x1082;
	[sflag:s4] =	ssyncset.s32 $0xFFFFF086  }
0x25: {  	[simem:s6], [sflag:s4] =	dma.local [hbm:s3], $0xF7A  }
0x26: {  	[smem:$0x3F98] =	sst s1;
	(tag) =	ssettag s2;
	_ =	strace s9  }
0x27: {  	s1 =	sld [smem:$0x3FA8]  }
0x28: {  	s2 =	sld [smem:$0x3FA9]  }
0x29: {  	s4 =	sld [smem:$0x3FAB]  }
0x2a: {  	p0 =	seq.s32 s5, $0x0;
	s5 =	sld [smem:$0x3FAC]  }
0x2b: {  	s6 =	sld [smem:$0x3FAD]  }
0x2c: {  	s7 =	sld [smem:$0x3FAE]  }
0x2d: {  	s3 =	simm.s32 $0x108;
	s8 =	sld [smem:$0x3FAF]  }
0x2e: {  	s3 =	simm.s32 @!p0 $0x1082;
	s9 =	sld [smem:$0x3FB0]  }
0x2f: {  	lr =	sadd.s32 s0, s3;
	s0 =	sld [smem:$0x3FA7]  }
0x30: {  	s3 =	sld [smem:$0x3FAA]  }
0x31: {  	[smem:$0x3FB3] =	sst s10  }
0x32: {  	s10 =	sld [smem:$0x3FB1];
	_ =	sdelay $0x3  }
0x33: {  	p0 =	seq.s32 s10, $0x1;
	s10 =	sld [smem:$0x3FB3];
	_ =	sdelay $0x3  }
0x34: {  	[smem:$0x3FB3] =	sst s10  }
0x35: {  	s10 =	sld [smem:$0x3FB2];
	_ =	sdelay $0x3  }
0x36: {  	p1 =	seq.s32 s10, $0x1;
	s10 =	sld [smem:$0x3FB3];
	_ =	sdelay $0x3  }
0x37: {  	[smem:$0x3FB3] =	sst s10  }
0x38: {  	s10 =	sld [smem:$0x3FB4]  }
0x39: {  	_ = 	snop;
	(pc) =	sbr.ind lr, $3  }
0x3a: {  	_ = 	snop  }
0x3b: {  	_ = 	snop  }
0x3c: {  	p2 =	seq.s32 s10, $0x1;
	s10 =	sld [smem:$0x3FB3]  }
0x3d: {  	_ =	shalt  }
0x3e: {  	_ =	shalt  }
0x3f: {  	_ =	shalt  }
0x40: {  	_ =	shalt  }
0x41: {  	_ =	shalt  }
0x42: {  	_ =	shalt  }
0x43: {  	_ =	shalt  }
0x44: {  	_ =	shalt  }
0x45: {  	_ =	shalt  }
0x46: {  	_ =	shalt  }
0x47: {  	_ =	shalt  }
0x48: {  	_ =	shalt  }
0x49: {  	_ =	shalt  }
0x4a: {  	_ =	shalt  }
0x4b: {  	_ =	shalt  }
0x4c: {  	_ =	shalt  }
0x4d: {  	_ =	shalt  }
0x4e: {  	_ =	shalt  }
0x4f: {  	_ =	shalt  }
0x50: {  	_ =	shalt  }
0x51: {  	_ =	shalt  }
0x52: {  	_ =	shalt  }
0x53: {  	_ =	shalt  }
0x54: {  	_ =	shalt  }
0x55: {  	_ =	shalt  }
0x56: {  	_ =	shalt  }
0x57: {  	_ =	shalt  }
0x58: {  	_ =	shalt  }
0x59: {  	_ =	shalt  }
0x5a: {  	_ =	shalt  }
0x5b: {  	_ =	shalt  }
0x5c: {  	_ =	shalt  }
0x5d: {  	_ =	shalt  }
0x5e: {  	_ =	shalt  }
0x5f: {  	_ =	shalt  }
0x60: {  	_ =	shalt  }
0x61: {  	_ =	shalt  }
0x62: {  	_ =	shalt  }
0x63: {  	_ =	shalt  }
0x64: {  	_ =	shalt  }
0x65: {  	_ =	shalt  }
0x66: {  	_ =	shalt  }
0x67: {  	_ =	shalt  }
0x68: {  	_ =	shalt  }
0x69: {  	_ =	shalt  }
0x6a: {  	_ =	shalt  }
0x6b: {  	_ =	shalt  }
0x6c: {  	_ =	shalt  }
0x6d: {  	_ =	shalt  }
0x6e: {  	_ =	shalt  }
0x6f: {  	_ =	shalt  }
0x70: {  	_ =	shalt  }
0x71: {  	_ =	shalt  }
0x72: {  	_ =	shalt  }
0x73: {  	_ =	shalt  }
0x74: {  	_ =	shalt  }
0x75: {  	_ =	shalt  }
0x76: {  	_ =	shalt  }
0x77: {  	_ =	shalt  }
0x78: {  	_ =	shalt  }
0x79: {  	_ =	shalt  }
0x7a: {  	_ =	shalt  }
0x7b: {  	_ =	shalt  }
0x7c: {  	_ =	shalt  }
0x7d: {  	_ =	shalt  }
0x7e: {  	_ =	shalt  }
0x7f: {  	_ =	shalt  }
0x80: {  	_ =	shalt  }
0x81: {  	_ =	shalt  }
0x82: {  	_ =	shalt  }
0x83: {  	_ =	shalt  }
0x84: {  	_ =	shalt  }
0x85: {  	_ =	shalt  }
0x86: {  	_ =	shalt  }
0x87: {  	_ =	shalt  }
.Lfunc_end0:
.L_simem_size_0:
called_computation.2_lowered:
.L_overlay_start_0:
0x88: {  	s2 =	sld [smem:$0x3FD9]  }
0x89: {  	s3 =	sld [smem:$0x3FFE];
	_ =	sdelay $0x1  }
0x8a: {  	s1 =	srdreg.scid  }
0x8b: {  	s0 =	sand.u32 $0x1, s1  }
0x8c: {  	s16 =	sshll.u32 s0, $0xA;
	s2 =	sadd.s32 s3, s2  }
0x8d: {  	s2 =	sadd.s32 s2, s16  }
0x8e: {  	[smem:$0x3FBF] =	sst s2  }
0x8f: {  	_ = 	snop  }
0x90: {  	(tm) =	ssettm $0x1  }
0x91: {  	s17 =	sld [smem:$0x3FFB];
	_ =	sdelay $0x3  }
0x92: {  	_ =	strace s17  }
0x93: {  	s2 =	sld [smem:$0x3FFC];
	_ =	sdelay $0x3  }
0x94: {  	_ =	strace s2  }
0x95: {  	s2 =	sld [smem:$0x3FFD];
	_ =	sdelay $0x3  }
0x96: {  	_ =	strace s2  }
0x97: {  	_ =	strace $0x8FFFFFFF  }
0x98: {  	s18 =	sld [smem:$0x3FDB];
	_ =	sdelay $0x1  }
0x99: {  	s19 =	simm.s32 $_scs_section_size  }
0x9a: {  	s4 =	simm.s32 $_size__tile_overlayer_lowered;
	s5 =	simm.s32 $_tile_overlayer_lowered  }
0x9b: {  	s22 =	simm.s32 $0x1BFF;
	s21 =	sshll.u32 s5, $0x1;
	s2 =	sadd.s32 s19, s18  }
0x9c: {  	s6 =	simm.s32 $0x0;
	s20 =	sshll.u32 s4, $0x1;
	s4 =	sadd.s32 s21, s2  }
0x9d: {  	[timem:s6], [sflag:s22] =	dma.local [hbm:s4], s20  }
0x9e: {  	_ =	swait.ge [sflag:s22], s20  }
0x9f: {  	s3 =	ssub.s32 $0x0, s20;
	[sflag:s22] =	ssyncset.done $0x0  }
0xa0: {  	[sflag:s22] =	ssyncadd.s32 s3;
	_ =	sdelay $0x1  }
0xa1: {  	s23 =	simm.s32 $0x1B8B  }
0xa2: {  	_ =	swait.ge [sflag:s23], $0x1  }
0xa3: {  	[sflag:s23] =	ssyncset.done $0x0  }
0xa4: {  	s25 =	simm.s32 $0x1B8E;
	s24 =	sld [smem:$0x3FFE];
	[sflag:s23] =	ssyncadd.s32 $0xFFFFFFFF  }
0xa5: {  	s26 =	simm.s32 $execute0_lowered;
	[smem:$0x3FD2] =	sst s25  }
0xa6: {  	s4 =	sshll.u32 s26, $0x1;
	_ =	strace $0x8000004C;
	[dreg:$0x1] =	wrdreg $0xFFFFFFFF  }
0xa7: {  	s28 =	simm.s32 $_size_execute0_lowered;
	s2 =	sadd.s32 s2, s4;
	[dreg:$0x0] =	wrdreg $0x0  }
0xa8: {  	s4 =	sshll.u32 s28, $0x1;
	[dreg:$0x2] =	wrdreg s2  }
0xa9: {  	[dreg:$0x3] =	wrdreg s4  }
0xaa: {  	[dreg:$0x4] =	wrdreg $0xC0  }
0xab: {  	_ =	task [dreg:s6], $0x5FFFF  }
0xac: {  	[dreg:$0x1] =	wrdreg $0xFFFFFFFF  }
0xad: {  	[dreg:$0x0] =	wrdreg $0x60  }
0xae: {  	[dreg:$0x2] =	wrdreg s24  }
0xaf: {  	[dreg:$0x3] =	wrdreg $0xB1000  }
0xb0: {  	[dreg:$0x4] =	wrdreg $0x9  }
0xb1: {  	_ =	task.clear_ibuf [dreg:s6], $0x5FFFF;
	_ =	strace $0x9000004C  }
0xb2: {  	s29 =	simm.s32 $0x9;
	_ =	strace $0x8000004E  }
0xb3: {  	_ =	swait.ge [sflag:s29], $0x1  }
0xb4: {  	[sflag:s29] =	ssyncadd.s32 $0xFFFFFFFF  }
0xb5: {  	_ =	strace $0x9000004E  }
0xb6: {  	_ =	sfence  }
0xb7: {  	s30 =	sld [smem:$0x0];
	_ =	sdelay $0x2  }
0xb8: {  	s31 =	sshll.u32 s1, $0xD;
	s1 =	sshrl.u32 s1, $0x2  }
0xb9: {  	s3 =	sand.u32 $0x4000, s31;
	s1 =	sadd.s32 s1, s30  }
0xba: {  	s0 =	sor.u32 s3, s0;
	s1 =	sshll.u32 s1, $0x11  }
0xbb: {  	s0 =	sor.u32 s1, s0  }
0xbc: {  	s0 =	sadd.s32 $0x8F2B, s0  }
0xbd: {  	[sflag:s0] =	ssyncadd.remote.s32 $0x1  }
0xbe: {  	_ =	sfence.sel $0xFFFF  }
0xbf: {  	[dreg:$0x0] =	wrdreg $0xFFFFFFFF;
	(pc) =	sbr.abs _section_cstart, $3  }
0xc0: {  	[dreg:$0x1] =	wrdreg $0xFFFFFFFF  }
0xc1: {  	_ =	task.clear_ibuf [dreg:s6], $0x2FFFF;
	_ =	strace $0x9FFFFFFF  }
0xc2: {  	(tm) =	ssettm $0x7FFFFFFF  }
0xc3: {  	_ =	shalt  }
tec
execute0_lowered:
.L_overlay_start_1:
0x0: {  	(tag) =	ssettag $0x1  }
0x1: {  	s0 =	srdreg.scid;
	s7 =	rddreg [dreg:$0x0]  }
0x2: {  	s2 =	rddreg [dreg:$0x1];
	s4 =	simm.s32 $0x0;
	s15 =	simm.s32 $0x2800  }
0x3: {  	s16 =	simm.s32 $0x80;
	s17 =	simm.s32 $0x2900;
	s18 =	simm.s32 $0x2880  }
0x4: {  	s19 =	simm.s32 $0x6900;
	s20 =	simm.s32 $0x3;
	s21 =	simm.s32 $0x1  }
0x5: {  	s22 =	simm.s32 $0x4;
	s23 =	simm.s32 $0x2;
	s6 =	sand.u32 $0x1, s0  }
0x6: {  	s24 =	simm.s32 $0x0;
	s0 =	stileid.u32;
	s8 =	smul.u32 $0x140000, s6  }
0x7: {  	[smem:$0x7FF] =	sst s4;
	s5 =	sadd.s32 $0x68000, s7;
	s10 =	smul.u32 $0x14000, s0  }
0x8: {  	s1 =	sshll.u32 s6, $0x4;
	s30 =	ssub.s32 $0x2, s6;
	s12 =	smul.u32 $0x50000, s0  }
0x9: {  	s6 =	sadd.s32 $0xE000, s7;
	s1 =	sor.u32 s0, s1;
	s13 =	sshrl.u32 s30, $0x1  }
0xa: {  	s3 =	smul.u32 $0x2800, s1;
	s1 =	rddreg [dreg:$0x2];
	_ =	strace $0x8000004D  }
0xb: {  	s8 =	sadd.s32 s10, s8;
	s13 =	ssub.s32 s30, s13;
	s31 =	sshrl.u32 s12, $0x2  }
0xc: {  	s8 =	sshrl.u32 s8, $0x3;
	s12 =	smax.u32 s13, $0x1;
	s9 =	sshrl.u32 s3, $0x3  }
0xd: {  	s13 =	simm.s32 $0xA900;
	s14 =	sadd.s32 s8, s7;
	s11 =	sadd.s32 s9, s7  }
0xe: {  	s7 =	sadd.s32 s31, s2;
	s9 =	sadd.s32 s6, s9;
	s8 =	sadd.s32 $0x4000, s11  }
0xf: {  	v0 =	vimm.f32 $0.0e+00;
	s10 =	sadd.s32 $0x10, s9;
	s11 =	sadd.s32 $0x90000, s14;
	s14 =	simm.s32 $0x5  }
.LBB2_1:
0x10: {  	s25 =	simm.s32 $0x0;
	s26 =	simm.s32 $0x200  }
.LBB2_2:
0x11: {  	p0 =	sne.s32 s26, $0x1E00;
	[tilespmem:s25+$0xA970] =	vst v0  }
0x12: {  	[tilespmem:s25+$0xA900] =	vst v0  }
0x13: {  	[tilespmem:s25+$0xA910] =	vst v0  }
.Ltmp0:
0x14: {  	[tilespmem:s25+$0xA920] =	vst v0;
	(pc) =	sbr.rel @p0 .LBB2_2-.Ltmp0, $4  }
0x15: {  	[tilespmem:s25+$0xA930] =	vst v0  }
0x16: {  	[tilespmem:s25+$0xA940] =	vst v0  }
0x17: {  	[tilespmem:s25+$0xA950] =	vst v0  }
0x18: {  	[tilespmem:s25+$0xA960] =	vst v0;
	s25 =	sshra.s32 s26, $0x2;
	s26 =	sadd.s32 $0x200, s26  }
0x19: {  	[tilespmem:s25+$0xA970] =	vst v0  }
0x1a: {  	[tilespmem:s25+$0xA900] =	vst v0  }
0x1b: {  	[tilespmem:s25+$0xA910] =	vst v0  }
0x1c: {  	[tilespmem:s25+$0xA920] =	vst v0  }
0x1d: {  	[tilespmem:s25+$0xA930] =	vst v0  }
0x1e: {  	[tilespmem:s25+$0xA940] =	vst v0  }
0x1f: {  	[tilespmem:s25+$0xA950] =	vst v0  }
0x20: {  	[tilespmem:s25+$0xA960] =	vst v0;
	s31 =	sadd.s32 $0x0, s7  }
0x21: {  	[spmem:s31] =	stream.linear.scatter [tilespmem:s13], [sflag:$0x5], $0x800, $0x38;
	[tilespmem:$0x1F100] =	vst v63  }
0x22: {  	s25 =	simm.s32 $0x2000;
	_ =	swait.ge [sflag:s14], $0x800  }
.LBB2_4:
0x23: {  	s26 =	sshra.s32 s25, $0x2;
	[sflag:s14] =	ssyncset.done $0x0;
	p0 =	sne.s32 s25, $0x4E000  }
.Ltmp1:
0x24: {  	s26 =	sadd.s32 s26, s7;
	[sflag:s14] =	ssyncadd.s32 $0xFFFFF800;
	(pc) =	sbr.rel @p0 .LBB2_4-.Ltmp1, $3  }
0x25: {  	[spmem:s26] =	stream.linear.scatter [tilespmem:s13], [sflag:$0x5], $0x800, $0x38;
	[tilespmem:$0x1F100] =	vst v63  }
0x26: {  	s25 =	sadd.s32 $0x2000, s25;
	_ =	sdelay $0x1  }
0x27: {  	_ =	swait.ge [sflag:s14], $0x800  }
0x28: {  	[sflag:s14] =	ssyncset.done $0x0  }
0x29: {  	[sflag:s14] =	ssyncadd.s32 $0xFFFFF800  }
0x2a: {  	[bflag:$0x0] =	sbarrier.arrive $0xFFFF  }
0x2b: {  	[tilespmem:s4], [sflag:$0x5] =	stream.linear.gather [hbm4b:s8+s4], $0x2800, $0x38;
	[tilespmem:$0x1F100] =	vst v63  }
0x2c: {  	_ =	swait.ge [sflag:s14], $0x2800  }
0x2d: {  	[sflag:s14] =	ssyncset.done $0x0  }
0x2e: {  	[sflag:s14] =	ssyncadd.s32 $0xFFFFD800  }
0x2f: {  	[tilespmem:s15], [sflag:$0x3] =	stream.linear.gather [hbm4b:s9+s4], $0x80, $0x38;
	[tilespmem:$0x1F100] =	vst v63  }
0x30: {  	_ = 	snop  }
0x31: {  	[tilespmem:s17], [sflag:$0x1] =	stream.indirect.gather [hbm4b:s5+s16], $0x80, s4, s16, $0xb8;
	[tilespmem:$0x1F100] =	vst v63  }
0x32: {  	_ = 	snop  }
0x33: {  	[tilespmem:s18], [sflag:$0x4] =	stream.linear.gather [hbm4b:s10+s4], $0x80, $0x38;
	[tilespmem:$0x1F100] =	vst v63  }
0x34: {  	_ = 	snop  }
0x35: {  	[tilespmem:s19], [sflag:$0x2] =	stream.indirect.gather [hbm4b:s5+s16], $0x80, s16, s16, $0xb8;
	[tilespmem:$0x1F100] =	vst v63  }
0x36: {  	_ =	swait.ge [sflag:s20], $0x80  }
0x37: {  	[sflag:s20] =	ssyncset.done $0x0  }
0x38: {  	[sflag:s20] =	ssyncadd.s32 $0xFFFFFF80  }
0x39: {  	s25 =	simm.s32 $0x100;
	_ =	swait.ge [sflag:s21], $0x4000  }
0x3a: {  	s26 =	sand.u32 $0x7C00, s25;
	[sflag:s21] =	ssyncset.done $0x0  }
0x3b: {  	s25 =	sand.u32 $0x300, s25;
	s26 =	sadd.s32 s3, s26;
	[sflag:s21] =	ssyncadd.s32 $0xFFFFC000  }
0x3c: {  	[spmem:s2] =	stream.indirect.scatter.add.f32 [tilespmem:s17], [sflag:$0x5], $0x80, s15, s16, $0xb8;
	[tilespmem:$0x1F100] =	vst v63  }
0x3d: {  	s25 =	sor.u32 s25, s26;
	_ =	swait.ge [sflag:s14], $0x4000  }
0x3e: {  	s25 =	sshrl.u32 s25, $0x3;
	[sflag:s14] =	ssyncset.done $0x0  }
0x3f: {  	s25 =	sadd.s32 s6, s25;
	[sflag:s14] =	ssyncadd.s32 $0xFFFFC000  }
0x40: {  	[tilespmem:s15], [sflag:$0x3] =	stream.linear.gather [hbm4b:s25+s4], $0x80, $0x38;
	[tilespmem:$0x1F100] =	vst v63  }
0x41: {  	s29 =	simm.s32 $0x100  }
0x42: {  	[tilespmem:s17], [sflag:$0x1] =	stream.indirect.gather [hbm4b:s5+s16], $0x80, s29, s16, $0xb8;
	[tilespmem:$0x1F100] =	vst v63  }
0x43: {  	_ =	swait.ge [sflag:s22], $0x80  }
0x44: {  	[sflag:s22] =	ssyncset.done $0x0  }
0x45: {  	[sflag:s22] =	ssyncadd.s32 $0xFFFFFF80  }
0x46: {  	s30 =	simm.s32 $0x180;
	_ =	swait.ge [sflag:s23], $0x4000  }
0x47: {  	s31 =	sand.u32 $0x7C00, s30;
	[sflag:s23] =	ssyncset.done $0x0  }
0x48: {  	s26 =	sadd.s32 s3, s31;
	s25 =	sand.u32 $0x380, s30;
	[sflag:s23] =	ssyncadd.s32 $0xFFFFC000  }
0x49: {  	[spmem:s2] =	stream.indirect.scatter.add.f32 [tilespmem:s19], [sflag:$0x5], $0x80, s18, s16, $0xb8;
	[tilespmem:$0x1F100] =	vst v63  }
0x4a: {  	s25 =	sor.u32 s25, s26;
	_ =	swait.ge [sflag:s14], $0x4000  }
0x4b: {  	s25 =	sshrl.u32 s25, $0x3;
	[sflag:s14] =	ssyncset.done $0x0  }
0x4c: {  	s25 =	sadd.s32 s6, s25;
	[sflag:s14] =	ssyncadd.s32 $0xFFFFC000  }
0x4d: {  	[tilespmem:s18], [sflag:$0x4] =	stream.linear.gather [hbm4b:s25+s4], $0x80, $0x38;
	[tilespmem:$0x1F100] =	vst v63  }
0x4e: {  	s28 =	simm.s32 $0x200;
	s26 =	simm.s32 $0x180;
	s25 =	simm.s32 $0x280  }
.LBB2_6:
0x4f: {  	s29 =	sadd.s32 $0x80, s28  }
0x50: {  	p0 =	sne.s32 s25, $0x2780;
	s30 =	smov.u32 s25;
	s25 =	sadd.s32 $0x100, s25  }
0x51: {  	[tilespmem:s19], [sflag:$0x2] =	stream.indirect.gather [hbm4b:s5+s16], $0x80, s26, s16, $0xb8;
	[tilespmem:$0x1F100] =	vst v63  }
0x52: {  	s26 =	smov.u32 s29;
	_ =	swait.ge [sflag:s20], $0x80  }
0x53: {  	[sflag:s20] =	ssyncset.done $0x0  }
0x54: {  	[sflag:s20] =	ssyncadd.s32 $0xFFFFFF80  }
0x55: {  	_ =	swait.ge [sflag:s21], $0x4000  }
0x56: {  	s29 =	sadd.s32 $0xFFFFFF80, s30;
	[sflag:s21] =	ssyncset.done $0x0  }
0x57: {  	s31 =	sand.u32 $0x7C00, s29;
	s29 =	sand.u32 $0x300, s29;
	[sflag:s21] =	ssyncadd.s32 $0xFFFFC000  }
0x58: {  	[spmem:s2] =	stream.indirect.scatter.add.f32 [tilespmem:s17], [sflag:$0x5], $0x80, s15, s16, $0xb8;
	[tilespmem:$0x1F100] =	vst v63  }
0x59: {  	s31 =	sadd.s32 s3, s31;
	_ =	swait.ge [sflag:s14], $0x4000  }
0x5a: {  	s29 =	sor.u32 s29, s31;
	[sflag:s14] =	ssyncset.done $0x0  }
0x5b: {  	s29 =	sshrl.u32 s29, $0x3;
	[sflag:s14] =	ssyncadd.s32 $0xFFFFC000  }
0x5c: {  	s29 =	sadd.s32 s6, s29  }
0x5d: {  	[tilespmem:s15], [sflag:$0x3] =	stream.linear.gather [hbm4b:s29+s4], $0x80, $0x38;
	[tilespmem:$0x1F100] =	vst v63  }
0x5e: {  	_ = 	snop  }
0x5f: {  	[tilespmem:s17], [sflag:$0x1] =	stream.indirect.gather [hbm4b:s5+s16], $0x80, s28, s16, $0xb8;
	[tilespmem:$0x1F100] =	vst v63  }
0x60: {  	_ =	swait.ge [sflag:s22], $0x80  }
0x61: {  	[sflag:s22] =	ssyncset.done $0x0  }
0x62: {  	[sflag:s22] =	ssyncadd.s32 $0xFFFFFF80  }
0x63: {  	_ =	swait.ge [sflag:s23], $0x4000  }
0x64: {  	s29 =	sand.u32 $0x7C00, s30;
	[sflag:s23] =	ssyncset.done $0x0  }
0x65: {  	s30 =	sand.u32 $0x380, s30;
	s29 =	sadd.s32 s3, s29;
	[sflag:s23] =	ssyncadd.s32 $0xFFFFC000  }
0x66: {  	[spmem:s2] =	stream.indirect.scatter.add.f32 [tilespmem:s19], [sflag:$0x5], $0x80, s18, s16, $0xb8;
	[tilespmem:$0x1F100] =	vst v63  }
.Ltmp2:
0x67: {  	_ = 	snop;
	(pc) =	sbr.rel @p0 .LBB2_6-.Ltmp2, $4  }
0x68: {  	s29 =	sor.u32 s30, s29;
	_ =	swait.ge [sflag:s14], $0x4000  }
0x69: {  	s29 =	sshrl.u32 s29, $0x3;
	[sflag:s14] =	ssyncset.done $0x0  }
0x6a: {  	s28 =	sadd.s32 $0x100, s28;
	s29 =	sadd.s32 s6, s29;
	[sflag:s14] =	ssyncadd.s32 $0xFFFFC000  }
0x6b: {  	[tilespmem:s18], [sflag:$0x4] =	stream.linear.gather [hbm4b:s29+s4], $0x80, $0x38;
	[tilespmem:$0x1F100] =	vst v63  }
0x6c: {  	[tilespmem:s19], [sflag:$0x2] =	stream.indirect.gather [hbm4b:s5+s16], $0x80, s26, s16, $0xb8;
	[tilespmem:$0x1F100] =	vst v63  }
0x6d: {  	_ =	swait.ge [sflag:s20], $0x80  }
0x6e: {  	[sflag:s20] =	ssyncset.done $0x0  }
0x6f: {  	[sflag:s20] =	ssyncadd.s32 $0xFFFFFF80  }
0x70: {  	_ =	swait.ge [sflag:s21], $0x4000  }
0x71: {  	[sflag:s21] =	ssyncset.done $0x0  }
0x72: {  	[sflag:s21] =	ssyncadd.s32 $0xFFFFC000  }
0x73: {  	[spmem:s2] =	stream.indirect.scatter.add.f32 [tilespmem:s17], [sflag:$0x5], $0x80, s15, s16, $0xb8;
	[tilespmem:$0x1F100] =	vst v63  }
0x74: {  	_ =	swait.ge [sflag:s14], $0x4000  }
0x75: {  	[sflag:s14] =	ssyncset.done $0x0  }
0x76: {  	[sflag:s14] =	ssyncadd.s32 $0xFFFFC000  }
0x77: {  	_ =	swait.ge [sflag:s22], $0x80  }
0x78: {  	[sflag:s22] =	ssyncset.done $0x0  }
0x79: {  	[sflag:s22] =	ssyncadd.s32 $0xFFFFFF80  }
0x7a: {  	_ =	swait.ge [sflag:s23], $0x4000  }
0x7b: {  	[sflag:s23] =	ssyncset.done $0x0  }
0x7c: {  	[sflag:s23] =	ssyncadd.s32 $0xFFFFC000  }
0x7d: {  	[spmem:s2] =	stream.indirect.scatter.add.f32 [tilespmem:s19], [sflag:$0x5], $0x80, s18, s16, $0xb8;
	[tilespmem:$0x1F100] =	vst v63  }
0x7e: {  	_ =	swait.ge [sflag:s14], $0x4000  }
0x7f: {  	s25 =	sshll.u32 s0, $0x6;
	s24 =	sadd.s32 $0x1, s24;
	[sflag:s14] =	ssyncset.done $0x0  }
0x80: {  	s31 =	sshrl.u32 s7, $0x3;
	p0 =	sne.s32 s24, s12;
	[sflag:s14] =	ssyncadd.s32 $0xFFFFC000  }
.Ltmp3:
0x81: {  	s25 =	sor.u32 $0x1C05, s25;
	[bflag:$0x0] =	sbarrier.arrive $0xFFFF;
	(pc) =	sbr.rel @p0 .LBB2_1-.Ltmp3, $4  }
0x82: {  	[hbm:s11], [sflag:s25] =	dma.local [spmem:s31], $0x2800  }
0x83: {  	_ =	swait.ge [sflag:s14], $0x2800  }
0x84: {  	[sflag:s14] =	ssyncset.done $0x0  }
0x85: {  	[sflag:s14] =	ssyncadd.s32 $0xFFFFD800  }
0x86: {  	_ =	sfence.sel $0x180000  }
0x87: {  	[bflag:$0x0] =	sbarrier.arrive $0xFFFF  }
0x88: {  	p0 =	sne.s32 s0, $0x0;
	_ =	strace $0x9000004D  }
0x89: {  	s0 =	sadd.s32 @!p0 $0x100000, s1;
	[bflag:$0x2] =	sbarrier.arrive $0xFFFF  }
0x8a: {  	[sflag:s0] =	ssyncadd.tile.s32 @!p0 $0x1;
	_ =	shalt  }
.Lfunc_end2:
_tile_overlayer_lowered:
.L_overlay_start_2:
0x8b: {  	(tag) =	ssettag $0x2  }
0x8c: {  	s0 =	rddreg [dreg:$0x0];
	s2 =	stileid.u32  }
0x8d: {  	s1 =	rddreg [dreg:$0x1];
	p0 =	sne.s32 s2, $0x0  }
0x8e: {  	s3 =	rddreg [dreg:$0x2];
	[bflag:$0x3] =	sbarrier.arrive $0xFFFF;
	s2 =	simm.s32 @!p0 $0x1C05  }
0x8f: {  	[timem:s3], [sflag:s2] =	dma.local @!p0 [hbm:s0], s1  }
0x90: {  	s0 =	simm.s32 @!p0 $0x5  }
0x91: {  	_ =	swait.ge @!p0 [sflag:s0], s1  }
0x92: {  	s1 =	ssub.s32 @!p0 $0x0, s1;
	[sflag:s0] =	ssyncset.done @!p0 $0x0  }
0x93: {  	[sflag:s0] =	ssyncadd.s32 @!p0 s1  }
0x94: {  	[bflag:$0x3] =	sbarrier.arrive $0xFFFF  }
0x95: {  	_ =	shalt  }

</sc_bundles>
